<compile_context>
chip_gen: v7x
topology: tpu7x:2x2x1
jax: 0.10.2.dev20260603
libtpu: 0.0.44.dev20260713+nightly
codegen_flags: <defaults>
</compile_context>

<pallas_src>
import functools

import jax
import jax.numpy as jnp
from jax import lax
from jax.experimental import pallas as pl
from jax.experimental.pallas import tpu as pltpu
from jax.experimental.pallas import tpu_sc as plsc

N_NODES = 10000
N_EDGES = 320000
D = 128

NC = 2
NS = 16
NW = NC * NS
EB = 128
NB_TOTAL = N_EDGES // EB

ROWS_PER_TILE = N_NODES // NS
STRIPE = 624
TAIL0 = STRIPE * NS
TAILN = N_NODES - TAIL0


def _make_sc_aggregate(with_deg: bool):
    mesh = plsc.VectorSubcoreMesh(core_axis_name="c", subcore_axis_name="s")
    agg_type = jax.ShapeDtypeStruct((NC, N_NODES, D), jnp.float32)
    if with_deg:
        out_type = [agg_type, jax.ShapeDtypeStruct((NC * N_NODES,), jnp.float32)]
    else:
        out_type = agg_type
    scratch_types = [
        pltpu.VMEM((EB,), jnp.int32),
        pltpu.VMEM((EB,), jnp.int32),
        pltpu.VMEM((EB, D), jnp.float32),
        pltpu.VMEM_SHARED((N_NODES, D), jnp.float32),
    ]
    if with_deg:
        scratch_types += [
            pltpu.VMEM((EB,), jnp.float32),
            pltpu.VMEM((STRIPE,), jnp.float32),
            pltpu.VMEM_SHARED((N_NODES,), jnp.float32),
        ]

    chunks = []
    roff = 0
    while roff < STRIPE:
        rlen = min(EB, STRIPE - roff)
        chunks.append((roff, rlen))
        roff += rlen

    def body(x_hbm, src_hbm, dst_hbm, *refs):
        if with_deg:
            agg_out, deg_out, src_v, dst_v, rows_v, acc_sh, ones_v, dv_v, deg_sh = refs
        else:
            agg_out, src_v, dst_v, rows_v, acc_sh = refs
        c = lax.axis_index("c")
        s = lax.axis_index("s")
        tile = c * NS + s

        zero16 = jnp.zeros((16,), jnp.float32)

        def zfill(i, carry):
            rows_v[i // 8, pl.ds((i % 8) * 16, 16)] = zero16
            return carry

        lax.fori_loop(0, EB * (D // 16), zfill, 0)

        r0 = s * STRIPE
        for roff, rlen in chunks:
            pltpu.sync_copy(rows_v.at[pl.ds(0, rlen)],
                            acc_sh.at[pl.ds(r0 + roff, rlen)])
        if with_deg:
            for j in range(EB // 16):
                ones_v[pl.ds(j * 16, 16)] = jnp.full((16,), 1.0, jnp.float32)
            for j in range(STRIPE // 16):
                dv_v[pl.ds(j * 16, 16)] = zero16
            pltpu.sync_copy(dv_v, deg_sh.at[pl.ds(r0, STRIPE)])

        @pl.when(s == NS - 1)
        def _():
            pltpu.sync_copy(rows_v.at[pl.ds(0, TAILN)], acc_sh.at[pl.ds(TAIL0, TAILN)])

        if with_deg:
            @pl.when(s == NS - 1)
            def _():
                pltpu.sync_copy(dv_v.at[pl.ds(0, TAILN)], deg_sh.at[pl.ds(TAIL0, TAILN)])

        plsc.subcore_barrier()

        lo = (tile * NB_TOTAL) // NW
        hi = ((tile + 1) * NB_TOTAL) // NW

        def batch(i, carry):
            off = i * EB
            pltpu.sync_copy(src_hbm.at[pl.ds(off, EB)], src_v)
            pltpu.sync_copy(dst_hbm.at[pl.ds(off, EB)], dst_v)
            pltpu.sync_copy(x_hbm.at[src_v], rows_v)
            pltpu.sync_copy(rows_v, acc_sh.at[dst_v], add=True)
            if with_deg:
                pltpu.sync_copy(ones_v, deg_sh.at[dst_v], add=True)
            return carry

        lax.fori_loop(lo, hi, batch, 0)
        plsc.subcore_barrier()

        for roff, rlen in chunks:
            pltpu.sync_copy(acc_sh.at[pl.ds(r0 + roff, rlen)],
                            rows_v.at[pl.ds(0, rlen)])
            pltpu.sync_copy(rows_v.at[pl.ds(0, rlen)],
                            agg_out.at[c, pl.ds(r0 + roff, rlen)])
        if with_deg:
            pltpu.sync_copy(deg_sh.at[pl.ds(r0, STRIPE)], dv_v)
            pltpu.sync_copy(dv_v, deg_out.at[pl.ds(c * N_NODES + r0, STRIPE)])

        @pl.when(s == NS - 1)
        def _():
            pltpu.sync_copy(acc_sh.at[pl.ds(TAIL0, TAILN)], rows_v.at[pl.ds(0, TAILN)])
            pltpu.sync_copy(rows_v.at[pl.ds(0, TAILN)], agg_out.at[c, pl.ds(TAIL0, TAILN)])

        if with_deg:
            @pl.when(s == NS - 1)
            def _():
                pltpu.sync_copy(deg_sh.at[pl.ds(TAIL0, TAILN)], dv_v.at[pl.ds(0, TAILN)])
                pltpu.sync_copy(dv_v.at[pl.ds(0, TAILN)],
                                deg_out.at[pl.ds(c * N_NODES + TAIL0, TAILN)])

    return pl.kernel(body, mesh=mesh, out_type=out_type, scratch_types=scratch_types)


def _make_epilogue(relu: bool, residual: bool, sigmoid4: bool):
    R = 1000

    def body(*refs):
        if residual:
            agg_ref, d0, d1, h_ref, z_ref, wl, wr, b, wres, bres, out_ref = refs
        else:
            agg_ref, d0, d1, h_ref, wl, wr, b, out_ref = refs
        agg = agg_ref[0] + agg_ref[1]
        deg = jnp.maximum(d0[...] + d1[...], 1.0)
        mean = agg / deg
        acc = jnp.dot(mean, wl[...], preferred_element_type=jnp.float32)
        acc = acc + jnp.dot(h_ref[...], wr[...], preferred_element_type=jnp.float32)
        acc = acc + b[...]
        if relu:
            acc = jnp.maximum(acc, 0.0)
        if residual:
            acc = acc + jnp.dot(z_ref[...], wres[...], preferred_element_type=jnp.float32)
            acc = acc + bres[...]
        if sigmoid4:
            col = lax.broadcasted_iota(jnp.int32, acc.shape, 1)
            sig = 1.0 / (1.0 + jnp.exp(-acc))
            acc = jnp.where(col < 4, sig, acc)
        out_ref[...] = acc

    in_specs = [
        pl.BlockSpec((NC, R, D), lambda i: (0, i, 0)),
        pl.BlockSpec((R, 1), lambda i: (i, 0)),
        pl.BlockSpec((R, 1), lambda i: (i, 0)),
        pl.BlockSpec((R, D), lambda i: (i, 0)),
    ]
    if residual:
        in_specs.append(pl.BlockSpec((R, D), lambda i: (i, 0)))
    in_specs += [
        pl.BlockSpec((D, D), lambda i: (0, 0)),
        pl.BlockSpec((D, D), lambda i: (0, 0)),
        pl.BlockSpec((1, D), lambda i: (0, 0)),
    ]
    if residual:
        in_specs += [
            pl.BlockSpec((D, D), lambda i: (0, 0)),
            pl.BlockSpec((1, D), lambda i: (0, 0)),
        ]
    return pl.pallas_call(
        body,
        grid=(N_NODES // R,),
        in_specs=in_specs,
        out_specs=pl.BlockSpec((R, D), lambda i: (i, 0)),
        out_shape=jax.ShapeDtypeStruct((N_NODES, D), jnp.float32),
    )


_SC_AGG_DEG = _make_sc_aggregate(with_deg=True)
_SC_AGG = _make_sc_aggregate(with_deg=False)
_EPI1 = _make_epilogue(relu=True, residual=False, sigmoid4=False)
_EPI2 = _make_epilogue(relu=True, residual=True, sigmoid4=False)
_EPI3 = _make_epilogue(relu=False, residual=True, sigmoid4=True)


def kernel(z, edge_index, Wl1, Wr1, b1, Wl2, Wr2, b2, Wres1, bres1,
           Wlf, Wrf, bf, Wres2, bres2):
    src = edge_index[0].astype(jnp.int32)
    dst = edge_index[1].astype(jnp.int32)

    agg1, deg_flat = _SC_AGG_DEG(z, src, dst)
    deg2 = deg_flat.reshape(NC, N_NODES)
    d0 = deg2[0].reshape(N_NODES, 1)
    d1 = deg2[1].reshape(N_NODES, 1)

    h1 = _EPI1(agg1, d0, d1, z, Wl1, Wr1, b1.reshape(1, D))
    agg2 = _SC_AGG(h1, src, dst)
    h2 = _EPI2(agg2, d0, d1, h1, z, Wl2, Wr2, b2.reshape(1, D),
               Wres1, bres1.reshape(1, D))
    agg3 = _SC_AGG(h2, src, dst)
    out = _EPI3(agg3, d0, d1, h2, z, Wlf, Wrf, bf.reshape(1, D),
                Wres2, bres2.reshape(1, D))
    return out

# --- scband reference (transcript-rebuilt; emitter-appended) ---
"""Pipeline reference for scband-variational-graoh-auto-decoder-2044404433055 (READ-ONLY COPY).

The authoritative reference and input builder live on the scoring server;
editing this copy changes nothing except your own understanding.
"""

import jax, jax.numpy as jnp
import numpy as np

N_NODES = 10000
N_EDGES = 320000
D = 128
CROSS_ENTROPY_INDEXES = jnp.arange(4)  # module references a global; assume first 4 output columns


def _init_linear(key, fan_in, fan_out):
    k1, k2 = jax.random.split(key)
    bound = 1.0 / np.sqrt(fan_in)
    W = jax.random.uniform(k1, (fan_in, fan_out), jnp.float32, -bound, bound)
    b = jax.random.uniform(k2, (fan_out,), jnp.float32, -bound, bound)
    return W, b


def setup_inputs(seed: int = 0) -> dict:
    key = jax.random.key(seed)
    keys = jax.random.split(key, 16)
    z = jax.random.normal(keys[0], (N_NODES, D), jnp.float32)
    edge_index = jax.random.randint(keys[1], (2, N_EDGES), 0, N_NODES, jnp.int64)
    # conv1: SAGEConv(128 -> 128): lin_l (aggregated, with bias) + lin_r (self, no bias)
    Wl1, b1 = _init_linear(keys[2], D, 128)
    Wr1, _ = _init_linear(keys[3], D, 128)
    # conv_list[0]: SAGEConv(128 -> 128)
    Wl2, b2 = _init_linear(keys[4], 128, 128)
    Wr2, _ = _init_linear(keys[5], 128, 128)
    # initial_residual_list: Linear(128 -> 128) x2
    Wres1, bres1 = _init_linear(keys[6], D, 128)
    Wres2, bres2 = _init_linear(keys[7], D, 128)
    # conv_final: SAGEConv(128 -> 128)
    Wlf, bf = _init_linear(keys[8], 128, 128)
    Wrf, _ = _init_linear(keys[9], 128, 128)
    return {
        "z": z, "edge_index": edge_index,
        "Wl1": Wl1, "Wr1": Wr1, "b1": b1,
        "Wl2": Wl2, "Wr2": Wr2, "b2": b2,
        "Wres1": Wres1, "bres1": bres1,
        "Wlf": Wlf, "Wrf": Wrf, "bf": bf,
        "Wres2": Wres2, "bres2": bres2,
    }


def sage_conv(x, edge_index, Wl, Wr, b):
    # PyG SAGEConv with mean aggregation:
    # out_i = lin_l(mean_{j in N(i)} x_j) + lin_r(x_i)
    src = edge_index[0]
    dst = edge_index[1]
    msgs = jnp.take(x, src, axis=0)
    agg = jax.ops.segment_sum(msgs, dst, num_segments=x.shape[0])
    deg = jax.ops.segment_sum(jnp.ones((src.shape[0],), x.dtype), dst, num_segments=x.shape[0])
    mean = agg / jnp.clip(deg, 1.0, None)[:, None]
    return mean @ Wl + x @ Wr + b


def reference(z, edge_index, Wl1, Wr1, b1, Wl2, Wr2, b2, Wres1, bres1, Wlf, Wrf, bf, Wres2, bres2):
    h = jax.nn.relu(sage_conv(z, edge_index, Wl1, Wr1, b1))
    # conv_list loop (one layer); dropout is identity in eval mode
    h = jax.nn.relu(sage_conv(h, edge_index, Wl2, Wr2, b2))
    h = h + (z @ Wres1 + bres1)
    h = sage_conv(h, edge_index, Wlf, Wrf, bf)
    h = h + (z @ Wres2 + bres2)
    h = h.at[:, CROSS_ENTROPY_INDEXES].set(jax.nn.sigmoid(h[:, CROSS_ENTROPY_INDEXES]))
    return h

if __name__ == "__main__":
    import jax
    _d = setup_inputs()
    print(jax.jit(kernel)(*tuple(_d.values())))

</pallas_src>

<mosaic_0001>
#map = affine_map<(d0, d1) -> (0, 0)>
#map1 = affine_map<(d0, d1) -> (0)>
#map2 = affine_map<(d0, d1) -> (0, 0, 0)>
module attributes {stable_mosaic.version = 14 : i64} {
  func.func @body(%arg0: i32, %arg1: i32, %arg2: memref<10000x128xf32, #tpu.memory_space<hbm>>, %arg3: memref<320000xi32, #tpu.memory_space<hbm>>, %arg4: memref<320000xi32, #tpu.memory_space<hbm>>, %arg5: memref<2x10000x128xf32, #tpu.memory_space<hbm>>, %arg6: memref<128xi32, #tpu.memory_space<vmem>>, %arg7: memref<128xi32, #tpu.memory_space<vmem>>, %arg8: memref<128x128xf32, #tpu.memory_space<vmem>>, %arg9: memref<10000x128xf32, #tpu.memory_space<vmem_shared>>) attributes {dimension_semantics = [#tpu.dimension_semantics<core_parallel>, #tpu.dimension_semantics<subcore_parallel>], iteration_bounds = array<i64: 2, 16>, scalar_prefetch = 0 : i64, scratch_operands = 4 : i64, tpu.core_type = #tpu.core_type<sc_vector_subcore>, window_params = [{transform_indices = #map}, {transform_indices = #map1}, {transform_indices = #map1}, {transform_indices = #map2}]} {
    %mul3A = arith.constant 16 : i32
    %mul3A_0 = arith.muli %arg0, %mul3A : i32
    %add3A = arith.addi %mul3A_0, %arg1 : i32
    %broadcast_in_dim3A = arith.constant 0.000000e+00 : f32
    %broadcast_in_dim3A_1 = vector.broadcast %broadcast_in_dim3A : f32 to vector<16xf32>
    %scan3A = arith.constant 0 : i32
    %scan3A_2 = arith.constant 0 : i32
    %scan3A_3 = arith.constant 1024 : i32
    %scan3A_4 = arith.addi %scan3A_2, %scan3A_3 : i32
    %scan3A_5 = arith.constant 1 : i32
    scf.for %scan3A_101 = %scan3A_2 to %scan3A_4 step %scan3A_5  : i32 {
      %jit3A_102 = arith.constant 8 : i32
      %div3A_103 = arith.divsi %scan3A_101, %jit3A_102 : i32
      %sign3A_104 = arith.constant 0 : i32
      %sign3A_105 = arith.cmpi sgt, %scan3A_101, %sign3A_104 : i32
      %sign3A_106 = arith.extui %sign3A_105 : i1 to i32
      %sign3A_107 = arith.constant 0 : i32
      %sign3A_108 = arith.cmpi slt, %scan3A_101, %sign3A_107 : i32
      %sign3A_109 = arith.extui %sign3A_108 : i1 to i32
      %sign3A_110 = arith.subi %sign3A_106, %sign3A_109 : i32
      %sign3A_111 = arith.constant 0 : i32
      %sign3A_112 = arith.cmpi sgt, %jit3A_102, %sign3A_111 : i32
      %sign3A_113 = arith.extui %sign3A_112 : i1 to i32
      %sign3A_114 = arith.constant 0 : i32
      %sign3A_115 = arith.cmpi slt, %jit3A_102, %sign3A_114 : i32
      %sign3A_116 = arith.extui %sign3A_115 : i1 to i32
      %sign3A_117 = arith.subi %sign3A_113, %sign3A_116 : i32
      %ne3A_118 = arith.cmpi ne, %sign3A_110, %sign3A_117 : i32
      %rem3A_119 = arith.remsi %scan3A_101, %jit3A_102 : i32
      %ne3A_120 = arith.constant 0 : i32
      %ne3A_121 = arith.cmpi ne, %rem3A_119, %ne3A_120 : i32
      %and3A_122 = arith.andi %ne3A_118, %ne3A_121 : i1
      %sub3A_123 = arith.constant 1 : i32
      %sub3A_124 = arith.subi %div3A_103, %sub3A_123 : i32
      %select_n3A_125 = arith.select %and3A_122, %sub3A_124, %div3A_103 : i32
      %jit3A_126 = arith.constant 8 : i32
      %eq3A_127 = arith.constant 0 : i32
      %eq3A_128 = arith.cmpi eq, %jit3A_126, %eq3A_127 : i32
      %jit3A_129 = arith.constant 1 : i32
      %select_n3A_130 = arith.select %eq3A_128, %jit3A_129, %jit3A_126 : i32
      %rem3A_131 = arith.remsi %scan3A_101, %select_n3A_130 : i32
      %ne3A_132 = arith.constant 0 : i32
      %ne3A_133 = arith.cmpi ne, %rem3A_131, %ne3A_132 : i32
      %lt3A = arith.constant 0 : i32
      %lt3A_134 = arith.cmpi slt, %rem3A_131, %lt3A : i32
      %lt3A_135 = arith.constant 0 : i32
      %lt3A_136 = arith.cmpi slt, %select_n3A_130, %lt3A_135 : i32
      %ne3A_137 = arith.xori %lt3A_134, %lt3A_136 : i1
      %and3A_138 = arith.andi %ne3A_137, %ne3A_133 : i1
      %add3A_139 = arith.addi %rem3A_131, %select_n3A_130 : i32
      %select_n3A_140 = arith.select %and3A_138, %add3A_139, %rem3A_131 : i32
      %mul3A_141 = arith.constant 16 : i32
      %mul3A_142 = arith.muli %select_n3A_140, %mul3A_141 : i32
      %swap3A = arith.index_cast %select_n3A_125 : i32 to index
      %swap3A_143 = arith.index_cast %mul3A_142 : i32 to index
      %swap3A_144 = tpu.vector_load %arg8[%swap3A, %swap3A_143] {strides = array<i32>} : memref<128x128xf32, #tpu.memory_space<vmem>>, vector<1x16xf32>,
      %swap3A_145 = vector.shape_cast %swap3A_144 : vector<1x16xf32> to vector<16xf32>
      %swap3A_146 = vector.shape_cast %broadcast_in_dim3A_1 : vector<16xf32> to vector<1x16xf32>
      tpu.vector_store %arg8[%swap3A, %swap3A_143], %swap3A_146 {strides = array<i32>} : memref<128x128xf32, #tpu.memory_space<vmem>>, vector<1x16xf32>,
    }
    %scan3A_6 = arith.constant 1024 : i32
    %mul3A_7 = arith.constant 624 : i32
    %mul3A_8 = arith.muli %arg1, %mul3A_7 : i32
    %add3A_9 = arith.constant 0 : i32
    %add3A_10 = arith.addi %mul3A_8, %add3A_9 : i32
    "tpu.region"() ({
      %run_scoped3A = tpu.sem_alloc : memref<!tpu.dma_semaphore, #tpu.memory_space<semaphore_mem>>
      %dma_start3A = arith.constant 0 : i32
      %dma_start3A_101 = arith.constant 0 : i32
      %dma_start3A_102 = tpu.memref_slice %arg8[%dma_start3A, %dma_start3A_101] : memref<128x128xf32, #tpu.memory_space<vmem>> -> memref<128x128xf32, #tpu.memory_space<vmem>>
      %dma_start3A_103 = arith.constant 0 : i32
      %dma_start3A_104 = tpu.memref_slice %arg9[%add3A_10, %dma_start3A_103] : memref<10000x128xf32, #tpu.memory_space<vmem_shared>> -> memref<128x128xf32, #tpu.memory_space<vmem_shared>>
      %dma_start3A_105 = arith.constant 0 : i32
      %dma_start3A_106 = tpu.memref_slice %arg9[%add3A_10, %dma_start3A_105] : memref<10000x128xf32, #tpu.memory_space<vmem_shared>> -> memref<128x128xf32, #tpu.memory_space<vmem_shared>>
      %dma_start3A_107 = arith.constant 0 : i32
      %dma_start3A_108 = arith.constant 0 : i32
      %dma_start3A_109 = tpu.memref_slice %arg8[%dma_start3A_107, %dma_start3A_108] : memref<128x128xf32, #tpu.memory_space<vmem>> -> memref<128x128xf32, #tpu.memory_space<vmem>>
      tpu.enqueue_dma source(%dma_start3A_109 : memref<128x128xf32, #tpu.memory_space<vmem>>) target(%dma_start3A_106 : memref<128x128xf32, #tpu.memory_space<vmem_shared>>) target_semaphore(%run_scoped3A : memref<!tpu.dma_semaphore, #tpu.memory_space<semaphore_mem>>)
      %dma_wait3A = arith.constant 0 : i32
      %dma_wait3A_110 = arith.constant 0 : i32
      %dma_wait3A_111 = tpu.memref_slice %arg8[%dma_wait3A, %dma_wait3A_110] : memref<128x128xf32, #tpu.memory_space<vmem>> -> memref<128x128xf32, #tpu.memory_space<vmem>>
      %dma_wait3A_112 = arith.constant 0 : i32
      %dma_wait3A_113 = tpu.memref_slice %arg9[%add3A_10, %dma_wait3A_112] : memref<10000x128xf32, #tpu.memory_space<vmem_shared>> -> memref<128x128xf32, #tpu.memory_space<vmem_shared>>
      %dma_wait3A_114 = arith.constant 0 : i32
      %dma_wait3A_115 = tpu.memref_slice %arg9[%add3A_10, %dma_wait3A_114] : memref<10000x128xf32, #tpu.memory_space<vmem_shared>> -> memref<128x128xf32, #tpu.memory_space<vmem_shared>>
      %dma_wait3A_116 = arith.constant 0 : i32
      %dma_wait3A_117 = arith.constant 0 : i32
      %dma_wait3A_118 = tpu.memref_slice %arg8[%dma_wait3A_116, %dma_wait3A_117] : memref<128x128xf32, #tpu.memory_space<vmem>> -> memref<128x128xf32, #tpu.memory_space<vmem>>
      tpu.wait_dma2 semaphore(%run_scoped3A : memref<!tpu.dma_semaphore, #tpu.memory_space<semaphore_mem>>) src(%dma_wait3A_118 : memref<128x128xf32, #tpu.memory_space<vmem>>) dst(%dma_wait3A_115 : memref<128x128xf32, #tpu.memory_space<vmem_shared>>)
      tpu.yield
    }) : () -> ()
    %add3A_11 = arith.constant 128 : i32
    %add3A_12 = arith.addi %mul3A_8, %add3A_11 : i32
    "tpu.region"() ({
      %run_scoped3A = tpu.sem_alloc : memref<!tpu.dma_semaphore, #tpu.memory_space<semaphore_mem>>
      %dma_start3A = arith.constant 0 : i32
      %dma_start3A_101 = arith.constant 0 : i32
      %dma_start3A_102 = tpu.memref_slice %arg8[%dma_start3A, %dma_start3A_101] : memref<128x128xf32, #tpu.memory_space<vmem>> -> memref<128x128xf32, #tpu.memory_space<vmem>>
      %dma_start3A_103 = arith.constant 0 : i32
      %dma_start3A_104 = tpu.memref_slice %arg9[%add3A_12, %dma_start3A_103] : memref<10000x128xf32, #tpu.memory_space<vmem_shared>> -> memref<128x128xf32, #tpu.memory_space<vmem_shared>>
      %dma_start3A_105 = arith.constant 0 : i32
      %dma_start3A_106 = tpu.memref_slice %arg9[%add3A_12, %dma_start3A_105] : memref<10000x128xf32, #tpu.memory_space<vmem_shared>> -> memref<128x128xf32, #tpu.memory_space<vmem_shared>>
      %dma_start3A_107 = arith.constant 0 : i32
      %dma_start3A_108 = arith.constant 0 : i32
      %dma_start3A_109 = tpu.memref_slice %arg8[%dma_start3A_107, %dma_start3A_108] : memref<128x128xf32, #tpu.memory_space<vmem>> -> memref<128x128xf32, #tpu.memory_space<vmem>>
      tpu.enqueue_dma source(%dma_start3A_109 : memref<128x128xf32, #tpu.memory_space<vmem>>) target(%dma_start3A_106 : memref<128x128xf32, #tpu.memory_space<vmem_shared>>) target_semaphore(%run_scoped3A : memref<!tpu.dma_semaphore, #tpu.memory_space<semaphore_mem>>)
      %dma_wait3A = arith.constant 0 : i32
      %dma_wait3A_110 = arith.constant 0 : i32
      %dma_wait3A_111 = tpu.memref_slice %arg8[%dma_wait3A, %dma_wait3A_110] : memref<128x128xf32, #tpu.memory_space<vmem>> -> memref<128x128xf32, #tpu.memory_space<vmem>>
      %dma_wait3A_112 = arith.constant 0 : i32
      %dma_wait3A_113 = tpu.memref_slice %arg9[%add3A_12, %dma_wait3A_112] : memref<10000x128xf32, #tpu.memory_space<vmem_shared>> -> memref<128x128xf32, #tpu.memory_space<vmem_shared>>
      %dma_wait3A_114 = arith.constant 0 : i32
      %dma_wait3A_115 = tpu.memref_slice %arg9[%add3A_12, %dma_wait3A_114] : memref<10000x128xf32, #tpu.memory_space<vmem_shared>> -> memref<128x128xf32, #tpu.memory_space<vmem_shared>>
      %dma_wait3A_116 = arith.constant 0 : i32
      %dma_wait3A_117 = arith.constant 0 : i32
      %dma_wait3A_118 = tpu.memref_slice %arg8[%dma_wait3A_116, %dma_wait3A_117] : memref<128x128xf32, #tpu.memory_space<vmem>> -> memref<128x128xf32, #tpu.memory_space<vmem>>
      tpu.wait_dma2 semaphore(%run_scoped3A : memref<!tpu.dma_semaphore, #tpu.memory_space<semaphore_mem>>) src(%dma_wait3A_118 : memref<128x128xf32, #tpu.memory_space<vmem>>) dst(%dma_wait3A_115 : memref<128x128xf32, #tpu.memory_space<vmem_shared>>)
      tpu.yield
    }) : () -> ()
    %add3A_13 = arith.constant 256 : i32
    %add3A_14 = arith.addi %mul3A_8, %add3A_13 : i32
    "tpu.region"() ({
      %run_scoped3A = tpu.sem_alloc : memref<!tpu.dma_semaphore, #tpu.memory_space<semaphore_mem>>
      %dma_start3A = arith.constant 0 : i32
      %dma_start3A_101 = arith.constant 0 : i32
      %dma_start3A_102 = tpu.memref_slice %arg8[%dma_start3A, %dma_start3A_101] : memref<128x128xf32, #tpu.memory_space<vmem>> -> memref<128x128xf32, #tpu.memory_space<vmem>>
      %dma_start3A_103 = arith.constant 0 : i32
      %dma_start3A_104 = tpu.memref_slice %arg9[%add3A_14, %dma_start3A_103] : memref<10000x128xf32, #tpu.memory_space<vmem_shared>> -> memref<128x128xf32, #tpu.memory_space<vmem_shared>>
      %dma_start3A_105 = arith.constant 0 : i32
      %dma_start3A_106 = tpu.memref_slice %arg9[%add3A_14, %dma_start3A_105] : memref<10000x128xf32, #tpu.memory_space<vmem_shared>> -> memref<128x128xf32, #tpu.memory_space<vmem_shared>>
      %dma_start3A_107 = arith.constant 0 : i32
      %dma_start3A_108 = arith.constant 0 : i32
      %dma_start3A_109 = tpu.memref_slice %arg8[%dma_start3A_107, %dma_start3A_108] : memref<128x128xf32, #tpu.memory_space<vmem>> -> memref<128x128xf32, #tpu.memory_space<vmem>>
      tpu.enqueue_dma source(%dma_start3A_109 : memref<128x128xf32, #tpu.memory_space<vmem>>) target(%dma_start3A_106 : memref<128x128xf32, #tpu.memory_space<vmem_shared>>) target_semaphore(%run_scoped3A : memref<!tpu.dma_semaphore, #tpu.memory_space<semaphore_mem>>)
      %dma_wait3A = arith.constant 0 : i32
      %dma_wait3A_110 = arith.constant 0 : i32
      %dma_wait3A_111 = tpu.memref_slice %arg8[%dma_wait3A, %dma_wait3A_110] : memref<128x128xf32, #tpu.memory_space<vmem>> -> memref<128x128xf32, #tpu.memory_space<vmem>>
      %dma_wait3A_112 = arith.constant 0 : i32
      %dma_wait3A_113 = tpu.memref_slice %arg9[%add3A_14, %dma_wait3A_112] : memref<10000x128xf32, #tpu.memory_space<vmem_shared>> -> memref<128x128xf32, #tpu.memory_space<vmem_shared>>
      %dma_wait3A_114 = arith.constant 0 : i32
      %dma_wait3A_115 = tpu.memref_slice %arg9[%add3A_14, %dma_wait3A_114] : memref<10000x128xf32, #tpu.memory_space<vmem_shared>> -> memref<128x128xf32, #tpu.memory_space<vmem_shared>>
      %dma_wait3A_116 = arith.constant 0 : i32
      %dma_wait3A_117 = arith.constant 0 : i32
      %dma_wait3A_118 = tpu.memref_slice %arg8[%dma_wait3A_116, %dma_wait3A_117] : memref<128x128xf32, #tpu.memory_space<vmem>> -> memref<128x128xf32, #tpu.memory_space<vmem>>
      tpu.wait_dma2 semaphore(%run_scoped3A : memref<!tpu.dma_semaphore, #tpu.memory_space<semaphore_mem>>) src(%dma_wait3A_118 : memref<128x128xf32, #tpu.memory_space<vmem>>) dst(%dma_wait3A_115 : memref<128x128xf32, #tpu.memory_space<vmem_shared>>)
      tpu.yield
    }) : () -> ()
    %add3A_15 = arith.constant 384 : i32
    %add3A_16 = arith.addi %mul3A_8, %add3A_15 : i32
    "tpu.region"() ({
      %run_scoped3A = tpu.sem_alloc : memref<!tpu.dma_semaphore, #tpu.memory_space<semaphore_mem>>
      %dma_start3A = arith.constant 0 : i32
      %dma_start3A_101 = arith.constant 0 : i32
      %dma_start3A_102 = tpu.memref_slice %arg8[%dma_start3A, %dma_start3A_101] : memref<128x128xf32, #tpu.memory_space<vmem>> -> memref<128x128xf32, #tpu.memory_space<vmem>>
      %dma_start3A_103 = arith.constant 0 : i32
      %dma_start3A_104 = tpu.memref_slice %arg9[%add3A_16, %dma_start3A_103] : memref<10000x128xf32, #tpu.memory_space<vmem_shared>> -> memref<128x128xf32, #tpu.memory_space<vmem_shared>>
      %dma_start3A_105 = arith.constant 0 : i32
      %dma_start3A_106 = tpu.memref_slice %arg9[%add3A_16, %dma_start3A_105] : memref<10000x128xf32, #tpu.memory_space<vmem_shared>> -> memref<128x128xf32, #tpu.memory_space<vmem_shared>>
      %dma_start3A_107 = arith.constant 0 : i32
      %dma_start3A_108 = arith.constant 0 : i32
      %dma_start3A_109 = tpu.memref_slice %arg8[%dma_start3A_107, %dma_start3A_108] : memref<128x128xf32, #tpu.memory_space<vmem>> -> memref<128x128xf32, #tpu.memory_space<vmem>>
      tpu.enqueue_dma source(%dma_start3A_109 : memref<128x128xf32, #tpu.memory_space<vmem>>) target(%dma_start3A_106 : memref<128x128xf32, #tpu.memory_space<vmem_shared>>) target_semaphore(%run_scoped3A : memref<!tpu.dma_semaphore, #tpu.memory_space<semaphore_mem>>)
      %dma_wait3A = arith.constant 0 : i32
      %dma_wait3A_110 = arith.constant 0 : i32
      %dma_wait3A_111 = tpu.memref_slice %arg8[%dma_wait3A, %dma_wait3A_110] : memref<128x128xf32, #tpu.memory_space<vmem>> -> memref<128x128xf32, #tpu.memory_space<vmem>>
      %dma_wait3A_112 = arith.constant 0 : i32
      %dma_wait3A_113 = tpu.memref_slice %arg9[%add3A_16, %dma_wait3A_112] : memref<10000x128xf32, #tpu.memory_space<vmem_shared>> -> memref<128x128xf32, #tpu.memory_space<vmem_shared>>
      %dma_wait3A_114 = arith.constant 0 : i32
      %dma_wait3A_115 = tpu.memref_slice %arg9[%add3A_16, %dma_wait3A_114] : memref<10000x128xf32, #tpu.memory_space<vmem_shared>> -> memref<128x128xf32, #tpu.memory_space<vmem_shared>>
      %dma_wait3A_116 = arith.constant 0 : i32
      %dma_wait3A_117 = arith.constant 0 : i32
      %dma_wait3A_118 = tpu.memref_slice %arg8[%dma_wait3A_116, %dma_wait3A_117] : memref<128x128xf32, #tpu.memory_space<vmem>> -> memref<128x128xf32, #tpu.memory_space<vmem>>
      tpu.wait_dma2 semaphore(%run_scoped3A : memref<!tpu.dma_semaphore, #tpu.memory_space<semaphore_mem>>) src(%dma_wait3A_118 : memref<128x128xf32, #tpu.memory_space<vmem>>) dst(%dma_wait3A_115 : memref<128x128xf32, #tpu.memory_space<vmem_shared>>)
      tpu.yield
    }) : () -> ()
    %add3A_17 = arith.constant 512 : i32
    %add3A_18 = arith.addi %mul3A_8, %add3A_17 : i32
    "tpu.region"() ({
      %run_scoped3A = tpu.sem_alloc : memref<!tpu.dma_semaphore, #tpu.memory_space<semaphore_mem>>
      %dma_start3A = arith.constant 0 : i32
      %dma_start3A_101 = arith.constant 0 : i32
      %dma_start3A_102 = tpu.memref_slice %arg8[%dma_start3A, %dma_start3A_101] : memref<128x128xf32, #tpu.memory_space<vmem>> -> memref<112x128xf32, #tpu.memory_space<vmem>>
      %dma_start3A_103 = arith.constant 0 : i32
      %dma_start3A_104 = tpu.memref_slice %arg9[%add3A_18, %dma_start3A_103] : memref<10000x128xf32, #tpu.memory_space<vmem_shared>> -> memref<112x128xf32, #tpu.memory_space<vmem_shared>>
      %dma_start3A_105 = arith.constant 0 : i32
      %dma_start3A_106 = tpu.memref_slice %arg9[%add3A_18, %dma_start3A_105] : memref<10000x128xf32, #tpu.memory_space<vmem_shared>> -> memref<112x128xf32, #tpu.memory_space<vmem_shared>>
      %dma_start3A_107 = arith.constant 0 : i32
      %dma_start3A_108 = arith.constant 0 : i32
      %dma_start3A_109 = tpu.memref_slice %arg8[%dma_start3A_107, %dma_start3A_108] : memref<128x128xf32, #tpu.memory_space<vmem>> -> memref<112x128xf32, #tpu.memory_space<vmem>>
      tpu.enqueue_dma source(%dma_start3A_109 : memref<112x128xf32, #tpu.memory_space<vmem>>) target(%dma_start3A_106 : memref<112x128xf32, #tpu.memory_space<vmem_shared>>) target_semaphore(%run_scoped3A : memref<!tpu.dma_semaphore, #tpu.memory_space<semaphore_mem>>)
      %dma_wait3A = arith.constant 0 : i32
      %dma_wait3A_110 = arith.constant 0 : i32
      %dma_wait3A_111 = tpu.memref_slice %arg8[%dma_wait3A, %dma_wait3A_110] : memref<128x128xf32, #tpu.memory_space<vmem>> -> memref<112x128xf32, #tpu.memory_space<vmem>>
      %dma_wait3A_112 = arith.constant 0 : i32
      %dma_wait3A_113 = tpu.memref_slice %arg9[%add3A_18, %dma_wait3A_112] : memref<10000x128xf32, #tpu.memory_space<vmem_shared>> -> memref<112x128xf32, #tpu.memory_space<vmem_shared>>
      %dma_wait3A_114 = arith.constant 0 : i32
      %dma_wait3A_115 = tpu.memref_slice %arg9[%add3A_18, %dma_wait3A_114] : memref<10000x128xf32, #tpu.memory_space<vmem_shared>> -> memref<112x128xf32, #tpu.memory_space<vmem_shared>>
      %dma_wait3A_116 = arith.constant 0 : i32
      %dma_wait3A_117 = arith.constant 0 : i32
      %dma_wait3A_118 = tpu.memref_slice %arg8[%dma_wait3A_116, %dma_wait3A_117] : memref<128x128xf32, #tpu.memory_space<vmem>> -> memref<112x128xf32, #tpu.memory_space<vmem>>
      tpu.wait_dma2 semaphore(%run_scoped3A : memref<!tpu.dma_semaphore, #tpu.memory_space<semaphore_mem>>) src(%dma_wait3A_118 : memref<112x128xf32, #tpu.memory_space<vmem>>) dst(%dma_wait3A_115 : memref<112x128xf32, #tpu.memory_space<vmem_shared>>)
      tpu.yield
    }) : () -> ()
    %eq3A = arith.constant 15 : i32
    %eq3A_19 = arith.cmpi eq, %arg1, %eq3A : i32
    %convert_element_type3A = arith.extui %eq3A_19 : i1 to i32
    %cond3A = arith.constant 0 : i32
    %cond3A_20 = arith.cmpi ne, %convert_element_type3A, %cond3A : i32
    scf.if %cond3A_20 {
      "tpu.region"() ({
        %run_scoped3A = tpu.sem_alloc : memref<!tpu.dma_semaphore, #tpu.memory_space<semaphore_mem>>
        %dma_start3A = arith.constant 0 : i32
        %dma_start3A_101 = arith.constant 0 : i32
        %dma_start3A_102 = tpu.memref_slice %arg8[%dma_start3A, %dma_start3A_101] : memref<128x128xf32, #tpu.memory_space<vmem>> -> memref<16x128xf32, #tpu.memory_space<vmem>>
        %dma_start3A_103 = arith.constant 9984 : i32
        %dma_start3A_104 = arith.constant 0 : i32
        %dma_start3A_105 = tpu.memref_slice %arg9[%dma_start3A_103, %dma_start3A_104] : memref<10000x128xf32, #tpu.memory_space<vmem_shared>> -> memref<16x128xf32, #tpu.memory_space<vmem_shared>>
        %dma_start3A_106 = arith.constant 9984 : i32
        %dma_start3A_107 = arith.constant 0 : i32
        %dma_start3A_108 = tpu.memref_slice %arg9[%dma_start3A_106, %dma_start3A_107] : memref<10000x128xf32, #tpu.memory_space<vmem_shared>> -> memref<16x128xf32, #tpu.memory_space<vmem_shared>>
        %dma_start3A_109 = arith.constant 0 : i32
        %dma_start3A_110 = arith.constant 0 : i32
        %dma_start3A_111 = tpu.memref_slice %arg8[%dma_start3A_109, %dma_start3A_110] : memref<128x128xf32, #tpu.memory_space<vmem>> -> memref<16x128xf32, #tpu.memory_space<vmem>>
        tpu.enqueue_dma source(%dma_start3A_111 : memref<16x128xf32, #tpu.memory_space<vmem>>) target(%dma_start3A_108 : memref<16x128xf32, #tpu.memory_space<vmem_shared>>) target_semaphore(%run_scoped3A : memref<!tpu.dma_semaphore, #tpu.memory_space<semaphore_mem>>)
        %dma_wait3A = arith.constant 0 : i32
        %dma_wait3A_112 = arith.constant 0 : i32
        %dma_wait3A_113 = tpu.memref_slice %arg8[%dma_wait3A, %dma_wait3A_112] : memref<128x128xf32, #tpu.memory_space<vmem>> -> memref<16x128xf32, #tpu.memory_space<vmem>>
        %dma_wait3A_114 = arith.constant 9984 : i32
        %dma_wait3A_115 = arith.constant 0 : i32
        %dma_wait3A_116 = tpu.memref_slice %arg9[%dma_wait3A_114, %dma_wait3A_115] : memref<10000x128xf32, #tpu.memory_space<vmem_shared>> -> memref<16x128xf32, #tpu.memory_space<vmem_shared>>
        %dma_wait3A_117 = arith.constant 9984 : i32
        %dma_wait3A_118 = arith.constant 0 : i32
        %dma_wait3A_119 = tpu.memref_slice %arg9[%dma_wait3A_117, %dma_wait3A_118] : memref<10000x128xf32, #tpu.memory_space<vmem_shared>> -> memref<16x128xf32, #tpu.memory_space<vmem_shared>>
        %dma_wait3A_120 = arith.constant 0 : i32
        %dma_wait3A_121 = arith.constant 0 : i32
        %dma_wait3A_122 = tpu.memref_slice %arg8[%dma_wait3A_120, %dma_wait3A_121] : memref<128x128xf32, #tpu.memory_space<vmem>> -> memref<16x128xf32, #tpu.memory_space<vmem>>
        tpu.wait_dma2 semaphore(%run_scoped3A : memref<!tpu.dma_semaphore, #tpu.memory_space<semaphore_mem>>) src(%dma_wait3A_122 : memref<16x128xf32, #tpu.memory_space<vmem>>) dst(%dma_wait3A_119 : memref<16x128xf32, #tpu.memory_space<vmem_shared>>)
        tpu.yield
      }) : () -> ()
    } else {
    }
    %barrier3A = arith.constant 0 : index
    tpu.barrier barrier_id(%barrier3A)
    %mul3A_21 = arith.constant 2500 : i32
    %mul3A_22 = arith.muli %add3A, %mul3A_21 : i32
    %jit3A = arith.constant 32 : i32
    %div3A = arith.divsi %mul3A_22, %jit3A : i32
    %sign3A = arith.constant 0 : i32
    %sign3A_23 = arith.cmpi sgt, %mul3A_22, %sign3A : i32
    %sign3A_24 = arith.extui %sign3A_23 : i1 to i32
    %sign3A_25 = arith.constant 0 : i32
    %sign3A_26 = arith.cmpi slt, %mul3A_22, %sign3A_25 : i32
    %sign3A_27 = arith.extui %sign3A_26 : i1 to i32
    %sign3A_28 = arith.subi %sign3A_24, %sign3A_27 : i32
    %sign3A_29 = arith.constant 0 : i32
    %sign3A_30 = arith.cmpi sgt, %jit3A, %sign3A_29 : i32
    %sign3A_31 = arith.extui %sign3A_30 : i1 to i32
    %sign3A_32 = arith.constant 0 : i32
    %sign3A_33 = arith.cmpi slt, %jit3A, %sign3A_32 : i32
    %sign3A_34 = arith.extui %sign3A_33 : i1 to i32
    %sign3A_35 = arith.subi %sign3A_31, %sign3A_34 : i32
    %ne3A = arith.cmpi ne, %sign3A_28, %sign3A_35 : i32
    %rem3A = arith.remsi %mul3A_22, %jit3A : i32
    %ne3A_36 = arith.constant 0 : i32
    %ne3A_37 = arith.cmpi ne, %rem3A, %ne3A_36 : i32
    %and3A = arith.andi %ne3A, %ne3A_37 : i1
    %sub3A = arith.constant 1 : i32
    %sub3A_38 = arith.subi %div3A, %sub3A : i32
    %select_n3A = arith.select %and3A, %sub3A_38, %div3A : i32
    %add3A_39 = arith.constant 1 : i32
    %add3A_40 = arith.addi %add3A, %add3A_39 : i32
    %mul3A_41 = arith.constant 2500 : i32
    %mul3A_42 = arith.muli %add3A_40, %mul3A_41 : i32
    %jit3A_43 = arith.constant 32 : i32
    %div3A_44 = arith.divsi %mul3A_42, %jit3A_43 : i32
    %sign3A_45 = arith.constant 0 : i32
    %sign3A_46 = arith.cmpi sgt, %mul3A_42, %sign3A_45 : i32
    %sign3A_47 = arith.extui %sign3A_46 : i1 to i32
    %sign3A_48 = arith.constant 0 : i32
    %sign3A_49 = arith.cmpi slt, %mul3A_42, %sign3A_48 : i32
    %sign3A_50 = arith.extui %sign3A_49 : i1 to i32
    %sign3A_51 = arith.subi %sign3A_47, %sign3A_50 : i32
    %sign3A_52 = arith.constant 0 : i32
    %sign3A_53 = arith.cmpi sgt, %jit3A_43, %sign3A_52 : i32
    %sign3A_54 = arith.extui %sign3A_53 : i1 to i32
    %sign3A_55 = arith.constant 0 : i32
    %sign3A_56 = arith.cmpi slt, %jit3A_43, %sign3A_55 : i32
    %sign3A_57 = arith.extui %sign3A_56 : i1 to i32
    %sign3A_58 = arith.subi %sign3A_54, %sign3A_57 : i32
    %ne3A_59 = arith.cmpi ne, %sign3A_51, %sign3A_58 : i32
    %rem3A_60 = arith.remsi %mul3A_42, %jit3A_43 : i32
    %ne3A_61 = arith.constant 0 : i32
    %ne3A_62 = arith.cmpi ne, %rem3A_60, %ne3A_61 : i32
    %and3A_63 = arith.andi %ne3A_59, %ne3A_62 : i1
    %sub3A_64 = arith.constant 1 : i32
    %sub3A_65 = arith.subi %div3A_44, %sub3A_64 : i32
    %select_n3A_66 = arith.select %and3A_63, %sub3A_65, %div3A_44 : i32
    %while3A = arith.constant 0 : i32
    %while3A_67 = arith.subi %select_n3A_66, %select_n3A : i32
    %while3A_68 = arith.addi %select_n3A, %while3A_67 : i32
    %while3A_69 = arith.constant 1 : i32
    %while3A_70 = arith.divsi %while3A_67, %while3A_69 : i32
    %while3A_71 = arith.muli %while3A_70, %while3A_69 : i32
    %while3A_72 = arith.addi %select_n3A, %while3A_71 : i32
    %while3A_73 = arith.constant 1 : i32
    scf.for %while3A_101 = %select_n3A to %while3A_72 step %while3A_73  : i32 {
      %mul3A_102 = arith.constant 128 : i32
      %mul3A_103 = arith.muli %while3A_101, %mul3A_102 : i32
      "tpu.region"() ({
        %run_scoped3A = tpu.sem_alloc : memref<!tpu.dma_semaphore, #tpu.memory_space<semaphore_mem>>
        %dma_start3A = tpu.memref_slice %arg3[%mul3A_103] : memref<320000xi32, #tpu.memory_space<hbm>> -> memref<128xi32, #tpu.memory_space<hbm>>
        %dma_start3A_104 = tpu.memref_slice %arg3[%mul3A_103] : memref<320000xi32, #tpu.memory_space<hbm>> -> memref<128xi32, #tpu.memory_space<hbm>>
        tpu.enqueue_dma source(%dma_start3A_104 : memref<128xi32, #tpu.memory_space<hbm>>) target(%arg6 : memref<128xi32, #tpu.memory_space<vmem>>) target_semaphore(%run_scoped3A : memref<!tpu.dma_semaphore, #tpu.memory_space<semaphore_mem>>)
        %dma_wait3A = tpu.memref_slice %arg3[%mul3A_103] : memref<320000xi32, #tpu.memory_space<hbm>> -> memref<128xi32, #tpu.memory_space<hbm>>
        %dma_wait3A_105 = tpu.memref_slice %arg3[%mul3A_103] : memref<320000xi32, #tpu.memory_space<hbm>> -> memref<128xi32, #tpu.memory_space<hbm>>
        tpu.wait_dma2 semaphore(%run_scoped3A : memref<!tpu.dma_semaphore, #tpu.memory_space<semaphore_mem>>) src(%dma_wait3A_105 : memref<128xi32, #tpu.memory_space<hbm>>) dst(%arg6 : memref<128xi32, #tpu.memory_space<vmem>>)
        tpu.yield
      }) : () -> ()
      "tpu.region"() ({
        %run_scoped3A = tpu.sem_alloc : memref<!tpu.dma_semaphore, #tpu.memory_space<semaphore_mem>>
        %dma_start3A = tpu.memref_slice %arg4[%mul3A_103] : memref<320000xi32, #tpu.memory_space<hbm>> -> memref<128xi32, #tpu.memory_space<hbm>>
        %dma_start3A_104 = tpu.memref_slice %arg4[%mul3A_103] : memref<320000xi32, #tpu.memory_space<hbm>> -> memref<128xi32, #tpu.memory_space<hbm>>
        tpu.enqueue_dma source(%dma_start3A_104 : memref<128xi32, #tpu.memory_space<hbm>>) target(%arg7 : memref<128xi32, #tpu.memory_space<vmem>>) target_semaphore(%run_scoped3A : memref<!tpu.dma_semaphore, #tpu.memory_space<semaphore_mem>>)
        %dma_wait3A = tpu.memref_slice %arg4[%mul3A_103] : memref<320000xi32, #tpu.memory_space<hbm>> -> memref<128xi32, #tpu.memory_space<hbm>>
        %dma_wait3A_105 = tpu.memref_slice %arg4[%mul3A_103] : memref<320000xi32, #tpu.memory_space<hbm>> -> memref<128xi32, #tpu.memory_space<hbm>>
        tpu.wait_dma2 semaphore(%run_scoped3A : memref<!tpu.dma_semaphore, #tpu.memory_space<semaphore_mem>>) src(%dma_wait3A_105 : memref<128xi32, #tpu.memory_space<hbm>>) dst(%arg7 : memref<128xi32, #tpu.memory_space<vmem>>)
        tpu.yield
      }) : () -> ()
      "tpu.region"() ({
        %run_scoped3A = tpu.sem_alloc : memref<!tpu.dma_semaphore, #tpu.memory_space<semaphore_mem>>
        %dma_start3A = arith.constant 0 : i32
        %dma_start3A_104 = arith.constant 0 : i32
        %dma_start3A_105 = tpu.memref_slice %arg2[%dma_start3A, %dma_start3A_104] : memref<10000x128xf32, #tpu.memory_space<hbm>> -> memref<10000x128xf32, #tpu.memory_space<hbm>>
        tpu.enqueue_indirect_dma source(%dma_start3A_105 : memref<10000x128xf32, #tpu.memory_space<hbm>>) target(%arg8 : memref<128x128xf32, #tpu.memory_space<vmem>>) offsets(%arg6 : memref<128xi32, #tpu.memory_space<vmem>>) semaphore(%run_scoped3A : memref<!tpu.dma_semaphore, #tpu.memory_space<semaphore_mem>>)
        %dma_wait3A = arith.constant 0 : i32
        %dma_wait3A_106 = arith.constant 0 : i32
        %dma_wait3A_107 = tpu.memref_slice %arg2[%dma_wait3A, %dma_wait3A_106] : memref<10000x128xf32, #tpu.memory_space<hbm>> -> memref<10000x128xf32, #tpu.memory_space<hbm>>
        tpu.wait_indirect_dma semaphore(%run_scoped3A : memref<!tpu.dma_semaphore, #tpu.memory_space<semaphore_mem>>) src(%dma_wait3A_107 : memref<10000x128xf32, #tpu.memory_space<hbm>>) dst(%arg8 : memref<128x128xf32, #tpu.memory_space<vmem>>)
        tpu.yield
      }) : () -> ()
      "tpu.region"() ({
        %run_scoped3A = tpu.sem_alloc : memref<!tpu.dma_semaphore, #tpu.memory_space<semaphore_mem>>
        %dma_start3A = arith.constant 0 : i32
        %dma_start3A_104 = arith.constant 0 : i32
        %dma_start3A_105 = tpu.memref_slice %arg9[%dma_start3A, %dma_start3A_104] : memref<10000x128xf32, #tpu.memory_space<vmem_shared>> -> memref<10000x128xf32, #tpu.memory_space<vmem_shared>>
        tpu.enqueue_indirect_dma source(%arg8 : memref<128x128xf32, #tpu.memory_space<vmem>>) target(%dma_start3A_105 : memref<10000x128xf32, #tpu.memory_space<vmem_shared>>) offsets(%arg7 : memref<128xi32, #tpu.memory_space<vmem>>) semaphore(%run_scoped3A : memref<!tpu.dma_semaphore, #tpu.memory_space<semaphore_mem>>) {add = true}
        %dma_wait3A = arith.constant 0 : i32
        %dma_wait3A_106 = arith.constant 0 : i32
        %dma_wait3A_107 = tpu.memref_slice %arg9[%dma_wait3A, %dma_wait3A_106] : memref<10000x128xf32, #tpu.memory_space<vmem_shared>> -> memref<10000x128xf32, #tpu.memory_space<vmem_shared>>
        tpu.wait_indirect_dma semaphore(%run_scoped3A : memref<!tpu.dma_semaphore, #tpu.memory_space<semaphore_mem>>) src(%arg8 : memref<128x128xf32, #tpu.memory_space<vmem>>) dst(%dma_wait3A_107 : memref<10000x128xf32, #tpu.memory_space<vmem_shared>>)
        tpu.yield
      }) : () -> ()
    }
    %while3A_74 = arith.constant 1 : i32
    scf.for %while3A_101 = %while3A_72 to %while3A_68 step %while3A_74  : i32 {
      %mul3A_102 = arith.constant 128 : i32
      %mul3A_103 = arith.muli %while3A_101, %mul3A_102 : i32
      "tpu.region"() ({
        %run_scoped3A = tpu.sem_alloc : memref<!tpu.dma_semaphore, #tpu.memory_space<semaphore_mem>>
        %dma_start3A = tpu.memref_slice %arg3[%mul3A_103] : memref<320000xi32, #tpu.memory_space<hbm>> -> memref<128xi32, #tpu.memory_space<hbm>>
        %dma_start3A_104 = tpu.memref_slice %arg3[%mul3A_103] : memref<320000xi32, #tpu.memory_space<hbm>> -> memref<128xi32, #tpu.memory_space<hbm>>
        tpu.enqueue_dma source(%dma_start3A_104 : memref<128xi32, #tpu.memory_space<hbm>>) target(%arg6 : memref<128xi32, #tpu.memory_space<vmem>>) target_semaphore(%run_scoped3A : memref<!tpu.dma_semaphore, #tpu.memory_space<semaphore_mem>>)
        %dma_wait3A = tpu.memref_slice %arg3[%mul3A_103] : memref<320000xi32, #tpu.memory_space<hbm>> -> memref<128xi32, #tpu.memory_space<hbm>>
        %dma_wait3A_105 = tpu.memref_slice %arg3[%mul3A_103] : memref<320000xi32, #tpu.memory_space<hbm>> -> memref<128xi32, #tpu.memory_space<hbm>>
        tpu.wait_dma2 semaphore(%run_scoped3A : memref<!tpu.dma_semaphore, #tpu.memory_space<semaphore_mem>>) src(%dma_wait3A_105 : memref<128xi32, #tpu.memory_space<hbm>>) dst(%arg6 : memref<128xi32, #tpu.memory_space<vmem>>)
        tpu.yield
      }) : () -> ()
      "tpu.region"() ({
        %run_scoped3A = tpu.sem_alloc : memref<!tpu.dma_semaphore, #tpu.memory_space<semaphore_mem>>
        %dma_start3A = tpu.memref_slice %arg4[%mul3A_103] : memref<320000xi32, #tpu.memory_space<hbm>> -> memref<128xi32, #tpu.memory_space<hbm>>
        %dma_start3A_104 = tpu.memref_slice %arg4[%mul3A_103] : memref<320000xi32, #tpu.memory_space<hbm>> -> memref<128xi32, #tpu.memory_space<hbm>>
        tpu.enqueue_dma source(%dma_start3A_104 : memref<128xi32, #tpu.memory_space<hbm>>) target(%arg7 : memref<128xi32, #tpu.memory_space<vmem>>) target_semaphore(%run_scoped3A : memref<!tpu.dma_semaphore, #tpu.memory_space<semaphore_mem>>)
        %dma_wait3A = tpu.memref_slice %arg4[%mul3A_103] : memref<320000xi32, #tpu.memory_space<hbm>> -> memref<128xi32, #tpu.memory_space<hbm>>
        %dma_wait3A_105 = tpu.memref_slice %arg4[%mul3A_103] : memref<320000xi32, #tpu.memory_space<hbm>> -> memref<128xi32, #tpu.memory_space<hbm>>
        tpu.wait_dma2 semaphore(%run_scoped3A : memref<!tpu.dma_semaphore, #tpu.memory_space<semaphore_mem>>) src(%dma_wait3A_105 : memref<128xi32, #tpu.memory_space<hbm>>) dst(%arg7 : memref<128xi32, #tpu.memory_space<vmem>>)
        tpu.yield
      }) : () -> ()
      "tpu.region"() ({
        %run_scoped3A = tpu.sem_alloc : memref<!tpu.dma_semaphore, #tpu.memory_space<semaphore_mem>>
        %dma_start3A = arith.constant 0 : i32
        %dma_start3A_104 = arith.constant 0 : i32
        %dma_start3A_105 = tpu.memref_slice %arg2[%dma_start3A, %dma_start3A_104] : memref<10000x128xf32, #tpu.memory_space<hbm>> -> memref<10000x128xf32, #tpu.memory_space<hbm>>
        tpu.enqueue_indirect_dma source(%dma_start3A_105 : memref<10000x128xf32, #tpu.memory_space<hbm>>) target(%arg8 : memref<128x128xf32, #tpu.memory_space<vmem>>) offsets(%arg6 : memref<128xi32, #tpu.memory_space<vmem>>) semaphore(%run_scoped3A : memref<!tpu.dma_semaphore, #tpu.memory_space<semaphore_mem>>)
        %dma_wait3A = arith.constant 0 : i32
        %dma_wait3A_106 = arith.constant 0 : i32
        %dma_wait3A_107 = tpu.memref_slice %arg2[%dma_wait3A, %dma_wait3A_106] : memref<10000x128xf32, #tpu.memory_space<hbm>> -> memref<10000x128xf32, #tpu.memory_space<hbm>>
        tpu.wait_indirect_dma semaphore(%run_scoped3A : memref<!tpu.dma_semaphore, #tpu.memory_space<semaphore_mem>>) src(%dma_wait3A_107 : memref<10000x128xf32, #tpu.memory_space<hbm>>) dst(%arg8 : memref<128x128xf32, #tpu.memory_space<vmem>>)
        tpu.yield
      }) : () -> ()
      "tpu.region"() ({
        %run_scoped3A = tpu.sem_alloc : memref<!tpu.dma_semaphore, #tpu.memory_space<semaphore_mem>>
        %dma_start3A = arith.constant 0 : i32
        %dma_start3A_104 = arith.constant 0 : i32
        %dma_start3A_105 = tpu.memref_slice %arg9[%dma_start3A, %dma_start3A_104] : memref<10000x128xf32, #tpu.memory_space<vmem_shared>> -> memref<10000x128xf32, #tpu.memory_space<vmem_shared>>
        tpu.enqueue_indirect_dma source(%arg8 : memref<128x128xf32, #tpu.memory_space<vmem>>) target(%dma_start3A_105 : memref<10000x128xf32, #tpu.memory_space<vmem_shared>>) offsets(%arg7 : memref<128xi32, #tpu.memory_space<vmem>>) semaphore(%run_scoped3A : memref<!tpu.dma_semaphore, #tpu.memory_space<semaphore_mem>>) {add = true}
        %dma_wait3A = arith.constant 0 : i32
        %dma_wait3A_106 = arith.constant 0 : i32
        %dma_wait3A_107 = tpu.memref_slice %arg9[%dma_wait3A, %dma_wait3A_106] : memref<10000x128xf32, #tpu.memory_space<vmem_shared>> -> memref<10000x128xf32, #tpu.memory_space<vmem_shared>>
        tpu.wait_indirect_dma semaphore(%run_scoped3A : memref<!tpu.dma_semaphore, #tpu.memory_space<semaphore_mem>>) src(%arg8 : memref<128x128xf32, #tpu.memory_space<vmem>>) dst(%dma_wait3A_107 : memref<10000x128xf32, #tpu.memory_space<vmem_shared>>)
        tpu.yield
      }) : () -> ()
    }
    %barrier3A_75 = arith.constant 0 : index
    tpu.barrier barrier_id(%barrier3A_75)
    %add3A_76 = arith.constant 0 : i32
    %add3A_77 = arith.addi %mul3A_8, %add3A_76 : i32
    "tpu.region"() ({
      %run_scoped3A = tpu.sem_alloc : memref<!tpu.dma_semaphore, #tpu.memory_space<semaphore_mem>>
      %dma_start3A = arith.constant 0 : i32
      %dma_start3A_101 = arith.constant 0 : i32
      %dma_start3A_102 = tpu.memref_slice %arg8[%dma_start3A, %dma_start3A_101] : memref<128x128xf32, #tpu.memory_space<vmem>> -> memref<128x128xf32, #tpu.memory_space<vmem>>
      %dma_start3A_103 = arith.constant 0 : i32
      %dma_start3A_104 = tpu.memref_slice %arg9[%add3A_77, %dma_start3A_103] : memref<10000x128xf32, #tpu.memory_space<vmem_shared>> -> memref<128x128xf32, #tpu.memory_space<vmem_shared>>
      %dma_start3A_105 = arith.constant 0 : i32
      %dma_start3A_106 = arith.constant 0 : i32
      %dma_start3A_107 = tpu.memref_slice %arg8[%dma_start3A_105, %dma_start3A_106] : memref<128x128xf32, #tpu.memory_space<vmem>> -> memref<128x128xf32, #tpu.memory_space<vmem>>
      %dma_start3A_108 = arith.constant 0 : i32
      %dma_start3A_109 = tpu.memref_slice %arg9[%add3A_77, %dma_start3A_108] : memref<10000x128xf32, #tpu.memory_space<vmem_shared>> -> memref<128x128xf32, #tpu.memory_space<vmem_shared>>
      tpu.enqueue_dma source(%dma_start3A_109 : memref<128x128xf32, #tpu.memory_space<vmem_shared>>) target(%dma_start3A_107 : memref<128x128xf32, #tpu.memory_space<vmem>>) target_semaphore(%run_scoped3A : memref<!tpu.dma_semaphore, #tpu.memory_space<semaphore_mem>>)
      %dma_wait3A = arith.constant 0 : i32
      %dma_wait3A_110 = arith.constant 0 : i32
      %dma_wait3A_111 = tpu.memref_slice %arg8[%dma_wait3A, %dma_wait3A_110] : memref<128x128xf32, #tpu.memory_space<vmem>> -> memref<128x128xf32, #tpu.memory_space<vmem>>
      %dma_wait3A_112 = arith.constant 0 : i32
      %dma_wait3A_113 = tpu.memref_slice %arg9[%add3A_77, %dma_wait3A_112] : memref<10000x128xf32, #tpu.memory_space<vmem_shared>> -> memref<128x128xf32, #tpu.memory_space<vmem_shared>>
      %dma_wait3A_114 = arith.constant 0 : i32
      %dma_wait3A_115 = arith.constant 0 : i32
      %dma_wait3A_116 = tpu.memref_slice %arg8[%dma_wait3A_114, %dma_wait3A_115] : memref<128x128xf32, #tpu.memory_space<vmem>> -> memref<128x128xf32, #tpu.memory_space<vmem>>
      %dma_wait3A_117 = arith.constant 0 : i32
      %dma_wait3A_118 = tpu.memref_slice %arg9[%add3A_77, %dma_wait3A_117] : memref<10000x128xf32, #tpu.memory_space<vmem_shared>> -> memref<128x128xf32, #tpu.memory_space<vmem_shared>>
      tpu.wait_dma2 semaphore(%run_scoped3A : memref<!tpu.dma_semaphore, #tpu.memory_space<semaphore_mem>>) src(%dma_wait3A_118 : memref<128x128xf32, #tpu.memory_space<vmem_shared>>) dst(%dma_wait3A_116 : memref<128x128xf32, #tpu.memory_space<vmem>>)
      tpu.yield
    }) : () -> ()
    %add3A_78 = arith.constant 0 : i32
    %add3A_79 = arith.addi %mul3A_8, %add3A_78 : i32
    "tpu.region"() ({
      %run_scoped3A = tpu.sem_alloc : memref<!tpu.dma_semaphore, #tpu.memory_space<semaphore_mem>>
      %dma_start3A = arith.constant 0 : i32
      %dma_start3A_101 = arith.constant 0 : i32
      %dma_start3A_102 = tpu.memref_slice %arg8[%dma_start3A, %dma_start3A_101] : memref<128x128xf32, #tpu.memory_space<vmem>> -> memref<128x128xf32, #tpu.memory_space<vmem>>
      %dma_start3A_103 = arith.constant 0 : i32
      %dma_start3A_104 = tpu.memref_slice %arg5[%arg0, %add3A_79, %dma_start3A_103] : memref<2x10000x128xf32, #tpu.memory_space<hbm>> -> memref<1x128x128xf32, #tpu.memory_space<hbm>>
      %dma_start3A_105 = tpu.memref_squeeze %dma_start3A_104 : memref<1x128x128xf32, #tpu.memory_space<hbm>> -> memref<128x128xf32, #tpu.memory_space<hbm>>
      %dma_start3A_106 = arith.constant 0 : i32
      %dma_start3A_107 = tpu.memref_slice %arg5[%arg0, %add3A_79, %dma_start3A_106] : memref<2x10000x128xf32, #tpu.memory_space<hbm>> -> memref<1x128x128xf32, #tpu.memory_space<hbm>>
      %dma_start3A_108 = tpu.memref_squeeze %dma_start3A_107 : memref<1x128x128xf32, #tpu.memory_space<hbm>> -> memref<128x128xf32, #tpu.memory_space<hbm>>
      %dma_start3A_109 = arith.constant 0 : i32
      %dma_start3A_110 = arith.constant 0 : i32
      %dma_start3A_111 = tpu.memref_slice %arg8[%dma_start3A_109, %dma_start3A_110] : memref<128x128xf32, #tpu.memory_space<vmem>> -> memref<128x128xf32, #tpu.memory_space<vmem>>
      tpu.enqueue_dma source(%dma_start3A_111 : memref<128x128xf32, #tpu.memory_space<vmem>>) target(%dma_start3A_108 : memref<128x128xf32, #tpu.memory_space<hbm>>) target_semaphore(%run_scoped3A : memref<!tpu.dma_semaphore, #tpu.memory_space<semaphore_mem>>)
      %dma_wait3A = arith.constant 0 : i32
      %dma_wait3A_112 = arith.constant 0 : i32
      %dma_wait3A_113 = tpu.memref_slice %arg8[%dma_wait3A, %dma_wait3A_112] : memref<128x128xf32, #tpu.memory_space<vmem>> -> memref<128x128xf32, #tpu.memory_space<vmem>>
      %dma_wait3A_114 = arith.constant 0 : i32
      %dma_wait3A_115 = tpu.memref_slice %arg5[%arg0, %add3A_79, %dma_wait3A_114] : memref<2x10000x128xf32, #tpu.memory_space<hbm>> -> memref<1x128x128xf32, #tpu.memory_space<hbm>>
      %dma_wait3A_116 = tpu.memref_squeeze %dma_wait3A_115 : memref<1x128x128xf32, #tpu.memory_space<hbm>> -> memref<128x128xf32, #tpu.memory_space<hbm>>
      %dma_wait3A_117 = arith.constant 0 : i32
      %dma_wait3A_118 = tpu.memref_slice %arg5[%arg0, %add3A_79, %dma_wait3A_117] : memref<2x10000x128xf32, #tpu.memory_space<hbm>> -> memref<1x128x128xf32, #tpu.memory_space<hbm>>
      %dma_wait3A_119 = tpu.memref_squeeze %dma_wait3A_118 : memref<1x128x128xf32, #tpu.memory_space<hbm>> -> memref<128x128xf32, #tpu.memory_space<hbm>>
      %dma_wait3A_120 = arith.constant 0 : i32
      %dma_wait3A_121 = arith.constant 0 : i32
      %dma_wait3A_122 = tpu.memref_slice %arg8[%dma_wait3A_120, %dma_wait3A_121] : memref<128x128xf32, #tpu.memory_space<vmem>> -> memref<128x128xf32, #tpu.memory_space<vmem>>
      tpu.wait_dma2 semaphore(%run_scoped3A : memref<!tpu.dma_semaphore, #tpu.memory_space<semaphore_mem>>) src(%dma_wait3A_122 : memref<128x128xf32, #tpu.memory_space<vmem>>) dst(%dma_wait3A_119 : memref<128x128xf32, #tpu.memory_space<hbm>>)
      tpu.yield
    }) : () -> ()
    %add3A_80 = arith.constant 128 : i32
    %add3A_81 = arith.addi %mul3A_8, %add3A_80 : i32
    "tpu.region"() ({
      %run_scoped3A = tpu.sem_alloc : memref<!tpu.dma_semaphore, #tpu.memory_space<semaphore_mem>>
      %dma_start3A = arith.constant 0 : i32
      %dma_start3A_101 = arith.constant 0 : i32
      %dma_start3A_102 = tpu.memref_slice %arg8[%dma_start3A, %dma_start3A_101] : memref<128x128xf32, #tpu.memory_space<vmem>> -> memref<128x128xf32, #tpu.memory_space<vmem>>
      %dma_start3A_103 = arith.constant 0 : i32
      %dma_start3A_104 = tpu.memref_slice %arg9[%add3A_81, %dma_start3A_103] : memref<10000x128xf32, #tpu.memory_space<vmem_shared>> -> memref<128x128xf32, #tpu.memory_space<vmem_shared>>
      %dma_start3A_105 = arith.constant 0 : i32
      %dma_start3A_106 = arith.constant 0 : i32
      %dma_start3A_107 = tpu.memref_slice %arg8[%dma_start3A_105, %dma_start3A_106] : memref<128x128xf32, #tpu.memory_space<vmem>> -> memref<128x128xf32, #tpu.memory_space<vmem>>
      %dma_start3A_108 = arith.constant 0 : i32
      %dma_start3A_109 = tpu.memref_slice %arg9[%add3A_81, %dma_start3A_108] : memref<10000x128xf32, #tpu.memory_space<vmem_shared>> -> memref<128x128xf32, #tpu.memory_space<vmem_shared>>
      tpu.enqueue_dma source(%dma_start3A_109 : memref<128x128xf32, #tpu.memory_space<vmem_shared>>) target(%dma_start3A_107 : memref<128x128xf32, #tpu.memory_space<vmem>>) target_semaphore(%run_scoped3A : memref<!tpu.dma_semaphore, #tpu.memory_space<semaphore_mem>>)
      %dma_wait3A = arith.constant 0 : i32
      %dma_wait3A_110 = arith.constant 0 : i32
      %dma_wait3A_111 = tpu.memref_slice %arg8[%dma_wait3A, %dma_wait3A_110] : memref<128x128xf32, #tpu.memory_space<vmem>> -> memref<128x128xf32, #tpu.memory_space<vmem>>
      %dma_wait3A_112 = arith.constant 0 : i32
      %dma_wait3A_113 = tpu.memref_slice %arg9[%add3A_81, %dma_wait3A_112] : memref<10000x128xf32, #tpu.memory_space<vmem_shared>> -> memref<128x128xf32, #tpu.memory_space<vmem_shared>>
      %dma_wait3A_114 = arith.constant 0 : i32
      %dma_wait3A_115 = arith.constant 0 : i32
      %dma_wait3A_116 = tpu.memref_slice %arg8[%dma_wait3A_114, %dma_wait3A_115] : memref<128x128xf32, #tpu.memory_space<vmem>> -> memref<128x128xf32, #tpu.memory_space<vmem>>
      %dma_wait3A_117 = arith.constant 0 : i32
      %dma_wait3A_118 = tpu.memref_slice %arg9[%add3A_81, %dma_wait3A_117] : memref<10000x128xf32, #tpu.memory_space<vmem_shared>> -> memref<128x128xf32, #tpu.memory_space<vmem_shared>>
      tpu.wait_dma2 semaphore(%run_scoped3A : memref<!tpu.dma_semaphore, #tpu.memory_space<semaphore_mem>>) src(%dma_wait3A_118 : memref<128x128xf32, #tpu.memory_space<vmem_shared>>) dst(%dma_wait3A_116 : memref<128x128xf32, #tpu.memory_space<vmem>>)
      tpu.yield
    }) : () -> ()
    %add3A_82 = arith.constant 128 : i32
    %add3A_83 = arith.addi %mul3A_8, %add3A_82 : i32
    "tpu.region"() ({
      %run_scoped3A = tpu.sem_alloc : memref<!tpu.dma_semaphore, #tpu.memory_space<semaphore_mem>>
      %dma_start3A = arith.constant 0 : i32
      %dma_start3A_101 = arith.constant 0 : i32
      %dma_start3A_102 = tpu.memref_slice %arg8[%dma_start3A, %dma_start3A_101] : memref<128x128xf32, #tpu.memory_space<vmem>> -> memref<128x128xf32, #tpu.memory_space<vmem>>
      %dma_start3A_103 = arith.constant 0 : i32
      %dma_start3A_104 = tpu.memref_slice %arg5[%arg0, %add3A_83, %dma_start3A_103] : memref<2x10000x128xf32, #tpu.memory_space<hbm>> -> memref<1x128x128xf32, #tpu.memory_space<hbm>>
      %dma_start3A_105 = tpu.memref_squeeze %dma_start3A_104 : memref<1x128x128xf32, #tpu.memory_space<hbm>> -> memref<128x128xf32, #tpu.memory_space<hbm>>
      %dma_start3A_106 = arith.constant 0 : i32
      %dma_start3A_107 = tpu.memref_slice %arg5[%arg0, %add3A_83, %dma_start3A_106] : memref<2x10000x128xf32, #tpu.memory_space<hbm>> -> memref<1x128x128xf32, #tpu.memory_space<hbm>>
      %dma_start3A_108 = tpu.memref_squeeze %dma_start3A_107 : memref<1x128x128xf32, #tpu.memory_space<hbm>> -> memref<128x128xf32, #tpu.memory_space<hbm>>
      %dma_start3A_109 = arith.constant 0 : i32
      %dma_start3A_110 = arith.constant 0 : i32
      %dma_start3A_111 = tpu.memref_slice %arg8[%dma_start3A_109, %dma_start3A_110] : memref<128x128xf32, #tpu.memory_space<vmem>> -> memref<128x128xf32, #tpu.memory_space<vmem>>
      tpu.enqueue_dma source(%dma_start3A_111 : memref<128x128xf32, #tpu.memory_space<vmem>>) target(%dma_start3A_108 : memref<128x128xf32, #tpu.memory_space<hbm>>) target_semaphore(%run_scoped3A : memref<!tpu.dma_semaphore, #tpu.memory_space<semaphore_mem>>)
      %dma_wait3A = arith.constant 0 : i32
      %dma_wait3A_112 = arith.constant 0 : i32
      %dma_wait3A_113 = tpu.memref_slice %arg8[%dma_wait3A, %dma_wait3A_112] : memref<128x128xf32, #tpu.memory_space<vmem>> -> memref<128x128xf32, #tpu.memory_space<vmem>>
      %dma_wait3A_114 = arith.constant 0 : i32
      %dma_wait3A_115 = tpu.memref_slice %arg5[%arg0, %add3A_83, %dma_wait3A_114] : memref<2x10000x128xf32, #tpu.memory_space<hbm>> -> memref<1x128x128xf32, #tpu.memory_space<hbm>>
      %dma_wait3A_116 = tpu.memref_squeeze %dma_wait3A_115 : memref<1x128x128xf32, #tpu.memory_space<hbm>> -> memref<128x128xf32, #tpu.memory_space<hbm>>
      %dma_wait3A_117 = arith.constant 0 : i32
      %dma_wait3A_118 = tpu.memref_slice %arg5[%arg0, %add3A_83, %dma_wait3A_117] : memref<2x10000x128xf32, #tpu.memory_space<hbm>> -> memref<1x128x128xf32, #tpu.memory_space<hbm>>
      %dma_wait3A_119 = tpu.memref_squeeze %dma_wait3A_118 : memref<1x128x128xf32, #tpu.memory_space<hbm>> -> memref<128x128xf32, #tpu.memory_space<hbm>>
      %dma_wait3A_120 = arith.constant 0 : i32
      %dma_wait3A_121 = arith.constant 0 : i32
      %dma_wait3A_122 = tpu.memref_slice %arg8[%dma_wait3A_120, %dma_wait3A_121] : memref<128x128xf32, #tpu.memory_space<vmem>> -> memref<128x128xf32, #tpu.memory_space<vmem>>
      tpu.wait_dma2 semaphore(%run_scoped3A : memref<!tpu.dma_semaphore, #tpu.memory_space<semaphore_mem>>) src(%dma_wait3A_122 : memref<128x128xf32, #tpu.memory_space<vmem>>) dst(%dma_wait3A_119 : memref<128x128xf32, #tpu.memory_space<hbm>>)
      tpu.yield
    }) : () -> ()
    %add3A_84 = arith.constant 256 : i32
    %add3A_85 = arith.addi %mul3A_8, %add3A_84 : i32
    "tpu.region"() ({
      %run_scoped3A = tpu.sem_alloc : memref<!tpu.dma_semaphore, #tpu.memory_space<semaphore_mem>>
      %dma_start3A = arith.constant 0 : i32
      %dma_start3A_101 = arith.constant 0 : i32
      %dma_start3A_102 = tpu.memref_slice %arg8[%dma_start3A, %dma_start3A_101] : memref<128x128xf32, #tpu.memory_space<vmem>> -> memref<128x128xf32, #tpu.memory_space<vmem>>
      %dma_start3A_103 = arith.constant 0 : i32
      %dma_start3A_104 = tpu.memref_slice %arg9[%add3A_85, %dma_start3A_103] : memref<10000x128xf32, #tpu.memory_space<vmem_shared>> -> memref<128x128xf32, #tpu.memory_space<vmem_shared>>
      %dma_start3A_105 = arith.constant 0 : i32
      %dma_start3A_106 = arith.constant 0 : i32
      %dma_start3A_107 = tpu.memref_slice %arg8[%dma_start3A_105, %dma_start3A_106] : memref<128x128xf32, #tpu.memory_space<vmem>> -> memref<128x128xf32, #tpu.memory_space<vmem>>
      %dma_start3A_108 = arith.constant 0 : i32
      %dma_start3A_109 = tpu.memref_slice %arg9[%add3A_85, %dma_start3A_108] : memref<10000x128xf32, #tpu.memory_space<vmem_shared>> -> memref<128x128xf32, #tpu.memory_space<vmem_shared>>
      tpu.enqueue_dma source(%dma_start3A_109 : memref<128x128xf32, #tpu.memory_space<vmem_shared>>) target(%dma_start3A_107 : memref<128x128xf32, #tpu.memory_space<vmem>>) target_semaphore(%run_scoped3A : memref<!tpu.dma_semaphore, #tpu.memory_space<semaphore_mem>>)
      %dma_wait3A = arith.constant 0 : i32
      %dma_wait3A_110 = arith.constant 0 : i32
      %dma_wait3A_111 = tpu.memref_slice %arg8[%dma_wait3A, %dma_wait3A_110] : memref<128x128xf32, #tpu.memory_space<vmem>> -> memref<128x128xf32, #tpu.memory_space<vmem>>
      %dma_wait3A_112 = arith.constant 0 : i32
      %dma_wait3A_113 = tpu.memref_slice %arg9[%add3A_85, %dma_wait3A_112] : memref<10000x128xf32, #tpu.memory_space<vmem_shared>> -> memref<128x128xf32, #tpu.memory_space<vmem_shared>>
      %dma_wait3A_114 = arith.constant 0 : i32
      %dma_wait3A_115 = arith.constant 0 : i32
      %dma_wait3A_116 = tpu.memref_slice %arg8[%dma_wait3A_114, %dma_wait3A_115] : memref<128x128xf32, #tpu.memory_space<vmem>> -> memref<128x128xf32, #tpu.memory_space<vmem>>
      %dma_wait3A_117 = arith.constant 0 : i32
      %dma_wait3A_118 = tpu.memref_slice %arg9[%add3A_85, %dma_wait3A_117] : memref<10000x128xf32, #tpu.memory_space<vmem_shared>> -> memref<128x128xf32, #tpu.memory_space<vmem_shared>>
      tpu.wait_dma2 semaphore(%run_scoped3A : memref<!tpu.dma_semaphore, #tpu.memory_space<semaphore_mem>>) src(%dma_wait3A_118 : memref<128x128xf32, #tpu.memory_space<vmem_shared>>) dst(%dma_wait3A_116 : memref<128x128xf32, #tpu.memory_space<vmem>>)
      tpu.yield
    }) : () -> ()
    %add3A_86 = arith.constant 256 : i32
    %add3A_87 = arith.addi %mul3A_8, %add3A_86 : i32
    "tpu.region"() ({
      %run_scoped3A = tpu.sem_alloc : memref<!tpu.dma_semaphore, #tpu.memory_space<semaphore_mem>>
      %dma_start3A = arith.constant 0 : i32
      %dma_start3A_101 = arith.constant 0 : i32
      %dma_start3A_102 = tpu.memref_slice %arg8[%dma_start3A, %dma_start3A_101] : memref<128x128xf32, #tpu.memory_space<vmem>> -> memref<128x128xf32, #tpu.memory_space<vmem>>
      %dma_start3A_103 = arith.constant 0 : i32
      %dma_start3A_104 = tpu.memref_slice %arg5[%arg0, %add3A_87, %dma_start3A_103] : memref<2x10000x128xf32, #tpu.memory_space<hbm>> -> memref<1x128x128xf32, #tpu.memory_space<hbm>>
      %dma_start3A_105 = tpu.memref_squeeze %dma_start3A_104 : memref<1x128x128xf32, #tpu.memory_space<hbm>> -> memref<128x128xf32, #tpu.memory_space<hbm>>
      %dma_start3A_106 = arith.constant 0 : i32
      %dma_start3A_107 = tpu.memref_slice %arg5[%arg0, %add3A_87, %dma_start3A_106] : memref<2x10000x128xf32, #tpu.memory_space<hbm>> -> memref<1x128x128xf32, #tpu.memory_space<hbm>>
      %dma_start3A_108 = tpu.memref_squeeze %dma_start3A_107 : memref<1x128x128xf32, #tpu.memory_space<hbm>> -> memref<128x128xf32, #tpu.memory_space<hbm>>
      %dma_start3A_109 = arith.constant 0 : i32
      %dma_start3A_110 = arith.constant 0 : i32
      %dma_start3A_111 = tpu.memref_slice %arg8[%dma_start3A_109, %dma_start3A_110] : memref<128x128xf32, #tpu.memory_space<vmem>> -> memref<128x128xf32, #tpu.memory_space<vmem>>
      tpu.enqueue_dma source(%dma_start3A_111 : memref<128x128xf32, #tpu.memory_space<vmem>>) target(%dma_start3A_108 : memref<128x128xf32, #tpu.memory_space<hbm>>) target_semaphore(%run_scoped3A : memref<!tpu.dma_semaphore, #tpu.memory_space<semaphore_mem>>)
      %dma_wait3A = arith.constant 0 : i32
      %dma_wait3A_112 = arith.constant 0 : i32
      %dma_wait3A_113 = tpu.memref_slice %arg8[%dma_wait3A, %dma_wait3A_112] : memref<128x128xf32, #tpu.memory_space<vmem>> -> memref<128x128xf32, #tpu.memory_space<vmem>>
      %dma_wait3A_114 = arith.constant 0 : i32
      %dma_wait3A_115 = tpu.memref_slice %arg5[%arg0, %add3A_87, %dma_wait3A_114] : memref<2x10000x128xf32, #tpu.memory_space<hbm>> -> memref<1x128x128xf32, #tpu.memory_space<hbm>>
      %dma_wait3A_116 = tpu.memref_squeeze %dma_wait3A_115 : memref<1x128x128xf32, #tpu.memory_space<hbm>> -> memref<128x128xf32, #tpu.memory_space<hbm>>
      %dma_wait3A_117 = arith.constant 0 : i32
      %dma_wait3A_118 = tpu.memref_slice %arg5[%arg0, %add3A_87, %dma_wait3A_117] : memref<2x10000x128xf32, #tpu.memory_space<hbm>> -> memref<1x128x128xf32, #tpu.memory_space<hbm>>
      %dma_wait3A_119 = tpu.memref_squeeze %dma_wait3A_118 : memref<1x128x128xf32, #tpu.memory_space<hbm>> -> memref<128x128xf32, #tpu.memory_space<hbm>>
      %dma_wait3A_120 = arith.constant 0 : i32
      %dma_wait3A_121 = arith.constant 0 : i32
      %dma_wait3A_122 = tpu.memref_slice %arg8[%dma_wait3A_120, %dma_wait3A_121] : memref<128x128xf32, #tpu.memory_space<vmem>> -> memref<128x128xf32, #tpu.memory_space<vmem>>
      tpu.wait_dma2 semaphore(%run_scoped3A : memref<!tpu.dma_semaphore, #tpu.memory_space<semaphore_mem>>) src(%dma_wait3A_122 : memref<128x128xf32, #tpu.memory_space<vmem>>) dst(%dma_wait3A_119 : memref<128x128xf32, #tpu.memory_space<hbm>>)
      tpu.yield
    }) : () -> ()
    %add3A_88 = arith.constant 384 : i32
    %add3A_89 = arith.addi %mul3A_8, %add3A_88 : i32
    "tpu.region"() ({
      %run_scoped3A = tpu.sem_alloc : memref<!tpu.dma_semaphore, #tpu.memory_space<semaphore_mem>>
      %dma_start3A = arith.constant 0 : i32
      %dma_start3A_101 = arith.constant 0 : i32
      %dma_start3A_102 = tpu.memref_slice %arg8[%dma_start3A, %dma_start3A_101] : memref<128x128xf32, #tpu.memory_space<vmem>> -> memref<128x128xf32, #tpu.memory_space<vmem>>
      %dma_start3A_103 = arith.constant 0 : i32
      %dma_start3A_104 = tpu.memref_slice %arg9[%add3A_89, %dma_start3A_103] : memref<10000x128xf32, #tpu.memory_space<vmem_shared>> -> memref<128x128xf32, #tpu.memory_space<vmem_shared>>
      %dma_start3A_105 = arith.constant 0 : i32
      %dma_start3A_106 = arith.constant 0 : i32
      %dma_start3A_107 = tpu.memref_slice %arg8[%dma_start3A_105, %dma_start3A_106] : memref<128x128xf32, #tpu.memory_space<vmem>> -> memref<128x128xf32, #tpu.memory_space<vmem>>
      %dma_start3A_108 = arith.constant 0 : i32
      %dma_start3A_109 = tpu.memref_slice %arg9[%add3A_89, %dma_start3A_108] : memref<10000x128xf32, #tpu.memory_space<vmem_shared>> -> memref<128x128xf32, #tpu.memory_space<vmem_shared>>
      tpu.enqueue_dma source(%dma_start3A_109 : memref<128x128xf32, #tpu.memory_space<vmem_shared>>) target(%dma_start3A_107 : memref<128x128xf32, #tpu.memory_space<vmem>>) target_semaphore(%run_scoped3A : memref<!tpu.dma_semaphore, #tpu.memory_space<semaphore_mem>>)
      %dma_wait3A = arith.constant 0 : i32
      %dma_wait3A_110 = arith.constant 0 : i32
      %dma_wait3A_111 = tpu.memref_slice %arg8[%dma_wait3A, %dma_wait3A_110] : memref<128x128xf32, #tpu.memory_space<vmem>> -> memref<128x128xf32, #tpu.memory_space<vmem>>
      %dma_wait3A_112 = arith.constant 0 : i32
      %dma_wait3A_113 = tpu.memref_slice %arg9[%add3A_89, %dma_wait3A_112] : memref<10000x128xf32, #tpu.memory_space<vmem_shared>> -> memref<128x128xf32, #tpu.memory_space<vmem_shared>>
      %dma_wait3A_114 = arith.constant 0 : i32
      %dma_wait3A_115 = arith.constant 0 : i32
      %dma_wait3A_116 = tpu.memref_slice %arg8[%dma_wait3A_114, %dma_wait3A_115] : memref<128x128xf32, #tpu.memory_space<vmem>> -> memref<128x128xf32, #tpu.memory_space<vmem>>
      %dma_wait3A_117 = arith.constant 0 : i32
      %dma_wait3A_118 = tpu.memref_slice %arg9[%add3A_89, %dma_wait3A_117] : memref<10000x128xf32, #tpu.memory_space<vmem_shared>> -> memref<128x128xf32, #tpu.memory_space<vmem_shared>>
      tpu.wait_dma2 semaphore(%run_scoped3A : memref<!tpu.dma_semaphore, #tpu.memory_space<semaphore_mem>>) src(%dma_wait3A_118 : memref<128x128xf32, #tpu.memory_space<vmem_shared>>) dst(%dma_wait3A_116 : memref<128x128xf32, #tpu.memory_space<vmem>>)
      tpu.yield
    }) : () -> ()
    %add3A_90 = arith.constant 384 : i32
    %add3A_91 = arith.addi %mul3A_8, %add3A_90 : i32
    "tpu.region"() ({
      %run_scoped3A = tpu.sem_alloc : memref<!tpu.dma_semaphore, #tpu.memory_space<semaphore_mem>>
      %dma_start3A = arith.constant 0 : i32
      %dma_start3A_101 = arith.constant 0 : i32
      %dma_start3A_102 = tpu.memref_slice %arg8[%dma_start3A, %dma_start3A_101] : memref<128x128xf32, #tpu.memory_space<vmem>> -> memref<128x128xf32, #tpu.memory_space<vmem>>
      %dma_start3A_103 = arith.constant 0 : i32
      %dma_start3A_104 = tpu.memref_slice %arg5[%arg0, %add3A_91, %dma_start3A_103] : memref<2x10000x128xf32, #tpu.memory_space<hbm>> -> memref<1x128x128xf32, #tpu.memory_space<hbm>>
      %dma_start3A_105 = tpu.memref_squeeze %dma_start3A_104 : memref<1x128x128xf32, #tpu.memory_space<hbm>> -> memref<128x128xf32, #tpu.memory_space<hbm>>
      %dma_start3A_106 = arith.constant 0 : i32
      %dma_start3A_107 = tpu.memref_slice %arg5[%arg0, %add3A_91, %dma_start3A_106] : memref<2x10000x128xf32, #tpu.memory_space<hbm>> -> memref<1x128x128xf32, #tpu.memory_space<hbm>>
      %dma_start3A_108 = tpu.memref_squeeze %dma_start3A_107 : memref<1x128x128xf32, #tpu.memory_space<hbm>> -> memref<128x128xf32, #tpu.memory_space<hbm>>
      %dma_start3A_109 = arith.constant 0 : i32
      %dma_start3A_110 = arith.constant 0 : i32
      %dma_start3A_111 = tpu.memref_slice %arg8[%dma_start3A_109, %dma_start3A_110] : memref<128x128xf32, #tpu.memory_space<vmem>> -> memref<128x128xf32, #tpu.memory_space<vmem>>
      tpu.enqueue_dma source(%dma_start3A_111 : memref<128x128xf32, #tpu.memory_space<vmem>>) target(%dma_start3A_108 : memref<128x128xf32, #tpu.memory_space<hbm>>) target_semaphore(%run_scoped3A : memref<!tpu.dma_semaphore, #tpu.memory_space<semaphore_mem>>)
      %dma_wait3A = arith.constant 0 : i32
      %dma_wait3A_112 = arith.constant 0 : i32
      %dma_wait3A_113 = tpu.memref_slice %arg8[%dma_wait3A, %dma_wait3A_112] : memref<128x128xf32, #tpu.memory_space<vmem>> -> memref<128x128xf32, #tpu.memory_space<vmem>>
      %dma_wait3A_114 = arith.constant 0 : i32
      %dma_wait3A_115 = tpu.memref_slice %arg5[%arg0, %add3A_91, %dma_wait3A_114] : memref<2x10000x128xf32, #tpu.memory_space<hbm>> -> memref<1x128x128xf32, #tpu.memory_space<hbm>>
      %dma_wait3A_116 = tpu.memref_squeeze %dma_wait3A_115 : memref<1x128x128xf32, #tpu.memory_space<hbm>> -> memref<128x128xf32, #tpu.memory_space<hbm>>
      %dma_wait3A_117 = arith.constant 0 : i32
      %dma_wait3A_118 = tpu.memref_slice %arg5[%arg0, %add3A_91, %dma_wait3A_117] : memref<2x10000x128xf32, #tpu.memory_space<hbm>> -> memref<1x128x128xf32, #tpu.memory_space<hbm>>
      %dma_wait3A_119 = tpu.memref_squeeze %dma_wait3A_118 : memref<1x128x128xf32, #tpu.memory_space<hbm>> -> memref<128x128xf32, #tpu.memory_space<hbm>>
      %dma_wait3A_120 = arith.constant 0 : i32
      %dma_wait3A_121 = arith.constant 0 : i32
      %dma_wait3A_122 = tpu.memref_slice %arg8[%dma_wait3A_120, %dma_wait3A_121] : memref<128x128xf32, #tpu.memory_space<vmem>> -> memref<128x128xf32, #tpu.memory_space<vmem>>
      tpu.wait_dma2 semaphore(%run_scoped3A : memref<!tpu.dma_semaphore, #tpu.memory_space<semaphore_mem>>) src(%dma_wait3A_122 : memref<128x128xf32, #tpu.memory_space<vmem>>) dst(%dma_wait3A_119 : memref<128x128xf32, #tpu.memory_space<hbm>>)
      tpu.yield
    }) : () -> ()
    %add3A_92 = arith.constant 512 : i32
    %add3A_93 = arith.addi %mul3A_8, %add3A_92 : i32
    "tpu.region"() ({
      %run_scoped3A = tpu.sem_alloc : memref<!tpu.dma_semaphore, #tpu.memory_space<semaphore_mem>>
      %dma_start3A = arith.constant 0 : i32
      %dma_start3A_101 = arith.constant 0 : i32
      %dma_start3A_102 = tpu.memref_slice %arg8[%dma_start3A, %dma_start3A_101] : memref<128x128xf32, #tpu.memory_space<vmem>> -> memref<112x128xf32, #tpu.memory_space<vmem>>
      %dma_start3A_103 = arith.constant 0 : i32
      %dma_start3A_104 = tpu.memref_slice %arg9[%add3A_93, %dma_start3A_103] : memref<10000x128xf32, #tpu.memory_space<vmem_shared>> -> memref<112x128xf32, #tpu.memory_space<vmem_shared>>
      %dma_start3A_105 = arith.constant 0 : i32
      %dma_start3A_106 = arith.constant 0 : i32
      %dma_start3A_107 = tpu.memref_slice %arg8[%dma_start3A_105, %dma_start3A_106] : memref<128x128xf32, #tpu.memory_space<vmem>> -> memref<112x128xf32, #tpu.memory_space<vmem>>
      %dma_start3A_108 = arith.constant 0 : i32
      %dma_start3A_109 = tpu.memref_slice %arg9[%add3A_93, %dma_start3A_108] : memref<10000x128xf32, #tpu.memory_space<vmem_shared>> -> memref<112x128xf32, #tpu.memory_space<vmem_shared>>
      tpu.enqueue_dma source(%dma_start3A_109 : memref<112x128xf32, #tpu.memory_space<vmem_shared>>) target(%dma_start3A_107 : memref<112x128xf32, #tpu.memory_space<vmem>>) target_semaphore(%run_scoped3A : memref<!tpu.dma_semaphore, #tpu.memory_space<semaphore_mem>>)
      %dma_wait3A = arith.constant 0 : i32
      %dma_wait3A_110 = arith.constant 0 : i32
      %dma_wait3A_111 = tpu.memref_slice %arg8[%dma_wait3A, %dma_wait3A_110] : memref<128x128xf32, #tpu.memory_space<vmem>> -> memref<112x128xf32, #tpu.memory_space<vmem>>
      %dma_wait3A_112 = arith.constant 0 : i32
      %dma_wait3A_113 = tpu.memref_slice %arg9[%add3A_93, %dma_wait3A_112] : memref<10000x128xf32, #tpu.memory_space<vmem_shared>> -> memref<112x128xf32, #tpu.memory_space<vmem_shared>>
      %dma_wait3A_114 = arith.constant 0 : i32
      %dma_wait3A_115 = arith.constant 0 : i32
      %dma_wait3A_116 = tpu.memref_slice %arg8[%dma_wait3A_114, %dma_wait3A_115] : memref<128x128xf32, #tpu.memory_space<vmem>> -> memref<112x128xf32, #tpu.memory_space<vmem>>
      %dma_wait3A_117 = arith.constant 0 : i32
      %dma_wait3A_118 = tpu.memref_slice %arg9[%add3A_93, %dma_wait3A_117] : memref<10000x128xf32, #tpu.memory_space<vmem_shared>> -> memref<112x128xf32, #tpu.memory_space<vmem_shared>>
      tpu.wait_dma2 semaphore(%run_scoped3A : memref<!tpu.dma_semaphore, #tpu.memory_space<semaphore_mem>>) src(%dma_wait3A_118 : memref<112x128xf32, #tpu.memory_space<vmem_shared>>) dst(%dma_wait3A_116 : memref<112x128xf32, #tpu.memory_space<vmem>>)
      tpu.yield
    }) : () -> ()
    %add3A_94 = arith.constant 512 : i32
    %add3A_95 = arith.addi %mul3A_8, %add3A_94 : i32
    "tpu.region"() ({
      %run_scoped3A = tpu.sem_alloc : memref<!tpu.dma_semaphore, #tpu.memory_space<semaphore_mem>>
      %dma_start3A = arith.constant 0 : i32
      %dma_start3A_101 = arith.constant 0 : i32
      %dma_start3A_102 = tpu.memref_slice %arg8[%dma_start3A, %dma_start3A_101] : memref<128x128xf32, #tpu.memory_space<vmem>> -> memref<112x128xf32, #tpu.memory_space<vmem>>
      %dma_start3A_103 = arith.constant 0 : i32
      %dma_start3A_104 = tpu.memref_slice %arg5[%arg0, %add3A_95, %dma_start3A_103] : memref<2x10000x128xf32, #tpu.memory_space<hbm>> -> memref<1x112x128xf32, #tpu.memory_space<hbm>>
      %dma_start3A_105 = tpu.memref_squeeze %dma_start3A_104 : memref<1x112x128xf32, #tpu.memory_space<hbm>> -> memref<112x128xf32, #tpu.memory_space<hbm>>
      %dma_start3A_106 = arith.constant 0 : i32
      %dma_start3A_107 = tpu.memref_slice %arg5[%arg0, %add3A_95, %dma_start3A_106] : memref<2x10000x128xf32, #tpu.memory_space<hbm>> -> memref<1x112x128xf32, #tpu.memory_space<hbm>>
      %dma_start3A_108 = tpu.memref_squeeze %dma_start3A_107 : memref<1x112x128xf32, #tpu.memory_space<hbm>> -> memref<112x128xf32, #tpu.memory_space<hbm>>
      %dma_start3A_109 = arith.constant 0 : i32
      %dma_start3A_110 = arith.constant 0 : i32
      %dma_start3A_111 = tpu.memref_slice %arg8[%dma_start3A_109, %dma_start3A_110] : memref<128x128xf32, #tpu.memory_space<vmem>> -> memref<112x128xf32, #tpu.memory_space<vmem>>
      tpu.enqueue_dma source(%dma_start3A_111 : memref<112x128xf32, #tpu.memory_space<vmem>>) target(%dma_start3A_108 : memref<112x128xf32, #tpu.memory_space<hbm>>) target_semaphore(%run_scoped3A : memref<!tpu.dma_semaphore, #tpu.memory_space<semaphore_mem>>)
      %dma_wait3A = arith.constant 0 : i32
      %dma_wait3A_112 = arith.constant 0 : i32
      %dma_wait3A_113 = tpu.memref_slice %arg8[%dma_wait3A, %dma_wait3A_112] : memref<128x128xf32, #tpu.memory_space<vmem>> -> memref<112x128xf32, #tpu.memory_space<vmem>>
      %dma_wait3A_114 = arith.constant 0 : i32
      %dma_wait3A_115 = tpu.memref_slice %arg5[%arg0, %add3A_95, %dma_wait3A_114] : memref<2x10000x128xf32, #tpu.memory_space<hbm>> -> memref<1x112x128xf32, #tpu.memory_space<hbm>>
      %dma_wait3A_116 = tpu.memref_squeeze %dma_wait3A_115 : memref<1x112x128xf32, #tpu.memory_space<hbm>> -> memref<112x128xf32, #tpu.memory_space<hbm>>
      %dma_wait3A_117 = arith.constant 0 : i32
      %dma_wait3A_118 = tpu.memref_slice %arg5[%arg0, %add3A_95, %dma_wait3A_117] : memref<2x10000x128xf32, #tpu.memory_space<hbm>> -> memref<1x112x128xf32, #tpu.memory_space<hbm>>
      %dma_wait3A_119 = tpu.memref_squeeze %dma_wait3A_118 : memref<1x112x128xf32, #tpu.memory_space<hbm>> -> memref<112x128xf32, #tpu.memory_space<hbm>>
      %dma_wait3A_120 = arith.constant 0 : i32
      %dma_wait3A_121 = arith.constant 0 : i32
      %dma_wait3A_122 = tpu.memref_slice %arg8[%dma_wait3A_120, %dma_wait3A_121] : memref<128x128xf32, #tpu.memory_space<vmem>> -> memref<112x128xf32, #tpu.memory_space<vmem>>
      tpu.wait_dma2 semaphore(%run_scoped3A : memref<!tpu.dma_semaphore, #tpu.memory_space<semaphore_mem>>) src(%dma_wait3A_122 : memref<112x128xf32, #tpu.memory_space<vmem>>) dst(%dma_wait3A_119 : memref<112x128xf32, #tpu.memory_space<hbm>>)
      tpu.yield
    }) : () -> ()
    %eq3A_96 = arith.constant 15 : i32
    %eq3A_97 = arith.cmpi eq, %arg1, %eq3A_96 : i32
    %convert_element_type3A_98 = arith.extui %eq3A_97 : i1 to i32
    %cond3A_99 = arith.constant 0 : i32
    %cond3A_100 = arith.cmpi ne, %convert_element_type3A_98, %cond3A_99 : i32
    scf.if %cond3A_100 {
      "tpu.region"() ({
        %run_scoped3A = tpu.sem_alloc : memref<!tpu.dma_semaphore, #tpu.memory_space<semaphore_mem>>
        %dma_start3A = arith.constant 0 : i32
        %dma_start3A_101 = arith.constant 0 : i32
        %dma_start3A_102 = tpu.memref_slice %arg8[%dma_start3A, %dma_start3A_101] : memref<128x128xf32, #tpu.memory_space<vmem>> -> memref<16x128xf32, #tpu.memory_space<vmem>>
        %dma_start3A_103 = arith.constant 9984 : i32
        %dma_start3A_104 = arith.constant 0 : i32
        %dma_start3A_105 = tpu.memref_slice %arg9[%dma_start3A_103, %dma_start3A_104] : memref<10000x128xf32, #tpu.memory_space<vmem_shared>> -> memref<16x128xf32, #tpu.memory_space<vmem_shared>>
        %dma_start3A_106 = arith.constant 0 : i32
        %dma_start3A_107 = arith.constant 0 : i32
        %dma_start3A_108 = tpu.memref_slice %arg8[%dma_start3A_106, %dma_start3A_107] : memref<128x128xf32, #tpu.memory_space<vmem>> -> memref<16x128xf32, #tpu.memory_space<vmem>>
        %dma_start3A_109 = arith.constant 9984 : i32
        %dma_start3A_110 = arith.constant 0 : i32
        %dma_start3A_111 = tpu.memref_slice %arg9[%dma_start3A_109, %dma_start3A_110] : memref<10000x128xf32, #tpu.memory_space<vmem_shared>> -> memref<16x128xf32, #tpu.memory_space<vmem_shared>>
        tpu.enqueue_dma source(%dma_start3A_111 : memref<16x128xf32, #tpu.memory_space<vmem_shared>>) target(%dma_start3A_108 : memref<16x128xf32, #tpu.memory_space<vmem>>) target_semaphore(%run_scoped3A : memref<!tpu.dma_semaphore, #tpu.memory_space<semaphore_mem>>)
        %dma_wait3A = arith.constant 0 : i32
        %dma_wait3A_112 = arith.constant 0 : i32
        %dma_wait3A_113 = tpu.memref_slice %arg8[%dma_wait3A, %dma_wait3A_112] : memref<128x128xf32, #tpu.memory_space<vmem>> -> memref<16x128xf32, #tpu.memory_space<vmem>>
        %dma_wait3A_114 = arith.constant 9984 : i32
        %dma_wait3A_115 = arith.constant 0 : i32
        %dma_wait3A_116 = tpu.memref_slice %arg9[%dma_wait3A_114, %dma_wait3A_115] : memref<10000x128xf32, #tpu.memory_space<vmem_shared>> -> memref<16x128xf32, #tpu.memory_space<vmem_shared>>
        %dma_wait3A_117 = arith.constant 0 : i32
        %dma_wait3A_118 = arith.constant 0 : i32
        %dma_wait3A_119 = tpu.memref_slice %arg8[%dma_wait3A_117, %dma_wait3A_118] : memref<128x128xf32, #tpu.memory_space<vmem>> -> memref<16x128xf32, #tpu.memory_space<vmem>>
        %dma_wait3A_120 = arith.constant 9984 : i32
        %dma_wait3A_121 = arith.constant 0 : i32
        %dma_wait3A_122 = tpu.memref_slice %arg9[%dma_wait3A_120, %dma_wait3A_121] : memref<10000x128xf32, #tpu.memory_space<vmem_shared>> -> memref<16x128xf32, #tpu.memory_space<vmem_shared>>
        tpu.wait_dma2 semaphore(%run_scoped3A : memref<!tpu.dma_semaphore, #tpu.memory_space<semaphore_mem>>) src(%dma_wait3A_122 : memref<16x128xf32, #tpu.memory_space<vmem_shared>>) dst(%dma_wait3A_119 : memref<16x128xf32, #tpu.memory_space<vmem>>)
        tpu.yield
      }) : () -> ()
      "tpu.region"() ({
        %run_scoped3A = tpu.sem_alloc : memref<!tpu.dma_semaphore, #tpu.memory_space<semaphore_mem>>
        %dma_start3A = arith.constant 0 : i32
        %dma_start3A_101 = arith.constant 0 : i32
        %dma_start3A_102 = tpu.memref_slice %arg8[%dma_start3A, %dma_start3A_101] : memref<128x128xf32, #tpu.memory_space<vmem>> -> memref<16x128xf32, #tpu.memory_space<vmem>>
        %dma_start3A_103 = arith.constant 9984 : i32
        %dma_start3A_104 = arith.constant 0 : i32
        %dma_start3A_105 = tpu.memref_slice %arg5[%arg0, %dma_start3A_103, %dma_start3A_104] : memref<2x10000x128xf32, #tpu.memory_space<hbm>> -> memref<1x16x128xf32, #tpu.memory_space<hbm>>
        %dma_start3A_106 = tpu.memref_squeeze %dma_start3A_105 : memref<1x16x128xf32, #tpu.memory_space<hbm>> -> memref<16x128xf32, #tpu.memory_space<hbm>>
        %dma_start3A_107 = arith.constant 9984 : i32
        %dma_start3A_108 = arith.constant 0 : i32
        %dma_start3A_109 = tpu.memref_slice %arg5[%arg0, %dma_start3A_107, %dma_start3A_108] : memref<2x10000x128xf32, #tpu.memory_space<hbm>> -> memref<1x16x128xf32, #tpu.memory_space<hbm>>
        %dma_start3A_110 = tpu.memref_squeeze %dma_start3A_109 : memref<1x16x128xf32, #tpu.memory_space<hbm>> -> memref<16x128xf32, #tpu.memory_space<hbm>>
        %dma_start3A_111 = arith.constant 0 : i32
        %dma_start3A_112 = arith.constant 0 : i32
        %dma_start3A_113 = tpu.memref_slice %arg8[%dma_start3A_111, %dma_start3A_112] : memref<128x128xf32, #tpu.memory_space<vmem>> -> memref<16x128xf32, #tpu.memory_space<vmem>>
        tpu.enqueue_dma source(%dma_start3A_113 : memref<16x128xf32, #tpu.memory_space<vmem>>) target(%dma_start3A_110 : memref<16x128xf32, #tpu.memory_space<hbm>>) target_semaphore(%run_scoped3A : memref<!tpu.dma_semaphore, #tpu.memory_space<semaphore_mem>>)
        %dma_wait3A = arith.constant 0 : i32
        %dma_wait3A_114 = arith.constant 0 : i32
        %dma_wait3A_115 = tpu.memref_slice %arg8[%dma_wait3A, %dma_wait3A_114] : memref<128x128xf32, #tpu.memory_space<vmem>> -> memref<16x128xf32, #tpu.memory_space<vmem>>
        %dma_wait3A_116 = arith.constant 9984 : i32
        %dma_wait3A_117 = arith.constant 0 : i32
        %dma_wait3A_118 = tpu.memref_slice %arg5[%arg0, %dma_wait3A_116, %dma_wait3A_117] : memref<2x10000x128xf32, #tpu.memory_space<hbm>> -> memref<1x16x128xf32, #tpu.memory_space<hbm>>
        %dma_wait3A_119 = tpu.memref_squeeze %dma_wait3A_118 : memref<1x16x128xf32, #tpu.memory_space<hbm>> -> memref<16x128xf32, #tpu.memory_space<hbm>>
        %dma_wait3A_120 = arith.constant 9984 : i32
        %dma_wait3A_121 = arith.constant 0 : i32
        %dma_wait3A_122 = tpu.memref_slice %arg5[%arg0, %dma_wait3A_120, %dma_wait3A_121] : memref<2x10000x128xf32, #tpu.memory_space<hbm>> -> memref<1x16x128xf32, #tpu.memory_space<hbm>>
        %dma_wait3A_123 = tpu.memref_squeeze %dma_wait3A_122 : memref<1x16x128xf32, #tpu.memory_space<hbm>> -> memref<16x128xf32, #tpu.memory_space<hbm>>
        %dma_wait3A_124 = arith.constant 0 : i32
        %dma_wait3A_125 = arith.constant 0 : i32
        %dma_wait3A_126 = tpu.memref_slice %arg8[%dma_wait3A_124, %dma_wait3A_125] : memref<128x128xf32, #tpu.memory_space<vmem>> -> memref<16x128xf32, #tpu.memory_space<vmem>>
        tpu.wait_dma2 semaphore(%run_scoped3A : memref<!tpu.dma_semaphore, #tpu.memory_space<semaphore_mem>>) src(%dma_wait3A_126 : memref<16x128xf32, #tpu.memory_space<vmem>>) dst(%dma_wait3A_123 : memref<16x128xf32, #tpu.memory_space<hbm>>)
        tpu.yield
      }) : () -> ()
    } else {
    }
    return
  }
}

#map = affine_map<(d0, d1) -> (0, 0)>
#map1 = affine_map<(d0, d1) -> (0)>
#map2 = affine_map<(d0, d1) -> (0, 0, 0)>
module attributes {stable_mosaic.version = 14 : i64} {
  func.func @body(%arg0: i32, %arg1: i32, %arg2: memref<10000x128xf32, #tpu.memory_space<hbm>>, %arg3: memref<320000xi32, #tpu.memory_space<hbm>>, %arg4: memref<320000xi32, #tpu.memory_space<hbm>>, %arg5: memref<2x10000x128xf32, #tpu.memory_space<hbm>>, %arg6: memref<20000xf32, #tpu.memory_space<hbm>>, %arg7: memref<128xi32, #tpu.memory_space<vmem>>, %arg8: memref<128xi32, #tpu.memory_space<vmem>>, %arg9: memref<128x128xf32, #tpu.memory_space<vmem>>, %arg10: memref<10000x128xf32, #tpu.memory_space<vmem_shared>>, %arg11: memref<128xf32, #tpu.memory_space<vmem>>, %arg12: memref<624xf32, #tpu.memory_space<vmem>>, %arg13: memref<10000xf32, #tpu.memory_space<vmem_shared>>) attributes {dimension_semantics = [#tpu.dimension_semantics<core_parallel>, #tpu.dimension_semantics<subcore_parallel>], iteration_bounds = array<i64: 2, 16>, scalar_prefetch = 0 : i64, scratch_operands = 7 : i64, tpu.core_type = #tpu.core_type<sc_vector_subcore>, window_params = [{transform_indices = #map}, {transform_indices = #map1}, {transform_indices = #map1}, {transform_indices = #map2}, {transform_indices = #map1}]} {
    %mul3A = arith.constant 16 : i32
    %mul3A_0 = arith.muli %arg0, %mul3A : i32
    %add3A = arith.addi %mul3A_0, %arg1 : i32
    %broadcast_in_dim3A = arith.constant 0.000000e+00 : f32
    %broadcast_in_dim3A_1 = vector.broadcast %broadcast_in_dim3A : f32 to vector<16xf32>
    %scan3A = arith.constant 0 : i32
    %scan3A_2 = arith.constant 0 : i32
    %scan3A_3 = arith.constant 1024 : i32
    %scan3A_4 = arith.addi %scan3A_2, %scan3A_3 : i32
    %scan3A_5 = arith.constant 1 : i32
    scf.for %scan3A_317 = %scan3A_2 to %scan3A_4 step %scan3A_5  : i32 {
      %jit3A_318 = arith.constant 8 : i32
      %div3A_319 = arith.divsi %scan3A_317, %jit3A_318 : i32
      %sign3A_320 = arith.constant 0 : i32
      %sign3A_321 = arith.cmpi sgt, %scan3A_317, %sign3A_320 : i32
      %sign3A_322 = arith.extui %sign3A_321 : i1 to i32
      %sign3A_323 = arith.constant 0 : i32
      %sign3A_324 = arith.cmpi slt, %scan3A_317, %sign3A_323 : i32
      %sign3A_325 = arith.extui %sign3A_324 : i1 to i32
      %sign3A_326 = arith.subi %sign3A_322, %sign3A_325 : i32
      %sign3A_327 = arith.constant 0 : i32
      %sign3A_328 = arith.cmpi sgt, %jit3A_318, %sign3A_327 : i32
      %sign3A_329 = arith.extui %sign3A_328 : i1 to i32
      %sign3A_330 = arith.constant 0 : i32
      %sign3A_331 = arith.cmpi slt, %jit3A_318, %sign3A_330 : i32
      %sign3A_332 = arith.extui %sign3A_331 : i1 to i32
      %sign3A_333 = arith.subi %sign3A_329, %sign3A_332 : i32
      %ne3A_334 = arith.cmpi ne, %sign3A_326, %sign3A_333 : i32
      %rem3A_335 = arith.remsi %scan3A_317, %jit3A_318 : i32
      %ne3A_336 = arith.constant 0 : i32
      %ne3A_337 = arith.cmpi ne, %rem3A_335, %ne3A_336 : i32
      %and3A_338 = arith.andi %ne3A_334, %ne3A_337 : i1
      %sub3A_339 = arith.constant 1 : i32
      %sub3A_340 = arith.subi %div3A_319, %sub3A_339 : i32
      %select_n3A_341 = arith.select %and3A_338, %sub3A_340, %div3A_319 : i32
      %jit3A_342 = arith.constant 8 : i32
      %eq3A_343 = arith.constant 0 : i32
      %eq3A_344 = arith.cmpi eq, %jit3A_342, %eq3A_343 : i32
      %jit3A_345 = arith.constant 1 : i32
      %select_n3A_346 = arith.select %eq3A_344, %jit3A_345, %jit3A_342 : i32
      %rem3A_347 = arith.remsi %scan3A_317, %select_n3A_346 : i32
      %ne3A_348 = arith.constant 0 : i32
      %ne3A_349 = arith.cmpi ne, %rem3A_347, %ne3A_348 : i32
      %lt3A = arith.constant 0 : i32
      %lt3A_350 = arith.cmpi slt, %rem3A_347, %lt3A : i32
      %lt3A_351 = arith.constant 0 : i32
      %lt3A_352 = arith.cmpi slt, %select_n3A_346, %lt3A_351 : i32
      %ne3A_353 = arith.xori %lt3A_350, %lt3A_352 : i1
      %and3A_354 = arith.andi %ne3A_353, %ne3A_349 : i1
      %add3A_355 = arith.addi %rem3A_347, %select_n3A_346 : i32
      %select_n3A_356 = arith.select %and3A_354, %add3A_355, %rem3A_347 : i32
      %mul3A_357 = arith.constant 16 : i32
      %mul3A_358 = arith.muli %select_n3A_356, %mul3A_357 : i32
      %swap3A_359 = arith.index_cast %select_n3A_341 : i32 to index
      %swap3A_360 = arith.index_cast %mul3A_358 : i32 to index
      %swap3A_361 = tpu.vector_load %arg9[%swap3A_359, %swap3A_360] {strides = array<i32>} : memref<128x128xf32, #tpu.memory_space<vmem>>, vector<1x16xf32>,
      %swap3A_362 = vector.shape_cast %swap3A_361 : vector<1x16xf32> to vector<16xf32>
      %swap3A_363 = vector.shape_cast %broadcast_in_dim3A_1 : vector<16xf32> to vector<1x16xf32>
      tpu.vector_store %arg9[%swap3A_359, %swap3A_360], %swap3A_363 {strides = array<i32>} : memref<128x128xf32, #tpu.memory_space<vmem>>, vector<1x16xf32>,
    }
    %scan3A_6 = arith.constant 1024 : i32
    %mul3A_7 = arith.constant 624 : i32
    %mul3A_8 = arith.muli %arg1, %mul3A_7 : i32
    %add3A_9 = arith.constant 0 : i32
    %add3A_10 = arith.addi %mul3A_8, %add3A_9 : i32
    "tpu.region"() ({
      %run_scoped3A = tpu.sem_alloc : memref<!tpu.dma_semaphore, #tpu.memory_space<semaphore_mem>>
      %dma_start3A = arith.constant 0 : i32
      %dma_start3A_317 = arith.constant 0 : i32
      %dma_start3A_318 = tpu.memref_slice %arg9[%dma_start3A, %dma_start3A_317] : memref<128x128xf32, #tpu.memory_space<vmem>> -> memref<128x128xf32, #tpu.memory_space<vmem>>
      %dma_start3A_319 = arith.constant 0 : i32
      %dma_start3A_320 = tpu.memref_slice %arg10[%add3A_10, %dma_start3A_319] : memref<10000x128xf32, #tpu.memory_space<vmem_shared>> -> memref<128x128xf32, #tpu.memory_space<vmem_shared>>
      %dma_start3A_321 = arith.constant 0 : i32
      %dma_start3A_322 = tpu.memref_slice %arg10[%add3A_10, %dma_start3A_321] : memref<10000x128xf32, #tpu.memory_space<vmem_shared>> -> memref<128x128xf32, #tpu.memory_space<vmem_shared>>
      %dma_start3A_323 = arith.constant 0 : i32
      %dma_start3A_324 = arith.constant 0 : i32
      %dma_start3A_325 = tpu.memref_slice %arg9[%dma_start3A_323, %dma_start3A_324] : memref<128x128xf32, #tpu.memory_space<vmem>> -> memref<128x128xf32, #tpu.memory_space<vmem>>
      tpu.enqueue_dma source(%dma_start3A_325 : memref<128x128xf32, #tpu.memory_space<vmem>>) target(%dma_start3A_322 : memref<128x128xf32, #tpu.memory_space<vmem_shared>>) target_semaphore(%run_scoped3A : memref<!tpu.dma_semaphore, #tpu.memory_space<semaphore_mem>>)
      %dma_wait3A = arith.constant 0 : i32
      %dma_wait3A_326 = arith.constant 0 : i32
      %dma_wait3A_327 = tpu.memref_slice %arg9[%dma_wait3A, %dma_wait3A_326] : memref<128x128xf32, #tpu.memory_space<vmem>> -> memref<128x128xf32, #tpu.memory_space<vmem>>
      %dma_wait3A_328 = arith.constant 0 : i32
      %dma_wait3A_329 = tpu.memref_slice %arg10[%add3A_10, %dma_wait3A_328] : memref<10000x128xf32, #tpu.memory_space<vmem_shared>> -> memref<128x128xf32, #tpu.memory_space<vmem_shared>>
      %dma_wait3A_330 = arith.constant 0 : i32
      %dma_wait3A_331 = tpu.memref_slice %arg10[%add3A_10, %dma_wait3A_330] : memref<10000x128xf32, #tpu.memory_space<vmem_shared>> -> memref<128x128xf32, #tpu.memory_space<vmem_shared>>
      %dma_wait3A_332 = arith.constant 0 : i32
      %dma_wait3A_333 = arith.constant 0 : i32
      %dma_wait3A_334 = tpu.memref_slice %arg9[%dma_wait3A_332, %dma_wait3A_333] : memref<128x128xf32, #tpu.memory_space<vmem>> -> memref<128x128xf32, #tpu.memory_space<vmem>>
      tpu.wait_dma2 semaphore(%run_scoped3A : memref<!tpu.dma_semaphore, #tpu.memory_space<semaphore_mem>>) src(%dma_wait3A_334 : memref<128x128xf32, #tpu.memory_space<vmem>>) dst(%dma_wait3A_331 : memref<128x128xf32, #tpu.memory_space<vmem_shared>>)
      tpu.yield
    }) : () -> ()
    %add3A_11 = arith.constant 128 : i32
    %add3A_12 = arith.addi %mul3A_8, %add3A_11 : i32
    "tpu.region"() ({
      %run_scoped3A = tpu.sem_alloc : memref<!tpu.dma_semaphore, #tpu.memory_space<semaphore_mem>>
      %dma_start3A = arith.constant 0 : i32
      %dma_start3A_317 = arith.constant 0 : i32
      %dma_start3A_318 = tpu.memref_slice %arg9[%dma_start3A, %dma_start3A_317] : memref<128x128xf32, #tpu.memory_space<vmem>> -> memref<128x128xf32, #tpu.memory_space<vmem>>
      %dma_start3A_319 = arith.constant 0 : i32
      %dma_start3A_320 = tpu.memref_slice %arg10[%add3A_12, %dma_start3A_319] : memref<10000x128xf32, #tpu.memory_space<vmem_shared>> -> memref<128x128xf32, #tpu.memory_space<vmem_shared>>
      %dma_start3A_321 = arith.constant 0 : i32
      %dma_start3A_322 = tpu.memref_slice %arg10[%add3A_12, %dma_start3A_321] : memref<10000x128xf32, #tpu.memory_space<vmem_shared>> -> memref<128x128xf32, #tpu.memory_space<vmem_shared>>
      %dma_start3A_323 = arith.constant 0 : i32
      %dma_start3A_324 = arith.constant 0 : i32
      %dma_start3A_325 = tpu.memref_slice %arg9[%dma_start3A_323, %dma_start3A_324] : memref<128x128xf32, #tpu.memory_space<vmem>> -> memref<128x128xf32, #tpu.memory_space<vmem>>
      tpu.enqueue_dma source(%dma_start3A_325 : memref<128x128xf32, #tpu.memory_space<vmem>>) target(%dma_start3A_322 : memref<128x128xf32, #tpu.memory_space<vmem_shared>>) target_semaphore(%run_scoped3A : memref<!tpu.dma_semaphore, #tpu.memory_space<semaphore_mem>>)
      %dma_wait3A = arith.constant 0 : i32
      %dma_wait3A_326 = arith.constant 0 : i32
      %dma_wait3A_327 = tpu.memref_slice %arg9[%dma_wait3A, %dma_wait3A_326] : memref<128x128xf32, #tpu.memory_space<vmem>> -> memref<128x128xf32, #tpu.memory_space<vmem>>
      %dma_wait3A_328 = arith.constant 0 : i32
      %dma_wait3A_329 = tpu.memref_slice %arg10[%add3A_12, %dma_wait3A_328] : memref<10000x128xf32, #tpu.memory_space<vmem_shared>> -> memref<128x128xf32, #tpu.memory_space<vmem_shared>>
      %dma_wait3A_330 = arith.constant 0 : i32
      %dma_wait3A_331 = tpu.memref_slice %arg10[%add3A_12, %dma_wait3A_330] : memref<10000x128xf32, #tpu.memory_space<vmem_shared>> -> memref<128x128xf32, #tpu.memory_space<vmem_shared>>
      %dma_wait3A_332 = arith.constant 0 : i32
      %dma_wait3A_333 = arith.constant 0 : i32
      %dma_wait3A_334 = tpu.memref_slice %arg9[%dma_wait3A_332, %dma_wait3A_333] : memref<128x128xf32, #tpu.memory_space<vmem>> -> memref<128x128xf32, #tpu.memory_space<vmem>>
      tpu.wait_dma2 semaphore(%run_scoped3A : memref<!tpu.dma_semaphore, #tpu.memory_space<semaphore_mem>>) src(%dma_wait3A_334 : memref<128x128xf32, #tpu.memory_space<vmem>>) dst(%dma_wait3A_331 : memref<128x128xf32, #tpu.memory_space<vmem_shared>>)
      tpu.yield
    }) : () -> ()
    %add3A_13 = arith.constant 256 : i32
    %add3A_14 = arith.addi %mul3A_8, %add3A_13 : i32
    "tpu.region"() ({
      %run_scoped3A = tpu.sem_alloc : memref<!tpu.dma_semaphore, #tpu.memory_space<semaphore_mem>>
      %dma_start3A = arith.constant 0 : i32
      %dma_start3A_317 = arith.constant 0 : i32
      %dma_start3A_318 = tpu.memref_slice %arg9[%dma_start3A, %dma_start3A_317] : memref<128x128xf32, #tpu.memory_space<vmem>> -> memref<128x128xf32, #tpu.memory_space<vmem>>
      %dma_start3A_319 = arith.constant 0 : i32
      %dma_start3A_320 = tpu.memref_slice %arg10[%add3A_14, %dma_start3A_319] : memref<10000x128xf32, #tpu.memory_space<vmem_shared>> -> memref<128x128xf32, #tpu.memory_space<vmem_shared>>
      %dma_start3A_321 = arith.constant 0 : i32
      %dma_start3A_322 = tpu.memref_slice %arg10[%add3A_14, %dma_start3A_321] : memref<10000x128xf32, #tpu.memory_space<vmem_shared>> -> memref<128x128xf32, #tpu.memory_space<vmem_shared>>
      %dma_start3A_323 = arith.constant 0 : i32
      %dma_start3A_324 = arith.constant 0 : i32
      %dma_start3A_325 = tpu.memref_slice %arg9[%dma_start3A_323, %dma_start3A_324] : memref<128x128xf32, #tpu.memory_space<vmem>> -> memref<128x128xf32, #tpu.memory_space<vmem>>
      tpu.enqueue_dma source(%dma_start3A_325 : memref<128x128xf32, #tpu.memory_space<vmem>>) target(%dma_start3A_322 : memref<128x128xf32, #tpu.memory_space<vmem_shared>>) target_semaphore(%run_scoped3A : memref<!tpu.dma_semaphore, #tpu.memory_space<semaphore_mem>>)
      %dma_wait3A = arith.constant 0 : i32
      %dma_wait3A_326 = arith.constant 0 : i32
      %dma_wait3A_327 = tpu.memref_slice %arg9[%dma_wait3A, %dma_wait3A_326] : memref<128x128xf32, #tpu.memory_space<vmem>> -> memref<128x128xf32, #tpu.memory_space<vmem>>
      %dma_wait3A_328 = arith.constant 0 : i32
      %dma_wait3A_329 = tpu.memref_slice %arg10[%add3A_14, %dma_wait3A_328] : memref<10000x128xf32, #tpu.memory_space<vmem_shared>> -> memref<128x128xf32, #tpu.memory_space<vmem_shared>>
      %dma_wait3A_330 = arith.constant 0 : i32
      %dma_wait3A_331 = tpu.memref_slice %arg10[%add3A_14, %dma_wait3A_330] : memref<10000x128xf32, #tpu.memory_space<vmem_shared>> -> memref<128x128xf32, #tpu.memory_space<vmem_shared>>
      %dma_wait3A_332 = arith.constant 0 : i32
      %dma_wait3A_333 = arith.constant 0 : i32
      %dma_wait3A_334 = tpu.memref_slice %arg9[%dma_wait3A_332, %dma_wait3A_333] : memref<128x128xf32, #tpu.memory_space<vmem>> -> memref<128x128xf32, #tpu.memory_space<vmem>>
      tpu.wait_dma2 semaphore(%run_scoped3A : memref<!tpu.dma_semaphore, #tpu.memory_space<semaphore_mem>>) src(%dma_wait3A_334 : memref<128x128xf32, #tpu.memory_space<vmem>>) dst(%dma_wait3A_331 : memref<128x128xf32, #tpu.memory_space<vmem_shared>>)
      tpu.yield
    }) : () -> ()
    %add3A_15 = arith.constant 384 : i32
    %add3A_16 = arith.addi %mul3A_8, %add3A_15 : i32
    "tpu.region"() ({
      %run_scoped3A = tpu.sem_alloc : memref<!tpu.dma_semaphore, #tpu.memory_space<semaphore_mem>>
      %dma_start3A = arith.constant 0 : i32
      %dma_start3A_317 = arith.constant 0 : i32
      %dma_start3A_318 = tpu.memref_slice %arg9[%dma_start3A, %dma_start3A_317] : memref<128x128xf32, #tpu.memory_space<vmem>> -> memref<128x128xf32, #tpu.memory_space<vmem>>
      %dma_start3A_319 = arith.constant 0 : i32
      %dma_start3A_320 = tpu.memref_slice %arg10[%add3A_16, %dma_start3A_319] : memref<10000x128xf32, #tpu.memory_space<vmem_shared>> -> memref<128x128xf32, #tpu.memory_space<vmem_shared>>
      %dma_start3A_321 = arith.constant 0 : i32
      %dma_start3A_322 = tpu.memref_slice %arg10[%add3A_16, %dma_start3A_321] : memref<10000x128xf32, #tpu.memory_space<vmem_shared>> -> memref<128x128xf32, #tpu.memory_space<vmem_shared>>
      %dma_start3A_323 = arith.constant 0 : i32
      %dma_start3A_324 = arith.constant 0 : i32
      %dma_start3A_325 = tpu.memref_slice %arg9[%dma_start3A_323, %dma_start3A_324] : memref<128x128xf32, #tpu.memory_space<vmem>> -> memref<128x128xf32, #tpu.memory_space<vmem>>
      tpu.enqueue_dma source(%dma_start3A_325 : memref<128x128xf32, #tpu.memory_space<vmem>>) target(%dma_start3A_322 : memref<128x128xf32, #tpu.memory_space<vmem_shared>>) target_semaphore(%run_scoped3A : memref<!tpu.dma_semaphore, #tpu.memory_space<semaphore_mem>>)
      %dma_wait3A = arith.constant 0 : i32
      %dma_wait3A_326 = arith.constant 0 : i32
      %dma_wait3A_327 = tpu.memref_slice %arg9[%dma_wait3A, %dma_wait3A_326] : memref<128x128xf32, #tpu.memory_space<vmem>> -> memref<128x128xf32, #tpu.memory_space<vmem>>
      %dma_wait3A_328 = arith.constant 0 : i32
      %dma_wait3A_329 = tpu.memref_slice %arg10[%add3A_16, %dma_wait3A_328] : memref<10000x128xf32, #tpu.memory_space<vmem_shared>> -> memref<128x128xf32, #tpu.memory_space<vmem_shared>>
      %dma_wait3A_330 = arith.constant 0 : i32
      %dma_wait3A_331 = tpu.memref_slice %arg10[%add3A_16, %dma_wait3A_330] : memref<10000x128xf32, #tpu.memory_space<vmem_shared>> -> memref<128x128xf32, #tpu.memory_space<vmem_shared>>
      %dma_wait3A_332 = arith.constant 0 : i32
      %dma_wait3A_333 = arith.constant 0 : i32
      %dma_wait3A_334 = tpu.memref_slice %arg9[%dma_wait3A_332, %dma_wait3A_333] : memref<128x128xf32, #tpu.memory_space<vmem>> -> memref<128x128xf32, #tpu.memory_space<vmem>>
      tpu.wait_dma2 semaphore(%run_scoped3A : memref<!tpu.dma_semaphore, #tpu.memory_space<semaphore_mem>>) src(%dma_wait3A_334 : memref<128x128xf32, #tpu.memory_space<vmem>>) dst(%dma_wait3A_331 : memref<128x128xf32, #tpu.memory_space<vmem_shared>>)
      tpu.yield
    }) : () -> ()
    %add3A_17 = arith.constant 512 : i32
    %add3A_18 = arith.addi %mul3A_8, %add3A_17 : i32
    "tpu.region"() ({
      %run_scoped3A = tpu.sem_alloc : memref<!tpu.dma_semaphore, #tpu.memory_space<semaphore_mem>>
      %dma_start3A = arith.constant 0 : i32
      %dma_start3A_317 = arith.constant 0 : i32
      %dma_start3A_318 = tpu.memref_slice %arg9[%dma_start3A, %dma_start3A_317] : memref<128x128xf32, #tpu.memory_space<vmem>> -> memref<112x128xf32, #tpu.memory_space<vmem>>
      %dma_start3A_319 = arith.constant 0 : i32
      %dma_start3A_320 = tpu.memref_slice %arg10[%add3A_18, %dma_start3A_319] : memref<10000x128xf32, #tpu.memory_space<vmem_shared>> -> memref<112x128xf32, #tpu.memory_space<vmem_shared>>
      %dma_start3A_321 = arith.constant 0 : i32
      %dma_start3A_322 = tpu.memref_slice %arg10[%add3A_18, %dma_start3A_321] : memref<10000x128xf32, #tpu.memory_space<vmem_shared>> -> memref<112x128xf32, #tpu.memory_space<vmem_shared>>
      %dma_start3A_323 = arith.constant 0 : i32
      %dma_start3A_324 = arith.constant 0 : i32
      %dma_start3A_325 = tpu.memref_slice %arg9[%dma_start3A_323, %dma_start3A_324] : memref<128x128xf32, #tpu.memory_space<vmem>> -> memref<112x128xf32, #tpu.memory_space<vmem>>
      tpu.enqueue_dma source(%dma_start3A_325 : memref<112x128xf32, #tpu.memory_space<vmem>>) target(%dma_start3A_322 : memref<112x128xf32, #tpu.memory_space<vmem_shared>>) target_semaphore(%run_scoped3A : memref<!tpu.dma_semaphore, #tpu.memory_space<semaphore_mem>>)
      %dma_wait3A = arith.constant 0 : i32
      %dma_wait3A_326 = arith.constant 0 : i32
      %dma_wait3A_327 = tpu.memref_slice %arg9[%dma_wait3A, %dma_wait3A_326] : memref<128x128xf32, #tpu.memory_space<vmem>> -> memref<112x128xf32, #tpu.memory_space<vmem>>
      %dma_wait3A_328 = arith.constant 0 : i32
      %dma_wait3A_329 = tpu.memref_slice %arg10[%add3A_18, %dma_wait3A_328] : memref<10000x128xf32, #tpu.memory_space<vmem_shared>> -> memref<112x128xf32, #tpu.memory_space<vmem_shared>>
      %dma_wait3A_330 = arith.constant 0 : i32
      %dma_wait3A_331 = tpu.memref_slice %arg10[%add3A_18, %dma_wait3A_330] : memref<10000x128xf32, #tpu.memory_space<vmem_shared>> -> memref<112x128xf32, #tpu.memory_space<vmem_shared>>
      %dma_wait3A_332 = arith.constant 0 : i32
      %dma_wait3A_333 = arith.constant 0 : i32
      %dma_wait3A_334 = tpu.memref_slice %arg9[%dma_wait3A_332, %dma_wait3A_333] : memref<128x128xf32, #tpu.memory_space<vmem>> -> memref<112x128xf32, #tpu.memory_space<vmem>>
      tpu.wait_dma2 semaphore(%run_scoped3A : memref<!tpu.dma_semaphore, #tpu.memory_space<semaphore_mem>>) src(%dma_wait3A_334 : memref<112x128xf32, #tpu.memory_space<vmem>>) dst(%dma_wait3A_331 : memref<112x128xf32, #tpu.memory_space<vmem_shared>>)
      tpu.yield
    }) : () -> ()
    %broadcast_in_dim3A_19 = arith.constant 1.000000e+00 : f32
    %broadcast_in_dim3A_20 = vector.broadcast %broadcast_in_dim3A_19 : f32 to vector<16xf32>
    %swap3A = arith.constant 0 : index
    %swap3A_21 = tpu.vector_load %arg11[%swap3A] {strides = array<i32>} : memref<128xf32, #tpu.memory_space<vmem>>, vector<16xf32>,
    %swap3A_22 = vector.shape_cast %swap3A_21 : vector<16xf32> to vector<16xf32>
    %swap3A_23 = vector.shape_cast %broadcast_in_dim3A_20 : vector<16xf32> to vector<16xf32>
    tpu.vector_store %arg11[%swap3A], %swap3A_23 {strides = array<i32>} : memref<128xf32, #tpu.memory_space<vmem>>, vector<16xf32>,
    %broadcast_in_dim3A_24 = arith.constant 1.000000e+00 : f32
    %broadcast_in_dim3A_25 = vector.broadcast %broadcast_in_dim3A_24 : f32 to vector<16xf32>
    %swap3A_26 = arith.constant 16 : index
    %swap3A_27 = tpu.vector_load %arg11[%swap3A_26] {strides = array<i32>} : memref<128xf32, #tpu.memory_space<vmem>>, vector<16xf32>,
    %swap3A_28 = vector.shape_cast %swap3A_27 : vector<16xf32> to vector<16xf32>
    %swap3A_29 = vector.shape_cast %broadcast_in_dim3A_25 : vector<16xf32> to vector<16xf32>
    tpu.vector_store %arg11[%swap3A_26], %swap3A_29 {strides = array<i32>} : memref<128xf32, #tpu.memory_space<vmem>>, vector<16xf32>,
    %broadcast_in_dim3A_30 = arith.constant 1.000000e+00 : f32
    %broadcast_in_dim3A_31 = vector.broadcast %broadcast_in_dim3A_30 : f32 to vector<16xf32>
    %swap3A_32 = arith.constant 32 : index
    %swap3A_33 = tpu.vector_load %arg11[%swap3A_32] {strides = array<i32>} : memref<128xf32, #tpu.memory_space<vmem>>, vector<16xf32>,
    %swap3A_34 = vector.shape_cast %swap3A_33 : vector<16xf32> to vector<16xf32>
    %swap3A_35 = vector.shape_cast %broadcast_in_dim3A_31 : vector<16xf32> to vector<16xf32>
    tpu.vector_store %arg11[%swap3A_32], %swap3A_35 {strides = array<i32>} : memref<128xf32, #tpu.memory_space<vmem>>, vector<16xf32>,
    %broadcast_in_dim3A_36 = arith.constant 1.000000e+00 : f32
    %broadcast_in_dim3A_37 = vector.broadcast %broadcast_in_dim3A_36 : f32 to vector<16xf32>
    %swap3A_38 = arith.constant 48 : index
    %swap3A_39 = tpu.vector_load %arg11[%swap3A_38] {strides = array<i32>} : memref<128xf32, #tpu.memory_space<vmem>>, vector<16xf32>,
    %swap3A_40 = vector.shape_cast %swap3A_39 : vector<16xf32> to vector<16xf32>
    %swap3A_41 = vector.shape_cast %broadcast_in_dim3A_37 : vector<16xf32> to vector<16xf32>
    tpu.vector_store %arg11[%swap3A_38], %swap3A_41 {strides = array<i32>} : memref<128xf32, #tpu.memory_space<vmem>>, vector<16xf32>,
    %broadcast_in_dim3A_42 = arith.constant 1.000000e+00 : f32
    %broadcast_in_dim3A_43 = vector.broadcast %broadcast_in_dim3A_42 : f32 to vector<16xf32>
    %swap3A_44 = arith.constant 64 : index
    %swap3A_45 = tpu.vector_load %arg11[%swap3A_44] {strides = array<i32>} : memref<128xf32, #tpu.memory_space<vmem>>, vector<16xf32>,
    %swap3A_46 = vector.shape_cast %swap3A_45 : vector<16xf32> to vector<16xf32>
    %swap3A_47 = vector.shape_cast %broadcast_in_dim3A_43 : vector<16xf32> to vector<16xf32>
    tpu.vector_store %arg11[%swap3A_44], %swap3A_47 {strides = array<i32>} : memref<128xf32, #tpu.memory_space<vmem>>, vector<16xf32>,
    %broadcast_in_dim3A_48 = arith.constant 1.000000e+00 : f32
    %broadcast_in_dim3A_49 = vector.broadcast %broadcast_in_dim3A_48 : f32 to vector<16xf32>
    %swap3A_50 = arith.constant 80 : index
    %swap3A_51 = tpu.vector_load %arg11[%swap3A_50] {strides = array<i32>} : memref<128xf32, #tpu.memory_space<vmem>>, vector<16xf32>,
    %swap3A_52 = vector.shape_cast %swap3A_51 : vector<16xf32> to vector<16xf32>
    %swap3A_53 = vector.shape_cast %broadcast_in_dim3A_49 : vector<16xf32> to vector<16xf32>
    tpu.vector_store %arg11[%swap3A_50], %swap3A_53 {strides = array<i32>} : memref<128xf32, #tpu.memory_space<vmem>>, vector<16xf32>,
    %broadcast_in_dim3A_54 = arith.constant 1.000000e+00 : f32
    %broadcast_in_dim3A_55 = vector.broadcast %broadcast_in_dim3A_54 : f32 to vector<16xf32>
    %swap3A_56 = arith.constant 96 : index
    %swap3A_57 = tpu.vector_load %arg11[%swap3A_56] {strides = array<i32>} : memref<128xf32, #tpu.memory_space<vmem>>, vector<16xf32>,
    %swap3A_58 = vector.shape_cast %swap3A_57 : vector<16xf32> to vector<16xf32>
    %swap3A_59 = vector.shape_cast %broadcast_in_dim3A_55 : vector<16xf32> to vector<16xf32>
    tpu.vector_store %arg11[%swap3A_56], %swap3A_59 {strides = array<i32>} : memref<128xf32, #tpu.memory_space<vmem>>, vector<16xf32>,
    %broadcast_in_dim3A_60 = arith.constant 1.000000e+00 : f32
    %broadcast_in_dim3A_61 = vector.broadcast %broadcast_in_dim3A_60 : f32 to vector<16xf32>
    %swap3A_62 = arith.constant 112 : index
    %swap3A_63 = tpu.vector_load %arg11[%swap3A_62] {strides = array<i32>} : memref<128xf32, #tpu.memory_space<vmem>>, vector<16xf32>,
    %swap3A_64 = vector.shape_cast %swap3A_63 : vector<16xf32> to vector<16xf32>
    %swap3A_65 = vector.shape_cast %broadcast_in_dim3A_61 : vector<16xf32> to vector<16xf32>
    tpu.vector_store %arg11[%swap3A_62], %swap3A_65 {strides = array<i32>} : memref<128xf32, #tpu.memory_space<vmem>>, vector<16xf32>,
    %swap3A_66 = arith.constant 0 : index
    %swap3A_67 = tpu.vector_load %arg12[%swap3A_66] {strides = array<i32>} : memref<624xf32, #tpu.memory_space<vmem>>, vector<16xf32>,
    %swap3A_68 = vector.shape_cast %swap3A_67 : vector<16xf32> to vector<16xf32>
    %swap3A_69 = vector.shape_cast %broadcast_in_dim3A_1 : vector<16xf32> to vector<16xf32>
    tpu.vector_store %arg12[%swap3A_66], %swap3A_69 {strides = array<i32>} : memref<624xf32, #tpu.memory_space<vmem>>, vector<16xf32>,
    %swap3A_70 = arith.constant 16 : index
    %swap3A_71 = tpu.vector_load %arg12[%swap3A_70] {strides = array<i32>} : memref<624xf32, #tpu.memory_space<vmem>>, vector<16xf32>,
    %swap3A_72 = vector.shape_cast %swap3A_71 : vector<16xf32> to vector<16xf32>
    %swap3A_73 = vector.shape_cast %broadcast_in_dim3A_1 : vector<16xf32> to vector<16xf32>
    tpu.vector_store %arg12[%swap3A_70], %swap3A_73 {strides = array<i32>} : memref<624xf32, #tpu.memory_space<vmem>>, vector<16xf32>,
    %swap3A_74 = arith.constant 32 : index
    %swap3A_75 = tpu.vector_load %arg12[%swap3A_74] {strides = array<i32>} : memref<624xf32, #tpu.memory_space<vmem>>, vector<16xf32>,
    %swap3A_76 = vector.shape_cast %swap3A_75 : vector<16xf32> to vector<16xf32>
    %swap3A_77 = vector.shape_cast %broadcast_in_dim3A_1 : vector<16xf32> to vector<16xf32>
    tpu.vector_store %arg12[%swap3A_74], %swap3A_77 {strides = array<i32>} : memref<624xf32, #tpu.memory_space<vmem>>, vector<16xf32>,
    %swap3A_78 = arith.constant 48 : index
    %swap3A_79 = tpu.vector_load %arg12[%swap3A_78] {strides = array<i32>} : memref<624xf32, #tpu.memory_space<vmem>>, vector<16xf32>,
    %swap3A_80 = vector.shape_cast %swap3A_79 : vector<16xf32> to vector<16xf32>
    %swap3A_81 = vector.shape_cast %broadcast_in_dim3A_1 : vector<16xf32> to vector<16xf32>
    tpu.vector_store %arg12[%swap3A_78], %swap3A_81 {strides = array<i32>} : memref<624xf32, #tpu.memory_space<vmem>>, vector<16xf32>,
    %swap3A_82 = arith.constant 64 : index
    %swap3A_83 = tpu.vector_load %arg12[%swap3A_82] {strides = array<i32>} : memref<624xf32, #tpu.memory_space<vmem>>, vector<16xf32>,
    %swap3A_84 = vector.shape_cast %swap3A_83 : vector<16xf32> to vector<16xf32>
    %swap3A_85 = vector.shape_cast %broadcast_in_dim3A_1 : vector<16xf32> to vector<16xf32>
    tpu.vector_store %arg12[%swap3A_82], %swap3A_85 {strides = array<i32>} : memref<624xf32, #tpu.memory_space<vmem>>, vector<16xf32>,
    %swap3A_86 = arith.constant 80 : index
    %swap3A_87 = tpu.vector_load %arg12[%swap3A_86] {strides = array<i32>} : memref<624xf32, #tpu.memory_space<vmem>>, vector<16xf32>,
    %swap3A_88 = vector.shape_cast %swap3A_87 : vector<16xf32> to vector<16xf32>
    %swap3A_89 = vector.shape_cast %broadcast_in_dim3A_1 : vector<16xf32> to vector<16xf32>
    tpu.vector_store %arg12[%swap3A_86], %swap3A_89 {strides = array<i32>} : memref<624xf32, #tpu.memory_space<vmem>>, vector<16xf32>,
    %swap3A_90 = arith.constant 96 : index
    %swap3A_91 = tpu.vector_load %arg12[%swap3A_90] {strides = array<i32>} : memref<624xf32, #tpu.memory_space<vmem>>, vector<16xf32>,
    %swap3A_92 = vector.shape_cast %swap3A_91 : vector<16xf32> to vector<16xf32>
    %swap3A_93 = vector.shape_cast %broadcast_in_dim3A_1 : vector<16xf32> to vector<16xf32>
    tpu.vector_store %arg12[%swap3A_90], %swap3A_93 {strides = array<i32>} : memref<624xf32, #tpu.memory_space<vmem>>, vector<16xf32>,
    %swap3A_94 = arith.constant 112 : index
    %swap3A_95 = tpu.vector_load %arg12[%swap3A_94] {strides = array<i32>} : memref<624xf32, #tpu.memory_space<vmem>>, vector<16xf32>,
    %swap3A_96 = vector.shape_cast %swap3A_95 : vector<16xf32> to vector<16xf32>
    %swap3A_97 = vector.shape_cast %broadcast_in_dim3A_1 : vector<16xf32> to vector<16xf32>
    tpu.vector_store %arg12[%swap3A_94], %swap3A_97 {strides = array<i32>} : memref<624xf32, #tpu.memory_space<vmem>>, vector<16xf32>,
    %swap3A_98 = arith.constant 128 : index
    %swap3A_99 = tpu.vector_load %arg12[%swap3A_98] {strides = array<i32>} : memref<624xf32, #tpu.memory_space<vmem>>, vector<16xf32>,
    %swap3A_100 = vector.shape_cast %swap3A_99 : vector<16xf32> to vector<16xf32>
    %swap3A_101 = vector.shape_cast %broadcast_in_dim3A_1 : vector<16xf32> to vector<16xf32>
    tpu.vector_store %arg12[%swap3A_98], %swap3A_101 {strides = array<i32>} : memref<624xf32, #tpu.memory_space<vmem>>, vector<16xf32>,
    %swap3A_102 = arith.constant 144 : index
    %swap3A_103 = tpu.vector_load %arg12[%swap3A_102] {strides = array<i32>} : memref<624xf32, #tpu.memory_space<vmem>>, vector<16xf32>,
    %swap3A_104 = vector.shape_cast %swap3A_103 : vector<16xf32> to vector<16xf32>
    %swap3A_105 = vector.shape_cast %broadcast_in_dim3A_1 : vector<16xf32> to vector<16xf32>
    tpu.vector_store %arg12[%swap3A_102], %swap3A_105 {strides = array<i32>} : memref<624xf32, #tpu.memory_space<vmem>>, vector<16xf32>,
    %swap3A_106 = arith.constant 160 : index
    %swap3A_107 = tpu.vector_load %arg12[%swap3A_106] {strides = array<i32>} : memref<624xf32, #tpu.memory_space<vmem>>, vector<16xf32>,
    %swap3A_108 = vector.shape_cast %swap3A_107 : vector<16xf32> to vector<16xf32>
    %swap3A_109 = vector.shape_cast %broadcast_in_dim3A_1 : vector<16xf32> to vector<16xf32>
    tpu.vector_store %arg12[%swap3A_106], %swap3A_109 {strides = array<i32>} : memref<624xf32, #tpu.memory_space<vmem>>, vector<16xf32>,
    %swap3A_110 = arith.constant 176 : index
    %swap3A_111 = tpu.vector_load %arg12[%swap3A_110] {strides = array<i32>} : memref<624xf32, #tpu.memory_space<vmem>>, vector<16xf32>,
    %swap3A_112 = vector.shape_cast %swap3A_111 : vector<16xf32> to vector<16xf32>
    %swap3A_113 = vector.shape_cast %broadcast_in_dim3A_1 : vector<16xf32> to vector<16xf32>
    tpu.vector_store %arg12[%swap3A_110], %swap3A_113 {strides = array<i32>} : memref<624xf32, #tpu.memory_space<vmem>>, vector<16xf32>,
    %swap3A_114 = arith.constant 192 : index
    %swap3A_115 = tpu.vector_load %arg12[%swap3A_114] {strides = array<i32>} : memref<624xf32, #tpu.memory_space<vmem>>, vector<16xf32>,
    %swap3A_116 = vector.shape_cast %swap3A_115 : vector<16xf32> to vector<16xf32>
    %swap3A_117 = vector.shape_cast %broadcast_in_dim3A_1 : vector<16xf32> to vector<16xf32>
    tpu.vector_store %arg12[%swap3A_114], %swap3A_117 {strides = array<i32>} : memref<624xf32, #tpu.memory_space<vmem>>, vector<16xf32>,
    %swap3A_118 = arith.constant 208 : index
    %swap3A_119 = tpu.vector_load %arg12[%swap3A_118] {strides = array<i32>} : memref<624xf32, #tpu.memory_space<vmem>>, vector<16xf32>,
    %swap3A_120 = vector.shape_cast %swap3A_119 : vector<16xf32> to vector<16xf32>
    %swap3A_121 = vector.shape_cast %broadcast_in_dim3A_1 : vector<16xf32> to vector<16xf32>
    tpu.vector_store %arg12[%swap3A_118], %swap3A_121 {strides = array<i32>} : memref<624xf32, #tpu.memory_space<vmem>>, vector<16xf32>,
    %swap3A_122 = arith.constant 224 : index
    %swap3A_123 = tpu.vector_load %arg12[%swap3A_122] {strides = array<i32>} : memref<624xf32, #tpu.memory_space<vmem>>, vector<16xf32>,
    %swap3A_124 = vector.shape_cast %swap3A_123 : vector<16xf32> to vector<16xf32>
    %swap3A_125 = vector.shape_cast %broadcast_in_dim3A_1 : vector<16xf32> to vector<16xf32>
    tpu.vector_store %arg12[%swap3A_122], %swap3A_125 {strides = array<i32>} : memref<624xf32, #tpu.memory_space<vmem>>, vector<16xf32>,
    %swap3A_126 = arith.constant 240 : index
    %swap3A_127 = tpu.vector_load %arg12[%swap3A_126] {strides = array<i32>} : memref<624xf32, #tpu.memory_space<vmem>>, vector<16xf32>,
    %swap3A_128 = vector.shape_cast %swap3A_127 : vector<16xf32> to vector<16xf32>
    %swap3A_129 = vector.shape_cast %broadcast_in_dim3A_1 : vector<16xf32> to vector<16xf32>
    tpu.vector_store %arg12[%swap3A_126], %swap3A_129 {strides = array<i32>} : memref<624xf32, #tpu.memory_space<vmem>>, vector<16xf32>,
    %swap3A_130 = arith.constant 256 : index
    %swap3A_131 = tpu.vector_load %arg12[%swap3A_130] {strides = array<i32>} : memref<624xf32, #tpu.memory_space<vmem>>, vector<16xf32>,
    %swap3A_132 = vector.shape_cast %swap3A_131 : vector<16xf32> to vector<16xf32>
    %swap3A_133 = vector.shape_cast %broadcast_in_dim3A_1 : vector<16xf32> to vector<16xf32>
    tpu.vector_store %arg12[%swap3A_130], %swap3A_133 {strides = array<i32>} : memref<624xf32, #tpu.memory_space<vmem>>, vector<16xf32>,
    %swap3A_134 = arith.constant 272 : index
    %swap3A_135 = tpu.vector_load %arg12[%swap3A_134] {strides = array<i32>} : memref<624xf32, #tpu.memory_space<vmem>>, vector<16xf32>,
    %swap3A_136 = vector.shape_cast %swap3A_135 : vector<16xf32> to vector<16xf32>
    %swap3A_137 = vector.shape_cast %broadcast_in_dim3A_1 : vector<16xf32> to vector<16xf32>
    tpu.vector_store %arg12[%swap3A_134], %swap3A_137 {strides = array<i32>} : memref<624xf32, #tpu.memory_space<vmem>>, vector<16xf32>,
    %swap3A_138 = arith.constant 288 : index
    %swap3A_139 = tpu.vector_load %arg12[%swap3A_138] {strides = array<i32>} : memref<624xf32, #tpu.memory_space<vmem>>, vector<16xf32>,
    %swap3A_140 = vector.shape_cast %swap3A_139 : vector<16xf32> to vector<16xf32>
    %swap3A_141 = vector.shape_cast %broadcast_in_dim3A_1 : vector<16xf32> to vector<16xf32>
    tpu.vector_store %arg12[%swap3A_138], %swap3A_141 {strides = array<i32>} : memref<624xf32, #tpu.memory_space<vmem>>, vector<16xf32>,
    %swap3A_142 = arith.constant 304 : index
    %swap3A_143 = tpu.vector_load %arg12[%swap3A_142] {strides = array<i32>} : memref<624xf32, #tpu.memory_space<vmem>>, vector<16xf32>,
    %swap3A_144 = vector.shape_cast %swap3A_143 : vector<16xf32> to vector<16xf32>
    %swap3A_145 = vector.shape_cast %broadcast_in_dim3A_1 : vector<16xf32> to vector<16xf32>
    tpu.vector_store %arg12[%swap3A_142], %swap3A_145 {strides = array<i32>} : memref<624xf32, #tpu.memory_space<vmem>>, vector<16xf32>,
    %swap3A_146 = arith.constant 320 : index
    %swap3A_147 = tpu.vector_load %arg12[%swap3A_146] {strides = array<i32>} : memref<624xf32, #tpu.memory_space<vmem>>, vector<16xf32>,
    %swap3A_148 = vector.shape_cast %swap3A_147 : vector<16xf32> to vector<16xf32>
    %swap3A_149 = vector.shape_cast %broadcast_in_dim3A_1 : vector<16xf32> to vector<16xf32>
    tpu.vector_store %arg12[%swap3A_146], %swap3A_149 {strides = array<i32>} : memref<624xf32, #tpu.memory_space<vmem>>, vector<16xf32>,
    %swap3A_150 = arith.constant 336 : index
    %swap3A_151 = tpu.vector_load %arg12[%swap3A_150] {strides = array<i32>} : memref<624xf32, #tpu.memory_space<vmem>>, vector<16xf32>,
    %swap3A_152 = vector.shape_cast %swap3A_151 : vector<16xf32> to vector<16xf32>
    %swap3A_153 = vector.shape_cast %broadcast_in_dim3A_1 : vector<16xf32> to vector<16xf32>
    tpu.vector_store %arg12[%swap3A_150], %swap3A_153 {strides = array<i32>} : memref<624xf32, #tpu.memory_space<vmem>>, vector<16xf32>,
    %swap3A_154 = arith.constant 352 : index
    %swap3A_155 = tpu.vector_load %arg12[%swap3A_154] {strides = array<i32>} : memref<624xf32, #tpu.memory_space<vmem>>, vector<16xf32>,
    %swap3A_156 = vector.shape_cast %swap3A_155 : vector<16xf32> to vector<16xf32>
    %swap3A_157 = vector.shape_cast %broadcast_in_dim3A_1 : vector<16xf32> to vector<16xf32>
    tpu.vector_store %arg12[%swap3A_154], %swap3A_157 {strides = array<i32>} : memref<624xf32, #tpu.memory_space<vmem>>, vector<16xf32>,
    %swap3A_158 = arith.constant 368 : index
    %swap3A_159 = tpu.vector_load %arg12[%swap3A_158] {strides = array<i32>} : memref<624xf32, #tpu.memory_space<vmem>>, vector<16xf32>,
    %swap3A_160 = vector.shape_cast %swap3A_159 : vector<16xf32> to vector<16xf32>
    %swap3A_161 = vector.shape_cast %broadcast_in_dim3A_1 : vector<16xf32> to vector<16xf32>
    tpu.vector_store %arg12[%swap3A_158], %swap3A_161 {strides = array<i32>} : memref<624xf32, #tpu.memory_space<vmem>>, vector<16xf32>,
    %swap3A_162 = arith.constant 384 : index
    %swap3A_163 = tpu.vector_load %arg12[%swap3A_162] {strides = array<i32>} : memref<624xf32, #tpu.memory_space<vmem>>, vector<16xf32>,
    %swap3A_164 = vector.shape_cast %swap3A_163 : vector<16xf32> to vector<16xf32>
    %swap3A_165 = vector.shape_cast %broadcast_in_dim3A_1 : vector<16xf32> to vector<16xf32>
    tpu.vector_store %arg12[%swap3A_162], %swap3A_165 {strides = array<i32>} : memref<624xf32, #tpu.memory_space<vmem>>, vector<16xf32>,
    %swap3A_166 = arith.constant 400 : index
    %swap3A_167 = tpu.vector_load %arg12[%swap3A_166] {strides = array<i32>} : memref<624xf32, #tpu.memory_space<vmem>>, vector<16xf32>,
    %swap3A_168 = vector.shape_cast %swap3A_167 : vector<16xf32> to vector<16xf32>
    %swap3A_169 = vector.shape_cast %broadcast_in_dim3A_1 : vector<16xf32> to vector<16xf32>
    tpu.vector_store %arg12[%swap3A_166], %swap3A_169 {strides = array<i32>} : memref<624xf32, #tpu.memory_space<vmem>>, vector<16xf32>,
    %swap3A_170 = arith.constant 416 : index
    %swap3A_171 = tpu.vector_load %arg12[%swap3A_170] {strides = array<i32>} : memref<624xf32, #tpu.memory_space<vmem>>, vector<16xf32>,
    %swap3A_172 = vector.shape_cast %swap3A_171 : vector<16xf32> to vector<16xf32>
    %swap3A_173 = vector.shape_cast %broadcast_in_dim3A_1 : vector<16xf32> to vector<16xf32>
    tpu.vector_store %arg12[%swap3A_170], %swap3A_173 {strides = array<i32>} : memref<624xf32, #tpu.memory_space<vmem>>, vector<16xf32>,
    %swap3A_174 = arith.constant 432 : index
    %swap3A_175 = tpu.vector_load %arg12[%swap3A_174] {strides = array<i32>} : memref<624xf32, #tpu.memory_space<vmem>>, vector<16xf32>,
    %swap3A_176 = vector.shape_cast %swap3A_175 : vector<16xf32> to vector<16xf32>
    %swap3A_177 = vector.shape_cast %broadcast_in_dim3A_1 : vector<16xf32> to vector<16xf32>
    tpu.vector_store %arg12[%swap3A_174], %swap3A_177 {strides = array<i32>} : memref<624xf32, #tpu.memory_space<vmem>>, vector<16xf32>,
    %swap3A_178 = arith.constant 448 : index
    %swap3A_179 = tpu.vector_load %arg12[%swap3A_178] {strides = array<i32>} : memref<624xf32, #tpu.memory_space<vmem>>, vector<16xf32>,
    %swap3A_180 = vector.shape_cast %swap3A_179 : vector<16xf32> to vector<16xf32>
    %swap3A_181 = vector.shape_cast %broadcast_in_dim3A_1 : vector<16xf32> to vector<16xf32>
    tpu.vector_store %arg12[%swap3A_178], %swap3A_181 {strides = array<i32>} : memref<624xf32, #tpu.memory_space<vmem>>, vector<16xf32>,
    %swap3A_182 = arith.constant 464 : index
    %swap3A_183 = tpu.vector_load %arg12[%swap3A_182] {strides = array<i32>} : memref<624xf32, #tpu.memory_space<vmem>>, vector<16xf32>,
    %swap3A_184 = vector.shape_cast %swap3A_183 : vector<16xf32> to vector<16xf32>
    %swap3A_185 = vector.shape_cast %broadcast_in_dim3A_1 : vector<16xf32> to vector<16xf32>
    tpu.vector_store %arg12[%swap3A_182], %swap3A_185 {strides = array<i32>} : memref<624xf32, #tpu.memory_space<vmem>>, vector<16xf32>,
    %swap3A_186 = arith.constant 480 : index
    %swap3A_187 = tpu.vector_load %arg12[%swap3A_186] {strides = array<i32>} : memref<624xf32, #tpu.memory_space<vmem>>, vector<16xf32>,
    %swap3A_188 = vector.shape_cast %swap3A_187 : vector<16xf32> to vector<16xf32>
    %swap3A_189 = vector.shape_cast %broadcast_in_dim3A_1 : vector<16xf32> to vector<16xf32>
    tpu.vector_store %arg12[%swap3A_186], %swap3A_189 {strides = array<i32>} : memref<624xf32, #tpu.memory_space<vmem>>, vector<16xf32>,
    %swap3A_190 = arith.constant 496 : index
    %swap3A_191 = tpu.vector_load %arg12[%swap3A_190] {strides = array<i32>} : memref<624xf32, #tpu.memory_space<vmem>>, vector<16xf32>,
    %swap3A_192 = vector.shape_cast %swap3A_191 : vector<16xf32> to vector<16xf32>
    %swap3A_193 = vector.shape_cast %broadcast_in_dim3A_1 : vector<16xf32> to vector<16xf32>
    tpu.vector_store %arg12[%swap3A_190], %swap3A_193 {strides = array<i32>} : memref<624xf32, #tpu.memory_space<vmem>>, vector<16xf32>,
    %swap3A_194 = arith.constant 512 : index
    %swap3A_195 = tpu.vector_load %arg12[%swap3A_194] {strides = array<i32>} : memref<624xf32, #tpu.memory_space<vmem>>, vector<16xf32>,
    %swap3A_196 = vector.shape_cast %swap3A_195 : vector<16xf32> to vector<16xf32>
    %swap3A_197 = vector.shape_cast %broadcast_in_dim3A_1 : vector<16xf32> to vector<16xf32>
    tpu.vector_store %arg12[%swap3A_194], %swap3A_197 {strides = array<i32>} : memref<624xf32, #tpu.memory_space<vmem>>, vector<16xf32>,
    %swap3A_198 = arith.constant 528 : index
    %swap3A_199 = tpu.vector_load %arg12[%swap3A_198] {strides = array<i32>} : memref<624xf32, #tpu.memory_space<vmem>>, vector<16xf32>,
    %swap3A_200 = vector.shape_cast %swap3A_199 : vector<16xf32> to vector<16xf32>
    %swap3A_201 = vector.shape_cast %broadcast_in_dim3A_1 : vector<16xf32> to vector<16xf32>
    tpu.vector_store %arg12[%swap3A_198], %swap3A_201 {strides = array<i32>} : memref<624xf32, #tpu.memory_space<vmem>>, vector<16xf32>,
    %swap3A_202 = arith.constant 544 : index
    %swap3A_203 = tpu.vector_load %arg12[%swap3A_202] {strides = array<i32>} : memref<624xf32, #tpu.memory_space<vmem>>, vector<16xf32>,
    %swap3A_204 = vector.shape_cast %swap3A_203 : vector<16xf32> to vector<16xf32>
    %swap3A_205 = vector.shape_cast %broadcast_in_dim3A_1 : vector<16xf32> to vector<16xf32>
    tpu.vector_store %arg12[%swap3A_202], %swap3A_205 {strides = array<i32>} : memref<624xf32, #tpu.memory_space<vmem>>, vector<16xf32>,
    %swap3A_206 = arith.constant 560 : index
    %swap3A_207 = tpu.vector_load %arg12[%swap3A_206] {strides = array<i32>} : memref<624xf32, #tpu.memory_space<vmem>>, vector<16xf32>,
    %swap3A_208 = vector.shape_cast %swap3A_207 : vector<16xf32> to vector<16xf32>
    %swap3A_209 = vector.shape_cast %broadcast_in_dim3A_1 : vector<16xf32> to vector<16xf32>
    tpu.vector_store %arg12[%swap3A_206], %swap3A_209 {strides = array<i32>} : memref<624xf32, #tpu.memory_space<vmem>>, vector<16xf32>,
    %swap3A_210 = arith.constant 576 : index
    %swap3A_211 = tpu.vector_load %arg12[%swap3A_210] {strides = array<i32>} : memref<624xf32, #tpu.memory_space<vmem>>, vector<16xf32>,
    %swap3A_212 = vector.shape_cast %swap3A_211 : vector<16xf32> to vector<16xf32>
    %swap3A_213 = vector.shape_cast %broadcast_in_dim3A_1 : vector<16xf32> to vector<16xf32>
    tpu.vector_store %arg12[%swap3A_210], %swap3A_213 {strides = array<i32>} : memref<624xf32, #tpu.memory_space<vmem>>, vector<16xf32>,
    %swap3A_214 = arith.constant 592 : index
    %swap3A_215 = tpu.vector_load %arg12[%swap3A_214] {strides = array<i32>} : memref<624xf32, #tpu.memory_space<vmem>>, vector<16xf32>,
    %swap3A_216 = vector.shape_cast %swap3A_215 : vector<16xf32> to vector<16xf32>
    %swap3A_217 = vector.shape_cast %broadcast_in_dim3A_1 : vector<16xf32> to vector<16xf32>
    tpu.vector_store %arg12[%swap3A_214], %swap3A_217 {strides = array<i32>} : memref<624xf32, #tpu.memory_space<vmem>>, vector<16xf32>,
    %swap3A_218 = arith.constant 608 : index
    %swap3A_219 = tpu.vector_load %arg12[%swap3A_218] {strides = array<i32>} : memref<624xf32, #tpu.memory_space<vmem>>, vector<16xf32>,
    %swap3A_220 = vector.shape_cast %swap3A_219 : vector<16xf32> to vector<16xf32>
    %swap3A_221 = vector.shape_cast %broadcast_in_dim3A_1 : vector<16xf32> to vector<16xf32>
    tpu.vector_store %arg12[%swap3A_218], %swap3A_221 {strides = array<i32>} : memref<624xf32, #tpu.memory_space<vmem>>, vector<16xf32>,
    "tpu.region"() ({
      %run_scoped3A = tpu.sem_alloc : memref<!tpu.dma_semaphore, #tpu.memory_space<semaphore_mem>>
      %dma_start3A = tpu.memref_slice %arg13[%mul3A_8] : memref<10000xf32, #tpu.memory_space<vmem_shared>> -> memref<624xf32, #tpu.memory_space<vmem_shared>>
      %dma_start3A_317 = tpu.memref_slice %arg13[%mul3A_8] : memref<10000xf32, #tpu.memory_space<vmem_shared>> -> memref<624xf32, #tpu.memory_space<vmem_shared>>
      tpu.enqueue_dma source(%arg12 : memref<624xf32, #tpu.memory_space<vmem>>) target(%dma_start3A_317 : memref<624xf32, #tpu.memory_space<vmem_shared>>) target_semaphore(%run_scoped3A : memref<!tpu.dma_semaphore, #tpu.memory_space<semaphore_mem>>)
      %dma_wait3A = tpu.memref_slice %arg13[%mul3A_8] : memref<10000xf32, #tpu.memory_space<vmem_shared>> -> memref<624xf32, #tpu.memory_space<vmem_shared>>
      %dma_wait3A_318 = tpu.memref_slice %arg13[%mul3A_8] : memref<10000xf32, #tpu.memory_space<vmem_shared>> -> memref<624xf32, #tpu.memory_space<vmem_shared>>
      tpu.wait_dma2 semaphore(%run_scoped3A : memref<!tpu.dma_semaphore, #tpu.memory_space<semaphore_mem>>) src(%arg12 : memref<624xf32, #tpu.memory_space<vmem>>) dst(%dma_wait3A_318 : memref<624xf32, #tpu.memory_space<vmem_shared>>)
      tpu.yield
    }) : () -> ()
    %eq3A = arith.constant 15 : i32
    %eq3A_222 = arith.cmpi eq, %arg1, %eq3A : i32
    %convert_element_type3A = arith.extui %eq3A_222 : i1 to i32
    %cond3A = arith.constant 0 : i32
    %cond3A_223 = arith.cmpi ne, %convert_element_type3A, %cond3A : i32
    scf.if %cond3A_223 {
      "tpu.region"() ({
        %run_scoped3A = tpu.sem_alloc : memref<!tpu.dma_semaphore, #tpu.memory_space<semaphore_mem>>
        %dma_start3A = arith.constant 0 : i32
        %dma_start3A_317 = arith.constant 0 : i32
        %dma_start3A_318 = tpu.memref_slice %arg9[%dma_start3A, %dma_start3A_317] : memref<128x128xf32, #tpu.memory_space<vmem>> -> memref<16x128xf32, #tpu.memory_space<vmem>>
        %dma_start3A_319 = arith.constant 9984 : i32
        %dma_start3A_320 = arith.constant 0 : i32
        %dma_start3A_321 = tpu.memref_slice %arg10[%dma_start3A_319, %dma_start3A_320] : memref<10000x128xf32, #tpu.memory_space<vmem_shared>> -> memref<16x128xf32, #tpu.memory_space<vmem_shared>>
        %dma_start3A_322 = arith.constant 9984 : i32
        %dma_start3A_323 = arith.constant 0 : i32
        %dma_start3A_324 = tpu.memref_slice %arg10[%dma_start3A_322, %dma_start3A_323] : memref<10000x128xf32, #tpu.memory_space<vmem_shared>> -> memref<16x128xf32, #tpu.memory_space<vmem_shared>>
        %dma_start3A_325 = arith.constant 0 : i32
        %dma_start3A_326 = arith.constant 0 : i32
        %dma_start3A_327 = tpu.memref_slice %arg9[%dma_start3A_325, %dma_start3A_326] : memref<128x128xf32, #tpu.memory_space<vmem>> -> memref<16x128xf32, #tpu.memory_space<vmem>>
        tpu.enqueue_dma source(%dma_start3A_327 : memref<16x128xf32, #tpu.memory_space<vmem>>) target(%dma_start3A_324 : memref<16x128xf32, #tpu.memory_space<vmem_shared>>) target_semaphore(%run_scoped3A : memref<!tpu.dma_semaphore, #tpu.memory_space<semaphore_mem>>)
        %dma_wait3A = arith.constant 0 : i32
        %dma_wait3A_328 = arith.constant 0 : i32
        %dma_wait3A_329 = tpu.memref_slice %arg9[%dma_wait3A, %dma_wait3A_328] : memref<128x128xf32, #tpu.memory_space<vmem>> -> memref<16x128xf32, #tpu.memory_space<vmem>>
        %dma_wait3A_330 = arith.constant 9984 : i32
        %dma_wait3A_331 = arith.constant 0 : i32
        %dma_wait3A_332 = tpu.memref_slice %arg10[%dma_wait3A_330, %dma_wait3A_331] : memref<10000x128xf32, #tpu.memory_space<vmem_shared>> -> memref<16x128xf32, #tpu.memory_space<vmem_shared>>
        %dma_wait3A_333 = arith.constant 9984 : i32
        %dma_wait3A_334 = arith.constant 0 : i32
        %dma_wait3A_335 = tpu.memref_slice %arg10[%dma_wait3A_333, %dma_wait3A_334] : memref<10000x128xf32, #tpu.memory_space<vmem_shared>> -> memref<16x128xf32, #tpu.memory_space<vmem_shared>>
        %dma_wait3A_336 = arith.constant 0 : i32
        %dma_wait3A_337 = arith.constant 0 : i32
        %dma_wait3A_338 = tpu.memref_slice %arg9[%dma_wait3A_336, %dma_wait3A_337] : memref<128x128xf32, #tpu.memory_space<vmem>> -> memref<16x128xf32, #tpu.memory_space<vmem>>
        tpu.wait_dma2 semaphore(%run_scoped3A : memref<!tpu.dma_semaphore, #tpu.memory_space<semaphore_mem>>) src(%dma_wait3A_338 : memref<16x128xf32, #tpu.memory_space<vmem>>) dst(%dma_wait3A_335 : memref<16x128xf32, #tpu.memory_space<vmem_shared>>)
        tpu.yield
      }) : () -> ()
    } else {
    }
    %eq3A_224 = arith.constant 15 : i32
    %eq3A_225 = arith.cmpi eq, %arg1, %eq3A_224 : i32
    %convert_element_type3A_226 = arith.extui %eq3A_225 : i1 to i32
    %cond3A_227 = arith.constant 0 : i32
    %cond3A_228 = arith.cmpi ne, %convert_element_type3A_226, %cond3A_227 : i32
    scf.if %cond3A_228 {
      "tpu.region"() ({
        %run_scoped3A = tpu.sem_alloc : memref<!tpu.dma_semaphore, #tpu.memory_space<semaphore_mem>>
        %dma_start3A = arith.constant 0 : i32
        %dma_start3A_317 = tpu.memref_slice %arg12[%dma_start3A] : memref<624xf32, #tpu.memory_space<vmem>> -> memref<16xf32, #tpu.memory_space<vmem>>
        %dma_start3A_318 = arith.constant 9984 : i32
        %dma_start3A_319 = tpu.memref_slice %arg13[%dma_start3A_318] : memref<10000xf32, #tpu.memory_space<vmem_shared>> -> memref<16xf32, #tpu.memory_space<vmem_shared>>
        %dma_start3A_320 = arith.constant 9984 : i32
        %dma_start3A_321 = tpu.memref_slice %arg13[%dma_start3A_320] : memref<10000xf32, #tpu.memory_space<vmem_shared>> -> memref<16xf32, #tpu.memory_space<vmem_shared>>
        %dma_start3A_322 = arith.constant 0 : i32
        %dma_start3A_323 = tpu.memref_slice %arg12[%dma_start3A_322] : memref<624xf32, #tpu.memory_space<vmem>> -> memref<16xf32, #tpu.memory_space<vmem>>
        tpu.enqueue_dma source(%dma_start3A_323 : memref<16xf32, #tpu.memory_space<vmem>>) target(%dma_start3A_321 : memref<16xf32, #tpu.memory_space<vmem_shared>>) target_semaphore(%run_scoped3A : memref<!tpu.dma_semaphore, #tpu.memory_space<semaphore_mem>>)
        %dma_wait3A = arith.constant 0 : i32
        %dma_wait3A_324 = tpu.memref_slice %arg12[%dma_wait3A] : memref<624xf32, #tpu.memory_space<vmem>> -> memref<16xf32, #tpu.memory_space<vmem>>
        %dma_wait3A_325 = arith.constant 9984 : i32
        %dma_wait3A_326 = tpu.memref_slice %arg13[%dma_wait3A_325] : memref<10000xf32, #tpu.memory_space<vmem_shared>> -> memref<16xf32, #tpu.memory_space<vmem_shared>>
        %dma_wait3A_327 = arith.constant 9984 : i32
        %dma_wait3A_328 = tpu.memref_slice %arg13[%dma_wait3A_327] : memref<10000xf32, #tpu.memory_space<vmem_shared>> -> memref<16xf32, #tpu.memory_space<vmem_shared>>
        %dma_wait3A_329 = arith.constant 0 : i32
        %dma_wait3A_330 = tpu.memref_slice %arg12[%dma_wait3A_329] : memref<624xf32, #tpu.memory_space<vmem>> -> memref<16xf32, #tpu.memory_space<vmem>>
        tpu.wait_dma2 semaphore(%run_scoped3A : memref<!tpu.dma_semaphore, #tpu.memory_space<semaphore_mem>>) src(%dma_wait3A_330 : memref<16xf32, #tpu.memory_space<vmem>>) dst(%dma_wait3A_328 : memref<16xf32, #tpu.memory_space<vmem_shared>>)
        tpu.yield
      }) : () -> ()
    } else {
    }
    %barrier3A = arith.constant 0 : index
    tpu.barrier barrier_id(%barrier3A)
    %mul3A_229 = arith.constant 2500 : i32
    %mul3A_230 = arith.muli %add3A, %mul3A_229 : i32
    %jit3A = arith.constant 32 : i32
    %div3A = arith.divsi %mul3A_230, %jit3A : i32
    %sign3A = arith.constant 0 : i32
    %sign3A_231 = arith.cmpi sgt, %mul3A_230, %sign3A : i32
    %sign3A_232 = arith.extui %sign3A_231 : i1 to i32
    %sign3A_233 = arith.constant 0 : i32
    %sign3A_234 = arith.cmpi slt, %mul3A_230, %sign3A_233 : i32
    %sign3A_235 = arith.extui %sign3A_234 : i1 to i32
    %sign3A_236 = arith.subi %sign3A_232, %sign3A_235 : i32
    %sign3A_237 = arith.constant 0 : i32
    %sign3A_238 = arith.cmpi sgt, %jit3A, %sign3A_237 : i32
    %sign3A_239 = arith.extui %sign3A_238 : i1 to i32
    %sign3A_240 = arith.constant 0 : i32
    %sign3A_241 = arith.cmpi slt, %jit3A, %sign3A_240 : i32
    %sign3A_242 = arith.extui %sign3A_241 : i1 to i32
    %sign3A_243 = arith.subi %sign3A_239, %sign3A_242 : i32
    %ne3A = arith.cmpi ne, %sign3A_236, %sign3A_243 : i32
    %rem3A = arith.remsi %mul3A_230, %jit3A : i32
    %ne3A_244 = arith.constant 0 : i32
    %ne3A_245 = arith.cmpi ne, %rem3A, %ne3A_244 : i32
    %and3A = arith.andi %ne3A, %ne3A_245 : i1
    %sub3A = arith.constant 1 : i32
    %sub3A_246 = arith.subi %div3A, %sub3A : i32
    %select_n3A = arith.select %and3A, %sub3A_246, %div3A : i32
    %add3A_247 = arith.constant 1 : i32
    %add3A_248 = arith.addi %add3A, %add3A_247 : i32
    %mul3A_249 = arith.constant 2500 : i32
    %mul3A_250 = arith.muli %add3A_248, %mul3A_249 : i32
    %jit3A_251 = arith.constant 32 : i32
    %div3A_252 = arith.divsi %mul3A_250, %jit3A_251 : i32
    %sign3A_253 = arith.constant 0 : i32
    %sign3A_254 = arith.cmpi sgt, %mul3A_250, %sign3A_253 : i32
    %sign3A_255 = arith.extui %sign3A_254 : i1 to i32
    %sign3A_256 = arith.constant 0 : i32
    %sign3A_257 = arith.cmpi slt, %mul3A_250, %sign3A_256 : i32
    %sign3A_258 = arith.extui %sign3A_257 : i1 to i32
    %sign3A_259 = arith.subi %sign3A_255, %sign3A_258 : i32
    %sign3A_260 = arith.constant 0 : i32
    %sign3A_261 = arith.cmpi sgt, %jit3A_251, %sign3A_260 : i32
    %sign3A_262 = arith.extui %sign3A_261 : i1 to i32
    %sign3A_263 = arith.constant 0 : i32
    %sign3A_264 = arith.cmpi slt, %jit3A_251, %sign3A_263 : i32
    %sign3A_265 = arith.extui %sign3A_264 : i1 to i32
    %sign3A_266 = arith.subi %sign3A_262, %sign3A_265 : i32
    %ne3A_267 = arith.cmpi ne, %sign3A_259, %sign3A_266 : i32
    %rem3A_268 = arith.remsi %mul3A_250, %jit3A_251 : i32
    %ne3A_269 = arith.constant 0 : i32
    %ne3A_270 = arith.cmpi ne, %rem3A_268, %ne3A_269 : i32
    %and3A_271 = arith.andi %ne3A_267, %ne3A_270 : i1
    %sub3A_272 = arith.constant 1 : i32
    %sub3A_273 = arith.subi %div3A_252, %sub3A_272 : i32
    %select_n3A_274 = arith.select %and3A_271, %sub3A_273, %div3A_252 : i32
    %while3A = arith.constant 0 : i32
    %while3A_275 = arith.subi %select_n3A_274, %select_n3A : i32
    %while3A_276 = arith.addi %select_n3A, %while3A_275 : i32
    %while3A_277 = arith.constant 1 : i32
    %while3A_278 = arith.divsi %while3A_275, %while3A_277 : i32
    %while3A_279 = arith.muli %while3A_278, %while3A_277 : i32
    %while3A_280 = arith.addi %select_n3A, %while3A_279 : i32
    %while3A_281 = arith.constant 1 : i32
    scf.for %while3A_317 = %select_n3A to %while3A_280 step %while3A_281  : i32 {
      %mul3A_318 = arith.constant 128 : i32
      %mul3A_319 = arith.muli %while3A_317, %mul3A_318 : i32
      "tpu.region"() ({
        %run_scoped3A = tpu.sem_alloc : memref<!tpu.dma_semaphore, #tpu.memory_space<semaphore_mem>>
        %dma_start3A = tpu.memref_slice %arg3[%mul3A_319] : memref<320000xi32, #tpu.memory_space<hbm>> -> memref<128xi32, #tpu.memory_space<hbm>>
        %dma_start3A_320 = tpu.memref_slice %arg3[%mul3A_319] : memref<320000xi32, #tpu.memory_space<hbm>> -> memref<128xi32, #tpu.memory_space<hbm>>
        tpu.enqueue_dma source(%dma_start3A_320 : memref<128xi32, #tpu.memory_space<hbm>>) target(%arg7 : memref<128xi32, #tpu.memory_space<vmem>>) target_semaphore(%run_scoped3A : memref<!tpu.dma_semaphore, #tpu.memory_space<semaphore_mem>>)
        %dma_wait3A = tpu.memref_slice %arg3[%mul3A_319] : memref<320000xi32, #tpu.memory_space<hbm>> -> memref<128xi32, #tpu.memory_space<hbm>>
        %dma_wait3A_321 = tpu.memref_slice %arg3[%mul3A_319] : memref<320000xi32, #tpu.memory_space<hbm>> -> memref<128xi32, #tpu.memory_space<hbm>>
        tpu.wait_dma2 semaphore(%run_scoped3A : memref<!tpu.dma_semaphore, #tpu.memory_space<semaphore_mem>>) src(%dma_wait3A_321 : memref<128xi32, #tpu.memory_space<hbm>>) dst(%arg7 : memref<128xi32, #tpu.memory_space<vmem>>)
        tpu.yield
      }) : () -> ()
      "tpu.region"() ({
        %run_scoped3A = tpu.sem_alloc : memref<!tpu.dma_semaphore, #tpu.memory_space<semaphore_mem>>
        %dma_start3A = tpu.memref_slice %arg4[%mul3A_319] : memref<320000xi32, #tpu.memory_space<hbm>> -> memref<128xi32, #tpu.memory_space<hbm>>
        %dma_start3A_320 = tpu.memref_slice %arg4[%mul3A_319] : memref<320000xi32, #tpu.memory_space<hbm>> -> memref<128xi32, #tpu.memory_space<hbm>>
        tpu.enqueue_dma source(%dma_start3A_320 : memref<128xi32, #tpu.memory_space<hbm>>) target(%arg8 : memref<128xi32, #tpu.memory_space<vmem>>) target_semaphore(%run_scoped3A : memref<!tpu.dma_semaphore, #tpu.memory_space<semaphore_mem>>)
        %dma_wait3A = tpu.memref_slice %arg4[%mul3A_319] : memref<320000xi32, #tpu.memory_space<hbm>> -> memref<128xi32, #tpu.memory_space<hbm>>
        %dma_wait3A_321 = tpu.memref_slice %arg4[%mul3A_319] : memref<320000xi32, #tpu.memory_space<hbm>> -> memref<128xi32, #tpu.memory_space<hbm>>
        tpu.wait_dma2 semaphore(%run_scoped3A : memref<!tpu.dma_semaphore, #tpu.memory_space<semaphore_mem>>) src(%dma_wait3A_321 : memref<128xi32, #tpu.memory_space<hbm>>) dst(%arg8 : memref<128xi32, #tpu.memory_space<vmem>>)
        tpu.yield
      }) : () -> ()
      "tpu.region"() ({
        %run_scoped3A = tpu.sem_alloc : memref<!tpu.dma_semaphore, #tpu.memory_space<semaphore_mem>>
        %dma_start3A = arith.constant 0 : i32
        %dma_start3A_320 = arith.constant 0 : i32
        %dma_start3A_321 = tpu.memref_slice %arg2[%dma_start3A, %dma_start3A_320] : memref<10000x128xf32, #tpu.memory_space<hbm>> -> memref<10000x128xf32, #tpu.memory_space<hbm>>
        tpu.enqueue_indirect_dma source(%dma_start3A_321 : memref<10000x128xf32, #tpu.memory_space<hbm>>) target(%arg9 : memref<128x128xf32, #tpu.memory_space<vmem>>) offsets(%arg7 : memref<128xi32, #tpu.memory_space<vmem>>) semaphore(%run_scoped3A : memref<!tpu.dma_semaphore, #tpu.memory_space<semaphore_mem>>)
        %dma_wait3A = arith.constant 0 : i32
        %dma_wait3A_322 = arith.constant 0 : i32
        %dma_wait3A_323 = tpu.memref_slice %arg2[%dma_wait3A, %dma_wait3A_322] : memref<10000x128xf32, #tpu.memory_space<hbm>> -> memref<10000x128xf32, #tpu.memory_space<hbm>>
        tpu.wait_indirect_dma semaphore(%run_scoped3A : memref<!tpu.dma_semaphore, #tpu.memory_space<semaphore_mem>>) src(%dma_wait3A_323 : memref<10000x128xf32, #tpu.memory_space<hbm>>) dst(%arg9 : memref<128x128xf32, #tpu.memory_space<vmem>>)
        tpu.yield
      }) : () -> ()
      "tpu.region"() ({
        %run_scoped3A = tpu.sem_alloc : memref<!tpu.dma_semaphore, #tpu.memory_space<semaphore_mem>>
        %dma_start3A = arith.constant 0 : i32
        %dma_start3A_320 = arith.constant 0 : i32
        %dma_start3A_321 = tpu.memref_slice %arg10[%dma_start3A, %dma_start3A_320] : memref<10000x128xf32, #tpu.memory_space<vmem_shared>> -> memref<10000x128xf32, #tpu.memory_space<vmem_shared>>
        tpu.enqueue_indirect_dma source(%arg9 : memref<128x128xf32, #tpu.memory_space<vmem>>) target(%dma_start3A_321 : memref<10000x128xf32, #tpu.memory_space<vmem_shared>>) offsets(%arg8 : memref<128xi32, #tpu.memory_space<vmem>>) semaphore(%run_scoped3A : memref<!tpu.dma_semaphore, #tpu.memory_space<semaphore_mem>>) {add = true}
        %dma_wait3A = arith.constant 0 : i32
        %dma_wait3A_322 = arith.constant 0 : i32
        %dma_wait3A_323 = tpu.memref_slice %arg10[%dma_wait3A, %dma_wait3A_322] : memref<10000x128xf32, #tpu.memory_space<vmem_shared>> -> memref<10000x128xf32, #tpu.memory_space<vmem_shared>>
        tpu.wait_indirect_dma semaphore(%run_scoped3A : memref<!tpu.dma_semaphore, #tpu.memory_space<semaphore_mem>>) src(%arg9 : memref<128x128xf32, #tpu.memory_space<vmem>>) dst(%dma_wait3A_323 : memref<10000x128xf32, #tpu.memory_space<vmem_shared>>)
        tpu.yield
      }) : () -> ()
      "tpu.region"() ({
        %run_scoped3A = tpu.sem_alloc : memref<!tpu.dma_semaphore, #tpu.memory_space<semaphore_mem>>
        %dma_start3A = arith.constant 0 : i32
        %dma_start3A_320 = tpu.memref_slice %arg13[%dma_start3A] : memref<10000xf32, #tpu.memory_space<vmem_shared>> -> memref<10000xf32, #tpu.memory_space<vmem_shared>>
        tpu.enqueue_indirect_dma source(%arg11 : memref<128xf32, #tpu.memory_space<vmem>>) target(%dma_start3A_320 : memref<10000xf32, #tpu.memory_space<vmem_shared>>) offsets(%arg8 : memref<128xi32, #tpu.memory_space<vmem>>) semaphore(%run_scoped3A : memref<!tpu.dma_semaphore, #tpu.memory_space<semaphore_mem>>) {add = true}
        %dma_wait3A = arith.constant 0 : i32
        %dma_wait3A_321 = tpu.memref_slice %arg13[%dma_wait3A] : memref<10000xf32, #tpu.memory_space<vmem_shared>> -> memref<10000xf32, #tpu.memory_space<vmem_shared>>
        tpu.wait_indirect_dma semaphore(%run_scoped3A : memref<!tpu.dma_semaphore, #tpu.memory_space<semaphore_mem>>) src(%arg11 : memref<128xf32, #tpu.memory_space<vmem>>) dst(%dma_wait3A_321 : memref<10000xf32, #tpu.memory_space<vmem_shared>>)
        tpu.yield
      }) : () -> ()
    }
    %while3A_282 = arith.constant 1 : i32
    scf.for %while3A_317 = %while3A_280 to %while3A_276 step %while3A_282  : i32 {
      %mul3A_318 = arith.constant 128 : i32
      %mul3A_319 = arith.muli %while3A_317, %mul3A_318 : i32
      "tpu.region"() ({
        %run_scoped3A = tpu.sem_alloc : memref<!tpu.dma_semaphore, #tpu.memory_space<semaphore_mem>>
        %dma_start3A = tpu.memref_slice %arg3[%mul3A_319] : memref<320000xi32, #tpu.memory_space<hbm>> -> memref<128xi32, #tpu.memory_space<hbm>>
        %dma_start3A_320 = tpu.memref_slice %arg3[%mul3A_319] : memref<320000xi32, #tpu.memory_space<hbm>> -> memref<128xi32, #tpu.memory_space<hbm>>
        tpu.enqueue_dma source(%dma_start3A_320 : memref<128xi32, #tpu.memory_space<hbm>>) target(%arg7 : memref<128xi32, #tpu.memory_space<vmem>>) target_semaphore(%run_scoped3A : memref<!tpu.dma_semaphore, #tpu.memory_space<semaphore_mem>>)
        %dma_wait3A = tpu.memref_slice %arg3[%mul3A_319] : memref<320000xi32, #tpu.memory_space<hbm>> -> memref<128xi32, #tpu.memory_space<hbm>>
        %dma_wait3A_321 = tpu.memref_slice %arg3[%mul3A_319] : memref<320000xi32, #tpu.memory_space<hbm>> -> memref<128xi32, #tpu.memory_space<hbm>>
        tpu.wait_dma2 semaphore(%run_scoped3A : memref<!tpu.dma_semaphore, #tpu.memory_space<semaphore_mem>>) src(%dma_wait3A_321 : memref<128xi32, #tpu.memory_space<hbm>>) dst(%arg7 : memref<128xi32, #tpu.memory_space<vmem>>)
        tpu.yield
      }) : () -> ()
      "tpu.region"() ({
        %run_scoped3A = tpu.sem_alloc : memref<!tpu.dma_semaphore, #tpu.memory_space<semaphore_mem>>
        %dma_start3A = tpu.memref_slice %arg4[%mul3A_319] : memref<320000xi32, #tpu.memory_space<hbm>> -> memref<128xi32, #tpu.memory_space<hbm>>
        %dma_start3A_320 = tpu.memref_slice %arg4[%mul3A_319] : memref<320000xi32, #tpu.memory_space<hbm>> -> memref<128xi32, #tpu.memory_space<hbm>>
        tpu.enqueue_dma source(%dma_start3A_320 : memref<128xi32, #tpu.memory_space<hbm>>) target(%arg8 : memref<128xi32, #tpu.memory_space<vmem>>) target_semaphore(%run_scoped3A : memref<!tpu.dma_semaphore, #tpu.memory_space<semaphore_mem>>)
        %dma_wait3A = tpu.memref_slice %arg4[%mul3A_319] : memref<320000xi32, #tpu.memory_space<hbm>> -> memref<128xi32, #tpu.memory_space<hbm>>
        %dma_wait3A_321 = tpu.memref_slice %arg4[%mul3A_319] : memref<320000xi32, #tpu.memory_space<hbm>> -> memref<128xi32, #tpu.memory_space<hbm>>
        tpu.wait_dma2 semaphore(%run_scoped3A : memref<!tpu.dma_semaphore, #tpu.memory_space<semaphore_mem>>) src(%dma_wait3A_321 : memref<128xi32, #tpu.memory_space<hbm>>) dst(%arg8 : memref<128xi32, #tpu.memory_space<vmem>>)
        tpu.yield
      }) : () -> ()
      "tpu.region"() ({
        %run_scoped3A = tpu.sem_alloc : memref<!tpu.dma_semaphore, #tpu.memory_space<semaphore_mem>>
        %dma_start3A = arith.constant 0 : i32
        %dma_start3A_320 = arith.constant 0 : i32
        %dma_start3A_321 = tpu.memref_slice %arg2[%dma_start3A, %dma_start3A_320] : memref<10000x128xf32, #tpu.memory_space<hbm>> -> memref<10000x128xf32, #tpu.memory_space<hbm>>
        tpu.enqueue_indirect_dma source(%dma_start3A_321 : memref<10000x128xf32, #tpu.memory_space<hbm>>) target(%arg9 : memref<128x128xf32, #tpu.memory_space<vmem>>) offsets(%arg7 : memref<128xi32, #tpu.memory_space<vmem>>) semaphore(%run_scoped3A : memref<!tpu.dma_semaphore, #tpu.memory_space<semaphore_mem>>)
        %dma_wait3A = arith.constant 0 : i32
        %dma_wait3A_322 = arith.constant 0 : i32
        %dma_wait3A_323 = tpu.memref_slice %arg2[%dma_wait3A, %dma_wait3A_322] : memref<10000x128xf32, #tpu.memory_space<hbm>> -> memref<10000x128xf32, #tpu.memory_space<hbm>>
        tpu.wait_indirect_dma semaphore(%run_scoped3A : memref<!tpu.dma_semaphore, #tpu.memory_space<semaphore_mem>>) src(%dma_wait3A_323 : memref<10000x128xf32, #tpu.memory_space<hbm>>) dst(%arg9 : memref<128x128xf32, #tpu.memory_space<vmem>>)
        tpu.yield
      }) : () -> ()
      "tpu.region"() ({
        %run_scoped3A = tpu.sem_alloc : memref<!tpu.dma_semaphore, #tpu.memory_space<semaphore_mem>>
        %dma_start3A = arith.constant 0 : i32
        %dma_start3A_320 = arith.constant 0 : i32
        %dma_start3A_321 = tpu.memref_slice %arg10[%dma_start3A, %dma_start3A_320] : memref<10000x128xf32, #tpu.memory_space<vmem_shared>> -> memref<10000x128xf32, #tpu.memory_space<vmem_shared>>
        tpu.enqueue_indirect_dma source(%arg9 : memref<128x128xf32, #tpu.memory_space<vmem>>) target(%dma_start3A_321 : memref<10000x128xf32, #tpu.memory_space<vmem_shared>>) offsets(%arg8 : memref<128xi32, #tpu.memory_space<vmem>>) semaphore(%run_scoped3A : memref<!tpu.dma_semaphore, #tpu.memory_space<semaphore_mem>>) {add = true}
        %dma_wait3A = arith.constant 0 : i32
        %dma_wait3A_322 = arith.constant 0 : i32
        %dma_wait3A_323 = tpu.memref_slice %arg10[%dma_wait3A, %dma_wait3A_322] : memref<10000x128xf32, #tpu.memory_space<vmem_shared>> -> memref<10000x128xf32, #tpu.memory_space<vmem_shared>>
        tpu.wait_indirect_dma semaphore(%run_scoped3A : memref<!tpu.dma_semaphore, #tpu.memory_space<semaphore_mem>>) src(%arg9 : memref<128x128xf32, #tpu.memory_space<vmem>>) dst(%dma_wait3A_323 : memref<10000x128xf32, #tpu.memory_space<vmem_shared>>)
        tpu.yield
      }) : () -> ()
      "tpu.region"() ({
        %run_scoped3A = tpu.sem_alloc : memref<!tpu.dma_semaphore, #tpu.memory_space<semaphore_mem>>
        %dma_start3A = arith.constant 0 : i32
        %dma_start3A_320 = tpu.memref_slice %arg13[%dma_start3A] : memref<10000xf32, #tpu.memory_space<vmem_shared>> -> memref<10000xf32, #tpu.memory_space<vmem_shared>>
        tpu.enqueue_indirect_dma source(%arg11 : memref<128xf32, #tpu.memory_space<vmem>>) target(%dma_start3A_320 : memref<10000xf32, #tpu.memory_space<vmem_shared>>) offsets(%arg8 : memref<128xi32, #tpu.memory_space<vmem>>) semaphore(%run_scoped3A : memref<!tpu.dma_semaphore, #tpu.memory_space<semaphore_mem>>) {add = true}
        %dma_wait3A = arith.constant 0 : i32
        %dma_wait3A_321 = tpu.memref_slice %arg13[%dma_wait3A] : memref<10000xf32, #tpu.memory_space<vmem_shared>> -> memref<10000xf32, #tpu.memory_space<vmem_shared>>
        tpu.wait_indirect_dma semaphore(%run_scoped3A : memref<!tpu.dma_semaphore, #tpu.memory_space<semaphore_mem>>) src(%arg11 : memref<128xf32, #tpu.memory_space<vmem>>) dst(%dma_wait3A_321 : memref<10000xf32, #tpu.memory_space<vmem_shared>>)
        tpu.yield
      }) : () -> ()
    }
    %barrier3A_283 = arith.constant 0 : index
    tpu.barrier barrier_id(%barrier3A_283)
    %add3A_284 = arith.constant 0 : i32
    %add3A_285 = arith.addi %mul3A_8, %add3A_284 : i32
    "tpu.region"() ({
      %run_scoped3A = tpu.sem_alloc : memref<!tpu.dma_semaphore, #tpu.memory_space<semaphore_mem>>
      %dma_start3A = arith.constant 0 : i32
      %dma_start3A_317 = arith.constant 0 : i32
      %dma_start3A_318 = tpu.memref_slice %arg9[%dma_start3A, %dma_start3A_317] : memref<128x128xf32, #tpu.memory_space<vmem>> -> memref<128x128xf32, #tpu.memory_space<vmem>>
      %dma_start3A_319 = arith.constant 0 : i32
      %dma_start3A_320 = tpu.memref_slice %arg10[%add3A_285, %dma_start3A_319] : memref<10000x128xf32, #tpu.memory_space<vmem_shared>> -> memref<128x128xf32, #tpu.memory_space<vmem_shared>>
      %dma_start3A_321 = arith.constant 0 : i32
      %dma_start3A_322 = arith.constant 0 : i32
      %dma_start3A_323 = tpu.memref_slice %arg9[%dma_start3A_321, %dma_start3A_322] : memref<128x128xf32, #tpu.memory_space<vmem>> -> memref<128x128xf32, #tpu.memory_space<vmem>>
      %dma_start3A_324 = arith.constant 0 : i32
      %dma_start3A_325 = tpu.memref_slice %arg10[%add3A_285, %dma_start3A_324] : memref<10000x128xf32, #tpu.memory_space<vmem_shared>> -> memref<128x128xf32, #tpu.memory_space<vmem_shared>>
      tpu.enqueue_dma source(%dma_start3A_325 : memref<128x128xf32, #tpu.memory_space<vmem_shared>>) target(%dma_start3A_323 : memref<128x128xf32, #tpu.memory_space<vmem>>) target_semaphore(%run_scoped3A : memref<!tpu.dma_semaphore, #tpu.memory_space<semaphore_mem>>)
      %dma_wait3A = arith.constant 0 : i32
      %dma_wait3A_326 = arith.constant 0 : i32
      %dma_wait3A_327 = tpu.memref_slice %arg9[%dma_wait3A, %dma_wait3A_326] : memref<128x128xf32, #tpu.memory_space<vmem>> -> memref<128x128xf32, #tpu.memory_space<vmem>>
      %dma_wait3A_328 = arith.constant 0 : i32
      %dma_wait3A_329 = tpu.memref_slice %arg10[%add3A_285, %dma_wait3A_328] : memref<10000x128xf32, #tpu.memory_space<vmem_shared>> -> memref<128x128xf32, #tpu.memory_space<vmem_shared>>
      %dma_wait3A_330 = arith.constant 0 : i32
      %dma_wait3A_331 = arith.constant 0 : i32
      %dma_wait3A_332 = tpu.memref_slice %arg9[%dma_wait3A_330, %dma_wait3A_331] : memref<128x128xf32, #tpu.memory_space<vmem>> -> memref<128x128xf32, #tpu.memory_space<vmem>>
      %dma_wait3A_333 = arith.constant 0 : i32
      %dma_wait3A_334 = tpu.memref_slice %arg10[%add3A_285, %dma_wait3A_333] : memref<10000x128xf32, #tpu.memory_space<vmem_shared>> -> memref<128x128xf32, #tpu.memory_space<vmem_shared>>
      tpu.wait_dma2 semaphore(%run_scoped3A : memref<!tpu.dma_semaphore, #tpu.memory_space<semaphore_mem>>) src(%dma_wait3A_334 : memref<128x128xf32, #tpu.memory_space<vmem_shared>>) dst(%dma_wait3A_332 : memref<128x128xf32, #tpu.memory_space<vmem>>)
      tpu.yield
    }) : () -> ()
    %add3A_286 = arith.constant 0 : i32
    %add3A_287 = arith.addi %mul3A_8, %add3A_286 : i32
    "tpu.region"() ({
      %run_scoped3A = tpu.sem_alloc : memref<!tpu.dma_semaphore, #tpu.memory_space<semaphore_mem>>
      %dma_start3A = arith.constant 0 : i32
      %dma_start3A_317 = arith.constant 0 : i32
      %dma_start3A_318 = tpu.memref_slice %arg9[%dma_start3A, %dma_start3A_317] : memref<128x128xf32, #tpu.memory_space<vmem>> -> memref<128x128xf32, #tpu.memory_space<vmem>>
      %dma_start3A_319 = arith.constant 0 : i32
      %dma_start3A_320 = tpu.memref_slice %arg5[%arg0, %add3A_287, %dma_start3A_319] : memref<2x10000x128xf32, #tpu.memory_space<hbm>> -> memref<1x128x128xf32, #tpu.memory_space<hbm>>
      %dma_start3A_321 = tpu.memref_squeeze %dma_start3A_320 : memref<1x128x128xf32, #tpu.memory_space<hbm>> -> memref<128x128xf32, #tpu.memory_space<hbm>>
      %dma_start3A_322 = arith.constant 0 : i32
      %dma_start3A_323 = tpu.memref_slice %arg5[%arg0, %add3A_287, %dma_start3A_322] : memref<2x10000x128xf32, #tpu.memory_space<hbm>> -> memref<1x128x128xf32, #tpu.memory_space<hbm>>
      %dma_start3A_324 = tpu.memref_squeeze %dma_start3A_323 : memref<1x128x128xf32, #tpu.memory_space<hbm>> -> memref<128x128xf32, #tpu.memory_space<hbm>>
      %dma_start3A_325 = arith.constant 0 : i32
      %dma_start3A_326 = arith.constant 0 : i32
      %dma_start3A_327 = tpu.memref_slice %arg9[%dma_start3A_325, %dma_start3A_326] : memref<128x128xf32, #tpu.memory_space<vmem>> -> memref<128x128xf32, #tpu.memory_space<vmem>>
      tpu.enqueue_dma source(%dma_start3A_327 : memref<128x128xf32, #tpu.memory_space<vmem>>) target(%dma_start3A_324 : memref<128x128xf32, #tpu.memory_space<hbm>>) target_semaphore(%run_scoped3A : memref<!tpu.dma_semaphore, #tpu.memory_space<semaphore_mem>>)
      %dma_wait3A = arith.constant 0 : i32
      %dma_wait3A_328 = arith.constant 0 : i32
      %dma_wait3A_329 = tpu.memref_slice %arg9[%dma_wait3A, %dma_wait3A_328] : memref<128x128xf32, #tpu.memory_space<vmem>> -> memref<128x128xf32, #tpu.memory_space<vmem>>
      %dma_wait3A_330 = arith.constant 0 : i32
      %dma_wait3A_331 = tpu.memref_slice %arg5[%arg0, %add3A_287, %dma_wait3A_330] : memref<2x10000x128xf32, #tpu.memory_space<hbm>> -> memref<1x128x128xf32, #tpu.memory_space<hbm>>
      %dma_wait3A_332 = tpu.memref_squeeze %dma_wait3A_331 : memref<1x128x128xf32, #tpu.memory_space<hbm>> -> memref<128x128xf32, #tpu.memory_space<hbm>>
      %dma_wait3A_333 = arith.constant 0 : i32
      %dma_wait3A_334 = tpu.memref_slice %arg5[%arg0, %add3A_287, %dma_wait3A_333] : memref<2x10000x128xf32, #tpu.memory_space<hbm>> -> memref<1x128x128xf32, #tpu.memory_space<hbm>>
      %dma_wait3A_335 = tpu.memref_squeeze %dma_wait3A_334 : memref<1x128x128xf32, #tpu.memory_space<hbm>> -> memref<128x128xf32, #tpu.memory_space<hbm>>
      %dma_wait3A_336 = arith.constant 0 : i32
      %dma_wait3A_337 = arith.constant 0 : i32
      %dma_wait3A_338 = tpu.memref_slice %arg9[%dma_wait3A_336, %dma_wait3A_337] : memref<128x128xf32, #tpu.memory_space<vmem>> -> memref<128x128xf32, #tpu.memory_space<vmem>>
      tpu.wait_dma2 semaphore(%run_scoped3A : memref<!tpu.dma_semaphore, #tpu.memory_space<semaphore_mem>>) src(%dma_wait3A_338 : memref<128x128xf32, #tpu.memory_space<vmem>>) dst(%dma_wait3A_335 : memref<128x128xf32, #tpu.memory_space<hbm>>)
      tpu.yield
    }) : () -> ()
    %add3A_288 = arith.constant 128 : i32
    %add3A_289 = arith.addi %mul3A_8, %add3A_288 : i32
    "tpu.region"() ({
      %run_scoped3A = tpu.sem_alloc : memref<!tpu.dma_semaphore, #tpu.memory_space<semaphore_mem>>
      %dma_start3A = arith.constant 0 : i32
      %dma_start3A_317 = arith.constant 0 : i32
      %dma_start3A_318 = tpu.memref_slice %arg9[%dma_start3A, %dma_start3A_317] : memref<128x128xf32, #tpu.memory_space<vmem>> -> memref<128x128xf32, #tpu.memory_space<vmem>>
      %dma_start3A_319 = arith.constant 0 : i32
      %dma_start3A_320 = tpu.memref_slice %arg10[%add3A_289, %dma_start3A_319] : memref<10000x128xf32, #tpu.memory_space<vmem_shared>> -> memref<128x128xf32, #tpu.memory_space<vmem_shared>>
      %dma_start3A_321 = arith.constant 0 : i32
      %dma_start3A_322 = arith.constant 0 : i32
      %dma_start3A_323 = tpu.memref_slice %arg9[%dma_start3A_321, %dma_start3A_322] : memref<128x128xf32, #tpu.memory_space<vmem>> -> memref<128x128xf32, #tpu.memory_space<vmem>>
      %dma_start3A_324 = arith.constant 0 : i32
      %dma_start3A_325 = tpu.memref_slice %arg10[%add3A_289, %dma_start3A_324] : memref<10000x128xf32, #tpu.memory_space<vmem_shared>> -> memref<128x128xf32, #tpu.memory_space<vmem_shared>>
      tpu.enqueue_dma source(%dma_start3A_325 : memref<128x128xf32, #tpu.memory_space<vmem_shared>>) target(%dma_start3A_323 : memref<128x128xf32, #tpu.memory_space<vmem>>) target_semaphore(%run_scoped3A : memref<!tpu.dma_semaphore, #tpu.memory_space<semaphore_mem>>)
      %dma_wait3A = arith.constant 0 : i32
      %dma_wait3A_326 = arith.constant 0 : i32
      %dma_wait3A_327 = tpu.memref_slice %arg9[%dma_wait3A, %dma_wait3A_326] : memref<128x128xf32, #tpu.memory_space<vmem>> -> memref<128x128xf32, #tpu.memory_space<vmem>>
      %dma_wait3A_328 = arith.constant 0 : i32
      %dma_wait3A_329 = tpu.memref_slice %arg10[%add3A_289, %dma_wait3A_328] : memref<10000x128xf32, #tpu.memory_space<vmem_shared>> -> memref<128x128xf32, #tpu.memory_space<vmem_shared>>
      %dma_wait3A_330 = arith.constant 0 : i32
      %dma_wait3A_331 = arith.constant 0 : i32
      %dma_wait3A_332 = tpu.memref_slice %arg9[%dma_wait3A_330, %dma_wait3A_331] : memref<128x128xf32, #tpu.memory_space<vmem>> -> memref<128x128xf32, #tpu.memory_space<vmem>>
      %dma_wait3A_333 = arith.constant 0 : i32
      %dma_wait3A_334 = tpu.memref_slice %arg10[%add3A_289, %dma_wait3A_333] : memref<10000x128xf32, #tpu.memory_space<vmem_shared>> -> memref<128x128xf32, #tpu.memory_space<vmem_shared>>
      tpu.wait_dma2 semaphore(%run_scoped3A : memref<!tpu.dma_semaphore, #tpu.memory_space<semaphore_mem>>) src(%dma_wait3A_334 : memref<128x128xf32, #tpu.memory_space<vmem_shared>>) dst(%dma_wait3A_332 : memref<128x128xf32, #tpu.memory_space<vmem>>)
      tpu.yield
    }) : () -> ()
    %add3A_290 = arith.constant 128 : i32
    %add3A_291 = arith.addi %mul3A_8, %add3A_290 : i32
    "tpu.region"() ({
      %run_scoped3A = tpu.sem_alloc : memref<!tpu.dma_semaphore, #tpu.memory_space<semaphore_mem>>
      %dma_start3A = arith.constant 0 : i32
      %dma_start3A_317 = arith.constant 0 : i32
      %dma_start3A_318 = tpu.memref_slice %arg9[%dma_start3A, %dma_start3A_317] : memref<128x128xf32, #tpu.memory_space<vmem>> -> memref<128x128xf32, #tpu.memory_space<vmem>>
      %dma_start3A_319 = arith.constant 0 : i32
      %dma_start3A_320 = tpu.memref_slice %arg5[%arg0, %add3A_291, %dma_start3A_319] : memref<2x10000x128xf32, #tpu.memory_space<hbm>> -> memref<1x128x128xf32, #tpu.memory_space<hbm>>
      %dma_start3A_321 = tpu.memref_squeeze %dma_start3A_320 : memref<1x128x128xf32, #tpu.memory_space<hbm>> -> memref<128x128xf32, #tpu.memory_space<hbm>>
      %dma_start3A_322 = arith.constant 0 : i32
      %dma_start3A_323 = tpu.memref_slice %arg5[%arg0, %add3A_291, %dma_start3A_322] : memref<2x10000x128xf32, #tpu.memory_space<hbm>> -> memref<1x128x128xf32, #tpu.memory_space<hbm>>
      %dma_start3A_324 = tpu.memref_squeeze %dma_start3A_323 : memref<1x128x128xf32, #tpu.memory_space<hbm>> -> memref<128x128xf32, #tpu.memory_space<hbm>>
      %dma_start3A_325 = arith.constant 0 : i32
      %dma_start3A_326 = arith.constant 0 : i32
      %dma_start3A_327 = tpu.memref_slice %arg9[%dma_start3A_325, %dma_start3A_326] : memref<128x128xf32, #tpu.memory_space<vmem>> -> memref<128x128xf32, #tpu.memory_space<vmem>>
      tpu.enqueue_dma source(%dma_start3A_327 : memref<128x128xf32, #tpu.memory_space<vmem>>) target(%dma_start3A_324 : memref<128x128xf32, #tpu.memory_space<hbm>>) target_semaphore(%run_scoped3A : memref<!tpu.dma_semaphore, #tpu.memory_space<semaphore_mem>>)
      %dma_wait3A = arith.constant 0 : i32
      %dma_wait3A_328 = arith.constant 0 : i32
      %dma_wait3A_329 = tpu.memref_slice %arg9[%dma_wait3A, %dma_wait3A_328] : memref<128x128xf32, #tpu.memory_space<vmem>> -> memref<128x128xf32, #tpu.memory_space<vmem>>
      %dma_wait3A_330 = arith.constant 0 : i32
      %dma_wait3A_331 = tpu.memref_slice %arg5[%arg0, %add3A_291, %dma_wait3A_330] : memref<2x10000x128xf32, #tpu.memory_space<hbm>> -> memref<1x128x128xf32, #tpu.memory_space<hbm>>
      %dma_wait3A_332 = tpu.memref_squeeze %dma_wait3A_331 : memref<1x128x128xf32, #tpu.memory_space<hbm>> -> memref<128x128xf32, #tpu.memory_space<hbm>>
      %dma_wait3A_333 = arith.constant 0 : i32
      %dma_wait3A_334 = tpu.memref_slice %arg5[%arg0, %add3A_291, %dma_wait3A_333] : memref<2x10000x128xf32, #tpu.memory_space<hbm>> -> memref<1x128x128xf32, #tpu.memory_space<hbm>>
      %dma_wait3A_335 = tpu.memref_squeeze %dma_wait3A_334 : memref<1x128x128xf32, #tpu.memory_space<hbm>> -> memref<128x128xf32, #tpu.memory_space<hbm>>
      %dma_wait3A_336 = arith.constant 0 : i32
      %dma_wait3A_337 = arith.constant 0 : i32
      %dma_wait3A_338 = tpu.memref_slice %arg9[%dma_wait3A_336, %dma_wait3A_337] : memref<128x128xf32, #tpu.memory_space<vmem>> -> memref<128x128xf32, #tpu.memory_space<vmem>>
      tpu.wait_dma2 semaphore(%run_scoped3A : memref<!tpu.dma_semaphore, #tpu.memory_space<semaphore_mem>>) src(%dma_wait3A_338 : memref<128x128xf32, #tpu.memory_space<vmem>>) dst(%dma_wait3A_335 : memref<128x128xf32, #tpu.memory_space<hbm>>)
      tpu.yield
    }) : () -> ()
    %add3A_292 = arith.constant 256 : i32
    %add3A_293 = arith.addi %mul3A_8, %add3A_292 : i32
    "tpu.region"() ({
      %run_scoped3A = tpu.sem_alloc : memref<!tpu.dma_semaphore, #tpu.memory_space<semaphore_mem>>
      %dma_start3A = arith.constant 0 : i32
      %dma_start3A_317 = arith.constant 0 : i32
      %dma_start3A_318 = tpu.memref_slice %arg9[%dma_start3A, %dma_start3A_317] : memref<128x128xf32, #tpu.memory_space<vmem>> -> memref<128x128xf32, #tpu.memory_space<vmem>>
      %dma_start3A_319 = arith.constant 0 : i32
      %dma_start3A_320 = tpu.memref_slice %arg10[%add3A_293, %dma_start3A_319] : memref<10000x128xf32, #tpu.memory_space<vmem_shared>> -> memref<128x128xf32, #tpu.memory_space<vmem_shared>>
      %dma_start3A_321 = arith.constant 0 : i32
      %dma_start3A_322 = arith.constant 0 : i32
      %dma_start3A_323 = tpu.memref_slice %arg9[%dma_start3A_321, %dma_start3A_322] : memref<128x128xf32, #tpu.memory_space<vmem>> -> memref<128x128xf32, #tpu.memory_space<vmem>>
      %dma_start3A_324 = arith.constant 0 : i32
      %dma_start3A_325 = tpu.memref_slice %arg10[%add3A_293, %dma_start3A_324] : memref<10000x128xf32, #tpu.memory_space<vmem_shared>> -> memref<128x128xf32, #tpu.memory_space<vmem_shared>>
      tpu.enqueue_dma source(%dma_start3A_325 : memref<128x128xf32, #tpu.memory_space<vmem_shared>>) target(%dma_start3A_323 : memref<128x128xf32, #tpu.memory_space<vmem>>) target_semaphore(%run_scoped3A : memref<!tpu.dma_semaphore, #tpu.memory_space<semaphore_mem>>)
      %dma_wait3A = arith.constant 0 : i32
      %dma_wait3A_326 = arith.constant 0 : i32
      %dma_wait3A_327 = tpu.memref_slice %arg9[%dma_wait3A, %dma_wait3A_326] : memref<128x128xf32, #tpu.memory_space<vmem>> -> memref<128x128xf32, #tpu.memory_space<vmem>>
      %dma_wait3A_328 = arith.constant 0 : i32
      %dma_wait3A_329 = tpu.memref_slice %arg10[%add3A_293, %dma_wait3A_328] : memref<10000x128xf32, #tpu.memory_space<vmem_shared>> -> memref<128x128xf32, #tpu.memory_space<vmem_shared>>
      %dma_wait3A_330 = arith.constant 0 : i32
      %dma_wait3A_331 = arith.constant 0 : i32
      %dma_wait3A_332 = tpu.memref_slice %arg9[%dma_wait3A_330, %dma_wait3A_331] : memref<128x128xf32, #tpu.memory_space<vmem>> -> memref<128x128xf32, #tpu.memory_space<vmem>>
      %dma_wait3A_333 = arith.constant 0 : i32
      %dma_wait3A_334 = tpu.memref_slice %arg10[%add3A_293, %dma_wait3A_333] : memref<10000x128xf32, #tpu.memory_space<vmem_shared>> -> memref<128x128xf32, #tpu.memory_space<vmem_shared>>
      tpu.wait_dma2 semaphore(%run_scoped3A : memref<!tpu.dma_semaphore, #tpu.memory_space<semaphore_mem>>) src(%dma_wait3A_334 : memref<128x128xf32, #tpu.memory_space<vmem_shared>>) dst(%dma_wait3A_332 : memref<128x128xf32, #tpu.memory_space<vmem>>)
      tpu.yield
    }) : () -> ()
    %add3A_294 = arith.constant 256 : i32
    %add3A_295 = arith.addi %mul3A_8, %add3A_294 : i32
    "tpu.region"() ({
      %run_scoped3A = tpu.sem_alloc : memref<!tpu.dma_semaphore, #tpu.memory_space<semaphore_mem>>
      %dma_start3A = arith.constant 0 : i32
      %dma_start3A_317 = arith.constant 0 : i32
      %dma_start3A_318 = tpu.memref_slice %arg9[%dma_start3A, %dma_start3A_317] : memref<128x128xf32, #tpu.memory_space<vmem>> -> memref<128x128xf32, #tpu.memory_space<vmem>>
      %dma_start3A_319 = arith.constant 0 : i32
      %dma_start3A_320 = tpu.memref_slice %arg5[%arg0, %add3A_295, %dma_start3A_319] : memref<2x10000x128xf32, #tpu.memory_space<hbm>> -> memref<1x128x128xf32, #tpu.memory_space<hbm>>
      %dma_start3A_321 = tpu.memref_squeeze %dma_start3A_320 : memref<1x128x128xf32, #tpu.memory_space<hbm>> -> memref<128x128xf32, #tpu.memory_space<hbm>>
      %dma_start3A_322 = arith.constant 0 : i32
      %dma_start3A_323 = tpu.memref_slice %arg5[%arg0, %add3A_295, %dma_start3A_322] : memref<2x10000x128xf32, #tpu.memory_space<hbm>> -> memref<1x128x128xf32, #tpu.memory_space<hbm>>
      %dma_start3A_324 = tpu.memref_squeeze %dma_start3A_323 : memref<1x128x128xf32, #tpu.memory_space<hbm>> -> memref<128x128xf32, #tpu.memory_space<hbm>>
      %dma_start3A_325 = arith.constant 0 : i32
      %dma_start3A_326 = arith.constant 0 : i32
      %dma_start3A_327 = tpu.memref_slice %arg9[%dma_start3A_325, %dma_start3A_326] : memref<128x128xf32, #tpu.memory_space<vmem>> -> memref<128x128xf32, #tpu.memory_space<vmem>>
      tpu.enqueue_dma source(%dma_start3A_327 : memref<128x128xf32, #tpu.memory_space<vmem>>) target(%dma_start3A_324 : memref<128x128xf32, #tpu.memory_space<hbm>>) target_semaphore(%run_scoped3A : memref<!tpu.dma_semaphore, #tpu.memory_space<semaphore_mem>>)
      %dma_wait3A = arith.constant 0 : i32
      %dma_wait3A_328 = arith.constant 0 : i32
      %dma_wait3A_329 = tpu.memref_slice %arg9[%dma_wait3A, %dma_wait3A_328] : memref<128x128xf32, #tpu.memory_space<vmem>> -> memref<128x128xf32, #tpu.memory_space<vmem>>
      %dma_wait3A_330 = arith.constant 0 : i32
      %dma_wait3A_331 = tpu.memref_slice %arg5[%arg0, %add3A_295, %dma_wait3A_330] : memref<2x10000x128xf32, #tpu.memory_space<hbm>> -> memref<1x128x128xf32, #tpu.memory_space<hbm>>
      %dma_wait3A_332 = tpu.memref_squeeze %dma_wait3A_331 : memref<1x128x128xf32, #tpu.memory_space<hbm>> -> memref<128x128xf32, #tpu.memory_space<hbm>>
      %dma_wait3A_333 = arith.constant 0 : i32
      %dma_wait3A_334 = tpu.memref_slice %arg5[%arg0, %add3A_295, %dma_wait3A_333] : memref<2x10000x128xf32, #tpu.memory_space<hbm>> -> memref<1x128x128xf32, #tpu.memory_space<hbm>>
      %dma_wait3A_335 = tpu.memref_squeeze %dma_wait3A_334 : memref<1x128x128xf32, #tpu.memory_space<hbm>> -> memref<128x128xf32, #tpu.memory_space<hbm>>
      %dma_wait3A_336 = arith.constant 0 : i32
      %dma_wait3A_337 = arith.constant 0 : i32
      %dma_wait3A_338 = tpu.memref_slice %arg9[%dma_wait3A_336, %dma_wait3A_337] : memref<128x128xf32, #tpu.memory_space<vmem>> -> memref<128x128xf32, #tpu.memory_space<vmem>>
      tpu.wait_dma2 semaphore(%run_scoped3A : memref<!tpu.dma_semaphore, #tpu.memory_space<semaphore_mem>>) src(%dma_wait3A_338 : memref<128x128xf32, #tpu.memory_space<vmem>>) dst(%dma_wait3A_335 : memref<128x128xf32, #tpu.memory_space<hbm>>)
      tpu.yield
    }) : () -> ()
    %add3A_296 = arith.constant 384 : i32
    %add3A_297 = arith.addi %mul3A_8, %add3A_296 : i32
    "tpu.region"() ({
      %run_scoped3A = tpu.sem_alloc : memref<!tpu.dma_semaphore, #tpu.memory_space<semaphore_mem>>
      %dma_start3A = arith.constant 0 : i32
      %dma_start3A_317 = arith.constant 0 : i32
      %dma_start3A_318 = tpu.memref_slice %arg9[%dma_start3A, %dma_start3A_317] : memref<128x128xf32, #tpu.memory_space<vmem>> -> memref<128x128xf32, #tpu.memory_space<vmem>>
      %dma_start3A_319 = arith.constant 0 : i32
      %dma_start3A_320 = tpu.memref_slice %arg10[%add3A_297, %dma_start3A_319] : memref<10000x128xf32, #tpu.memory_space<vmem_shared>> -> memref<128x128xf32, #tpu.memory_space<vmem_shared>>
      %dma_start3A_321 = arith.constant 0 : i32
      %dma_start3A_322 = arith.constant 0 : i32
      %dma_start3A_323 = tpu.memref_slice %arg9[%dma_start3A_321, %dma_start3A_322] : memref<128x128xf32, #tpu.memory_space<vmem>> -> memref<128x128xf32, #tpu.memory_space<vmem>>
      %dma_start3A_324 = arith.constant 0 : i32
      %dma_start3A_325 = tpu.memref_slice %arg10[%add3A_297, %dma_start3A_324] : memref<10000x128xf32, #tpu.memory_space<vmem_shared>> -> memref<128x128xf32, #tpu.memory_space<vmem_shared>>
      tpu.enqueue_dma source(%dma_start3A_325 : memref<128x128xf32, #tpu.memory_space<vmem_shared>>) target(%dma_start3A_323 : memref<128x128xf32, #tpu.memory_space<vmem>>) target_semaphore(%run_scoped3A : memref<!tpu.dma_semaphore, #tpu.memory_space<semaphore_mem>>)
      %dma_wait3A = arith.constant 0 : i32
      %dma_wait3A_326 = arith.constant 0 : i32
      %dma_wait3A_327 = tpu.memref_slice %arg9[%dma_wait3A, %dma_wait3A_326] : memref<128x128xf32, #tpu.memory_space<vmem>> -> memref<128x128xf32, #tpu.memory_space<vmem>>
      %dma_wait3A_328 = arith.constant 0 : i32
      %dma_wait3A_329 = tpu.memref_slice %arg10[%add3A_297, %dma_wait3A_328] : memref<10000x128xf32, #tpu.memory_space<vmem_shared>> -> memref<128x128xf32, #tpu.memory_space<vmem_shared>>
      %dma_wait3A_330 = arith.constant 0 : i32
      %dma_wait3A_331 = arith.constant 0 : i32
      %dma_wait3A_332 = tpu.memref_slice %arg9[%dma_wait3A_330, %dma_wait3A_331] : memref<128x128xf32, #tpu.memory_space<vmem>> -> memref<128x128xf32, #tpu.memory_space<vmem>>
      %dma_wait3A_333 = arith.constant 0 : i32
      %dma_wait3A_334 = tpu.memref_slice %arg10[%add3A_297, %dma_wait3A_333] : memref<10000x128xf32, #tpu.memory_space<vmem_shared>> -> memref<128x128xf32, #tpu.memory_space<vmem_shared>>
      tpu.wait_dma2 semaphore(%run_scoped3A : memref<!tpu.dma_semaphore, #tpu.memory_space<semaphore_mem>>) src(%dma_wait3A_334 : memref<128x128xf32, #tpu.memory_space<vmem_shared>>) dst(%dma_wait3A_332 : memref<128x128xf32, #tpu.memory_space<vmem>>)
      tpu.yield
    }) : () -> ()
    %add3A_298 = arith.constant 384 : i32
    %add3A_299 = arith.addi %mul3A_8, %add3A_298 : i32
    "tpu.region"() ({
      %run_scoped3A = tpu.sem_alloc : memref<!tpu.dma_semaphore, #tpu.memory_space<semaphore_mem>>
      %dma_start3A = arith.constant 0 : i32
      %dma_start3A_317 = arith.constant 0 : i32
      %dma_start3A_318 = tpu.memref_slice %arg9[%dma_start3A, %dma_start3A_317] : memref<128x128xf32, #tpu.memory_space<vmem>> -> memref<128x128xf32, #tpu.memory_space<vmem>>
      %dma_start3A_319 = arith.constant 0 : i32
      %dma_start3A_320 = tpu.memref_slice %arg5[%arg0, %add3A_299, %dma_start3A_319] : memref<2x10000x128xf32, #tpu.memory_space<hbm>> -> memref<1x128x128xf32, #tpu.memory_space<hbm>>
      %dma_start3A_321 = tpu.memref_squeeze %dma_start3A_320 : memref<1x128x128xf32, #tpu.memory_space<hbm>> -> memref<128x128xf32, #tpu.memory_space<hbm>>
      %dma_start3A_322 = arith.constant 0 : i32
      %dma_start3A_323 = tpu.memref_slice %arg5[%arg0, %add3A_299, %dma_start3A_322] : memref<2x10000x128xf32, #tpu.memory_space<hbm>> -> memref<1x128x128xf32, #tpu.memory_space<hbm>>
      %dma_start3A_324 = tpu.memref_squeeze %dma_start3A_323 : memref<1x128x128xf32, #tpu.memory_space<hbm>> -> memref<128x128xf32, #tpu.memory_space<hbm>>
      %dma_start3A_325 = arith.constant 0 : i32
      %dma_start3A_326 = arith.constant 0 : i32
      %dma_start3A_327 = tpu.memref_slice %arg9[%dma_start3A_325, %dma_start3A_326] : memref<128x128xf32, #tpu.memory_space<vmem>> -> memref<128x128xf32, #tpu.memory_space<vmem>>
      tpu.enqueue_dma source(%dma_start3A_327 : memref<128x128xf32, #tpu.memory_space<vmem>>) target(%dma_start3A_324 : memref<128x128xf32, #tpu.memory_space<hbm>>) target_semaphore(%run_scoped3A : memref<!tpu.dma_semaphore, #tpu.memory_space<semaphore_mem>>)
      %dma_wait3A = arith.constant 0 : i32
      %dma_wait3A_328 = arith.constant 0 : i32
      %dma_wait3A_329 = tpu.memref_slice %arg9[%dma_wait3A, %dma_wait3A_328] : memref<128x128xf32, #tpu.memory_space<vmem>> -> memref<128x128xf32, #tpu.memory_space<vmem>>
      %dma_wait3A_330 = arith.constant 0 : i32
      %dma_wait3A_331 = tpu.memref_slice %arg5[%arg0, %add3A_299, %dma_wait3A_330] : memref<2x10000x128xf32, #tpu.memory_space<hbm>> -> memref<1x128x128xf32, #tpu.memory_space<hbm>>
      %dma_wait3A_332 = tpu.memref_squeeze %dma_wait3A_331 : memref<1x128x128xf32, #tpu.memory_space<hbm>> -> memref<128x128xf32, #tpu.memory_space<hbm>>
      %dma_wait3A_333 = arith.constant 0 : i32
      %dma_wait3A_334 = tpu.memref_slice %arg5[%arg0, %add3A_299, %dma_wait3A_333] : memref<2x10000x128xf32, #tpu.memory_space<hbm>> -> memref<1x128x128xf32, #tpu.memory_space<hbm>>
      %dma_wait3A_335 = tpu.memref_squeeze %dma_wait3A_334 : memref<1x128x128xf32, #tpu.memory_space<hbm>> -> memref<128x128xf32, #tpu.memory_space<hbm>>
      %dma_wait3A_336 = arith.constant 0 : i32
      %dma_wait3A_337 = arith.constant 0 : i32
      %dma_wait3A_338 = tpu.memref_slice %arg9[%dma_wait3A_336, %dma_wait3A_337] : memref<128x128xf32, #tpu.memory_space<vmem>> -> memref<128x128xf32, #tpu.memory_space<vmem>>
      tpu.wait_dma2 semaphore(%run_scoped3A : memref<!tpu.dma_semaphore, #tpu.memory_space<semaphore_mem>>) src(%dma_wait3A_338 : memref<128x128xf32, #tpu.memory_space<vmem>>) dst(%dma_wait3A_335 : memref<128x128xf32, #tpu.memory_space<hbm>>)
      tpu.yield
    }) : () -> ()
    %add3A_300 = arith.constant 512 : i32
    %add3A_301 = arith.addi %mul3A_8, %add3A_300 : i32
    "tpu.region"() ({
      %run_scoped3A = tpu.sem_alloc : memref<!tpu.dma_semaphore, #tpu.memory_space<semaphore_mem>>
      %dma_start3A = arith.constant 0 : i32
      %dma_start3A_317 = arith.constant 0 : i32
      %dma_start3A_318 = tpu.memref_slice %arg9[%dma_start3A, %dma_start3A_317] : memref<128x128xf32, #tpu.memory_space<vmem>> -> memref<112x128xf32, #tpu.memory_space<vmem>>
      %dma_start3A_319 = arith.constant 0 : i32
      %dma_start3A_320 = tpu.memref_slice %arg10[%add3A_301, %dma_start3A_319] : memref<10000x128xf32, #tpu.memory_space<vmem_shared>> -> memref<112x128xf32, #tpu.memory_space<vmem_shared>>
      %dma_start3A_321 = arith.constant 0 : i32
      %dma_start3A_322 = arith.constant 0 : i32
      %dma_start3A_323 = tpu.memref_slice %arg9[%dma_start3A_321, %dma_start3A_322] : memref<128x128xf32, #tpu.memory_space<vmem>> -> memref<112x128xf32, #tpu.memory_space<vmem>>
      %dma_start3A_324 = arith.constant 0 : i32
      %dma_start3A_325 = tpu.memref_slice %arg10[%add3A_301, %dma_start3A_324] : memref<10000x128xf32, #tpu.memory_space<vmem_shared>> -> memref<112x128xf32, #tpu.memory_space<vmem_shared>>
      tpu.enqueue_dma source(%dma_start3A_325 : memref<112x128xf32, #tpu.memory_space<vmem_shared>>) target(%dma_start3A_323 : memref<112x128xf32, #tpu.memory_space<vmem>>) target_semaphore(%run_scoped3A : memref<!tpu.dma_semaphore, #tpu.memory_space<semaphore_mem>>)
      %dma_wait3A = arith.constant 0 : i32
      %dma_wait3A_326 = arith.constant 0 : i32
      %dma_wait3A_327 = tpu.memref_slice %arg9[%dma_wait3A, %dma_wait3A_326] : memref<128x128xf32, #tpu.memory_space<vmem>> -> memref<112x128xf32, #tpu.memory_space<vmem>>
      %dma_wait3A_328 = arith.constant 0 : i32
      %dma_wait3A_329 = tpu.memref_slice %arg10[%add3A_301, %dma_wait3A_328] : memref<10000x128xf32, #tpu.memory_space<vmem_shared>> -> memref<112x128xf32, #tpu.memory_space<vmem_shared>>
      %dma_wait3A_330 = arith.constant 0 : i32
      %dma_wait3A_331 = arith.constant 0 : i32
      %dma_wait3A_332 = tpu.memref_slice %arg9[%dma_wait3A_330, %dma_wait3A_331] : memref<128x128xf32, #tpu.memory_space<vmem>> -> memref<112x128xf32, #tpu.memory_space<vmem>>
      %dma_wait3A_333 = arith.constant 0 : i32
      %dma_wait3A_334 = tpu.memref_slice %arg10[%add3A_301, %dma_wait3A_333] : memref<10000x128xf32, #tpu.memory_space<vmem_shared>> -> memref<112x128xf32, #tpu.memory_space<vmem_shared>>
      tpu.wait_dma2 semaphore(%run_scoped3A : memref<!tpu.dma_semaphore, #tpu.memory_space<semaphore_mem>>) src(%dma_wait3A_334 : memref<112x128xf32, #tpu.memory_space<vmem_shared>>) dst(%dma_wait3A_332 : memref<112x128xf32, #tpu.memory_space<vmem>>)
      tpu.yield
    }) : () -> ()
    %add3A_302 = arith.constant 512 : i32
    %add3A_303 = arith.addi %mul3A_8, %add3A_302 : i32
    "tpu.region"() ({
      %run_scoped3A = tpu.sem_alloc : memref<!tpu.dma_semaphore, #tpu.memory_space<semaphore_mem>>
      %dma_start3A = arith.constant 0 : i32
      %dma_start3A_317 = arith.constant 0 : i32
      %dma_start3A_318 = tpu.memref_slice %arg9[%dma_start3A, %dma_start3A_317] : memref<128x128xf32, #tpu.memory_space<vmem>> -> memref<112x128xf32, #tpu.memory_space<vmem>>
      %dma_start3A_319 = arith.constant 0 : i32
      %dma_start3A_320 = tpu.memref_slice %arg5[%arg0, %add3A_303, %dma_start3A_319] : memref<2x10000x128xf32, #tpu.memory_space<hbm>> -> memref<1x112x128xf32, #tpu.memory_space<hbm>>
      %dma_start3A_321 = tpu.memref_squeeze %dma_start3A_320 : memref<1x112x128xf32, #tpu.memory_space<hbm>> -> memref<112x128xf32, #tpu.memory_space<hbm>>
      %dma_start3A_322 = arith.constant 0 : i32
      %dma_start3A_323 = tpu.memref_slice %arg5[%arg0, %add3A_303, %dma_start3A_322] : memref<2x10000x128xf32, #tpu.memory_space<hbm>> -> memref<1x112x128xf32, #tpu.memory_space<hbm>>
      %dma_start3A_324 = tpu.memref_squeeze %dma_start3A_323 : memref<1x112x128xf32, #tpu.memory_space<hbm>> -> memref<112x128xf32, #tpu.memory_space<hbm>>
      %dma_start3A_325 = arith.constant 0 : i32
      %dma_start3A_326 = arith.constant 0 : i32
      %dma_start3A_327 = tpu.memref_slice %arg9[%dma_start3A_325, %dma_start3A_326] : memref<128x128xf32, #tpu.memory_space<vmem>> -> memref<112x128xf32, #tpu.memory_space<vmem>>
      tpu.enqueue_dma source(%dma_start3A_327 : memref<112x128xf32, #tpu.memory_space<vmem>>) target(%dma_start3A_324 : memref<112x128xf32, #tpu.memory_space<hbm>>) target_semaphore(%run_scoped3A : memref<!tpu.dma_semaphore, #tpu.memory_space<semaphore_mem>>)
      %dma_wait3A = arith.constant 0 : i32
      %dma_wait3A_328 = arith.constant 0 : i32
      %dma_wait3A_329 = tpu.memref_slice %arg9[%dma_wait3A, %dma_wait3A_328] : memref<128x128xf32, #tpu.memory_space<vmem>> -> memref<112x128xf32, #tpu.memory_space<vmem>>
      %dma_wait3A_330 = arith.constant 0 : i32
      %dma_wait3A_331 = tpu.memref_slice %arg5[%arg0, %add3A_303, %dma_wait3A_330] : memref<2x10000x128xf32, #tpu.memory_space<hbm>> -> memref<1x112x128xf32, #tpu.memory_space<hbm>>
      %dma_wait3A_332 = tpu.memref_squeeze %dma_wait3A_331 : memref<1x112x128xf32, #tpu.memory_space<hbm>> -> memref<112x128xf32, #tpu.memory_space<hbm>>
      %dma_wait3A_333 = arith.constant 0 : i32
      %dma_wait3A_334 = tpu.memref_slice %arg5[%arg0, %add3A_303, %dma_wait3A_333] : memref<2x10000x128xf32, #tpu.memory_space<hbm>> -> memref<1x112x128xf32, #tpu.memory_space<hbm>>
      %dma_wait3A_335 = tpu.memref_squeeze %dma_wait3A_334 : memref<1x112x128xf32, #tpu.memory_space<hbm>> -> memref<112x128xf32, #tpu.memory_space<hbm>>
      %dma_wait3A_336 = arith.constant 0 : i32
      %dma_wait3A_337 = arith.constant 0 : i32
      %dma_wait3A_338 = tpu.memref_slice %arg9[%dma_wait3A_336, %dma_wait3A_337] : memref<128x128xf32, #tpu.memory_space<vmem>> -> memref<112x128xf32, #tpu.memory_space<vmem>>
      tpu.wait_dma2 semaphore(%run_scoped3A : memref<!tpu.dma_semaphore, #tpu.memory_space<semaphore_mem>>) src(%dma_wait3A_338 : memref<112x128xf32, #tpu.memory_space<vmem>>) dst(%dma_wait3A_335 : memref<112x128xf32, #tpu.memory_space<hbm>>)
      tpu.yield
    }) : () -> ()
    "tpu.region"() ({
      %run_scoped3A = tpu.sem_alloc : memref<!tpu.dma_semaphore, #tpu.memory_space<semaphore_mem>>
      %dma_start3A = tpu.memref_slice %arg13[%mul3A_8] : memref<10000xf32, #tpu.memory_space<vmem_shared>> -> memref<624xf32, #tpu.memory_space<vmem_shared>>
      %dma_start3A_317 = tpu.memref_slice %arg13[%mul3A_8] : memref<10000xf32, #tpu.memory_space<vmem_shared>> -> memref<624xf32, #tpu.memory_space<vmem_shared>>
      tpu.enqueue_dma source(%dma_start3A_317 : memref<624xf32, #tpu.memory_space<vmem_shared>>) target(%arg12 : memref<624xf32, #tpu.memory_space<vmem>>) target_semaphore(%run_scoped3A : memref<!tpu.dma_semaphore, #tpu.memory_space<semaphore_mem>>)
      %dma_wait3A = tpu.memref_slice %arg13[%mul3A_8] : memref<10000xf32, #tpu.memory_space<vmem_shared>> -> memref<624xf32, #tpu.memory_space<vmem_shared>>
      %dma_wait3A_318 = tpu.memref_slice %arg13[%mul3A_8] : memref<10000xf32, #tpu.memory_space<vmem_shared>> -> memref<624xf32, #tpu.memory_space<vmem_shared>>
      tpu.wait_dma2 semaphore(%run_scoped3A : memref<!tpu.dma_semaphore, #tpu.memory_space<semaphore_mem>>) src(%dma_wait3A_318 : memref<624xf32, #tpu.memory_space<vmem_shared>>) dst(%arg12 : memref<624xf32, #tpu.memory_space<vmem>>)
      tpu.yield
    }) : () -> ()
    %mul3A_304 = arith.constant 10000 : i32
    %mul3A_305 = arith.muli %arg0, %mul3A_304 : i32
    %add3A_306 = arith.addi %mul3A_305, %mul3A_8 : i32
    "tpu.region"() ({
      %run_scoped3A = tpu.sem_alloc : memref<!tpu.dma_semaphore, #tpu.memory_space<semaphore_mem>>
      %dma_start3A = tpu.memref_slice %arg6[%add3A_306] : memref<20000xf32, #tpu.memory_space<hbm>> -> memref<624xf32, #tpu.memory_space<hbm>>
      %dma_start3A_317 = tpu.memref_slice %arg6[%add3A_306] : memref<20000xf32, #tpu.memory_space<hbm>> -> memref<624xf32, #tpu.memory_space<hbm>>
      tpu.enqueue_dma source(%arg12 : memref<624xf32, #tpu.memory_space<vmem>>) target(%dma_start3A_317 : memref<624xf32, #tpu.memory_space<hbm>>) target_semaphore(%run_scoped3A : memref<!tpu.dma_semaphore, #tpu.memory_space<semaphore_mem>>)
      %dma_wait3A = tpu.memref_slice %arg6[%add3A_306] : memref<20000xf32, #tpu.memory_space<hbm>> -> memref<624xf32, #tpu.memory_space<hbm>>
      %dma_wait3A_318 = tpu.memref_slice %arg6[%add3A_306] : memref<20000xf32, #tpu.memory_space<hbm>> -> memref<624xf32, #tpu.memory_space<hbm>>
      tpu.wait_dma2 semaphore(%run_scoped3A : memref<!tpu.dma_semaphore, #tpu.memory_space<semaphore_mem>>) src(%arg12 : memref<624xf32, #tpu.memory_space<vmem>>) dst(%dma_wait3A_318 : memref<624xf32, #tpu.memory_space<hbm>>)
      tpu.yield
    }) : () -> ()
    %eq3A_307 = arith.constant 15 : i32
    %eq3A_308 = arith.cmpi eq, %arg1, %eq3A_307 : i32
    %convert_element_type3A_309 = arith.extui %eq3A_308 : i1 to i32
    %cond3A_310 = arith.constant 0 : i32
    %cond3A_311 = arith.cmpi ne, %convert_element_type3A_309, %cond3A_310 : i32
    scf.if %cond3A_311 {
      "tpu.region"() ({
        %run_scoped3A = tpu.sem_alloc : memref<!tpu.dma_semaphore, #tpu.memory_space<semaphore_mem>>
        %dma_start3A = arith.constant 0 : i32
        %dma_start3A_317 = arith.constant 0 : i32
        %dma_start3A_318 = tpu.memref_slice %arg9[%dma_start3A, %dma_start3A_317] : memref<128x128xf32, #tpu.memory_space<vmem>> -> memref<16x128xf32, #tpu.memory_space<vmem>>
        %dma_start3A_319 = arith.constant 9984 : i32
        %dma_start3A_320 = arith.constant 0 : i32
        %dma_start3A_321 = tpu.memref_slice %arg10[%dma_start3A_319, %dma_start3A_320] : memref<10000x128xf32, #tpu.memory_space<vmem_shared>> -> memref<16x128xf32, #tpu.memory_space<vmem_shared>>
        %dma_start3A_322 = arith.constant 0 : i32
        %dma_start3A_323 = arith.constant 0 : i32
        %dma_start3A_324 = tpu.memref_slice %arg9[%dma_start3A_322, %dma_start3A_323] : memref<128x128xf32, #tpu.memory_space<vmem>> -> memref<16x128xf32, #tpu.memory_space<vmem>>
        %dma_start3A_325 = arith.constant 9984 : i32
        %dma_start3A_326 = arith.constant 0 : i32
        %dma_start3A_327 = tpu.memref_slice %arg10[%dma_start3A_325, %dma_start3A_326] : memref<10000x128xf32, #tpu.memory_space<vmem_shared>> -> memref<16x128xf32, #tpu.memory_space<vmem_shared>>
        tpu.enqueue_dma source(%dma_start3A_327 : memref<16x128xf32, #tpu.memory_space<vmem_shared>>) target(%dma_start3A_324 : memref<16x128xf32, #tpu.memory_space<vmem>>) target_semaphore(%run_scoped3A : memref<!tpu.dma_semaphore, #tpu.memory_space<semaphore_mem>>)
        %dma_wait3A = arith.constant 0 : i32
        %dma_wait3A_328 = arith.constant 0 : i32
        %dma_wait3A_329 = tpu.memref_slice %arg9[%dma_wait3A, %dma_wait3A_328] : memref<128x128xf32, #tpu.memory_space<vmem>> -> memref<16x128xf32, #tpu.memory_space<vmem>>
        %dma_wait3A_330 = arith.constant 9984 : i32
        %dma_wait3A_331 = arith.constant 0 : i32
        %dma_wait3A_332 = tpu.memref_slice %arg10[%dma_wait3A_330, %dma_wait3A_331] : memref<10000x128xf32, #tpu.memory_space<vmem_shared>> -> memref<16x128xf32, #tpu.memory_space<vmem_shared>>
        %dma_wait3A_333 = arith.constant 0 : i32
        %dma_wait3A_334 = arith.constant 0 : i32
        %dma_wait3A_335 = tpu.memref_slice %arg9[%dma_wait3A_333, %dma_wait3A_334] : memref<128x128xf32, #tpu.memory_space<vmem>> -> memref<16x128xf32, #tpu.memory_space<vmem>>
        %dma_wait3A_336 = arith.constant 9984 : i32
        %dma_wait3A_337 = arith.constant 0 : i32
        %dma_wait3A_338 = tpu.memref_slice %arg10[%dma_wait3A_336, %dma_wait3A_337] : memref<10000x128xf32, #tpu.memory_space<vmem_shared>> -> memref<16x128xf32, #tpu.memory_space<vmem_shared>>
        tpu.wait_dma2 semaphore(%run_scoped3A : memref<!tpu.dma_semaphore, #tpu.memory_space<semaphore_mem>>) src(%dma_wait3A_338 : memref<16x128xf32, #tpu.memory_space<vmem_shared>>) dst(%dma_wait3A_335 : memref<16x128xf32, #tpu.memory_space<vmem>>)
        tpu.yield
      }) : () -> ()
      "tpu.region"() ({
        %run_scoped3A = tpu.sem_alloc : memref<!tpu.dma_semaphore, #tpu.memory_space<semaphore_mem>>
        %dma_start3A = arith.constant 0 : i32
        %dma_start3A_317 = arith.constant 0 : i32
        %dma_start3A_318 = tpu.memref_slice %arg9[%dma_start3A, %dma_start3A_317] : memref<128x128xf32, #tpu.memory_space<vmem>> -> memref<16x128xf32, #tpu.memory_space<vmem>>
        %dma_start3A_319 = arith.constant 9984 : i32
        %dma_start3A_320 = arith.constant 0 : i32
        %dma_start3A_321 = tpu.memref_slice %arg5[%arg0, %dma_start3A_319, %dma_start3A_320] : memref<2x10000x128xf32, #tpu.memory_space<hbm>> -> memref<1x16x128xf32, #tpu.memory_space<hbm>>
        %dma_start3A_322 = tpu.memref_squeeze %dma_start3A_321 : memref<1x16x128xf32, #tpu.memory_space<hbm>> -> memref<16x128xf32, #tpu.memory_space<hbm>>
        %dma_start3A_323 = arith.constant 9984 : i32
        %dma_start3A_324 = arith.constant 0 : i32
        %dma_start3A_325 = tpu.memref_slice %arg5[%arg0, %dma_start3A_323, %dma_start3A_324] : memref<2x10000x128xf32, #tpu.memory_space<hbm>> -> memref<1x16x128xf32, #tpu.memory_space<hbm>>
        %dma_start3A_326 = tpu.memref_squeeze %dma_start3A_325 : memref<1x16x128xf32, #tpu.memory_space<hbm>> -> memref<16x128xf32, #tpu.memory_space<hbm>>
        %dma_start3A_327 = arith.constant 0 : i32
        %dma_start3A_328 = arith.constant 0 : i32
        %dma_start3A_329 = tpu.memref_slice %arg9[%dma_start3A_327, %dma_start3A_328] : memref<128x128xf32, #tpu.memory_space<vmem>> -> memref<16x128xf32, #tpu.memory_space<vmem>>
        tpu.enqueue_dma source(%dma_start3A_329 : memref<16x128xf32, #tpu.memory_space<vmem>>) target(%dma_start3A_326 : memref<16x128xf32, #tpu.memory_space<hbm>>) target_semaphore(%run_scoped3A : memref<!tpu.dma_semaphore, #tpu.memory_space<semaphore_mem>>)
        %dma_wait3A = arith.constant 0 : i32
        %dma_wait3A_330 = arith.constant 0 : i32
        %dma_wait3A_331 = tpu.memref_slice %arg9[%dma_wait3A, %dma_wait3A_330] : memref<128x128xf32, #tpu.memory_space<vmem>> -> memref<16x128xf32, #tpu.memory_space<vmem>>
        %dma_wait3A_332 = arith.constant 9984 : i32
        %dma_wait3A_333 = arith.constant 0 : i32
        %dma_wait3A_334 = tpu.memref_slice %arg5[%arg0, %dma_wait3A_332, %dma_wait3A_333] : memref<2x10000x128xf32, #tpu.memory_space<hbm>> -> memref<1x16x128xf32, #tpu.memory_space<hbm>>
        %dma_wait3A_335 = tpu.memref_squeeze %dma_wait3A_334 : memref<1x16x128xf32, #tpu.memory_space<hbm>> -> memref<16x128xf32, #tpu.memory_space<hbm>>
        %dma_wait3A_336 = arith.constant 9984 : i32
        %dma_wait3A_337 = arith.constant 0 : i32
        %dma_wait3A_338 = tpu.memref_slice %arg5[%arg0, %dma_wait3A_336, %dma_wait3A_337] : memref<2x10000x128xf32, #tpu.memory_space<hbm>> -> memref<1x16x128xf32, #tpu.memory_space<hbm>>
        %dma_wait3A_339 = tpu.memref_squeeze %dma_wait3A_338 : memref<1x16x128xf32, #tpu.memory_space<hbm>> -> memref<16x128xf32, #tpu.memory_space<hbm>>
        %dma_wait3A_340 = arith.constant 0 : i32
        %dma_wait3A_341 = arith.constant 0 : i32
        %dma_wait3A_342 = tpu.memref_slice %arg9[%dma_wait3A_340, %dma_wait3A_341] : memref<128x128xf32, #tpu.memory_space<vmem>> -> memref<16x128xf32, #tpu.memory_space<vmem>>
        tpu.wait_dma2 semaphore(%run_scoped3A : memref<!tpu.dma_semaphore, #tpu.memory_space<semaphore_mem>>) src(%dma_wait3A_342 : memref<16x128xf32, #tpu.memory_space<vmem>>) dst(%dma_wait3A_339 : memref<16x128xf32, #tpu.memory_space<hbm>>)
        tpu.yield
      }) : () -> ()
    } else {
    }
    %eq3A_312 = arith.constant 15 : i32
    %eq3A_313 = arith.cmpi eq, %arg1, %eq3A_312 : i32
    %convert_element_type3A_314 = arith.extui %eq3A_313 : i1 to i32
    %cond3A_315 = arith.constant 0 : i32
    %cond3A_316 = arith.cmpi ne, %convert_element_type3A_314, %cond3A_315 : i32
    scf.if %cond3A_316 {
      "tpu.region"() ({
        %run_scoped3A = tpu.sem_alloc : memref<!tpu.dma_semaphore, #tpu.memory_space<semaphore_mem>>
        %dma_start3A = arith.constant 0 : i32
        %dma_start3A_321 = tpu.memref_slice %arg12[%dma_start3A] : memref<624xf32, #tpu.memory_space<vmem>> -> memref<16xf32, #tpu.memory_space<vmem>>
        %dma_start3A_322 = arith.constant 9984 : i32
        %dma_start3A_323 = tpu.memref_slice %arg13[%dma_start3A_322] : memref<10000xf32, #tpu.memory_space<vmem_shared>> -> memref<16xf32, #tpu.memory_space<vmem_shared>>
        %dma_start3A_324 = arith.constant 0 : i32
        %dma_start3A_325 = tpu.memref_slice %arg12[%dma_start3A_324] : memref<624xf32, #tpu.memory_space<vmem>> -> memref<16xf32, #tpu.memory_space<vmem>>
        %dma_start3A_326 = arith.constant 9984 : i32
        %dma_start3A_327 = tpu.memref_slice %arg13[%dma_start3A_326] : memref<10000xf32, #tpu.memory_space<vmem_shared>> -> memref<16xf32, #tpu.memory_space<vmem_shared>>
        tpu.enqueue_dma source(%dma_start3A_327 : memref<16xf32, #tpu.memory_space<vmem_shared>>) target(%dma_start3A_325 : memref<16xf32, #tpu.memory_space<vmem>>) target_semaphore(%run_scoped3A : memref<!tpu.dma_semaphore, #tpu.memory_space<semaphore_mem>>)
        %dma_wait3A = arith.constant 0 : i32
        %dma_wait3A_328 = tpu.memref_slice %arg12[%dma_wait3A] : memref<624xf32, #tpu.memory_space<vmem>> -> memref<16xf32, #tpu.memory_space<vmem>>
        %dma_wait3A_329 = arith.constant 9984 : i32
        %dma_wait3A_330 = tpu.memref_slice %arg13[%dma_wait3A_329] : memref<10000xf32, #tpu.memory_space<vmem_shared>> -> memref<16xf32, #tpu.memory_space<vmem_shared>>
        %dma_wait3A_331 = arith.constant 0 : i32
        %dma_wait3A_332 = tpu.memref_slice %arg12[%dma_wait3A_331] : memref<624xf32, #tpu.memory_space<vmem>> -> memref<16xf32, #tpu.memory_space<vmem>>
        %dma_wait3A_333 = arith.constant 9984 : i32
        %dma_wait3A_334 = tpu.memref_slice %arg13[%dma_wait3A_333] : memref<10000xf32, #tpu.memory_space<vmem_shared>> -> memref<16xf32, #tpu.memory_space<vmem_shared>>
        tpu.wait_dma2 semaphore(%run_scoped3A : memref<!tpu.dma_semaphore, #tpu.memory_space<semaphore_mem>>) src(%dma_wait3A_334 : memref<16xf32, #tpu.memory_space<vmem_shared>>) dst(%dma_wait3A_332 : memref<16xf32, #tpu.memory_space<vmem>>)
        tpu.yield
      }) : () -> ()
      %mul3A_317 = arith.constant 10000 : i32
      %mul3A_318 = arith.muli %arg0, %mul3A_317 : i32
      %add3A_319 = arith.constant 9984 : i32
      %add3A_320 = arith.addi %mul3A_318, %add3A_319 : i32
      "tpu.region"() ({
        %run_scoped3A = tpu.sem_alloc : memref<!tpu.dma_semaphore, #tpu.memory_space<semaphore_mem>>
        %dma_start3A = arith.constant 0 : i32
        %dma_start3A_321 = tpu.memref_slice %arg12[%dma_start3A] : memref<624xf32, #tpu.memory_space<vmem>> -> memref<16xf32, #tpu.memory_space<vmem>>
        %dma_start3A_322 = tpu.memref_slice %arg6[%add3A_320] : memref<20000xf32, #tpu.memory_space<hbm>> -> memref<16xf32, #tpu.memory_space<hbm>>
        %dma_start3A_323 = tpu.memref_slice %arg6[%add3A_320] : memref<20000xf32, #tpu.memory_space<hbm>> -> memref<16xf32, #tpu.memory_space<hbm>>
        %dma_start3A_324 = arith.constant 0 : i32
        %dma_start3A_325 = tpu.memref_slice %arg12[%dma_start3A_324] : memref<624xf32, #tpu.memory_space<vmem>> -> memref<16xf32, #tpu.memory_space<vmem>>
        tpu.enqueue_dma source(%dma_start3A_325 : memref<16xf32, #tpu.memory_space<vmem>>) target(%dma_start3A_323 : memref<16xf32, #tpu.memory_space<hbm>>) target_semaphore(%run_scoped3A : memref<!tpu.dma_semaphore, #tpu.memory_space<semaphore_mem>>)
        %dma_wait3A = arith.constant 0 : i32
        %dma_wait3A_326 = tpu.memref_slice %arg12[%dma_wait3A] : memref<624xf32, #tpu.memory_space<vmem>> -> memref<16xf32, #tpu.memory_space<vmem>>
        %dma_wait3A_327 = tpu.memref_slice %arg6[%add3A_320] : memref<20000xf32, #tpu.memory_space<hbm>> -> memref<16xf32, #tpu.memory_space<hbm>>
        %dma_wait3A_328 = tpu.memref_slice %arg6[%add3A_320] : memref<20000xf32, #tpu.memory_space<hbm>> -> memref<16xf32, #tpu.memory_space<hbm>>
        %dma_wait3A_329 = arith.constant 0 : i32
        %dma_wait3A_330 = tpu.memref_slice %arg12[%dma_wait3A_329] : memref<624xf32, #tpu.memory_space<vmem>> -> memref<16xf32, #tpu.memory_space<vmem>>
        tpu.wait_dma2 semaphore(%run_scoped3A : memref<!tpu.dma_semaphore, #tpu.memory_space<semaphore_mem>>) src(%dma_wait3A_330 : memref<16xf32, #tpu.memory_space<vmem>>) dst(%dma_wait3A_328 : memref<16xf32, #tpu.memory_space<hbm>>)
        tpu.yield
      }) : () -> ()
    } else {
    }
    return
  }
}

#map = affine_map<(d0, d1) -> (0, 0)>
#map1 = affine_map<(d0, d1) -> (0)>
#map2 = affine_map<(d0, d1) -> (0, 0, 0)>
module attributes {stable_mosaic.version = 14 : i64} {
  func.func @body(%arg0: i32, %arg1: i32, %arg2: memref<10000x128xf32, #tpu.memory_space<hbm>>, %arg3: memref<320000xi32, #tpu.memory_space<hbm>>, %arg4: memref<320000xi32, #tpu.memory_space<hbm>>, %arg5: memref<2x10000x128xf32, #tpu.memory_space<hbm>>, %arg6: memref<128xi32, #tpu.memory_space<vmem>>, %arg7: memref<128xi32, #tpu.memory_space<vmem>>, %arg8: memref<128x128xf32, #tpu.memory_space<vmem>>, %arg9: memref<10000x128xf32, #tpu.memory_space<vmem_shared>>) attributes {dimension_semantics = [#tpu.dimension_semantics<core_parallel>, #tpu.dimension_semantics<subcore_parallel>], iteration_bounds = array<i64: 2, 16>, scalar_prefetch = 0 : i64, scratch_operands = 4 : i64, tpu.core_type = #tpu.core_type<sc_vector_subcore>, window_params = [{transform_indices = #map}, {transform_indices = #map1}, {transform_indices = #map1}, {transform_indices = #map2}]} {
    %mul3A = arith.constant 16 : i32
    %mul3A_0 = arith.muli %arg0, %mul3A : i32
    %add3A = arith.addi %mul3A_0, %arg1 : i32
    %broadcast_in_dim3A = arith.constant 0.000000e+00 : f32
    %broadcast_in_dim3A_1 = vector.broadcast %broadcast_in_dim3A : f32 to vector<16xf32>
    %scan3A = arith.constant 0 : i32
    %scan3A_2 = arith.constant 0 : i32
    %scan3A_3 = arith.constant 1024 : i32
    %scan3A_4 = arith.addi %scan3A_2, %scan3A_3 : i32
    %scan3A_5 = arith.constant 1 : i32
    scf.for %scan3A_101 = %scan3A_2 to %scan3A_4 step %scan3A_5  : i32 {
      %jit3A_102 = arith.constant 8 : i32
      %div3A_103 = arith.divsi %scan3A_101, %jit3A_102 : i32
      %sign3A_104 = arith.constant 0 : i32
      %sign3A_105 = arith.cmpi sgt, %scan3A_101, %sign3A_104 : i32
      %sign3A_106 = arith.extui %sign3A_105 : i1 to i32
      %sign3A_107 = arith.constant 0 : i32
      %sign3A_108 = arith.cmpi slt, %scan3A_101, %sign3A_107 : i32
      %sign3A_109 = arith.extui %sign3A_108 : i1 to i32
      %sign3A_110 = arith.subi %sign3A_106, %sign3A_109 : i32
      %sign3A_111 = arith.constant 0 : i32
      %sign3A_112 = arith.cmpi sgt, %jit3A_102, %sign3A_111 : i32
      %sign3A_113 = arith.extui %sign3A_112 : i1 to i32
      %sign3A_114 = arith.constant 0 : i32
      %sign3A_115 = arith.cmpi slt, %jit3A_102, %sign3A_114 : i32
      %sign3A_116 = arith.extui %sign3A_115 : i1 to i32
      %sign3A_117 = arith.subi %sign3A_113, %sign3A_116 : i32
      %ne3A_118 = arith.cmpi ne, %sign3A_110, %sign3A_117 : i32
      %rem3A_119 = arith.remsi %scan3A_101, %jit3A_102 : i32
      %ne3A_120 = arith.constant 0 : i32
      %ne3A_121 = arith.cmpi ne, %rem3A_119, %ne3A_120 : i32
      %and3A_122 = arith.andi %ne3A_118, %ne3A_121 : i1
      %sub3A_123 = arith.constant 1 : i32
      %sub3A_124 = arith.subi %div3A_103, %sub3A_123 : i32
      %select_n3A_125 = arith.select %and3A_122, %sub3A_124, %div3A_103 : i32
      %jit3A_126 = arith.constant 8 : i32
      %eq3A_127 = arith.constant 0 : i32
      %eq3A_128 = arith.cmpi eq, %jit3A_126, %eq3A_127 : i32
      %jit3A_129 = arith.constant 1 : i32
      %select_n3A_130 = arith.select %eq3A_128, %jit3A_129, %jit3A_126 : i32
      %rem3A_131 = arith.remsi %scan3A_101, %select_n3A_130 : i32
      %ne3A_132 = arith.constant 0 : i32
      %ne3A_133 = arith.cmpi ne, %rem3A_131, %ne3A_132 : i32
      %lt3A = arith.constant 0 : i32
      %lt3A_134 = arith.cmpi slt, %rem3A_131, %lt3A : i32
      %lt3A_135 = arith.constant 0 : i32
      %lt3A_136 = arith.cmpi slt, %select_n3A_130, %lt3A_135 : i32
      %ne3A_137 = arith.xori %lt3A_134, %lt3A_136 : i1
      %and3A_138 = arith.andi %ne3A_137, %ne3A_133 : i1
      %add3A_139 = arith.addi %rem3A_131, %select_n3A_130 : i32
      %select_n3A_140 = arith.select %and3A_138, %add3A_139, %rem3A_131 : i32
      %mul3A_141 = arith.constant 16 : i32
      %mul3A_142 = arith.muli %select_n3A_140, %mul3A_141 : i32
      %swap3A = arith.index_cast %select_n3A_125 : i32 to index
      %swap3A_143 = arith.index_cast %mul3A_142 : i32 to index
      %swap3A_144 = tpu.vector_load %arg8[%swap3A, %swap3A_143] {strides = array<i32>} : memref<128x128xf32, #tpu.memory_space<vmem>>, vector<1x16xf32>,
      %swap3A_145 = vector.shape_cast %swap3A_144 : vector<1x16xf32> to vector<16xf32>
      %swap3A_146 = vector.shape_cast %broadcast_in_dim3A_1 : vector<16xf32> to vector<1x16xf32>
      tpu.vector_store %arg8[%swap3A, %swap3A_143], %swap3A_146 {strides = array<i32>} : memref<128x128xf32, #tpu.memory_space<vmem>>, vector<1x16xf32>,
    }
    %scan3A_6 = arith.constant 1024 : i32
    %mul3A_7 = arith.constant 624 : i32
    %mul3A_8 = arith.muli %arg1, %mul3A_7 : i32
    %add3A_9 = arith.constant 0 : i32
    %add3A_10 = arith.addi %mul3A_8, %add3A_9 : i32
    "tpu.region"() ({
      %run_scoped3A = tpu.sem_alloc : memref<!tpu.dma_semaphore, #tpu.memory_space<semaphore_mem>>
      %dma_start3A = arith.constant 0 : i32
      %dma_start3A_101 = arith.constant 0 : i32
      %dma_start3A_102 = tpu.memref_slice %arg8[%dma_start3A, %dma_start3A_101] : memref<128x128xf32, #tpu.memory_space<vmem>> -> memref<128x128xf32, #tpu.memory_space<vmem>>
      %dma_start3A_103 = arith.constant 0 : i32
      %dma_start3A_104 = tpu.memref_slice %arg9[%add3A_10, %dma_start3A_103] : memref<10000x128xf32, #tpu.memory_space<vmem_shared>> -> memref<128x128xf32, #tpu.memory_space<vmem_shared>>
      %dma_start3A_105 = arith.constant 0 : i32
      %dma_start3A_106 = tpu.memref_slice %arg9[%add3A_10, %dma_start3A_105] : memref<10000x128xf32, #tpu.memory_space<vmem_shared>> -> memref<128x128xf32, #tpu.memory_space<vmem_shared>>
      %dma_start3A_107 = arith.constant 0 : i32
      %dma_start3A_108 = arith.constant 0 : i32
      %dma_start3A_109 = tpu.memref_slice %arg8[%dma_start3A_107, %dma_start3A_108] : memref<128x128xf32, #tpu.memory_space<vmem>> -> memref<128x128xf32, #tpu.memory_space<vmem>>
      tpu.enqueue_dma source(%dma_start3A_109 : memref<128x128xf32, #tpu.memory_space<vmem>>) target(%dma_start3A_106 : memref<128x128xf32, #tpu.memory_space<vmem_shared>>) target_semaphore(%run_scoped3A : memref<!tpu.dma_semaphore, #tpu.memory_space<semaphore_mem>>)
      %dma_wait3A = arith.constant 0 : i32
      %dma_wait3A_110 = arith.constant 0 : i32
      %dma_wait3A_111 = tpu.memref_slice %arg8[%dma_wait3A, %dma_wait3A_110] : memref<128x128xf32, #tpu.memory_space<vmem>> -> memref<128x128xf32, #tpu.memory_space<vmem>>
      %dma_wait3A_112 = arith.constant 0 : i32
      %dma_wait3A_113 = tpu.memref_slice %arg9[%add3A_10, %dma_wait3A_112] : memref<10000x128xf32, #tpu.memory_space<vmem_shared>> -> memref<128x128xf32, #tpu.memory_space<vmem_shared>>
      %dma_wait3A_114 = arith.constant 0 : i32
      %dma_wait3A_115 = tpu.memref_slice %arg9[%add3A_10, %dma_wait3A_114] : memref<10000x128xf32, #tpu.memory_space<vmem_shared>> -> memref<128x128xf32, #tpu.memory_space<vmem_shared>>
      %dma_wait3A_116 = arith.constant 0 : i32
      %dma_wait3A_117 = arith.constant 0 : i32
      %dma_wait3A_118 = tpu.memref_slice %arg8[%dma_wait3A_116, %dma_wait3A_117] : memref<128x128xf32, #tpu.memory_space<vmem>> -> memref<128x128xf32, #tpu.memory_space<vmem>>
      tpu.wait_dma2 semaphore(%run_scoped3A : memref<!tpu.dma_semaphore, #tpu.memory_space<semaphore_mem>>) src(%dma_wait3A_118 : memref<128x128xf32, #tpu.memory_space<vmem>>) dst(%dma_wait3A_115 : memref<128x128xf32, #tpu.memory_space<vmem_shared>>)
      tpu.yield
    }) : () -> ()
    %add3A_11 = arith.constant 128 : i32
    %add3A_12 = arith.addi %mul3A_8, %add3A_11 : i32
    "tpu.region"() ({
      %run_scoped3A = tpu.sem_alloc : memref<!tpu.dma_semaphore, #tpu.memory_space<semaphore_mem>>
      %dma_start3A = arith.constant 0 : i32
      %dma_start3A_101 = arith.constant 0 : i32
      %dma_start3A_102 = tpu.memref_slice %arg8[%dma_start3A, %dma_start3A_101] : memref<128x128xf32, #tpu.memory_space<vmem>> -> memref<128x128xf32, #tpu.memory_space<vmem>>
      %dma_start3A_103 = arith.constant 0 : i32
      %dma_start3A_104 = tpu.memref_slice %arg9[%add3A_12, %dma_start3A_103] : memref<10000x128xf32, #tpu.memory_space<vmem_shared>> -> memref<128x128xf32, #tpu.memory_space<vmem_shared>>
      %dma_start3A_105 = arith.constant 0 : i32
      %dma_start3A_106 = tpu.memref_slice %arg9[%add3A_12, %dma_start3A_105] : memref<10000x128xf32, #tpu.memory_space<vmem_shared>> -> memref<128x128xf32, #tpu.memory_space<vmem_shared>>
      %dma_start3A_107 = arith.constant 0 : i32
      %dma_start3A_108 = arith.constant 0 : i32
      %dma_start3A_109 = tpu.memref_slice %arg8[%dma_start3A_107, %dma_start3A_108] : memref<128x128xf32, #tpu.memory_space<vmem>> -> memref<128x128xf32, #tpu.memory_space<vmem>>
      tpu.enqueue_dma source(%dma_start3A_109 : memref<128x128xf32, #tpu.memory_space<vmem>>) target(%dma_start3A_106 : memref<128x128xf32, #tpu.memory_space<vmem_shared>>) target_semaphore(%run_scoped3A : memref<!tpu.dma_semaphore, #tpu.memory_space<semaphore_mem>>)
      %dma_wait3A = arith.constant 0 : i32
      %dma_wait3A_110 = arith.constant 0 : i32
      %dma_wait3A_111 = tpu.memref_slice %arg8[%dma_wait3A, %dma_wait3A_110] : memref<128x128xf32, #tpu.memory_space<vmem>> -> memref<128x128xf32, #tpu.memory_space<vmem>>
      %dma_wait3A_112 = arith.constant 0 : i32
      %dma_wait3A_113 = tpu.memref_slice %arg9[%add3A_12, %dma_wait3A_112] : memref<10000x128xf32, #tpu.memory_space<vmem_shared>> -> memref<128x128xf32, #tpu.memory_space<vmem_shared>>
      %dma_wait3A_114 = arith.constant 0 : i32
      %dma_wait3A_115 = tpu.memref_slice %arg9[%add3A_12, %dma_wait3A_114] : memref<10000x128xf32, #tpu.memory_space<vmem_shared>> -> memref<128x128xf32, #tpu.memory_space<vmem_shared>>
      %dma_wait3A_116 = arith.constant 0 : i32
      %dma_wait3A_117 = arith.constant 0 : i32
      %dma_wait3A_118 = tpu.memref_slice %arg8[%dma_wait3A_116, %dma_wait3A_117] : memref<128x128xf32, #tpu.memory_space<vmem>> -> memref<128x128xf32, #tpu.memory_space<vmem>>
      tpu.wait_dma2 semaphore(%run_scoped3A : memref<!tpu.dma_semaphore, #tpu.memory_space<semaphore_mem>>) src(%dma_wait3A_118 : memref<128x128xf32, #tpu.memory_space<vmem>>) dst(%dma_wait3A_115 : memref<128x128xf32, #tpu.memory_space<vmem_shared>>)
      tpu.yield
    }) : () -> ()
    %add3A_13 = arith.constant 256 : i32
    %add3A_14 = arith.addi %mul3A_8, %add3A_13 : i32
    "tpu.region"() ({
      %run_scoped3A = tpu.sem_alloc : memref<!tpu.dma_semaphore, #tpu.memory_space<semaphore_mem>>
      %dma_start3A = arith.constant 0 : i32
      %dma_start3A_101 = arith.constant 0 : i32
      %dma_start3A_102 = tpu.memref_slice %arg8[%dma_start3A, %dma_start3A_101] : memref<128x128xf32, #tpu.memory_space<vmem>> -> memref<128x128xf32, #tpu.memory_space<vmem>>
      %dma_start3A_103 = arith.constant 0 : i32
      %dma_start3A_104 = tpu.memref_slice %arg9[%add3A_14, %dma_start3A_103] : memref<10000x128xf32, #tpu.memory_space<vmem_shared>> -> memref<128x128xf32, #tpu.memory_space<vmem_shared>>
      %dma_start3A_105 = arith.constant 0 : i32
      %dma_start3A_106 = tpu.memref_slice %arg9[%add3A_14, %dma_start3A_105] : memref<10000x128xf32, #tpu.memory_space<vmem_shared>> -> memref<128x128xf32, #tpu.memory_space<vmem_shared>>
      %dma_start3A_107 = arith.constant 0 : i32
      %dma_start3A_108 = arith.constant 0 : i32
      %dma_start3A_109 = tpu.memref_slice %arg8[%dma_start3A_107, %dma_start3A_108] : memref<128x128xf32, #tpu.memory_space<vmem>> -> memref<128x128xf32, #tpu.memory_space<vmem>>
      tpu.enqueue_dma source(%dma_start3A_109 : memref<128x128xf32, #tpu.memory_space<vmem>>) target(%dma_start3A_106 : memref<128x128xf32, #tpu.memory_space<vmem_shared>>) target_semaphore(%run_scoped3A : memref<!tpu.dma_semaphore, #tpu.memory_space<semaphore_mem>>)
      %dma_wait3A = arith.constant 0 : i32
      %dma_wait3A_110 = arith.constant 0 : i32
      %dma_wait3A_111 = tpu.memref_slice %arg8[%dma_wait3A, %dma_wait3A_110] : memref<128x128xf32, #tpu.memory_space<vmem>> -> memref<128x128xf32, #tpu.memory_space<vmem>>
      %dma_wait3A_112 = arith.constant 0 : i32
      %dma_wait3A_113 = tpu.memref_slice %arg9[%add3A_14, %dma_wait3A_112] : memref<10000x128xf32, #tpu.memory_space<vmem_shared>> -> memref<128x128xf32, #tpu.memory_space<vmem_shared>>
      %dma_wait3A_114 = arith.constant 0 : i32
      %dma_wait3A_115 = tpu.memref_slice %arg9[%add3A_14, %dma_wait3A_114] : memref<10000x128xf32, #tpu.memory_space<vmem_shared>> -> memref<128x128xf32, #tpu.memory_space<vmem_shared>>
      %dma_wait3A_116 = arith.constant 0 : i32
      %dma_wait3A_117 = arith.constant 0 : i32
      %dma_wait3A_118 = tpu.memref_slice %arg8[%dma_wait3A_116, %dma_wait3A_117] : memref<128x128xf32, #tpu.memory_space<vmem>> -> memref<128x128xf32, #tpu.memory_space<vmem>>
      tpu.wait_dma2 semaphore(%run_scoped3A : memref<!tpu.dma_semaphore, #tpu.memory_space<semaphore_mem>>) src(%dma_wait3A_118 : memref<128x128xf32, #tpu.memory_space<vmem>>) dst(%dma_wait3A_115 : memref<128x128xf32, #tpu.memory_space<vmem_shared>>)
      tpu.yield
    }) : () -> ()
    %add3A_15 = arith.constant 384 : i32
    %add3A_16 = arith.addi %mul3A_8, %add3A_15 : i32
    "tpu.region"() ({
      %run_scoped3A = tpu.sem_alloc : memref<!tpu.dma_semaphore, #tpu.memory_space<semaphore_mem>>
      %dma_start3A = arith.constant 0 : i32
      %dma_start3A_101 = arith.constant 0 : i32
      %dma_start3A_102 = tpu.memref_slice %arg8[%dma_start3A, %dma_start3A_101] : memref<128x128xf32, #tpu.memory_space<vmem>> -> memref<128x128xf32, #tpu.memory_space<vmem>>
      %dma_start3A_103 = arith.constant 0 : i32
      %dma_start3A_104 = tpu.memref_slice %arg9[%add3A_16, %dma_start3A_103] : memref<10000x128xf32, #tpu.memory_space<vmem_shared>> -> memref<128x128xf32, #tpu.memory_space<vmem_shared>>
      %dma_start3A_105 = arith.constant 0 : i32
      %dma_start3A_106 = tpu.memref_slice %arg9[%add3A_16, %dma_start3A_105] : memref<10000x128xf32, #tpu.memory_space<vmem_shared>> -> memref<128x128xf32, #tpu.memory_space<vmem_shared>>
      %dma_start3A_107 = arith.constant 0 : i32
      %dma_start3A_108 = arith.constant 0 : i32
      %dma_start3A_109 = tpu.memref_slice %arg8[%dma_start3A_107, %dma_start3A_108] : memref<128x128xf32, #tpu.memory_space<vmem>> -> memref<128x128xf32, #tpu.memory_space<vmem>>
      tpu.enqueue_dma source(%dma_start3A_109 : memref<128x128xf32, #tpu.memory_space<vmem>>) target(%dma_start3A_106 : memref<128x128xf32, #tpu.memory_space<vmem_shared>>) target_semaphore(%run_scoped3A : memref<!tpu.dma_semaphore, #tpu.memory_space<semaphore_mem>>)
      %dma_wait3A = arith.constant 0 : i32
      %dma_wait3A_110 = arith.constant 0 : i32
      %dma_wait3A_111 = tpu.memref_slice %arg8[%dma_wait3A, %dma_wait3A_110] : memref<128x128xf32, #tpu.memory_space<vmem>> -> memref<128x128xf32, #tpu.memory_space<vmem>>
      %dma_wait3A_112 = arith.constant 0 : i32
      %dma_wait3A_113 = tpu.memref_slice %arg9[%add3A_16, %dma_wait3A_112] : memref<10000x128xf32, #tpu.memory_space<vmem_shared>> -> memref<128x128xf32, #tpu.memory_space<vmem_shared>>
      %dma_wait3A_114 = arith.constant 0 : i32
      %dma_wait3A_115 = tpu.memref_slice %arg9[%add3A_16, %dma_wait3A_114] : memref<10000x128xf32, #tpu.memory_space<vmem_shared>> -> memref<128x128xf32, #tpu.memory_space<vmem_shared>>
      %dma_wait3A_116 = arith.constant 0 : i32
      %dma_wait3A_117 = arith.constant 0 : i32
      %dma_wait3A_118 = tpu.memref_slice %arg8[%dma_wait3A_116, %dma_wait3A_117] : memref<128x128xf32, #tpu.memory_space<vmem>> -> memref<128x128xf32, #tpu.memory_space<vmem>>
      tpu.wait_dma2 semaphore(%run_scoped3A : memref<!tpu.dma_semaphore, #tpu.memory_space<semaphore_mem>>) src(%dma_wait3A_118 : memref<128x128xf32, #tpu.memory_space<vmem>>) dst(%dma_wait3A_115 : memref<128x128xf32, #tpu.memory_space<vmem_shared>>)
      tpu.yield
    }) : () -> ()
    %add3A_17 = arith.constant 512 : i32
    %add3A_18 = arith.addi %mul3A_8, %add3A_17 : i32
    "tpu.region"() ({
      %run_scoped3A = tpu.sem_alloc : memref<!tpu.dma_semaphore, #tpu.memory_space<semaphore_mem>>
      %dma_start3A = arith.constant 0 : i32
      %dma_start3A_101 = arith.constant 0 : i32
      %dma_start3A_102 = tpu.memref_slice %arg8[%dma_start3A, %dma_start3A_101] : memref<128x128xf32, #tpu.memory_space<vmem>> -> memref<112x128xf32, #tpu.memory_space<vmem>>
      %dma_start3A_103 = arith.constant 0 : i32
      %dma_start3A_104 = tpu.memref_slice %arg9[%add3A_18, %dma_start3A_103] : memref<10000x128xf32, #tpu.memory_space<vmem_shared>> -> memref<112x128xf32, #tpu.memory_space<vmem_shared>>
      %dma_start3A_105 = arith.constant 0 : i32
      %dma_start3A_106 = tpu.memref_slice %arg9[%add3A_18, %dma_start3A_105] : memref<10000x128xf32, #tpu.memory_space<vmem_shared>> -> memref<112x128xf32, #tpu.memory_space<vmem_shared>>
      %dma_start3A_107 = arith.constant 0 : i32
      %dma_start3A_108 = arith.constant 0 : i32
      %dma_start3A_109 = tpu.memref_slice %arg8[%dma_start3A_107, %dma_start3A_108] : memref<128x128xf32, #tpu.memory_space<vmem>> -> memref<112x128xf32, #tpu.memory_space<vmem>>
      tpu.enqueue_dma source(%dma_start3A_109 : memref<112x128xf32, #tpu.memory_space<vmem>>) target(%dma_start3A_106 : memref<112x128xf32, #tpu.memory_space<vmem_shared>>) target_semaphore(%run_scoped3A : memref<!tpu.dma_semaphore, #tpu.memory_space<semaphore_mem>>)
      %dma_wait3A = arith.constant 0 : i32
      %dma_wait3A_110 = arith.constant 0 : i32
      %dma_wait3A_111 = tpu.memref_slice %arg8[%dma_wait3A, %dma_wait3A_110] : memref<128x128xf32, #tpu.memory_space<vmem>> -> memref<112x128xf32, #tpu.memory_space<vmem>>
      %dma_wait3A_112 = arith.constant 0 : i32
      %dma_wait3A_113 = tpu.memref_slice %arg9[%add3A_18, %dma_wait3A_112] : memref<10000x128xf32, #tpu.memory_space<vmem_shared>> -> memref<112x128xf32, #tpu.memory_space<vmem_shared>>
      %dma_wait3A_114 = arith.constant 0 : i32
      %dma_wait3A_115 = tpu.memref_slice %arg9[%add3A_18, %dma_wait3A_114] : memref<10000x128xf32, #tpu.memory_space<vmem_shared>> -> memref<112x128xf32, #tpu.memory_space<vmem_shared>>
      %dma_wait3A_116 = arith.constant 0 : i32
      %dma_wait3A_117 = arith.constant 0 : i32
      %dma_wait3A_118 = tpu.memref_slice %arg8[%dma_wait3A_116, %dma_wait3A_117] : memref<128x128xf32, #tpu.memory_space<vmem>> -> memref<112x128xf32, #tpu.memory_space<vmem>>
      tpu.wait_dma2 semaphore(%run_scoped3A : memref<!tpu.dma_semaphore, #tpu.memory_space<semaphore_mem>>) src(%dma_wait3A_118 : memref<112x128xf32, #tpu.memory_space<vmem>>) dst(%dma_wait3A_115 : memref<112x128xf32, #tpu.memory_space<vmem_shared>>)
      tpu.yield
    }) : () -> ()
    %eq3A = arith.constant 15 : i32
    %eq3A_19 = arith.cmpi eq, %arg1, %eq3A : i32
    %convert_element_type3A = arith.extui %eq3A_19 : i1 to i32
    %cond3A = arith.constant 0 : i32
    %cond3A_20 = arith.cmpi ne, %convert_element_type3A, %cond3A : i32
    scf.if %cond3A_20 {
      "tpu.region"() ({
        %run_scoped3A = tpu.sem_alloc : memref<!tpu.dma_semaphore, #tpu.memory_space<semaphore_mem>>
        %dma_start3A = arith.constant 0 : i32
        %dma_start3A_101 = arith.constant 0 : i32
        %dma_start3A_102 = tpu.memref_slice %arg8[%dma_start3A, %dma_start3A_101] : memref<128x128xf32, #tpu.memory_space<vmem>> -> memref<16x128xf32, #tpu.memory_space<vmem>>
        %dma_start3A_103 = arith.constant 9984 : i32
        %dma_start3A_104 = arith.constant 0 : i32
        %dma_start3A_105 = tpu.memref_slice %arg9[%dma_start3A_103, %dma_start3A_104] : memref<10000x128xf32, #tpu.memory_space<vmem_shared>> -> memref<16x128xf32, #tpu.memory_space<vmem_shared>>
        %dma_start3A_106 = arith.constant 9984 : i32
        %dma_start3A_107 = arith.constant 0 : i32
        %dma_start3A_108 = tpu.memref_slice %arg9[%dma_start3A_106, %dma_start3A_107] : memref<10000x128xf32, #tpu.memory_space<vmem_shared>> -> memref<16x128xf32, #tpu.memory_space<vmem_shared>>
        %dma_start3A_109 = arith.constant 0 : i32
        %dma_start3A_110 = arith.constant 0 : i32
        %dma_start3A_111 = tpu.memref_slice %arg8[%dma_start3A_109, %dma_start3A_110] : memref<128x128xf32, #tpu.memory_space<vmem>> -> memref<16x128xf32, #tpu.memory_space<vmem>>
        tpu.enqueue_dma source(%dma_start3A_111 : memref<16x128xf32, #tpu.memory_space<vmem>>) target(%dma_start3A_108 : memref<16x128xf32, #tpu.memory_space<vmem_shared>>) target_semaphore(%run_scoped3A : memref<!tpu.dma_semaphore, #tpu.memory_space<semaphore_mem>>)
        %dma_wait3A = arith.constant 0 : i32
        %dma_wait3A_112 = arith.constant 0 : i32
        %dma_wait3A_113 = tpu.memref_slice %arg8[%dma_wait3A, %dma_wait3A_112] : memref<128x128xf32, #tpu.memory_space<vmem>> -> memref<16x128xf32, #tpu.memory_space<vmem>>
        %dma_wait3A_114 = arith.constant 9984 : i32
        %dma_wait3A_115 = arith.constant 0 : i32
        %dma_wait3A_116 = tpu.memref_slice %arg9[%dma_wait3A_114, %dma_wait3A_115] : memref<10000x128xf32, #tpu.memory_space<vmem_shared>> -> memref<16x128xf32, #tpu.memory_space<vmem_shared>>
        %dma_wait3A_117 = arith.constant 9984 : i32
        %dma_wait3A_118 = arith.constant 0 : i32
        %dma_wait3A_119 = tpu.memref_slice %arg9[%dma_wait3A_117, %dma_wait3A_118] : memref<10000x128xf32, #tpu.memory_space<vmem_shared>> -> memref<16x128xf32, #tpu.memory_space<vmem_shared>>
        %dma_wait3A_120 = arith.constant 0 : i32
        %dma_wait3A_121 = arith.constant 0 : i32
        %dma_wait3A_122 = tpu.memref_slice %arg8[%dma_wait3A_120, %dma_wait3A_121] : memref<128x128xf32, #tpu.memory_space<vmem>> -> memref<16x128xf32, #tpu.memory_space<vmem>>
        tpu.wait_dma2 semaphore(%run_scoped3A : memref<!tpu.dma_semaphore, #tpu.memory_space<semaphore_mem>>) src(%dma_wait3A_122 : memref<16x128xf32, #tpu.memory_space<vmem>>) dst(%dma_wait3A_119 : memref<16x128xf32, #tpu.memory_space<vmem_shared>>)
        tpu.yield
      }) : () -> ()
    } else {
    }
    %barrier3A = arith.constant 0 : index
    tpu.barrier barrier_id(%barrier3A)
    %mul3A_21 = arith.constant 2500 : i32
    %mul3A_22 = arith.muli %add3A, %mul3A_21 : i32
    %jit3A = arith.constant 32 : i32
    %div3A = arith.divsi %mul3A_22, %jit3A : i32
    %sign3A = arith.constant 0 : i32
    %sign3A_23 = arith.cmpi sgt, %mul3A_22, %sign3A : i32
    %sign3A_24 = arith.extui %sign3A_23 : i1 to i32
    %sign3A_25 = arith.constant 0 : i32
    %sign3A_26 = arith.cmpi slt, %mul3A_22, %sign3A_25 : i32
    %sign3A_27 = arith.extui %sign3A_26 : i1 to i32
    %sign3A_28 = arith.subi %sign3A_24, %sign3A_27 : i32
    %sign3A_29 = arith.constant 0 : i32
    %sign3A_30 = arith.cmpi sgt, %jit3A, %sign3A_29 : i32
    %sign3A_31 = arith.extui %sign3A_30 : i1 to i32
    %sign3A_32 = arith.constant 0 : i32
    %sign3A_33 = arith.cmpi slt, %jit3A, %sign3A_32 : i32
    %sign3A_34 = arith.extui %sign3A_33 : i1 to i32
    %sign3A_35 = arith.subi %sign3A_31, %sign3A_34 : i32
    %ne3A = arith.cmpi ne, %sign3A_28, %sign3A_35 : i32
    %rem3A = arith.remsi %mul3A_22, %jit3A : i32
    %ne3A_36 = arith.constant 0 : i32
    %ne3A_37 = arith.cmpi ne, %rem3A, %ne3A_36 : i32
    %and3A = arith.andi %ne3A, %ne3A_37 : i1
    %sub3A = arith.constant 1 : i32
    %sub3A_38 = arith.subi %div3A, %sub3A : i32
    %select_n3A = arith.select %and3A, %sub3A_38, %div3A : i32
    %add3A_39 = arith.constant 1 : i32
    %add3A_40 = arith.addi %add3A, %add3A_39 : i32
    %mul3A_41 = arith.constant 2500 : i32
    %mul3A_42 = arith.muli %add3A_40, %mul3A_41 : i32
    %jit3A_43 = arith.constant 32 : i32
    %div3A_44 = arith.divsi %mul3A_42, %jit3A_43 : i32
    %sign3A_45 = arith.constant 0 : i32
    %sign3A_46 = arith.cmpi sgt, %mul3A_42, %sign3A_45 : i32
    %sign3A_47 = arith.extui %sign3A_46 : i1 to i32
    %sign3A_48 = arith.constant 0 : i32
    %sign3A_49 = arith.cmpi slt, %mul3A_42, %sign3A_48 : i32
    %sign3A_50 = arith.extui %sign3A_49 : i1 to i32
    %sign3A_51 = arith.subi %sign3A_47, %sign3A_50 : i32
    %sign3A_52 = arith.constant 0 : i32
    %sign3A_53 = arith.cmpi sgt, %jit3A_43, %sign3A_52 : i32
    %sign3A_54 = arith.extui %sign3A_53 : i1 to i32
    %sign3A_55 = arith.constant 0 : i32
    %sign3A_56 = arith.cmpi slt, %jit3A_43, %sign3A_55 : i32
    %sign3A_57 = arith.extui %sign3A_56 : i1 to i32
    %sign3A_58 = arith.subi %sign3A_54, %sign3A_57 : i32
    %ne3A_59 = arith.cmpi ne, %sign3A_51, %sign3A_58 : i32
    %rem3A_60 = arith.remsi %mul3A_42, %jit3A_43 : i32
    %ne3A_61 = arith.constant 0 : i32
    %ne3A_62 = arith.cmpi ne, %rem3A_60, %ne3A_61 : i32
    %and3A_63 = arith.andi %ne3A_59, %ne3A_62 : i1
    %sub3A_64 = arith.constant 1 : i32
    %sub3A_65 = arith.subi %div3A_44, %sub3A_64 : i32
    %select_n3A_66 = arith.select %and3A_63, %sub3A_65, %div3A_44 : i32
    %while3A = arith.constant 0 : i32
    %while3A_67 = arith.subi %select_n3A_66, %select_n3A : i32
    %while3A_68 = arith.addi %select_n3A, %while3A_67 : i32
    %while3A_69 = arith.constant 1 : i32
    %while3A_70 = arith.divsi %while3A_67, %while3A_69 : i32
    %while3A_71 = arith.muli %while3A_70, %while3A_69 : i32
    %while3A_72 = arith.addi %select_n3A, %while3A_71 : i32
    %while3A_73 = arith.constant 1 : i32
    scf.for %while3A_101 = %select_n3A to %while3A_72 step %while3A_73  : i32 {
      %mul3A_102 = arith.constant 128 : i32
      %mul3A_103 = arith.muli %while3A_101, %mul3A_102 : i32
      "tpu.region"() ({
        %run_scoped3A = tpu.sem_alloc : memref<!tpu.dma_semaphore, #tpu.memory_space<semaphore_mem>>
        %dma_start3A = tpu.memref_slice %arg3[%mul3A_103] : memref<320000xi32, #tpu.memory_space<hbm>> -> memref<128xi32, #tpu.memory_space<hbm>>
        %dma_start3A_104 = tpu.memref_slice %arg3[%mul3A_103] : memref<320000xi32, #tpu.memory_space<hbm>> -> memref<128xi32, #tpu.memory_space<hbm>>
        tpu.enqueue_dma source(%dma_start3A_104 : memref<128xi32, #tpu.memory_space<hbm>>) target(%arg6 : memref<128xi32, #tpu.memory_space<vmem>>) target_semaphore(%run_scoped3A : memref<!tpu.dma_semaphore, #tpu.memory_space<semaphore_mem>>)
        %dma_wait3A = tpu.memref_slice %arg3[%mul3A_103] : memref<320000xi32, #tpu.memory_space<hbm>> -> memref<128xi32, #tpu.memory_space<hbm>>
        %dma_wait3A_105 = tpu.memref_slice %arg3[%mul3A_103] : memref<320000xi32, #tpu.memory_space<hbm>> -> memref<128xi32, #tpu.memory_space<hbm>>
        tpu.wait_dma2 semaphore(%run_scoped3A : memref<!tpu.dma_semaphore, #tpu.memory_space<semaphore_mem>>) src(%dma_wait3A_105 : memref<128xi32, #tpu.memory_space<hbm>>) dst(%arg6 : memref<128xi32, #tpu.memory_space<vmem>>)
        tpu.yield
      }) : () -> ()
      "tpu.region"() ({
        %run_scoped3A = tpu.sem_alloc : memref<!tpu.dma_semaphore, #tpu.memory_space<semaphore_mem>>
        %dma_start3A = tpu.memref_slice %arg4[%mul3A_103] : memref<320000xi32, #tpu.memory_space<hbm>> -> memref<128xi32, #tpu.memory_space<hbm>>
        %dma_start3A_104 = tpu.memref_slice %arg4[%mul3A_103] : memref<320000xi32, #tpu.memory_space<hbm>> -> memref<128xi32, #tpu.memory_space<hbm>>
        tpu.enqueue_dma source(%dma_start3A_104 : memref<128xi32, #tpu.memory_space<hbm>>) target(%arg7 : memref<128xi32, #tpu.memory_space<vmem>>) target_semaphore(%run_scoped3A : memref<!tpu.dma_semaphore, #tpu.memory_space<semaphore_mem>>)
        %dma_wait3A = tpu.memref_slice %arg4[%mul3A_103] : memref<320000xi32, #tpu.memory_space<hbm>> -> memref<128xi32, #tpu.memory_space<hbm>>
        %dma_wait3A_105 = tpu.memref_slice %arg4[%mul3A_103] : memref<320000xi32, #tpu.memory_space<hbm>> -> memref<128xi32, #tpu.memory_space<hbm>>
        tpu.wait_dma2 semaphore(%run_scoped3A : memref<!tpu.dma_semaphore, #tpu.memory_space<semaphore_mem>>) src(%dma_wait3A_105 : memref<128xi32, #tpu.memory_space<hbm>>) dst(%arg7 : memref<128xi32, #tpu.memory_space<vmem>>)
        tpu.yield
      }) : () -> ()
      "tpu.region"() ({
        %run_scoped3A = tpu.sem_alloc : memref<!tpu.dma_semaphore, #tpu.memory_space<semaphore_mem>>
        %dma_start3A = arith.constant 0 : i32
        %dma_start3A_104 = arith.constant 0 : i32
        %dma_start3A_105 = tpu.memref_slice %arg2[%dma_start3A, %dma_start3A_104] : memref<10000x128xf32, #tpu.memory_space<hbm>> -> memref<10000x128xf32, #tpu.memory_space<hbm>>
        tpu.enqueue_indirect_dma source(%dma_start3A_105 : memref<10000x128xf32, #tpu.memory_space<hbm>>) target(%arg8 : memref<128x128xf32, #tpu.memory_space<vmem>>) offsets(%arg6 : memref<128xi32, #tpu.memory_space<vmem>>) semaphore(%run_scoped3A : memref<!tpu.dma_semaphore, #tpu.memory_space<semaphore_mem>>)
        %dma_wait3A = arith.constant 0 : i32
        %dma_wait3A_106 = arith.constant 0 : i32
        %dma_wait3A_107 = tpu.memref_slice %arg2[%dma_wait3A, %dma_wait3A_106] : memref<10000x128xf32, #tpu.memory_space<hbm>> -> memref<10000x128xf32, #tpu.memory_space<hbm>>
        tpu.wait_indirect_dma semaphore(%run_scoped3A : memref<!tpu.dma_semaphore, #tpu.memory_space<semaphore_mem>>) src(%dma_wait3A_107 : memref<10000x128xf32, #tpu.memory_space<hbm>>) dst(%arg8 : memref<128x128xf32, #tpu.memory_space<vmem>>)
        tpu.yield
      }) : () -> ()
      "tpu.region"() ({
        %run_scoped3A = tpu.sem_alloc : memref<!tpu.dma_semaphore, #tpu.memory_space<semaphore_mem>>
        %dma_start3A = arith.constant 0 : i32
        %dma_start3A_104 = arith.constant 0 : i32
        %dma_start3A_105 = tpu.memref_slice %arg9[%dma_start3A, %dma_start3A_104] : memref<10000x128xf32, #tpu.memory_space<vmem_shared>> -> memref<10000x128xf32, #tpu.memory_space<vmem_shared>>
        tpu.enqueue_indirect_dma source(%arg8 : memref<128x128xf32, #tpu.memory_space<vmem>>) target(%dma_start3A_105 : memref<10000x128xf32, #tpu.memory_space<vmem_shared>>) offsets(%arg7 : memref<128xi32, #tpu.memory_space<vmem>>) semaphore(%run_scoped3A : memref<!tpu.dma_semaphore, #tpu.memory_space<semaphore_mem>>) {add = true}
        %dma_wait3A = arith.constant 0 : i32
        %dma_wait3A_106 = arith.constant 0 : i32
        %dma_wait3A_107 = tpu.memref_slice %arg9[%dma_wait3A, %dma_wait3A_106] : memref<10000x128xf32, #tpu.memory_space<vmem_shared>> -> memref<10000x128xf32, #tpu.memory_space<vmem_shared>>
        tpu.wait_indirect_dma semaphore(%run_scoped3A : memref<!tpu.dma_semaphore, #tpu.memory_space<semaphore_mem>>) src(%arg8 : memref<128x128xf32, #tpu.memory_space<vmem>>) dst(%dma_wait3A_107 : memref<10000x128xf32, #tpu.memory_space<vmem_shared>>)
        tpu.yield
      }) : () -> ()
    }
    %while3A_74 = arith.constant 1 : i32
    scf.for %while3A_101 = %while3A_72 to %while3A_68 step %while3A_74  : i32 {
      %mul3A_102 = arith.constant 128 : i32
      %mul3A_103 = arith.muli %while3A_101, %mul3A_102 : i32
      "tpu.region"() ({
        %run_scoped3A = tpu.sem_alloc : memref<!tpu.dma_semaphore, #tpu.memory_space<semaphore_mem>>
        %dma_start3A = tpu.memref_slice %arg3[%mul3A_103] : memref<320000xi32, #tpu.memory_space<hbm>> -> memref<128xi32, #tpu.memory_space<hbm>>
        %dma_start3A_104 = tpu.memref_slice %arg3[%mul3A_103] : memref<320000xi32, #tpu.memory_space<hbm>> -> memref<128xi32, #tpu.memory_space<hbm>>
        tpu.enqueue_dma source(%dma_start3A_104 : memref<128xi32, #tpu.memory_space<hbm>>) target(%arg6 : memref<128xi32, #tpu.memory_space<vmem>>) target_semaphore(%run_scoped3A : memref<!tpu.dma_semaphore, #tpu.memory_space<semaphore_mem>>)
        %dma_wait3A = tpu.memref_slice %arg3[%mul3A_103] : memref<320000xi32, #tpu.memory_space<hbm>> -> memref<128xi32, #tpu.memory_space<hbm>>
        %dma_wait3A_105 = tpu.memref_slice %arg3[%mul3A_103] : memref<320000xi32, #tpu.memory_space<hbm>> -> memref<128xi32, #tpu.memory_space<hbm>>
        tpu.wait_dma2 semaphore(%run_scoped3A : memref<!tpu.dma_semaphore, #tpu.memory_space<semaphore_mem>>) src(%dma_wait3A_105 : memref<128xi32, #tpu.memory_space<hbm>>) dst(%arg6 : memref<128xi32, #tpu.memory_space<vmem>>)
        tpu.yield
      }) : () -> ()
      "tpu.region"() ({
        %run_scoped3A = tpu.sem_alloc : memref<!tpu.dma_semaphore, #tpu.memory_space<semaphore_mem>>
        %dma_start3A = tpu.memref_slice %arg4[%mul3A_103] : memref<320000xi32, #tpu.memory_space<hbm>> -> memref<128xi32, #tpu.memory_space<hbm>>
        %dma_start3A_104 = tpu.memref_slice %arg4[%mul3A_103] : memref<320000xi32, #tpu.memory_space<hbm>> -> memref<128xi32, #tpu.memory_space<hbm>>
        tpu.enqueue_dma source(%dma_start3A_104 : memref<128xi32, #tpu.memory_space<hbm>>) target(%arg7 : memref<128xi32, #tpu.memory_space<vmem>>) target_semaphore(%run_scoped3A : memref<!tpu.dma_semaphore, #tpu.memory_space<semaphore_mem>>)
        %dma_wait3A = tpu.memref_slice %arg4[%mul3A_103] : memref<320000xi32, #tpu.memory_space<hbm>> -> memref<128xi32, #tpu.memory_space<hbm>>
        %dma_wait3A_105 = tpu.memref_slice %arg4[%mul3A_103] : memref<320000xi32, #tpu.memory_space<hbm>> -> memref<128xi32, #tpu.memory_space<hbm>>
        tpu.wait_dma2 semaphore(%run_scoped3A : memref<!tpu.dma_semaphore, #tpu.memory_space<semaphore_mem>>) src(%dma_wait3A_105 : memref<128xi32, #tpu.memory_space<hbm>>) dst(%arg7 : memref<128xi32, #tpu.memory_space<vmem>>)
        tpu.yield
      }) : () -> ()
      "tpu.region"() ({
        %run_scoped3A = tpu.sem_alloc : memref<!tpu.dma_semaphore, #tpu.memory_space<semaphore_mem>>
        %dma_start3A = arith.constant 0 : i32
        %dma_start3A_104 = arith.constant 0 : i32
        %dma_start3A_105 = tpu.memref_slice %arg2[%dma_start3A, %dma_start3A_104] : memref<10000x128xf32, #tpu.memory_space<hbm>> -> memref<10000x128xf32, #tpu.memory_space<hbm>>
        tpu.enqueue_indirect_dma source(%dma_start3A_105 : memref<10000x128xf32, #tpu.memory_space<hbm>>) target(%arg8 : memref<128x128xf32, #tpu.memory_space<vmem>>) offsets(%arg6 : memref<128xi32, #tpu.memory_space<vmem>>) semaphore(%run_scoped3A : memref<!tpu.dma_semaphore, #tpu.memory_space<semaphore_mem>>)
        %dma_wait3A = arith.constant 0 : i32
        %dma_wait3A_106 = arith.constant 0 : i32
        %dma_wait3A_107 = tpu.memref_slice %arg2[%dma_wait3A, %dma_wait3A_106] : memref<10000x128xf32, #tpu.memory_space<hbm>> -> memref<10000x128xf32, #tpu.memory_space<hbm>>
        tpu.wait_indirect_dma semaphore(%run_scoped3A : memref<!tpu.dma_semaphore, #tpu.memory_space<semaphore_mem>>) src(%dma_wait3A_107 : memref<10000x128xf32, #tpu.memory_space<hbm>>) dst(%arg8 : memref<128x128xf32, #tpu.memory_space<vmem>>)
        tpu.yield
      }) : () -> ()
      "tpu.region"() ({
        %run_scoped3A = tpu.sem_alloc : memref<!tpu.dma_semaphore, #tpu.memory_space<semaphore_mem>>
        %dma_start3A = arith.constant 0 : i32
        %dma_start3A_104 = arith.constant 0 : i32
        %dma_start3A_105 = tpu.memref_slice %arg9[%dma_start3A, %dma_start3A_104] : memref<10000x128xf32, #tpu.memory_space<vmem_shared>> -> memref<10000x128xf32, #tpu.memory_space<vmem_shared>>
        tpu.enqueue_indirect_dma source(%arg8 : memref<128x128xf32, #tpu.memory_space<vmem>>) target(%dma_start3A_105 : memref<10000x128xf32, #tpu.memory_space<vmem_shared>>) offsets(%arg7 : memref<128xi32, #tpu.memory_space<vmem>>) semaphore(%run_scoped3A : memref<!tpu.dma_semaphore, #tpu.memory_space<semaphore_mem>>) {add = true}
        %dma_wait3A = arith.constant 0 : i32
        %dma_wait3A_106 = arith.constant 0 : i32
        %dma_wait3A_107 = tpu.memref_slice %arg9[%dma_wait3A, %dma_wait3A_106] : memref<10000x128xf32, #tpu.memory_space<vmem_shared>> -> memref<10000x128xf32, #tpu.memory_space<vmem_shared>>
        tpu.wait_indirect_dma semaphore(%run_scoped3A : memref<!tpu.dma_semaphore, #tpu.memory_space<semaphore_mem>>) src(%arg8 : memref<128x128xf32, #tpu.memory_space<vmem>>) dst(%dma_wait3A_107 : memref<10000x128xf32, #tpu.memory_space<vmem_shared>>)
        tpu.yield
      }) : () -> ()
    }
    %barrier3A_75 = arith.constant 0 : index
    tpu.barrier barrier_id(%barrier3A_75)
    %add3A_76 = arith.constant 0 : i32
    %add3A_77 = arith.addi %mul3A_8, %add3A_76 : i32
    "tpu.region"() ({
      %run_scoped3A = tpu.sem_alloc : memref<!tpu.dma_semaphore, #tpu.memory_space<semaphore_mem>>
      %dma_start3A = arith.constant 0 : i32
      %dma_start3A_101 = arith.constant 0 : i32
      %dma_start3A_102 = tpu.memref_slice %arg8[%dma_start3A, %dma_start3A_101] : memref<128x128xf32, #tpu.memory_space<vmem>> -> memref<128x128xf32, #tpu.memory_space<vmem>>
      %dma_start3A_103 = arith.constant 0 : i32
      %dma_start3A_104 = tpu.memref_slice %arg9[%add3A_77, %dma_start3A_103] : memref<10000x128xf32, #tpu.memory_space<vmem_shared>> -> memref<128x128xf32, #tpu.memory_space<vmem_shared>>
      %dma_start3A_105 = arith.constant 0 : i32
      %dma_start3A_106 = arith.constant 0 : i32
      %dma_start3A_107 = tpu.memref_slice %arg8[%dma_start3A_105, %dma_start3A_106] : memref<128x128xf32, #tpu.memory_space<vmem>> -> memref<128x128xf32, #tpu.memory_space<vmem>>
      %dma_start3A_108 = arith.constant 0 : i32
      %dma_start3A_109 = tpu.memref_slice %arg9[%add3A_77, %dma_start3A_108] : memref<10000x128xf32, #tpu.memory_space<vmem_shared>> -> memref<128x128xf32, #tpu.memory_space<vmem_shared>>
      tpu.enqueue_dma source(%dma_start3A_109 : memref<128x128xf32, #tpu.memory_space<vmem_shared>>) target(%dma_start3A_107 : memref<128x128xf32, #tpu.memory_space<vmem>>) target_semaphore(%run_scoped3A : memref<!tpu.dma_semaphore, #tpu.memory_space<semaphore_mem>>)
      %dma_wait3A = arith.constant 0 : i32
      %dma_wait3A_110 = arith.constant 0 : i32
      %dma_wait3A_111 = tpu.memref_slice %arg8[%dma_wait3A, %dma_wait3A_110] : memref<128x128xf32, #tpu.memory_space<vmem>> -> memref<128x128xf32, #tpu.memory_space<vmem>>
      %dma_wait3A_112 = arith.constant 0 : i32
      %dma_wait3A_113 = tpu.memref_slice %arg9[%add3A_77, %dma_wait3A_112] : memref<10000x128xf32, #tpu.memory_space<vmem_shared>> -> memref<128x128xf32, #tpu.memory_space<vmem_shared>>
      %dma_wait3A_114 = arith.constant 0 : i32
      %dma_wait3A_115 = arith.constant 0 : i32
      %dma_wait3A_116 = tpu.memref_slice %arg8[%dma_wait3A_114, %dma_wait3A_115] : memref<128x128xf32, #tpu.memory_space<vmem>> -> memref<128x128xf32, #tpu.memory_space<vmem>>
      %dma_wait3A_117 = arith.constant 0 : i32
      %dma_wait3A_118 = tpu.memref_slice %arg9[%add3A_77, %dma_wait3A_117] : memref<10000x128xf32, #tpu.memory_space<vmem_shared>> -> memref<128x128xf32, #tpu.memory_space<vmem_shared>>
      tpu.wait_dma2 semaphore(%run_scoped3A : memref<!tpu.dma_semaphore, #tpu.memory_space<semaphore_mem>>) src(%dma_wait3A_118 : memref<128x128xf32, #tpu.memory_space<vmem_shared>>) dst(%dma_wait3A_116 : memref<128x128xf32, #tpu.memory_space<vmem>>)
      tpu.yield
    }) : () -> ()
    %add3A_78 = arith.constant 0 : i32
    %add3A_79 = arith.addi %mul3A_8, %add3A_78 : i32
    "tpu.region"() ({
      %run_scoped3A = tpu.sem_alloc : memref<!tpu.dma_semaphore, #tpu.memory_space<semaphore_mem>>
      %dma_start3A = arith.constant 0 : i32
      %dma_start3A_101 = arith.constant 0 : i32
      %dma_start3A_102 = tpu.memref_slice %arg8[%dma_start3A, %dma_start3A_101] : memref<128x128xf32, #tpu.memory_space<vmem>> -> memref<128x128xf32, #tpu.memory_space<vmem>>
      %dma_start3A_103 = arith.constant 0 : i32
      %dma_start3A_104 = tpu.memref_slice %arg5[%arg0, %add3A_79, %dma_start3A_103] : memref<2x10000x128xf32, #tpu.memory_space<hbm>> -> memref<1x128x128xf32, #tpu.memory_space<hbm>>
      %dma_start3A_105 = tpu.memref_squeeze %dma_start3A_104 : memref<1x128x128xf32, #tpu.memory_space<hbm>> -> memref<128x128xf32, #tpu.memory_space<hbm>>
      %dma_start3A_106 = arith.constant 0 : i32
      %dma_start3A_107 = tpu.memref_slice %arg5[%arg0, %add3A_79, %dma_start3A_106] : memref<2x10000x128xf32, #tpu.memory_space<hbm>> -> memref<1x128x128xf32, #tpu.memory_space<hbm>>
      %dma_start3A_108 = tpu.memref_squeeze %dma_start3A_107 : memref<1x128x128xf32, #tpu.memory_space<hbm>> -> memref<128x128xf32, #tpu.memory_space<hbm>>
      %dma_start3A_109 = arith.constant 0 : i32
      %dma_start3A_110 = arith.constant 0 : i32
      %dma_start3A_111 = tpu.memref_slice %arg8[%dma_start3A_109, %dma_start3A_110] : memref<128x128xf32, #tpu.memory_space<vmem>> -> memref<128x128xf32, #tpu.memory_space<vmem>>
      tpu.enqueue_dma source(%dma_start3A_111 : memref<128x128xf32, #tpu.memory_space<vmem>>) target(%dma_start3A_108 : memref<128x128xf32, #tpu.memory_space<hbm>>) target_semaphore(%run_scoped3A : memref<!tpu.dma_semaphore, #tpu.memory_space<semaphore_mem>>)
      %dma_wait3A = arith.constant 0 : i32
      %dma_wait3A_112 = arith.constant 0 : i32
      %dma_wait3A_113 = tpu.memref_slice %arg8[%dma_wait3A, %dma_wait3A_112] : memref<128x128xf32, #tpu.memory_space<vmem>> -> memref<128x128xf32, #tpu.memory_space<vmem>>
      %dma_wait3A_114 = arith.constant 0 : i32
      %dma_wait3A_115 = tpu.memref_slice %arg5[%arg0, %add3A_79, %dma_wait3A_114] : memref<2x10000x128xf32, #tpu.memory_space<hbm>> -> memref<1x128x128xf32, #tpu.memory_space<hbm>>
      %dma_wait3A_116 = tpu.memref_squeeze %dma_wait3A_115 : memref<1x128x128xf32, #tpu.memory_space<hbm>> -> memref<128x128xf32, #tpu.memory_space<hbm>>
      %dma_wait3A_117 = arith.constant 0 : i32
      %dma_wait3A_118 = tpu.memref_slice %arg5[%arg0, %add3A_79, %dma_wait3A_117] : memref<2x10000x128xf32, #tpu.memory_space<hbm>> -> memref<1x128x128xf32, #tpu.memory_space<hbm>>
      %dma_wait3A_119 = tpu.memref_squeeze %dma_wait3A_118 : memref<1x128x128xf32, #tpu.memory_space<hbm>> -> memref<128x128xf32, #tpu.memory_space<hbm>>
      %dma_wait3A_120 = arith.constant 0 : i32
      %dma_wait3A_121 = arith.constant 0 : i32
      %dma_wait3A_122 = tpu.memref_slice %arg8[%dma_wait3A_120, %dma_wait3A_121] : memref<128x128xf32, #tpu.memory_space<vmem>> -> memref<128x128xf32, #tpu.memory_space<vmem>>
      tpu.wait_dma2 semaphore(%run_scoped3A : memref<!tpu.dma_semaphore, #tpu.memory_space<semaphore_mem>>) src(%dma_wait3A_122 : memref<128x128xf32, #tpu.memory_space<vmem>>) dst(%dma_wait3A_119 : memref<128x128xf32, #tpu.memory_space<hbm>>)
      tpu.yield
    }) : () -> ()
    %add3A_80 = arith.constant 128 : i32
    %add3A_81 = arith.addi %mul3A_8, %add3A_80 : i32
    "tpu.region"() ({
      %run_scoped3A = tpu.sem_alloc : memref<!tpu.dma_semaphore, #tpu.memory_space<semaphore_mem>>
      %dma_start3A = arith.constant 0 : i32
      %dma_start3A_101 = arith.constant 0 : i32
      %dma_start3A_102 = tpu.memref_slice %arg8[%dma_start3A, %dma_start3A_101] : memref<128x128xf32, #tpu.memory_space<vmem>> -> memref<128x128xf32, #tpu.memory_space<vmem>>
      %dma_start3A_103 = arith.constant 0 : i32
      %dma_start3A_104 = tpu.memref_slice %arg9[%add3A_81, %dma_start3A_103] : memref<10000x128xf32, #tpu.memory_space<vmem_shared>> -> memref<128x128xf32, #tpu.memory_space<vmem_shared>>
      %dma_start3A_105 = arith.constant 0 : i32
      %dma_start3A_106 = arith.constant 0 : i32
      %dma_start3A_107 = tpu.memref_slice %arg8[%dma_start3A_105, %dma_start3A_106] : memref<128x128xf32, #tpu.memory_space<vmem>> -> memref<128x128xf32, #tpu.memory_space<vmem>>
      %dma_start3A_108 = arith.constant 0 : i32
      %dma_start3A_109 = tpu.memref_slice %arg9[%add3A_81, %dma_start3A_108] : memref<10000x128xf32, #tpu.memory_space<vmem_shared>> -> memref<128x128xf32, #tpu.memory_space<vmem_shared>>
      tpu.enqueue_dma source(%dma_start3A_109 : memref<128x128xf32, #tpu.memory_space<vmem_shared>>) target(%dma_start3A_107 : memref<128x128xf32, #tpu.memory_space<vmem>>) target_semaphore(%run_scoped3A : memref<!tpu.dma_semaphore, #tpu.memory_space<semaphore_mem>>)
      %dma_wait3A = arith.constant 0 : i32
      %dma_wait3A_110 = arith.constant 0 : i32
      %dma_wait3A_111 = tpu.memref_slice %arg8[%dma_wait3A, %dma_wait3A_110] : memref<128x128xf32, #tpu.memory_space<vmem>> -> memref<128x128xf32, #tpu.memory_space<vmem>>
      %dma_wait3A_112 = arith.constant 0 : i32
      %dma_wait3A_113 = tpu.memref_slice %arg9[%add3A_81, %dma_wait3A_112] : memref<10000x128xf32, #tpu.memory_space<vmem_shared>> -> memref<128x128xf32, #tpu.memory_space<vmem_shared>>
      %dma_wait3A_114 = arith.constant 0 : i32
      %dma_wait3A_115 = arith.constant 0 : i32
      %dma_wait3A_116 = tpu.memref_slice %arg8[%dma_wait3A_114, %dma_wait3A_115] : memref<128x128xf32, #tpu.memory_space<vmem>> -> memref<128x128xf32, #tpu.memory_space<vmem>>
      %dma_wait3A_117 = arith.constant 0 : i32
      %dma_wait3A_118 = tpu.memref_slice %arg9[%add3A_81, %dma_wait3A_117] : memref<10000x128xf32, #tpu.memory_space<vmem_shared>> -> memref<128x128xf32, #tpu.memory_space<vmem_shared>>
      tpu.wait_dma2 semaphore(%run_scoped3A : memref<!tpu.dma_semaphore, #tpu.memory_space<semaphore_mem>>) src(%dma_wait3A_118 : memref<128x128xf32, #tpu.memory_space<vmem_shared>>) dst(%dma_wait3A_116 : memref<128x128xf32, #tpu.memory_space<vmem>>)
      tpu.yield
    }) : () -> ()
    %add3A_82 = arith.constant 128 : i32
    %add3A_83 = arith.addi %mul3A_8, %add3A_82 : i32
    "tpu.region"() ({
      %run_scoped3A = tpu.sem_alloc : memref<!tpu.dma_semaphore, #tpu.memory_space<semaphore_mem>>
      %dma_start3A = arith.constant 0 : i32
      %dma_start3A_101 = arith.constant 0 : i32
      %dma_start3A_102 = tpu.memref_slice %arg8[%dma_start3A, %dma_start3A_101] : memref<128x128xf32, #tpu.memory_space<vmem>> -> memref<128x128xf32, #tpu.memory_space<vmem>>
      %dma_start3A_103 = arith.constant 0 : i32
      %dma_start3A_104 = tpu.memref_slice %arg5[%arg0, %add3A_83, %dma_start3A_103] : memref<2x10000x128xf32, #tpu.memory_space<hbm>> -> memref<1x128x128xf32, #tpu.memory_space<hbm>>
      %dma_start3A_105 = tpu.memref_squeeze %dma_start3A_104 : memref<1x128x128xf32, #tpu.memory_space<hbm>> -> memref<128x128xf32, #tpu.memory_space<hbm>>
      %dma_start3A_106 = arith.constant 0 : i32
      %dma_start3A_107 = tpu.memref_slice %arg5[%arg0, %add3A_83, %dma_start3A_106] : memref<2x10000x128xf32, #tpu.memory_space<hbm>> -> memref<1x128x128xf32, #tpu.memory_space<hbm>>
      %dma_start3A_108 = tpu.memref_squeeze %dma_start3A_107 : memref<1x128x128xf32, #tpu.memory_space<hbm>> -> memref<128x128xf32, #tpu.memory_space<hbm>>
      %dma_start3A_109 = arith.constant 0 : i32
      %dma_start3A_110 = arith.constant 0 : i32
      %dma_start3A_111 = tpu.memref_slice %arg8[%dma_start3A_109, %dma_start3A_110] : memref<128x128xf32, #tpu.memory_space<vmem>> -> memref<128x128xf32, #tpu.memory_space<vmem>>
      tpu.enqueue_dma source(%dma_start3A_111 : memref<128x128xf32, #tpu.memory_space<vmem>>) target(%dma_start3A_108 : memref<128x128xf32, #tpu.memory_space<hbm>>) target_semaphore(%run_scoped3A : memref<!tpu.dma_semaphore, #tpu.memory_space<semaphore_mem>>)
      %dma_wait3A = arith.constant 0 : i32
      %dma_wait3A_112 = arith.constant 0 : i32
      %dma_wait3A_113 = tpu.memref_slice %arg8[%dma_wait3A, %dma_wait3A_112] : memref<128x128xf32, #tpu.memory_space<vmem>> -> memref<128x128xf32, #tpu.memory_space<vmem>>
      %dma_wait3A_114 = arith.constant 0 : i32
      %dma_wait3A_115 = tpu.memref_slice %arg5[%arg0, %add3A_83, %dma_wait3A_114] : memref<2x10000x128xf32, #tpu.memory_space<hbm>> -> memref<1x128x128xf32, #tpu.memory_space<hbm>>
      %dma_wait3A_116 = tpu.memref_squeeze %dma_wait3A_115 : memref<1x128x128xf32, #tpu.memory_space<hbm>> -> memref<128x128xf32, #tpu.memory_space<hbm>>
      %dma_wait3A_117 = arith.constant 0 : i32
      %dma_wait3A_118 = tpu.memref_slice %arg5[%arg0, %add3A_83, %dma_wait3A_117] : memref<2x10000x128xf32, #tpu.memory_space<hbm>> -> memref<1x128x128xf32, #tpu.memory_space<hbm>>
      %dma_wait3A_119 = tpu.memref_squeeze %dma_wait3A_118 : memref<1x128x128xf32, #tpu.memory_space<hbm>> -> memref<128x128xf32, #tpu.memory_space<hbm>>
      %dma_wait3A_120 = arith.constant 0 : i32
      %dma_wait3A_121 = arith.constant 0 : i32
      %dma_wait3A_122 = tpu.memref_slice %arg8[%dma_wait3A_120, %dma_wait3A_121] : memref<128x128xf32, #tpu.memory_space<vmem>> -> memref<128x128xf32, #tpu.memory_space<vmem>>
      tpu.wait_dma2 semaphore(%run_scoped3A : memref<!tpu.dma_semaphore, #tpu.memory_space<semaphore_mem>>) src(%dma_wait3A_122 : memref<128x128xf32, #tpu.memory_space<vmem>>) dst(%dma_wait3A_119 : memref<128x128xf32, #tpu.memory_space<hbm>>)
      tpu.yield
    }) : () -> ()
    %add3A_84 = arith.constant 256 : i32
    %add3A_85 = arith.addi %mul3A_8, %add3A_84 : i32
    "tpu.region"() ({
      %run_scoped3A = tpu.sem_alloc : memref<!tpu.dma_semaphore, #tpu.memory_space<semaphore_mem>>
      %dma_start3A = arith.constant 0 : i32
      %dma_start3A_101 = arith.constant 0 : i32
      %dma_start3A_102 = tpu.memref_slice %arg8[%dma_start3A, %dma_start3A_101] : memref<128x128xf32, #tpu.memory_space<vmem>> -> memref<128x128xf32, #tpu.memory_space<vmem>>
      %dma_start3A_103 = arith.constant 0 : i32
      %dma_start3A_104 = tpu.memref_slice %arg9[%add3A_85, %dma_start3A_103] : memref<10000x128xf32, #tpu.memory_space<vmem_shared>> -> memref<128x128xf32, #tpu.memory_space<vmem_shared>>
      %dma_start3A_105 = arith.constant 0 : i32
      %dma_start3A_106 = arith.constant 0 : i32
      %dma_start3A_107 = tpu.memref_slice %arg8[%dma_start3A_105, %dma_start3A_106] : memref<128x128xf32, #tpu.memory_space<vmem>> -> memref<128x128xf32, #tpu.memory_space<vmem>>
      %dma_start3A_108 = arith.constant 0 : i32
      %dma_start3A_109 = tpu.memref_slice %arg9[%add3A_85, %dma_start3A_108] : memref<10000x128xf32, #tpu.memory_space<vmem_shared>> -> memref<128x128xf32, #tpu.memory_space<vmem_shared>>
      tpu.enqueue_dma source(%dma_start3A_109 : memref<128x128xf32, #tpu.memory_space<vmem_shared>>) target(%dma_start3A_107 : memref<128x128xf32, #tpu.memory_space<vmem>>) target_semaphore(%run_scoped3A : memref<!tpu.dma_semaphore, #tpu.memory_space<semaphore_mem>>)
      %dma_wait3A = arith.constant 0 : i32
      %dma_wait3A_110 = arith.constant 0 : i32
      %dma_wait3A_111 = tpu.memref_slice %arg8[%dma_wait3A, %dma_wait3A_110] : memref<128x128xf32, #tpu.memory_space<vmem>> -> memref<128x128xf32, #tpu.memory_space<vmem>>
      %dma_wait3A_112 = arith.constant 0 : i32
      %dma_wait3A_113 = tpu.memref_slice %arg9[%add3A_85, %dma_wait3A_112] : memref<10000x128xf32, #tpu.memory_space<vmem_shared>> -> memref<128x128xf32, #tpu.memory_space<vmem_shared>>
      %dma_wait3A_114 = arith.constant 0 : i32
      %dma_wait3A_115 = arith.constant 0 : i32
      %dma_wait3A_116 = tpu.memref_slice %arg8[%dma_wait3A_114, %dma_wait3A_115] : memref<128x128xf32, #tpu.memory_space<vmem>> -> memref<128x128xf32, #tpu.memory_space<vmem>>
      %dma_wait3A_117 = arith.constant 0 : i32
      %dma_wait3A_118 = tpu.memref_slice %arg9[%add3A_85, %dma_wait3A_117] : memref<10000x128xf32, #tpu.memory_space<vmem_shared>> -> memref<128x128xf32, #tpu.memory_space<vmem_shared>>
      tpu.wait_dma2 semaphore(%run_scoped3A : memref<!tpu.dma_semaphore, #tpu.memory_space<semaphore_mem>>) src(%dma_wait3A_118 : memref<128x128xf32, #tpu.memory_space<vmem_shared>>) dst(%dma_wait3A_116 : memref<128x128xf32, #tpu.memory_space<vmem>>)
      tpu.yield
    }) : () -> ()
    %add3A_86 = arith.constant 256 : i32
    %add3A_87 = arith.addi %mul3A_8, %add3A_86 : i32
    "tpu.region"() ({
      %run_scoped3A = tpu.sem_alloc : memref<!tpu.dma_semaphore, #tpu.memory_space<semaphore_mem>>
      %dma_start3A = arith.constant 0 : i32
      %dma_start3A_101 = arith.constant 0 : i32
      %dma_start3A_102 = tpu.memref_slice %arg8[%dma_start3A, %dma_start3A_101] : memref<128x128xf32, #tpu.memory_space<vmem>> -> memref<128x128xf32, #tpu.memory_space<vmem>>
      %dma_start3A_103 = arith.constant 0 : i32
      %dma_start3A_104 = tpu.memref_slice %arg5[%arg0, %add3A_87, %dma_start3A_103] : memref<2x10000x128xf32, #tpu.memory_space<hbm>> -> memref<1x128x128xf32, #tpu.memory_space<hbm>>
      %dma_start3A_105 = tpu.memref_squeeze %dma_start3A_104 : memref<1x128x128xf32, #tpu.memory_space<hbm>> -> memref<128x128xf32, #tpu.memory_space<hbm>>
      %dma_start3A_106 = arith.constant 0 : i32
      %dma_start3A_107 = tpu.memref_slice %arg5[%arg0, %add3A_87, %dma_start3A_106] : memref<2x10000x128xf32, #tpu.memory_space<hbm>> -> memref<1x128x128xf32, #tpu.memory_space<hbm>>
      %dma_start3A_108 = tpu.memref_squeeze %dma_start3A_107 : memref<1x128x128xf32, #tpu.memory_space<hbm>> -> memref<128x128xf32, #tpu.memory_space<hbm>>
      %dma_start3A_109 = arith.constant 0 : i32
      %dma_start3A_110 = arith.constant 0 : i32
      %dma_start3A_111 = tpu.memref_slice %arg8[%dma_start3A_109, %dma_start3A_110] : memref<128x128xf32, #tpu.memory_space<vmem>> -> memref<128x128xf32, #tpu.memory_space<vmem>>
      tpu.enqueue_dma source(%dma_start3A_111 : memref<128x128xf32, #tpu.memory_space<vmem>>) target(%dma_start3A_108 : memref<128x128xf32, #tpu.memory_space<hbm>>) target_semaphore(%run_scoped3A : memref<!tpu.dma_semaphore, #tpu.memory_space<semaphore_mem>>)
      %dma_wait3A = arith.constant 0 : i32
      %dma_wait3A_112 = arith.constant 0 : i32
      %dma_wait3A_113 = tpu.memref_slice %arg8[%dma_wait3A, %dma_wait3A_112] : memref<128x128xf32, #tpu.memory_space<vmem>> -> memref<128x128xf32, #tpu.memory_space<vmem>>
      %dma_wait3A_114 = arith.constant 0 : i32
      %dma_wait3A_115 = tpu.memref_slice %arg5[%arg0, %add3A_87, %dma_wait3A_114] : memref<2x10000x128xf32, #tpu.memory_space<hbm>> -> memref<1x128x128xf32, #tpu.memory_space<hbm>>
      %dma_wait3A_116 = tpu.memref_squeeze %dma_wait3A_115 : memref<1x128x128xf32, #tpu.memory_space<hbm>> -> memref<128x128xf32, #tpu.memory_space<hbm>>
      %dma_wait3A_117 = arith.constant 0 : i32
      %dma_wait3A_118 = tpu.memref_slice %arg5[%arg0, %add3A_87, %dma_wait3A_117] : memref<2x10000x128xf32, #tpu.memory_space<hbm>> -> memref<1x128x128xf32, #tpu.memory_space<hbm>>
      %dma_wait3A_119 = tpu.memref_squeeze %dma_wait3A_118 : memref<1x128x128xf32, #tpu.memory_space<hbm>> -> memref<128x128xf32, #tpu.memory_space<hbm>>
      %dma_wait3A_120 = arith.constant 0 : i32
      %dma_wait3A_121 = arith.constant 0 : i32
      %dma_wait3A_122 = tpu.memref_slice %arg8[%dma_wait3A_120, %dma_wait3A_121] : memref<128x128xf32, #tpu.memory_space<vmem>> -> memref<128x128xf32, #tpu.memory_space<vmem>>
      tpu.wait_dma2 semaphore(%run_scoped3A : memref<!tpu.dma_semaphore, #tpu.memory_space<semaphore_mem>>) src(%dma_wait3A_122 : memref<128x128xf32, #tpu.memory_space<vmem>>) dst(%dma_wait3A_119 : memref<128x128xf32, #tpu.memory_space<hbm>>)
      tpu.yield
    }) : () -> ()
    %add3A_88 = arith.constant 384 : i32
    %add3A_89 = arith.addi %mul3A_8, %add3A_88 : i32
    "tpu.region"() ({
      %run_scoped3A = tpu.sem_alloc : memref<!tpu.dma_semaphore, #tpu.memory_space<semaphore_mem>>
      %dma_start3A = arith.constant 0 : i32
      %dma_start3A_101 = arith.constant 0 : i32
      %dma_start3A_102 = tpu.memref_slice %arg8[%dma_start3A, %dma_start3A_101] : memref<128x128xf32, #tpu.memory_space<vmem>> -> memref<128x128xf32, #tpu.memory_space<vmem>>
      %dma_start3A_103 = arith.constant 0 : i32
      %dma_start3A_104 = tpu.memref_slice %arg9[%add3A_89, %dma_start3A_103] : memref<10000x128xf32, #tpu.memory_space<vmem_shared>> -> memref<128x128xf32, #tpu.memory_space<vmem_shared>>
      %dma_start3A_105 = arith.constant 0 : i32
      %dma_start3A_106 = arith.constant 0 : i32
      %dma_start3A_107 = tpu.memref_slice %arg8[%dma_start3A_105, %dma_start3A_106] : memref<128x128xf32, #tpu.memory_space<vmem>> -> memref<128x128xf32, #tpu.memory_space<vmem>>
      %dma_start3A_108 = arith.constant 0 : i32
      %dma_start3A_109 = tpu.memref_slice %arg9[%add3A_89, %dma_start3A_108] : memref<10000x128xf32, #tpu.memory_space<vmem_shared>> -> memref<128x128xf32, #tpu.memory_space<vmem_shared>>
      tpu.enqueue_dma source(%dma_start3A_109 : memref<128x128xf32, #tpu.memory_space<vmem_shared>>) target(%dma_start3A_107 : memref<128x128xf32, #tpu.memory_space<vmem>>) target_semaphore(%run_scoped3A : memref<!tpu.dma_semaphore, #tpu.memory_space<semaphore_mem>>)
      %dma_wait3A = arith.constant 0 : i32
      %dma_wait3A_110 = arith.constant 0 : i32
      %dma_wait3A_111 = tpu.memref_slice %arg8[%dma_wait3A, %dma_wait3A_110] : memref<128x128xf32, #tpu.memory_space<vmem>> -> memref<128x128xf32, #tpu.memory_space<vmem>>
      %dma_wait3A_112 = arith.constant 0 : i32
      %dma_wait3A_113 = tpu.memref_slice %arg9[%add3A_89, %dma_wait3A_112] : memref<10000x128xf32, #tpu.memory_space<vmem_shared>> -> memref<128x128xf32, #tpu.memory_space<vmem_shared>>
      %dma_wait3A_114 = arith.constant 0 : i32
      %dma_wait3A_115 = arith.constant 0 : i32
      %dma_wait3A_116 = tpu.memref_slice %arg8[%dma_wait3A_114, %dma_wait3A_115] : memref<128x128xf32, #tpu.memory_space<vmem>> -> memref<128x128xf32, #tpu.memory_space<vmem>>
      %dma_wait3A_117 = arith.constant 0 : i32
      %dma_wait3A_118 = tpu.memref_slice %arg9[%add3A_89, %dma_wait3A_117] : memref<10000x128xf32, #tpu.memory_space<vmem_shared>> -> memref<128x128xf32, #tpu.memory_space<vmem_shared>>
      tpu.wait_dma2 semaphore(%run_scoped3A : memref<!tpu.dma_semaphore, #tpu.memory_space<semaphore_mem>>) src(%dma_wait3A_118 : memref<128x128xf32, #tpu.memory_space<vmem_shared>>) dst(%dma_wait3A_116 : memref<128x128xf32, #tpu.memory_space<vmem>>)
      tpu.yield
    }) : () -> ()
    %add3A_90 = arith.constant 384 : i32
    %add3A_91 = arith.addi %mul3A_8, %add3A_90 : i32
    "tpu.region"() ({
      %run_scoped3A = tpu.sem_alloc : memref<!tpu.dma_semaphore, #tpu.memory_space<semaphore_mem>>
      %dma_start3A = arith.constant 0 : i32
      %dma_start3A_101 = arith.constant 0 : i32
      %dma_start3A_102 = tpu.memref_slice %arg8[%dma_start3A, %dma_start3A_101] : memref<128x128xf32, #tpu.memory_space<vmem>> -> memref<128x128xf32, #tpu.memory_space<vmem>>
      %dma_start3A_103 = arith.constant 0 : i32
      %dma_start3A_104 = tpu.memref_slice %arg5[%arg0, %add3A_91, %dma_start3A_103] : memref<2x10000x128xf32, #tpu.memory_space<hbm>> -> memref<1x128x128xf32, #tpu.memory_space<hbm>>
      %dma_start3A_105 = tpu.memref_squeeze %dma_start3A_104 : memref<1x128x128xf32, #tpu.memory_space<hbm>> -> memref<128x128xf32, #tpu.memory_space<hbm>>
      %dma_start3A_106 = arith.constant 0 : i32
      %dma_start3A_107 = tpu.memref_slice %arg5[%arg0, %add3A_91, %dma_start3A_106] : memref<2x10000x128xf32, #tpu.memory_space<hbm>> -> memref<1x128x128xf32, #tpu.memory_space<hbm>>
      %dma_start3A_108 = tpu.memref_squeeze %dma_start3A_107 : memref<1x128x128xf32, #tpu.memory_space<hbm>> -> memref<128x128xf32, #tpu.memory_space<hbm>>
      %dma_start3A_109 = arith.constant 0 : i32
      %dma_start3A_110 = arith.constant 0 : i32
      %dma_start3A_111 = tpu.memref_slice %arg8[%dma_start3A_109, %dma_start3A_110] : memref<128x128xf32, #tpu.memory_space<vmem>> -> memref<128x128xf32, #tpu.memory_space<vmem>>
      tpu.enqueue_dma source(%dma_start3A_111 : memref<128x128xf32, #tpu.memory_space<vmem>>) target(%dma_start3A_108 : memref<128x128xf32, #tpu.memory_space<hbm>>) target_semaphore(%run_scoped3A : memref<!tpu.dma_semaphore, #tpu.memory_space<semaphore_mem>>)
      %dma_wait3A = arith.constant 0 : i32
      %dma_wait3A_112 = arith.constant 0 : i32
      %dma_wait3A_113 = tpu.memref_slice %arg8[%dma_wait3A, %dma_wait3A_112] : memref<128x128xf32, #tpu.memory_space<vmem>> -> memref<128x128xf32, #tpu.memory_space<vmem>>
      %dma_wait3A_114 = arith.constant 0 : i32
      %dma_wait3A_115 = tpu.memref_slice %arg5[%arg0, %add3A_91, %dma_wait3A_114] : memref<2x10000x128xf32, #tpu.memory_space<hbm>> -> memref<1x128x128xf32, #tpu.memory_space<hbm>>
      %dma_wait3A_116 = tpu.memref_squeeze %dma_wait3A_115 : memref<1x128x128xf32, #tpu.memory_space<hbm>> -> memref<128x128xf32, #tpu.memory_space<hbm>>
      %dma_wait3A_117 = arith.constant 0 : i32
      %dma_wait3A_118 = tpu.memref_slice %arg5[%arg0, %add3A_91, %dma_wait3A_117] : memref<2x10000x128xf32, #tpu.memory_space<hbm>> -> memref<1x128x128xf32, #tpu.memory_space<hbm>>
      %dma_wait3A_119 = tpu.memref_squeeze %dma_wait3A_118 : memref<1x128x128xf32, #tpu.memory_space<hbm>> -> memref<128x128xf32, #tpu.memory_space<hbm>>
      %dma_wait3A_120 = arith.constant 0 : i32
      %dma_wait3A_121 = arith.constant 0 : i32
      %dma_wait3A_122 = tpu.memref_slice %arg8[%dma_wait3A_120, %dma_wait3A_121] : memref<128x128xf32, #tpu.memory_space<vmem>> -> memref<128x128xf32, #tpu.memory_space<vmem>>
      tpu.wait_dma2 semaphore(%run_scoped3A : memref<!tpu.dma_semaphore, #tpu.memory_space<semaphore_mem>>) src(%dma_wait3A_122 : memref<128x128xf32, #tpu.memory_space<vmem>>) dst(%dma_wait3A_119 : memref<128x128xf32, #tpu.memory_space<hbm>>)
      tpu.yield
    }) : () -> ()
    %add3A_92 = arith.constant 512 : i32
    %add3A_93 = arith.addi %mul3A_8, %add3A_92 : i32
    "tpu.region"() ({
      %run_scoped3A = tpu.sem_alloc : memref<!tpu.dma_semaphore, #tpu.memory_space<semaphore_mem>>
      %dma_start3A = arith.constant 0 : i32
      %dma_start3A_101 = arith.constant 0 : i32
      %dma_start3A_102 = tpu.memref_slice %arg8[%dma_start3A, %dma_start3A_101] : memref<128x128xf32, #tpu.memory_space<vmem>> -> memref<112x128xf32, #tpu.memory_space<vmem>>
      %dma_start3A_103 = arith.constant 0 : i32
      %dma_start3A_104 = tpu.memref_slice %arg9[%add3A_93, %dma_start3A_103] : memref<10000x128xf32, #tpu.memory_space<vmem_shared>> -> memref<112x128xf32, #tpu.memory_space<vmem_shared>>
      %dma_start3A_105 = arith.constant 0 : i32
      %dma_start3A_106 = arith.constant 0 : i32
      %dma_start3A_107 = tpu.memref_slice %arg8[%dma_start3A_105, %dma_start3A_106] : memref<128x128xf32, #tpu.memory_space<vmem>> -> memref<112x128xf32, #tpu.memory_space<vmem>>
      %dma_start3A_108 = arith.constant 0 : i32
      %dma_start3A_109 = tpu.memref_slice %arg9[%add3A_93, %dma_start3A_108] : memref<10000x128xf32, #tpu.memory_space<vmem_shared>> -> memref<112x128xf32, #tpu.memory_space<vmem_shared>>
      tpu.enqueue_dma source(%dma_start3A_109 : memref<112x128xf32, #tpu.memory_space<vmem_shared>>) target(%dma_start3A_107 : memref<112x128xf32, #tpu.memory_space<vmem>>) target_semaphore(%run_scoped3A : memref<!tpu.dma_semaphore, #tpu.memory_space<semaphore_mem>>)
      %dma_wait3A = arith.constant 0 : i32
      %dma_wait3A_110 = arith.constant 0 : i32
      %dma_wait3A_111 = tpu.memref_slice %arg8[%dma_wait3A, %dma_wait3A_110] : memref<128x128xf32, #tpu.memory_space<vmem>> -> memref<112x128xf32, #tpu.memory_space<vmem>>
      %dma_wait3A_112 = arith.constant 0 : i32
      %dma_wait3A_113 = tpu.memref_slice %arg9[%add3A_93, %dma_wait3A_112] : memref<10000x128xf32, #tpu.memory_space<vmem_shared>> -> memref<112x128xf32, #tpu.memory_space<vmem_shared>>
      %dma_wait3A_114 = arith.constant 0 : i32
      %dma_wait3A_115 = arith.constant 0 : i32
      %dma_wait3A_116 = tpu.memref_slice %arg8[%dma_wait3A_114, %dma_wait3A_115] : memref<128x128xf32, #tpu.memory_space<vmem>> -> memref<112x128xf32, #tpu.memory_space<vmem>>
      %dma_wait3A_117 = arith.constant 0 : i32
      %dma_wait3A_118 = tpu.memref_slice %arg9[%add3A_93, %dma_wait3A_117] : memref<10000x128xf32, #tpu.memory_space<vmem_shared>> -> memref<112x128xf32, #tpu.memory_space<vmem_shared>>
      tpu.wait_dma2 semaphore(%run_scoped3A : memref<!tpu.dma_semaphore, #tpu.memory_space<semaphore_mem>>) src(%dma_wait3A_118 : memref<112x128xf32, #tpu.memory_space<vmem_shared>>) dst(%dma_wait3A_116 : memref<112x128xf32, #tpu.memory_space<vmem>>)
      tpu.yield
    }) : () -> ()
    %add3A_94 = arith.constant 512 : i32
    %add3A_95 = arith.addi %mul3A_8, %add3A_94 : i32
    "tpu.region"() ({
      %run_scoped3A = tpu.sem_alloc : memref<!tpu.dma_semaphore, #tpu.memory_space<semaphore_mem>>
      %dma_start3A = arith.constant 0 : i32
      %dma_start3A_101 = arith.constant 0 : i32
      %dma_start3A_102 = tpu.memref_slice %arg8[%dma_start3A, %dma_start3A_101] : memref<128x128xf32, #tpu.memory_space<vmem>> -> memref<112x128xf32, #tpu.memory_space<vmem>>
      %dma_start3A_103 = arith.constant 0 : i32
      %dma_start3A_104 = tpu.memref_slice %arg5[%arg0, %add3A_95, %dma_start3A_103] : memref<2x10000x128xf32, #tpu.memory_space<hbm>> -> memref<1x112x128xf32, #tpu.memory_space<hbm>>
      %dma_start3A_105 = tpu.memref_squeeze %dma_start3A_104 : memref<1x112x128xf32, #tpu.memory_space<hbm>> -> memref<112x128xf32, #tpu.memory_space<hbm>>
      %dma_start3A_106 = arith.constant 0 : i32
      %dma_start3A_107 = tpu.memref_slice %arg5[%arg0, %add3A_95, %dma_start3A_106] : memref<2x10000x128xf32, #tpu.memory_space<hbm>> -> memref<1x112x128xf32, #tpu.memory_space<hbm>>
      %dma_start3A_108 = tpu.memref_squeeze %dma_start3A_107 : memref<1x112x128xf32, #tpu.memory_space<hbm>> -> memref<112x128xf32, #tpu.memory_space<hbm>>
      %dma_start3A_109 = arith.constant 0 : i32
      %dma_start3A_110 = arith.constant 0 : i32
      %dma_start3A_111 = tpu.memref_slice %arg8[%dma_start3A_109, %dma_start3A_110] : memref<128x128xf32, #tpu.memory_space<vmem>> -> memref<112x128xf32, #tpu.memory_space<vmem>>
      tpu.enqueue_dma source(%dma_start3A_111 : memref<112x128xf32, #tpu.memory_space<vmem>>) target(%dma_start3A_108 : memref<112x128xf32, #tpu.memory_space<hbm>>) target_semaphore(%run_scoped3A : memref<!tpu.dma_semaphore, #tpu.memory_space<semaphore_mem>>)
      %dma_wait3A = arith.constant 0 : i32
      %dma_wait3A_112 = arith.constant 0 : i32
      %dma_wait3A_113 = tpu.memref_slice %arg8[%dma_wait3A, %dma_wait3A_112] : memref<128x128xf32, #tpu.memory_space<vmem>> -> memref<112x128xf32, #tpu.memory_space<vmem>>
      %dma_wait3A_114 = arith.constant 0 : i32
      %dma_wait3A_115 = tpu.memref_slice %arg5[%arg0, %add3A_95, %dma_wait3A_114] : memref<2x10000x128xf32, #tpu.memory_space<hbm>> -> memref<1x112x128xf32, #tpu.memory_space<hbm>>
      %dma_wait3A_116 = tpu.memref_squeeze %dma_wait3A_115 : memref<1x112x128xf32, #tpu.memory_space<hbm>> -> memref<112x128xf32, #tpu.memory_space<hbm>>
      %dma_wait3A_117 = arith.constant 0 : i32
      %dma_wait3A_118 = tpu.memref_slice %arg5[%arg0, %add3A_95, %dma_wait3A_117] : memref<2x10000x128xf32, #tpu.memory_space<hbm>> -> memref<1x112x128xf32, #tpu.memory_space<hbm>>
      %dma_wait3A_119 = tpu.memref_squeeze %dma_wait3A_118 : memref<1x112x128xf32, #tpu.memory_space<hbm>> -> memref<112x128xf32, #tpu.memory_space<hbm>>
      %dma_wait3A_120 = arith.constant 0 : i32
      %dma_wait3A_121 = arith.constant 0 : i32
      %dma_wait3A_122 = tpu.memref_slice %arg8[%dma_wait3A_120, %dma_wait3A_121] : memref<128x128xf32, #tpu.memory_space<vmem>> -> memref<112x128xf32, #tpu.memory_space<vmem>>
      tpu.wait_dma2 semaphore(%run_scoped3A : memref<!tpu.dma_semaphore, #tpu.memory_space<semaphore_mem>>) src(%dma_wait3A_122 : memref<112x128xf32, #tpu.memory_space<vmem>>) dst(%dma_wait3A_119 : memref<112x128xf32, #tpu.memory_space<hbm>>)
      tpu.yield
    }) : () -> ()
    %eq3A_96 = arith.constant 15 : i32
    %eq3A_97 = arith.cmpi eq, %arg1, %eq3A_96 : i32
    %convert_element_type3A_98 = arith.extui %eq3A_97 : i1 to i32
    %cond3A_99 = arith.constant 0 : i32
    %cond3A_100 = arith.cmpi ne, %convert_element_type3A_98, %cond3A_99 : i32
    scf.if %cond3A_100 {
      "tpu.region"() ({
        %run_scoped3A = tpu.sem_alloc : memref<!tpu.dma_semaphore, #tpu.memory_space<semaphore_mem>>
        %dma_start3A = arith.constant 0 : i32
        %dma_start3A_101 = arith.constant 0 : i32
        %dma_start3A_102 = tpu.memref_slice %arg8[%dma_start3A, %dma_start3A_101] : memref<128x128xf32, #tpu.memory_space<vmem>> -> memref<16x128xf32, #tpu.memory_space<vmem>>
        %dma_start3A_103 = arith.constant 9984 : i32
        %dma_start3A_104 = arith.constant 0 : i32
        %dma_start3A_105 = tpu.memref_slice %arg9[%dma_start3A_103, %dma_start3A_104] : memref<10000x128xf32, #tpu.memory_space<vmem_shared>> -> memref<16x128xf32, #tpu.memory_space<vmem_shared>>
        %dma_start3A_106 = arith.constant 0 : i32
        %dma_start3A_107 = arith.constant 0 : i32
        %dma_start3A_108 = tpu.memref_slice %arg8[%dma_start3A_106, %dma_start3A_107] : memref<128x128xf32, #tpu.memory_space<vmem>> -> memref<16x128xf32, #tpu.memory_space<vmem>>
        %dma_start3A_109 = arith.constant 9984 : i32
        %dma_start3A_110 = arith.constant 0 : i32
        %dma_start3A_111 = tpu.memref_slice %arg9[%dma_start3A_109, %dma_start3A_110] : memref<10000x128xf32, #tpu.memory_space<vmem_shared>> -> memref<16x128xf32, #tpu.memory_space<vmem_shared>>
        tpu.enqueue_dma source(%dma_start3A_111 : memref<16x128xf32, #tpu.memory_space<vmem_shared>>) target(%dma_start3A_108 : memref<16x128xf32, #tpu.memory_space<vmem>>) target_semaphore(%run_scoped3A : memref<!tpu.dma_semaphore, #tpu.memory_space<semaphore_mem>>)
        %dma_wait3A = arith.constant 0 : i32
        %dma_wait3A_112 = arith.constant 0 : i32
        %dma_wait3A_113 = tpu.memref_slice %arg8[%dma_wait3A, %dma_wait3A_112] : memref<128x128xf32, #tpu.memory_space<vmem>> -> memref<16x128xf32, #tpu.memory_space<vmem>>
        %dma_wait3A_114 = arith.constant 9984 : i32
        %dma_wait3A_115 = arith.constant 0 : i32
        %dma_wait3A_116 = tpu.memref_slice %arg9[%dma_wait3A_114, %dma_wait3A_115] : memref<10000x128xf32, #tpu.memory_space<vmem_shared>> -> memref<16x128xf32, #tpu.memory_space<vmem_shared>>
        %dma_wait3A_117 = arith.constant 0 : i32
        %dma_wait3A_118 = arith.constant 0 : i32
        %dma_wait3A_119 = tpu.memref_slice %arg8[%dma_wait3A_117, %dma_wait3A_118] : memref<128x128xf32, #tpu.memory_space<vmem>> -> memref<16x128xf32, #tpu.memory_space<vmem>>
        %dma_wait3A_120 = arith.constant 9984 : i32
        %dma_wait3A_121 = arith.constant 0 : i32
        %dma_wait3A_122 = tpu.memref_slice %arg9[%dma_wait3A_120, %dma_wait3A_121] : memref<10000x128xf32, #tpu.memory_space<vmem_shared>> -> memref<16x128xf32, #tpu.memory_space<vmem_shared>>
        tpu.wait_dma2 semaphore(%run_scoped3A : memref<!tpu.dma_semaphore, #tpu.memory_space<semaphore_mem>>) src(%dma_wait3A_122 : memref<16x128xf32, #tpu.memory_space<vmem_shared>>) dst(%dma_wait3A_119 : memref<16x128xf32, #tpu.memory_space<vmem>>)
        tpu.yield
      }) : () -> ()
      "tpu.region"() ({
        %run_scoped3A = tpu.sem_alloc : memref<!tpu.dma_semaphore, #tpu.memory_space<semaphore_mem>>
        %dma_start3A = arith.constant 0 : i32
        %dma_start3A_101 = arith.constant 0 : i32
        %dma_start3A_102 = tpu.memref_slice %arg8[%dma_start3A, %dma_start3A_101] : memref<128x128xf32, #tpu.memory_space<vmem>> -> memref<16x128xf32, #tpu.memory_space<vmem>>
        %dma_start3A_103 = arith.constant 9984 : i32
        %dma_start3A_104 = arith.constant 0 : i32
        %dma_start3A_105 = tpu.memref_slice %arg5[%arg0, %dma_start3A_103, %dma_start3A_104] : memref<2x10000x128xf32, #tpu.memory_space<hbm>> -> memref<1x16x128xf32, #tpu.memory_space<hbm>>
        %dma_start3A_106 = tpu.memref_squeeze %dma_start3A_105 : memref<1x16x128xf32, #tpu.memory_space<hbm>> -> memref<16x128xf32, #tpu.memory_space<hbm>>
        %dma_start3A_107 = arith.constant 9984 : i32
        %dma_start3A_108 = arith.constant 0 : i32
        %dma_start3A_109 = tpu.memref_slice %arg5[%arg0, %dma_start3A_107, %dma_start3A_108] : memref<2x10000x128xf32, #tpu.memory_space<hbm>> -> memref<1x16x128xf32, #tpu.memory_space<hbm>>
        %dma_start3A_110 = tpu.memref_squeeze %dma_start3A_109 : memref<1x16x128xf32, #tpu.memory_space<hbm>> -> memref<16x128xf32, #tpu.memory_space<hbm>>
        %dma_start3A_111 = arith.constant 0 : i32
        %dma_start3A_112 = arith.constant 0 : i32
        %dma_start3A_113 = tpu.memref_slice %arg8[%dma_start3A_111, %dma_start3A_112] : memref<128x128xf32, #tpu.memory_space<vmem>> -> memref<16x128xf32, #tpu.memory_space<vmem>>
        tpu.enqueue_dma source(%dma_start3A_113 : memref<16x128xf32, #tpu.memory_space<vmem>>) target(%dma_start3A_110 : memref<16x128xf32, #tpu.memory_space<hbm>>) target_semaphore(%run_scoped3A : memref<!tpu.dma_semaphore, #tpu.memory_space<semaphore_mem>>)
        %dma_wait3A = arith.constant 0 : i32
        %dma_wait3A_114 = arith.constant 0 : i32
        %dma_wait3A_115 = tpu.memref_slice %arg8[%dma_wait3A, %dma_wait3A_114] : memref<128x128xf32, #tpu.memory_space<vmem>> -> memref<16x128xf32, #tpu.memory_space<vmem>>
        %dma_wait3A_116 = arith.constant 9984 : i32
        %dma_wait3A_117 = arith.constant 0 : i32
        %dma_wait3A_118 = tpu.memref_slice %arg5[%arg0, %dma_wait3A_116, %dma_wait3A_117] : memref<2x10000x128xf32, #tpu.memory_space<hbm>> -> memref<1x16x128xf32, #tpu.memory_space<hbm>>
        %dma_wait3A_119 = tpu.memref_squeeze %dma_wait3A_118 : memref<1x16x128xf32, #tpu.memory_space<hbm>> -> memref<16x128xf32, #tpu.memory_space<hbm>>
        %dma_wait3A_120 = arith.constant 9984 : i32
        %dma_wait3A_121 = arith.constant 0 : i32
        %dma_wait3A_122 = tpu.memref_slice %arg5[%arg0, %dma_wait3A_120, %dma_wait3A_121] : memref<2x10000x128xf32, #tpu.memory_space<hbm>> -> memref<1x16x128xf32, #tpu.memory_space<hbm>>
        %dma_wait3A_123 = tpu.memref_squeeze %dma_wait3A_122 : memref<1x16x128xf32, #tpu.memory_space<hbm>> -> memref<16x128xf32, #tpu.memory_space<hbm>>
        %dma_wait3A_124 = arith.constant 0 : i32
        %dma_wait3A_125 = arith.constant 0 : i32
        %dma_wait3A_126 = tpu.memref_slice %arg8[%dma_wait3A_124, %dma_wait3A_125] : memref<128x128xf32, #tpu.memory_space<vmem>> -> memref<16x128xf32, #tpu.memory_space<vmem>>
        tpu.wait_dma2 semaphore(%run_scoped3A : memref<!tpu.dma_semaphore, #tpu.memory_space<semaphore_mem>>) src(%dma_wait3A_126 : memref<16x128xf32, #tpu.memory_space<vmem>>) dst(%dma_wait3A_123 : memref<16x128xf32, #tpu.memory_space<hbm>>)
        tpu.yield
      }) : () -> ()
    } else {
    }
    return
  }
}

module attributes {stable_mosaic.version = 14 : i64} {
  func.func @body(%arg0: i32, %arg1: memref<2x1000x128xf32, #tpu.memory_space<vmem>>, %arg2: memref<1000x1xf32, #tpu.memory_space<vmem>>, %arg3: memref<1000x1xf32, #tpu.memory_space<vmem>>, %arg4: memref<1000x128xf32, #tpu.memory_space<vmem>>, %arg5: memref<128x128xf32, #tpu.memory_space<vmem>>, %arg6: memref<128x128xf32, #tpu.memory_space<vmem>>, %arg7: memref<1x128xf32, #tpu.memory_space<vmem>>, %arg8: memref<1000x128xf32, #tpu.memory_space<vmem>>) attributes {dimension_semantics = [#tpu.dimension_semantics<arbitrary>], iteration_bounds = array<i64: 10>, scalar_prefetch = 0 : i64, scratch_operands = 0 : i64, tpu.core_type = #tpu.core_type<tc>, window_params = [{transform_indices = @transform_0, window_bounds = array<i64: 2, 1000, 128>}, {transform_indices = @transform_1, window_bounds = array<i64: 1000, 1>}, {transform_indices = @transform_2, window_bounds = array<i64: 1000, 1>}, {transform_indices = @transform_3, window_bounds = array<i64: 1000, 128>}, {pipeline_mode = #tpu.pipeline_mode<synchronous>, transform_indices = @transform_4, window_bounds = array<i64: 128, 128>}, {pipeline_mode = #tpu.pipeline_mode<synchronous>, transform_indices = @transform_5, window_bounds = array<i64: 128, 128>}, {pipeline_mode = #tpu.pipeline_mode<synchronous>, transform_indices = @transform_6, window_bounds = array<i64: 1, 128>}, {transform_indices = @transform_7, window_bounds = array<i64: 1000, 128>}]} {
    %get3A = arith.constant 0 : index
    %get3A_0 = arith.constant 0 : index
    %get3A_1 = arith.constant 0 : index
    %get3A_2 = vector.load %arg1[%get3A, %get3A_0, %get3A_1] : memref<2x1000x128xf32, #tpu.memory_space<vmem>>, vector<1x1000x128xf32>
    %get3A_3 = vector.shape_cast %get3A_2 : vector<1x1000x128xf32> to vector<1000x128xf32>
    %get3A_4 = arith.constant 1 : index
    %get3A_5 = arith.constant 0 : index
    %get3A_6 = arith.constant 0 : index
    %get3A_7 = vector.load %arg1[%get3A_4, %get3A_5, %get3A_6] : memref<2x1000x128xf32, #tpu.memory_space<vmem>>, vector<1x1000x128xf32>
    %get3A_8 = vector.shape_cast %get3A_7 : vector<1x1000x128xf32> to vector<1000x128xf32>
    %add3A = arith.addf %get3A_3, %get3A_8 : vector<1000x128xf32>
    %get3A_9 = arith.constant 0 : index
    %get3A_10 = arith.constant 0 : index
    %get3A_11 = vector.load %arg2[%get3A_9, %get3A_10] : memref<1000x1xf32, #tpu.memory_space<vmem>>, vector<1000x1xf32>
    %get3A_12 = arith.constant 0 : index
    %get3A_13 = arith.constant 0 : index
    %get3A_14 = vector.load %arg3[%get3A_12, %get3A_13] : memref<1000x1xf32, #tpu.memory_space<vmem>>, vector<1000x1xf32>
    %add3A_15 = arith.addf %get3A_11, %get3A_14 : vector<1000x1xf32>
    %max3A = arith.constant 1.000000e+00 : f32
    %max3A_16 = vector.broadcast %max3A : f32 to vector<1000x1xf32>
    %max3A_17 = arith.maximumf %add3A_15, %max3A_16 : vector<1000x1xf32>
    %div3A = vector.broadcast %max3A_17 : vector<1000x1xf32> to vector<1000x128xf32>
    %div3A_18 = arith.divf %add3A, %div3A : vector<1000x128xf32>
    %get3A_19 = arith.constant 0 : index
    %get3A_20 = arith.constant 0 : index
    %get3A_21 = vector.load %arg5[%get3A_19, %get3A_20] : memref<128x128xf32, #tpu.memory_space<vmem>>, vector<128x128xf32>
    %dot_general3A = arith.constant dense<0.000000e+00> : vector<1000x128xf32>
    %dot_general3A_22 = tpu.matmul %div3A_18, %get3A_21, %dot_general3A {dimension_numbers = #tpu.dot_dimension_numbers<[1], [0], [0], [1], [0, 0, 1, 1], [], []>, transpose_lhs_hint = false} : vector<1000x128xf32>, vector<128x128xf32>, vector<1000x128xf32> -> vector<1000x128xf32>
    %get3A_23 = arith.constant 0 : index
    %get3A_24 = arith.constant 0 : index
    %get3A_25 = vector.load %arg4[%get3A_23, %get3A_24] : memref<1000x128xf32, #tpu.memory_space<vmem>>, vector<1000x128xf32>
    %get3A_26 = arith.constant 0 : index
    %get3A_27 = arith.constant 0 : index
    %get3A_28 = vector.load %arg6[%get3A_26, %get3A_27] : memref<128x128xf32, #tpu.memory_space<vmem>>, vector<128x128xf32>
    %dot_general3A_29 = arith.constant dense<0.000000e+00> : vector<1000x128xf32>
    %dot_general3A_30 = tpu.matmul %get3A_25, %get3A_28, %dot_general3A_29 {dimension_numbers = #tpu.dot_dimension_numbers<[1], [0], [0], [1], [0, 0, 1, 1], [], []>, transpose_lhs_hint = false} : vector<1000x128xf32>, vector<128x128xf32>, vector<1000x128xf32> -> vector<1000x128xf32>
    %add3A_31 = arith.addf %dot_general3A_22, %dot_general3A_30 : vector<1000x128xf32>
    %get3A_32 = arith.constant 0 : index
    %get3A_33 = arith.constant 0 : index
    %get3A_34 = vector.load %arg7[%get3A_32, %get3A_33] : memref<1x128xf32, #tpu.memory_space<vmem>>, vector<1x128xf32>
    %add3A_35 = vector.broadcast %get3A_34 : vector<1x128xf32> to vector<1000x128xf32>
    %add3A_36 = arith.addf %add3A_31, %add3A_35 : vector<1000x128xf32>
    %max3A_37 = arith.constant 0.000000e+00 : f32
    %max3A_38 = vector.broadcast %max3A_37 : f32 to vector<1000x128xf32>
    %max3A_39 = arith.maximumf %add3A_36, %max3A_38 : vector<1000x128xf32>
    %swap3A = arith.constant 0 : index
    %swap3A_40 = arith.constant 0 : index
    %swap3A_41 = vector.load %arg8[%swap3A, %swap3A_40] : memref<1000x128xf32, #tpu.memory_space<vmem>>, vector<1000x128xf32>
    tpu.vector_store %arg8[%swap3A, %swap3A_40], %max3A_39 {strides = array<i32>} : memref<1000x128xf32, #tpu.memory_space<vmem>>, vector<1000x128xf32>,
    return
  }
  func.func @transform_0(%arg0: i32) -> (i32, i32, i32) {
    %c0_i32 = arith.constant 0 : i32
    %c0_i32_0 = arith.constant 0 : i32
    %c0_i32_1 = arith.constant 0 : i32
    return %c0_i32, %arg0, %c0_i32_0 : i32, i32, i32
  }
  func.func @transform_1(%arg0: i32) -> (i32, i32) {
    %c0_i32 = arith.constant 0 : i32
    %c0_i32_0 = arith.constant 0 : i32
    return %arg0, %c0_i32 : i32, i32
  }
  func.func @transform_2(%arg0: i32) -> (i32, i32) {
    %c0_i32 = arith.constant 0 : i32
    %c0_i32_0 = arith.constant 0 : i32
    return %arg0, %c0_i32 : i32, i32
  }
  func.func @transform_3(%arg0: i32) -> (i32, i32) {
    %c0_i32 = arith.constant 0 : i32
    %c0_i32_0 = arith.constant 0 : i32
    return %arg0, %c0_i32 : i32, i32
  }
  func.func @transform_4(%arg0: i32) -> (i32, i32) {
    %c0_i32 = arith.constant 0 : i32
    %c0_i32_0 = arith.constant 0 : i32
    %c0_i32_1 = arith.constant 0 : i32
    return %c0_i32, %c0_i32_0 : i32, i32
  }
  func.func @transform_5(%arg0: i32) -> (i32, i32) {
    %c0_i32 = arith.constant 0 : i32
    %c0_i32_0 = arith.constant 0 : i32
    %c0_i32_1 = arith.constant 0 : i32
    return %c0_i32, %c0_i32_0 : i32, i32
  }
  func.func @transform_6(%arg0: i32) -> (i32, i32) {
    %c0_i32 = arith.constant 0 : i32
    %c0_i32_0 = arith.constant 0 : i32
    %c0_i32_1 = arith.constant 0 : i32
    return %c0_i32, %c0_i32_0 : i32, i32
  }
  func.func @transform_7(%arg0: i32) -> (i32, i32) {
    %c0_i32 = arith.constant 0 : i32
    %c0_i32_0 = arith.constant 0 : i32
    return %arg0, %c0_i32 : i32, i32
  }
}

module attributes {stable_mosaic.version = 14 : i64} {
  func.func @body(%arg0: i32, %arg1: memref<2x1000x128xf32, #tpu.memory_space<vmem>>, %arg2: memref<1000x1xf32, #tpu.memory_space<vmem>>, %arg3: memref<1000x1xf32, #tpu.memory_space<vmem>>, %arg4: memref<1000x128xf32, #tpu.memory_space<vmem>>, %arg5: memref<1000x128xf32, #tpu.memory_space<vmem>>, %arg6: memref<128x128xf32, #tpu.memory_space<vmem>>, %arg7: memref<128x128xf32, #tpu.memory_space<vmem>>, %arg8: memref<1x128xf32, #tpu.memory_space<vmem>>, %arg9: memref<128x128xf32, #tpu.memory_space<vmem>>, %arg10: memref<1x128xf32, #tpu.memory_space<vmem>>, %arg11: memref<1000x128xf32, #tpu.memory_space<vmem>>) attributes {dimension_semantics = [#tpu.dimension_semantics<arbitrary>], iteration_bounds = array<i64: 10>, scalar_prefetch = 0 : i64, scratch_operands = 0 : i64, tpu.core_type = #tpu.core_type<tc>, window_params = [{transform_indices = @transform_0, window_bounds = array<i64: 2, 1000, 128>}, {transform_indices = @transform_1, window_bounds = array<i64: 1000, 1>}, {transform_indices = @transform_2, window_bounds = array<i64: 1000, 1>}, {transform_indices = @transform_3, window_bounds = array<i64: 1000, 128>}, {transform_indices = @transform_4, window_bounds = array<i64: 1000, 128>}, {pipeline_mode = #tpu.pipeline_mode<synchronous>, transform_indices = @transform_5, window_bounds = array<i64: 128, 128>}, {pipeline_mode = #tpu.pipeline_mode<synchronous>, transform_indices = @transform_6, window_bounds = array<i64: 128, 128>}, {pipeline_mode = #tpu.pipeline_mode<synchronous>, transform_indices = @transform_7, window_bounds = array<i64: 1, 128>}, {pipeline_mode = #tpu.pipeline_mode<synchronous>, transform_indices = @transform_8, window_bounds = array<i64: 128, 128>}, {pipeline_mode = #tpu.pipeline_mode<synchronous>, transform_indices = @transform_9, window_bounds = array<i64: 1, 128>}, {transform_indices = @transform_10, window_bounds = array<i64: 1000, 128>}]} {
    %get3A = arith.constant 0 : index
    %get3A_0 = arith.constant 0 : index
    %get3A_1 = arith.constant 0 : index
    %get3A_2 = vector.load %arg1[%get3A, %get3A_0, %get3A_1] : memref<2x1000x128xf32, #tpu.memory_space<vmem>>, vector<1x1000x128xf32>
    %get3A_3 = vector.shape_cast %get3A_2 : vector<1x1000x128xf32> to vector<1000x128xf32>
    %get3A_4 = arith.constant 1 : index
    %get3A_5 = arith.constant 0 : index
    %get3A_6 = arith.constant 0 : index
    %get3A_7 = vector.load %arg1[%get3A_4, %get3A_5, %get3A_6] : memref<2x1000x128xf32, #tpu.memory_space<vmem>>, vector<1x1000x128xf32>
    %get3A_8 = vector.shape_cast %get3A_7 : vector<1x1000x128xf32> to vector<1000x128xf32>
    %add3A = arith.addf %get3A_3, %get3A_8 : vector<1000x128xf32>
    %get3A_9 = arith.constant 0 : index
    %get3A_10 = arith.constant 0 : index
    %get3A_11 = vector.load %arg2[%get3A_9, %get3A_10] : memref<1000x1xf32, #tpu.memory_space<vmem>>, vector<1000x1xf32>
    %get3A_12 = arith.constant 0 : index
    %get3A_13 = arith.constant 0 : index
    %get3A_14 = vector.load %arg3[%get3A_12, %get3A_13] : memref<1000x1xf32, #tpu.memory_space<vmem>>, vector<1000x1xf32>
    %add3A_15 = arith.addf %get3A_11, %get3A_14 : vector<1000x1xf32>
    %max3A = arith.constant 1.000000e+00 : f32
    %max3A_16 = vector.broadcast %max3A : f32 to vector<1000x1xf32>
    %max3A_17 = arith.maximumf %add3A_15, %max3A_16 : vector<1000x1xf32>
    %div3A = vector.broadcast %max3A_17 : vector<1000x1xf32> to vector<1000x128xf32>
    %div3A_18 = arith.divf %add3A, %div3A : vector<1000x128xf32>
    %get3A_19 = arith.constant 0 : index
    %get3A_20 = arith.constant 0 : index
    %get3A_21 = vector.load %arg6[%get3A_19, %get3A_20] : memref<128x128xf32, #tpu.memory_space<vmem>>, vector<128x128xf32>
    %dot_general3A = arith.constant dense<0.000000e+00> : vector<1000x128xf32>
    %dot_general3A_22 = tpu.matmul %div3A_18, %get3A_21, %dot_general3A {dimension_numbers = #tpu.dot_dimension_numbers<[1], [0], [0], [1], [0, 0, 1, 1], [], []>, transpose_lhs_hint = false} : vector<1000x128xf32>, vector<128x128xf32>, vector<1000x128xf32> -> vector<1000x128xf32>
    %get3A_23 = arith.constant 0 : index
    %get3A_24 = arith.constant 0 : index
    %get3A_25 = vector.load %arg4[%get3A_23, %get3A_24] : memref<1000x128xf32, #tpu.memory_space<vmem>>, vector<1000x128xf32>
    %get3A_26 = arith.constant 0 : index
    %get3A_27 = arith.constant 0 : index
    %get3A_28 = vector.load %arg7[%get3A_26, %get3A_27] : memref<128x128xf32, #tpu.memory_space<vmem>>, vector<128x128xf32>
    %dot_general3A_29 = arith.constant dense<0.000000e+00> : vector<1000x128xf32>
    %dot_general3A_30 = tpu.matmul %get3A_25, %get3A_28, %dot_general3A_29 {dimension_numbers = #tpu.dot_dimension_numbers<[1], [0], [0], [1], [0, 0, 1, 1], [], []>, transpose_lhs_hint = false} : vector<1000x128xf32>, vector<128x128xf32>, vector<1000x128xf32> -> vector<1000x128xf32>
    %add3A_31 = arith.addf %dot_general3A_22, %dot_general3A_30 : vector<1000x128xf32>
    %get3A_32 = arith.constant 0 : index
    %get3A_33 = arith.constant 0 : index
    %get3A_34 = vector.load %arg8[%get3A_32, %get3A_33] : memref<1x128xf32, #tpu.memory_space<vmem>>, vector<1x128xf32>
    %add3A_35 = vector.broadcast %get3A_34 : vector<1x128xf32> to vector<1000x128xf32>
    %add3A_36 = arith.addf %add3A_31, %add3A_35 : vector<1000x128xf32>
    %max3A_37 = arith.constant 0.000000e+00 : f32
    %max3A_38 = vector.broadcast %max3A_37 : f32 to vector<1000x128xf32>
    %max3A_39 = arith.maximumf %add3A_36, %max3A_38 : vector<1000x128xf32>
    %get3A_40 = arith.constant 0 : index
    %get3A_41 = arith.constant 0 : index
    %get3A_42 = vector.load %arg5[%get3A_40, %get3A_41] : memref<1000x128xf32, #tpu.memory_space<vmem>>, vector<1000x128xf32>
    %get3A_43 = arith.constant 0 : index
    %get3A_44 = arith.constant 0 : index
    %get3A_45 = vector.load %arg9[%get3A_43, %get3A_44] : memref<128x128xf32, #tpu.memory_space<vmem>>, vector<128x128xf32>
    %dot_general3A_46 = arith.constant dense<0.000000e+00> : vector<1000x128xf32>
    %dot_general3A_47 = tpu.matmul %get3A_42, %get3A_45, %dot_general3A_46 {dimension_numbers = #tpu.dot_dimension_numbers<[1], [0], [0], [1], [0, 0, 1, 1], [], []>, transpose_lhs_hint = false} : vector<1000x128xf32>, vector<128x128xf32>, vector<1000x128xf32> -> vector<1000x128xf32>
    %add3A_48 = arith.addf %max3A_39, %dot_general3A_47 : vector<1000x128xf32>
    %get3A_49 = arith.constant 0 : index
    %get3A_50 = arith.constant 0 : index
    %get3A_51 = vector.load %arg10[%get3A_49, %get3A_50] : memref<1x128xf32, #tpu.memory_space<vmem>>, vector<1x128xf32>
    %add3A_52 = vector.broadcast %get3A_51 : vector<1x128xf32> to vector<1000x128xf32>
    %add3A_53 = arith.addf %add3A_48, %add3A_52 : vector<1000x128xf32>
    %swap3A = arith.constant 0 : index
    %swap3A_54 = arith.constant 0 : index
    %swap3A_55 = vector.load %arg11[%swap3A, %swap3A_54] : memref<1000x128xf32, #tpu.memory_space<vmem>>, vector<1000x128xf32>
    tpu.vector_store %arg11[%swap3A, %swap3A_54], %add3A_53 {strides = array<i32>} : memref<1000x128xf32, #tpu.memory_space<vmem>>, vector<1000x128xf32>,
    return
  }
  func.func @transform_0(%arg0: i32) -> (i32, i32, i32) {
    %c0_i32 = arith.constant 0 : i32
    %c0_i32_0 = arith.constant 0 : i32
    %c0_i32_1 = arith.constant 0 : i32
    return %c0_i32, %arg0, %c0_i32_0 : i32, i32, i32
  }
  func.func @transform_1(%arg0: i32) -> (i32, i32) {
    %c0_i32 = arith.constant 0 : i32
    %c0_i32_0 = arith.constant 0 : i32
    return %arg0, %c0_i32 : i32, i32
  }
  func.func @transform_2(%arg0: i32) -> (i32, i32) {
    %c0_i32 = arith.constant 0 : i32
    %c0_i32_0 = arith.constant 0 : i32
    return %arg0, %c0_i32 : i32, i32
  }
  func.func @transform_3(%arg0: i32) -> (i32, i32) {
    %c0_i32 = arith.constant 0 : i32
    %c0_i32_0 = arith.constant 0 : i32
    return %arg0, %c0_i32 : i32, i32
  }
  func.func @transform_4(%arg0: i32) -> (i32, i32) {
    %c0_i32 = arith.constant 0 : i32
    %c0_i32_0 = arith.constant 0 : i32
    return %arg0, %c0_i32 : i32, i32
  }
  func.func @transform_5(%arg0: i32) -> (i32, i32) {
    %c0_i32 = arith.constant 0 : i32
    %c0_i32_0 = arith.constant 0 : i32
    %c0_i32_1 = arith.constant 0 : i32
    return %c0_i32, %c0_i32_0 : i32, i32
  }
  func.func @transform_6(%arg0: i32) -> (i32, i32) {
    %c0_i32 = arith.constant 0 : i32
    %c0_i32_0 = arith.constant 0 : i32
    %c0_i32_1 = arith.constant 0 : i32
    return %c0_i32, %c0_i32_0 : i32, i32
  }
  func.func @transform_7(%arg0: i32) -> (i32, i32) {
    %c0_i32 = arith.constant 0 : i32
    %c0_i32_0 = arith.constant 0 : i32
    %c0_i32_1 = arith.constant 0 : i32
    return %c0_i32, %c0_i32_0 : i32, i32
  }
  func.func @transform_8(%arg0: i32) -> (i32, i32) {
    %c0_i32 = arith.constant 0 : i32
    %c0_i32_0 = arith.constant 0 : i32
    %c0_i32_1 = arith.constant 0 : i32
    return %c0_i32, %c0_i32_0 : i32, i32
  }
  func.func @transform_9(%arg0: i32) -> (i32, i32) {
    %c0_i32 = arith.constant 0 : i32
    %c0_i32_0 = arith.constant 0 : i32
    %c0_i32_1 = arith.constant 0 : i32
    return %c0_i32, %c0_i32_0 : i32, i32
  }
  func.func @transform_10(%arg0: i32) -> (i32, i32) {
    %c0_i32 = arith.constant 0 : i32
    %c0_i32_0 = arith.constant 0 : i32
    return %arg0, %c0_i32 : i32, i32
  }
}

module attributes {stable_mosaic.version = 14 : i64} {
  func.func @body(%arg0: i32, %arg1: memref<2x1000x128xf32, #tpu.memory_space<vmem>>, %arg2: memref<1000x1xf32, #tpu.memory_space<vmem>>, %arg3: memref<1000x1xf32, #tpu.memory_space<vmem>>, %arg4: memref<1000x128xf32, #tpu.memory_space<vmem>>, %arg5: memref<1000x128xf32, #tpu.memory_space<vmem>>, %arg6: memref<128x128xf32, #tpu.memory_space<vmem>>, %arg7: memref<128x128xf32, #tpu.memory_space<vmem>>, %arg8: memref<1x128xf32, #tpu.memory_space<vmem>>, %arg9: memref<128x128xf32, #tpu.memory_space<vmem>>, %arg10: memref<1x128xf32, #tpu.memory_space<vmem>>, %arg11: memref<1000x128xf32, #tpu.memory_space<vmem>>) attributes {dimension_semantics = [#tpu.dimension_semantics<arbitrary>], iteration_bounds = array<i64: 10>, scalar_prefetch = 0 : i64, scratch_operands = 0 : i64, tpu.core_type = #tpu.core_type<tc>, window_params = [{transform_indices = @transform_0, window_bounds = array<i64: 2, 1000, 128>}, {transform_indices = @transform_1, window_bounds = array<i64: 1000, 1>}, {transform_indices = @transform_2, window_bounds = array<i64: 1000, 1>}, {transform_indices = @transform_3, window_bounds = array<i64: 1000, 128>}, {transform_indices = @transform_4, window_bounds = array<i64: 1000, 128>}, {pipeline_mode = #tpu.pipeline_mode<synchronous>, transform_indices = @transform_5, window_bounds = array<i64: 128, 128>}, {pipeline_mode = #tpu.pipeline_mode<synchronous>, transform_indices = @transform_6, window_bounds = array<i64: 128, 128>}, {pipeline_mode = #tpu.pipeline_mode<synchronous>, transform_indices = @transform_7, window_bounds = array<i64: 1, 128>}, {pipeline_mode = #tpu.pipeline_mode<synchronous>, transform_indices = @transform_8, window_bounds = array<i64: 128, 128>}, {pipeline_mode = #tpu.pipeline_mode<synchronous>, transform_indices = @transform_9, window_bounds = array<i64: 1, 128>}, {transform_indices = @transform_10, window_bounds = array<i64: 1000, 128>}]} {
    %get3A = arith.constant 0 : index
    %get3A_0 = arith.constant 0 : index
    %get3A_1 = arith.constant 0 : index
    %get3A_2 = vector.load %arg1[%get3A, %get3A_0, %get3A_1] : memref<2x1000x128xf32, #tpu.memory_space<vmem>>, vector<1x1000x128xf32>
    %get3A_3 = vector.shape_cast %get3A_2 : vector<1x1000x128xf32> to vector<1000x128xf32>
    %get3A_4 = arith.constant 1 : index
    %get3A_5 = arith.constant 0 : index
    %get3A_6 = arith.constant 0 : index
    %get3A_7 = vector.load %arg1[%get3A_4, %get3A_5, %get3A_6] : memref<2x1000x128xf32, #tpu.memory_space<vmem>>, vector<1x1000x128xf32>
    %get3A_8 = vector.shape_cast %get3A_7 : vector<1x1000x128xf32> to vector<1000x128xf32>
    %add3A = arith.addf %get3A_3, %get3A_8 : vector<1000x128xf32>
    %get3A_9 = arith.constant 0 : index
    %get3A_10 = arith.constant 0 : index
    %get3A_11 = vector.load %arg2[%get3A_9, %get3A_10] : memref<1000x1xf32, #tpu.memory_space<vmem>>, vector<1000x1xf32>
    %get3A_12 = arith.constant 0 : index
    %get3A_13 = arith.constant 0 : index
    %get3A_14 = vector.load %arg3[%get3A_12, %get3A_13] : memref<1000x1xf32, #tpu.memory_space<vmem>>, vector<1000x1xf32>
    %add3A_15 = arith.addf %get3A_11, %get3A_14 : vector<1000x1xf32>
    %max3A = arith.constant 1.000000e+00 : f32
    %max3A_16 = vector.broadcast %max3A : f32 to vector<1000x1xf32>
    %max3A_17 = arith.maximumf %add3A_15, %max3A_16 : vector<1000x1xf32>
    %div3A = vector.broadcast %max3A_17 : vector<1000x1xf32> to vector<1000x128xf32>
    %div3A_18 = arith.divf %add3A, %div3A : vector<1000x128xf32>
    %get3A_19 = arith.constant 0 : index
    %get3A_20 = arith.constant 0 : index
    %get3A_21 = vector.load %arg6[%get3A_19, %get3A_20] : memref<128x128xf32, #tpu.memory_space<vmem>>, vector<128x128xf32>
    %dot_general3A = arith.constant dense<0.000000e+00> : vector<1000x128xf32>
    %dot_general3A_22 = tpu.matmul %div3A_18, %get3A_21, %dot_general3A {dimension_numbers = #tpu.dot_dimension_numbers<[1], [0], [0], [1], [0, 0, 1, 1], [], []>, transpose_lhs_hint = false} : vector<1000x128xf32>, vector<128x128xf32>, vector<1000x128xf32> -> vector<1000x128xf32>
    %get3A_23 = arith.constant 0 : index
    %get3A_24 = arith.constant 0 : index
    %get3A_25 = vector.load %arg4[%get3A_23, %get3A_24] : memref<1000x128xf32, #tpu.memory_space<vmem>>, vector<1000x128xf32>
    %get3A_26 = arith.constant 0 : index
    %get3A_27 = arith.constant 0 : index
    %get3A_28 = vector.load %arg7[%get3A_26, %get3A_27] : memref<128x128xf32, #tpu.memory_space<vmem>>, vector<128x128xf32>
    %dot_general3A_29 = arith.constant dense<0.000000e+00> : vector<1000x128xf32>
    %dot_general3A_30 = tpu.matmul %get3A_25, %get3A_28, %dot_general3A_29 {dimension_numbers = #tpu.dot_dimension_numbers<[1], [0], [0], [1], [0, 0, 1, 1], [], []>, transpose_lhs_hint = false} : vector<1000x128xf32>, vector<128x128xf32>, vector<1000x128xf32> -> vector<1000x128xf32>
    %add3A_31 = arith.addf %dot_general3A_22, %dot_general3A_30 : vector<1000x128xf32>
    %get3A_32 = arith.constant 0 : index
    %get3A_33 = arith.constant 0 : index
    %get3A_34 = vector.load %arg8[%get3A_32, %get3A_33] : memref<1x128xf32, #tpu.memory_space<vmem>>, vector<1x128xf32>
    %add3A_35 = vector.broadcast %get3A_34 : vector<1x128xf32> to vector<1000x128xf32>
    %add3A_36 = arith.addf %add3A_31, %add3A_35 : vector<1000x128xf32>
    %get3A_37 = arith.constant 0 : index
    %get3A_38 = arith.constant 0 : index
    %get3A_39 = vector.load %arg5[%get3A_37, %get3A_38] : memref<1000x128xf32, #tpu.memory_space<vmem>>, vector<1000x128xf32>
    %get3A_40 = arith.constant 0 : index
    %get3A_41 = arith.constant 0 : index
    %get3A_42 = vector.load %arg9[%get3A_40, %get3A_41] : memref<128x128xf32, #tpu.memory_space<vmem>>, vector<128x128xf32>
    %dot_general3A_43 = arith.constant dense<0.000000e+00> : vector<1000x128xf32>
    %dot_general3A_44 = tpu.matmul %get3A_39, %get3A_42, %dot_general3A_43 {dimension_numbers = #tpu.dot_dimension_numbers<[1], [0], [0], [1], [0, 0, 1, 1], [], []>, transpose_lhs_hint = false} : vector<1000x128xf32>, vector<128x128xf32>, vector<1000x128xf32> -> vector<1000x128xf32>
    %add3A_45 = arith.addf %add3A_36, %dot_general3A_44 : vector<1000x128xf32>
    %get3A_46 = arith.constant 0 : index
    %get3A_47 = arith.constant 0 : index
    %get3A_48 = vector.load %arg10[%get3A_46, %get3A_47] : memref<1x128xf32, #tpu.memory_space<vmem>>, vector<1x128xf32>
    %add3A_49 = vector.broadcast %get3A_48 : vector<1x128xf32> to vector<1000x128xf32>
    %add3A_50 = arith.addf %add3A_45, %add3A_49 : vector<1000x128xf32>
    %iota3A = tpu.iota {dimensions = array<i32: 1>} : vector<1000x128xi32>
    %neg3A = arith.constant 0.000000e+00 : f32
    %neg3A_51 = vector.broadcast %neg3A : f32 to vector<1000x128xf32>
    %neg3A_52 = arith.subf %neg3A_51, %add3A_50 : vector<1000x128xf32>
    %exp3A = math.exp %neg3A_52 : vector<1000x128xf32>
    %add3A_53 = arith.constant 1.000000e+00 : f32
    %add3A_54 = vector.broadcast %add3A_53 : f32 to vector<1000x128xf32>
    %add3A_55 = arith.addf %add3A_54, %exp3A : vector<1000x128xf32>
    %div3A_56 = arith.constant 1.000000e+00 : f32
    %div3A_57 = vector.broadcast %div3A_56 : f32 to vector<1000x128xf32>
    %div3A_58 = arith.divf %div3A_57, %add3A_55 : vector<1000x128xf32>
    %lt3A = arith.constant 4 : i32
    %lt3A_59 = vector.broadcast %lt3A : i32 to vector<1000x128xi32>
    %lt3A_60 = arith.cmpi slt, %iota3A, %lt3A_59 : vector<1000x128xi32>
    %select_n3A = arith.select %lt3A_60, %div3A_58, %add3A_50 : vector<1000x128xi1>, vector<1000x128xf32>
    %swap3A = arith.constant 0 : index
    %swap3A_61 = arith.constant 0 : index
    %swap3A_62 = vector.load %arg11[%swap3A, %swap3A_61] : memref<1000x128xf32, #tpu.memory_space<vmem>>, vector<1000x128xf32>
    tpu.vector_store %arg11[%swap3A, %swap3A_61], %select_n3A {strides = array<i32>} : memref<1000x128xf32, #tpu.memory_space<vmem>>, vector<1000x128xf32>,
    return
  }
  func.func @transform_0(%arg0: i32) -> (i32, i32, i32) {
    %c0_i32 = arith.constant 0 : i32
    %c0_i32_0 = arith.constant 0 : i32
    %c0_i32_1 = arith.constant 0 : i32
    return %c0_i32, %arg0, %c0_i32_0 : i32, i32, i32
  }
  func.func @transform_1(%arg0: i32) -> (i32, i32) {
    %c0_i32 = arith.constant 0 : i32
    %c0_i32_0 = arith.constant 0 : i32
    return %arg0, %c0_i32 : i32, i32
  }
  func.func @transform_2(%arg0: i32) -> (i32, i32) {
    %c0_i32 = arith.constant 0 : i32
    %c0_i32_0 = arith.constant 0 : i32
    return %arg0, %c0_i32 : i32, i32
  }
  func.func @transform_3(%arg0: i32) -> (i32, i32) {
    %c0_i32 = arith.constant 0 : i32
    %c0_i32_0 = arith.constant 0 : i32
    return %arg0, %c0_i32 : i32, i32
  }
  func.func @transform_4(%arg0: i32) -> (i32, i32) {
    %c0_i32 = arith.constant 0 : i32
    %c0_i32_0 = arith.constant 0 : i32
    return %arg0, %c0_i32 : i32, i32
  }
  func.func @transform_5(%arg0: i32) -> (i32, i32) {
    %c0_i32 = arith.constant 0 : i32
    %c0_i32_0 = arith.constant 0 : i32
    %c0_i32_1 = arith.constant 0 : i32
    return %c0_i32, %c0_i32_0 : i32, i32
  }
  func.func @transform_6(%arg0: i32) -> (i32, i32) {
    %c0_i32 = arith.constant 0 : i32
    %c0_i32_0 = arith.constant 0 : i32
    %c0_i32_1 = arith.constant 0 : i32
    return %c0_i32, %c0_i32_0 : i32, i32
  }
  func.func @transform_7(%arg0: i32) -> (i32, i32) {
    %c0_i32 = arith.constant 0 : i32
    %c0_i32_0 = arith.constant 0 : i32
    %c0_i32_1 = arith.constant 0 : i32
    return %c0_i32, %c0_i32_0 : i32, i32
  }
  func.func @transform_8(%arg0: i32) -> (i32, i32) {
    %c0_i32 = arith.constant 0 : i32
    %c0_i32_0 = arith.constant 0 : i32
    %c0_i32_1 = arith.constant 0 : i32
    return %c0_i32, %c0_i32_0 : i32, i32
  }
  func.func @transform_9(%arg0: i32) -> (i32, i32) {
    %c0_i32 = arith.constant 0 : i32
    %c0_i32_0 = arith.constant 0 : i32
    %c0_i32_1 = arith.constant 0 : i32
    return %c0_i32, %c0_i32_0 : i32, i32
  }
  func.func @transform_10(%arg0: i32) -> (i32, i32) {
    %c0_i32 = arith.constant 0 : i32
    %c0_i32_0 = arith.constant 0 : i32
    return %arg0, %c0_i32 : i32, i32
  }
}

</mosaic_0001>

<sc_bundles>
// kernel: kernel.11.cloned.1.call-start
scs
__scs_entry_jumppad:
0x0: {  	(pc) =	sbr.rel $0x88, $3  }
0x1: {  	(tag) =	ssettag $0x0;
	lr =	simm.s32 $0x1  }
0x2: {  	[smem:$0x3F92] =	sst lr;
	_ =	strace $0xD0000000  }
0x3: {  	_ = 	snop  }
0x4: {  	_ = 	snop  }
0x5: {  	_ = 	snop  }
0x6: {  	_ = 	snop  }
0x7: {  	_ = 	snop  }
__scs_overlays_trampoline_lowered:
0x8: {  	[smem:$0x3FA1] =	sst s0  }
0x9: {  	[smem:$0x3FA2] =	sst s1  }
0xa: {  	[smem:$0x3FA3] =	sst s2  }
0xb: {  	[smem:$0x3FA4] =	sst s3  }
0xc: {  	[smem:$0x3FA5] =	sst s4  }
0xd: {  	[smem:$0x3FA6] =	sst s5  }
0xe: {  	[smem:$0x3FA7] =	sst s6  }
0xf: {  	[smem:$0x3FA8] =	sst s7  }
0x10: {  	[smem:$0x3FA9] =	sst s8  }
0x11: {  	[smem:$0x3FAA] =	sst s9;
	s0 =	simm.s32 @!p0 $0x0  }
0x12: {  	s1 =	sld [smem:$0x3F90];
	s0 =	simm.s32 @p0 $0x1  }
0x13: {  	[smem:$0x3FAB] =	sst s0;
	s0 =	simm.s32 @!p1 $0x0  }
0x14: {  	s2 =	sld [smem:$0x3F8F];
	s0 =	simm.s32 @p1 $0x1  }
0x15: {  	[smem:$0x3FAC] =	sst s0;
	s0 =	simm.s32 @!p2 $0x0  }
0x16: {  	s3 =	sld [smem:$0x3FDB];
	s0 =	simm.s32 @p2 $0x1  }
0x17: {  	s4 =	simm.s32 $0x1BF5;
	[smem:$0x3FAE] =	sst s0  }
0x18: {  	s0 =	sld [smem:$0x3F91];
	_ =	swait.ge [sflag:s4], $0x0  }
0x19: {  	s7 =	sld [smem:$0x3F92]  }
0x1a: {  	s8 =	sadd.s32 $0xFFFFE003, lr  }
0x1b: {  	s9 =	sadd.s32 $0xFFFFFEF7, lr;
	s5 =	simm.s32 $0xFFFFFFFF;
	p2 =	slt.u32 s8, $0xFFFFF086  }
0x1c: {  	p1 =	slt.u32 s9, $0xF7A;
	s5 =	simm.s32 @!p2 $0x0  }
0x1d: {  	s5 =	simm.s32 @p1 $0x1;
	p0 =	seq.s32 s7, s2  }
0x1e: {  	s7 =	smul.u32 @!p0 $0xF7A, s2;
	p2 =	seq.s32 @!p0 s5, $0x0  }
0x1f: {  	s9 =	smul.u32 $0xF7A, s1;
	s8 =	simm.s32 @!p0 $0x1BF5;
	p2 =	por !p2, p0  }
0x20: {  	[sflag:s8] =	ssyncset.s32 @!p0 $0xFFFFF086;
	s6 =	sadd.s32 @!p0 s3, s7;
	s7 =	simm.s32 @!p0 $0x108  }
0x21: {  	s3 =	sadd.s32 s3, s9;
	s6 =	sadd.s32 @!p0 $0x88, s6;
	s7 =	simm.s32 @p2 $0x1082  }
0x22: {  	[simem:s7], [sflag:s8] =	dma.local @!p0 [hbm:s6], $0xF7A  }
0x23: {  	s9 =	sor.u32 $0xD0000000, s2;
	s6 =	simm.s32 $0x108;
	_ =	swait.ge @!p0 [sflag:s8], $0x0  }
0x24: {  	s3 =	sadd.s32 $0x88, s3;
	s6 =	simm.s32 @!p1 $0x1082;
	[sflag:s4] =	ssyncset.s32 $0xFFFFF086  }
0x25: {  	[simem:s6], [sflag:s4] =	dma.local [hbm:s3], $0xF7A  }
0x26: {  	[smem:$0x3F92] =	sst s1;
	(tag) =	ssettag s2;
	_ =	strace s9  }
0x27: {  	s1 =	sld [smem:$0x3FA2]  }
0x28: {  	s2 =	sld [smem:$0x3FA3]  }
0x29: {  	s4 =	sld [smem:$0x3FA5]  }
0x2a: {  	p0 =	seq.s32 s5, $0x0;
	s5 =	sld [smem:$0x3FA6]  }
0x2b: {  	s6 =	sld [smem:$0x3FA7]  }
0x2c: {  	s7 =	sld [smem:$0x3FA8]  }
0x2d: {  	s3 =	simm.s32 $0x108;
	s8 =	sld [smem:$0x3FA9]  }
0x2e: {  	s3 =	simm.s32 @!p0 $0x1082;
	s9 =	sld [smem:$0x3FAA]  }
0x2f: {  	lr =	sadd.s32 s0, s3;
	s0 =	sld [smem:$0x3FA1]  }
0x30: {  	s3 =	sld [smem:$0x3FA4]  }
0x31: {  	[smem:$0x3FAD] =	sst s10  }
0x32: {  	s10 =	sld [smem:$0x3FAB];
	_ =	sdelay $0x3  }
0x33: {  	p0 =	seq.s32 s10, $0x1;
	s10 =	sld [smem:$0x3FAD];
	_ =	sdelay $0x3  }
0x34: {  	[smem:$0x3FAD] =	sst s10  }
0x35: {  	s10 =	sld [smem:$0x3FAC];
	_ =	sdelay $0x3  }
0x36: {  	p1 =	seq.s32 s10, $0x1;
	s10 =	sld [smem:$0x3FAD];
	_ =	sdelay $0x3  }
0x37: {  	[smem:$0x3FAD] =	sst s10  }
0x38: {  	s10 =	sld [smem:$0x3FAE]  }
0x39: {  	_ = 	snop;
	(pc) =	sbr.ind lr, $3  }
0x3a: {  	_ = 	snop  }
0x3b: {  	_ = 	snop  }
0x3c: {  	p2 =	seq.s32 s10, $0x1;
	s10 =	sld [smem:$0x3FAD]  }
0x3d: {  	_ =	shalt  }
0x3e: {  	_ =	shalt  }
0x3f: {  	_ =	shalt  }
0x40: {  	_ =	shalt  }
0x41: {  	_ =	shalt  }
0x42: {  	_ =	shalt  }
0x43: {  	_ =	shalt  }
0x44: {  	_ =	shalt  }
0x45: {  	_ =	shalt  }
0x46: {  	_ =	shalt  }
0x47: {  	_ =	shalt  }
0x48: {  	_ =	shalt  }
0x49: {  	_ =	shalt  }
0x4a: {  	_ =	shalt  }
0x4b: {  	_ =	shalt  }
0x4c: {  	_ =	shalt  }
0x4d: {  	_ =	shalt  }
0x4e: {  	_ =	shalt  }
0x4f: {  	_ =	shalt  }
0x50: {  	_ =	shalt  }
0x51: {  	_ =	shalt  }
0x52: {  	_ =	shalt  }
0x53: {  	_ =	shalt  }
0x54: {  	_ =	shalt  }
0x55: {  	_ =	shalt  }
0x56: {  	_ =	shalt  }
0x57: {  	_ =	shalt  }
0x58: {  	_ =	shalt  }
0x59: {  	_ =	shalt  }
0x5a: {  	_ =	shalt  }
0x5b: {  	_ =	shalt  }
0x5c: {  	_ =	shalt  }
0x5d: {  	_ =	shalt  }
0x5e: {  	_ =	shalt  }
0x5f: {  	_ =	shalt  }
0x60: {  	_ =	shalt  }
0x61: {  	_ =	shalt  }
0x62: {  	_ =	shalt  }
0x63: {  	_ =	shalt  }
0x64: {  	_ =	shalt  }
0x65: {  	_ =	shalt  }
0x66: {  	_ =	shalt  }
0x67: {  	_ =	shalt  }
0x68: {  	_ =	shalt  }
0x69: {  	_ =	shalt  }
0x6a: {  	_ =	shalt  }
0x6b: {  	_ =	shalt  }
0x6c: {  	_ =	shalt  }
0x6d: {  	_ =	shalt  }
0x6e: {  	_ =	shalt  }
0x6f: {  	_ =	shalt  }
0x70: {  	_ =	shalt  }
0x71: {  	_ =	shalt  }
0x72: {  	_ =	shalt  }
0x73: {  	_ =	shalt  }
0x74: {  	_ =	shalt  }
0x75: {  	_ =	shalt  }
0x76: {  	_ =	shalt  }
0x77: {  	_ =	shalt  }
0x78: {  	_ =	shalt  }
0x79: {  	_ =	shalt  }
0x7a: {  	_ =	shalt  }
0x7b: {  	_ =	shalt  }
0x7c: {  	_ =	shalt  }
0x7d: {  	_ =	shalt  }
0x7e: {  	_ =	shalt  }
0x7f: {  	_ =	shalt  }
0x80: {  	_ =	shalt  }
0x81: {  	_ =	shalt  }
0x82: {  	_ =	shalt  }
0x83: {  	_ =	shalt  }
0x84: {  	_ =	shalt  }
0x85: {  	_ =	shalt  }
0x86: {  	_ =	shalt  }
0x87: {  	_ =	shalt  }
.Lfunc_end0:
.L_simem_size_0:
called_computation.1_lowered:
.L_overlay_start_0:
0x88: {  	s2 =	sld [smem:$0x3FD9]  }
0x89: {  	s3 =	sld [smem:$0x3FFE];
	_ =	sdelay $0x1  }
0x8a: {  	s1 =	srdreg.scid  }
0x8b: {  	s0 =	sand.u32 $0x1, s1  }
0x8c: {  	s17 =	sshll.u32 s0, $0xA;
	s2 =	sadd.s32 s3, s2  }
0x8d: {  	s2 =	sadd.s32 s2, s17  }
0x8e: {  	[smem:$0x3FB9] =	sst s2  }
0x8f: {  	_ = 	snop  }
0x90: {  	s2 =	sld [smem:$0x3FD0];
	(tm) =	ssettm $0x1  }
0x91: {  	s18 =	sld [smem:$0x3FFB];
	_ =	sdelay $0x3  }
0x92: {  	_ =	strace s18  }
0x93: {  	s3 =	sld [smem:$0x3FFC];
	_ =	sdelay $0x3  }
0x94: {  	_ =	strace s3  }
0x95: {  	s3 =	sld [smem:$0x3FFD];
	_ =	sdelay $0x3  }
0x96: {  	_ =	strace s3  }
0x97: {  	_ =	strace $0x8FFFFFFF  }
0x98: {  	s19 =	sld [smem:$0x3FDB];
	_ =	sdelay $0x1  }
0x99: {  	s4 =	simm.s32 $_scs_section_size  }
0x9a: {  	s5 =	simm.s32 $_size__tile_overlayer_lowered;
	s6 =	simm.s32 $_tile_overlayer_lowered  }
0x9b: {  	s22 =	simm.s32 $0x1BFF;
	s21 =	sshll.u32 s6, $0x1;
	s3 =	sadd.s32 s4, s19  }
0x9c: {  	s7 =	simm.s32 $0x0;
	s20 =	sshll.u32 s5, $0x1;
	s5 =	sadd.s32 s21, s3  }
0x9d: {  	[timem:s7], [sflag:s22] =	dma.local [hbm:s5], s20  }
0x9e: {  	_ =	swait.ge [sflag:s22], s20  }
0x9f: {  	s4 =	ssub.s32 $0x0, s20;
	[sflag:s22] =	ssyncset.done $0x0  }
0xa0: {  	[sflag:s22] =	ssyncadd.s32 s4;
	_ =	sdelay $0x1  }
0xa1: {  	s23 =	simm.s32 $0x1B8B  }
0xa2: {  	_ =	swait.ge [sflag:s23], $0x1  }
0xa3: {  	[sflag:s23] =	ssyncset.done $0x0  }
0xa4: {  	s25 =	simm.s32 $0x1B8E;
	s24 =	sld [smem:$0x3FFE];
	[sflag:s23] =	ssyncadd.s32 $0xFFFFFFFF  }
0xa5: {  	s26 =	simm.s32 $execute0_lowered;
	[smem:$0x3FD2] =	sst s25  }
0xa6: {  	s5 =	sshll.u32 s26, $0x1;
	_ =	strace $0x80000049;
	[dreg:$0x1] =	wrdreg $0xFFFFFFFF  }
0xa7: {  	s28 =	simm.s32 $_size_execute0_lowered;
	s3 =	sadd.s32 s3, s5;
	[dreg:$0x0] =	wrdreg $0x0  }
0xa8: {  	s5 =	sshll.u32 s28, $0x1;
	[dreg:$0x2] =	wrdreg s3  }
0xa9: {  	[dreg:$0x3] =	wrdreg s5  }
0xaa: {  	[dreg:$0x4] =	wrdreg $0xC0  }
0xab: {  	_ =	task [dreg:s7], $0x5FFFF  }
0xac: {  	[dreg:$0x1] =	wrdreg $0xFFFFFFFF  }
0xad: {  	[dreg:$0x0] =	wrdreg $0x60  }
0xae: {  	[dreg:$0x2] =	wrdreg s2  }
0xaf: {  	[dreg:$0x3] =	wrdreg s24  }
0xb0: {  	[dreg:$0x4] =	wrdreg $0x41000  }
0xb1: {  	[dreg:$0x5] =	wrdreg $0x9  }
0xb2: {  	_ =	task.clear_ibuf [dreg:s7], $0x6FFFF;
	_ =	strace $0x90000049  }
0xb3: {  	s29 =	simm.s32 $0x9;
	_ =	strace $0x8000004B  }
0xb4: {  	_ =	swait.ge [sflag:s29], $0x1  }
0xb5: {  	[sflag:s29] =	ssyncadd.s32 $0xFFFFFFFF  }
0xb6: {  	_ =	strace $0x9000004B  }
0xb7: {  	_ =	sfence  }
0xb8: {  	s30 =	sld [smem:$0x0];
	_ =	sdelay $0x2  }
0xb9: {  	s31 =	sshll.u32 s1, $0xD;
	s1 =	sshrl.u32 s1, $0x2  }
0xba: {  	s3 =	sand.u32 $0x4000, s31;
	s1 =	sadd.s32 s1, s30  }
0xbb: {  	s0 =	sor.u32 s3, s0;
	s1 =	sshll.u32 s1, $0x11  }
0xbc: {  	s0 =	sor.u32 s1, s0  }
0xbd: {  	s0 =	sadd.s32 $0x8F2B, s0  }
0xbe: {  	[sflag:s0] =	ssyncadd.remote.s32 $0x1  }
0xbf: {  	_ =	sfence.sel $0xFFFF  }
0xc0: {  	[dreg:$0x0] =	wrdreg $0xFFFFFFFF;
	(pc) =	sbr.abs _section_cstart, $3  }
0xc1: {  	[dreg:$0x1] =	wrdreg $0xFFFFFFFF  }
0xc2: {  	_ =	task.clear_ibuf [dreg:s7], $0x2FFFF;
	_ =	strace $0x9FFFFFFF  }
0xc3: {  	(tm) =	ssettm $0x7FFFFFFF  }
tec
execute0_lowered:
.L_overlay_start_1:
0x0: {  	(tag) =	ssettag $0x1  }
0x1: {  	s0 =	rddreg [dreg:$0x0]  }
0x2: {  	s5 =	rddreg [dreg:$0x1];
	s1 =	srdreg.scid  }
0x3: {  	s3 =	rddreg [dreg:$0x2];
	s2 =	stileid.u32;
	s4 =	simm.s32 $0x0  }
0x4: {  	s22 =	simm.s32 $0x100;
	s23 =	simm.s32 $0x1;
	s24 =	simm.s32 $0x80  }
0x5: {  	s10 =	sand.u32 $0x1, s1;
	s1 =	rddreg [dreg:$0x3];
	s7 =	smul.u32 $0x9C4, s2  }
0x6: {  	s25 =	simm.s32 $0x0;
	[smem:$0x7FF] =	sst s4;
	s8 =	smul.u32 $0x4E000, s2  }
0x7: {  	s13 =	smul.u32 $0x13800, s2;
	s17 =	sadd.s32 $0x17600, s5;
	p0 =	sne.s32 s2, $0xF  }
0x8: {  	s6 =	smul.u32 $0xFFFF9C40, s10;
	_ =	strace $0x8000004A;
	s28 =	ssub.s32 $0x2, s10  }
0x9: {  	s29 =	sshll.u32 s10, $0x4;
	s20 =	smul.u32 $0x138800, s10;
	s10 =	sadd.s32 $0x138000, s3  }
0xa: {  	s9 =	sshrl.u32 s28, $0x1;
	s30 =	sshrl.u32 s8, $0x2;
	s14 =	sadd.s32 $0x4000, s13  }
0xb: {  	s31 =	sor.u32 s2, s29;
	s15 =	sadd.s32 $0x8000, s13;
	s16 =	sadd.s32 $0xC000, s13  }
0xc: {  	s18 =	sadd.s32 $0x10000, s13;
	s6 =	sand.u32 $0xFFC0, s6;
	s19 =	ssub.s32 s28, s9  }
0xd: {  	s11 =	smul.u32 $0x9C4, s31;
	s8 =	sadd.s32 s16, s3;
	s9 =	sadd.s32 s18, s3  }
0xe: {  	s13 =	sadd.s32 s13, s20;
	s16 =	sadd.s32 s20, s16;
	s18 =	sadd.s32 s20, s18  }
0xf: {  	s6 =	sadd.s32 s7, s6;
	s7 =	sadd.s32 s15, s3;
	s15 =	sadd.s32 s20, s15  }
0x10: {  	s13 =	sshrl.u32 s13, $0x3;
	s16 =	sshrl.u32 s16, $0x3;
	s18 =	sshrl.u32 s18, $0x3  }
0x11: {  	s19 =	smax.u32 s19, $0x1;
	s6 =	sshrl.u32 s6, $0x1;
	s12 =	sadd.s32 $0x9C4, s11  }
0x12: {  	s11 =	sshrl.u32 s11, $0x5;
	s15 =	sshrl.u32 s15, $0x3;
	s13 =	sadd.s32 s17, s13  }
0x13: {  	s16 =	sadd.s32 s17, s16;
	s6 =	sand.u32 $0xFFF0, s6;
	s12 =	sshrl.u32 s12, $0x5  }
.Ltmp0:
0x14: {  	s15 =	sadd.s32 s17, s15;
	s21 =	sadd.s32 s6, s5;
	(pc) =	sbr.rel .LBB2_1-.Ltmp0, $4  }
0x15: {  	s5 =	sadd.s32 s30, s3;
	s6 =	sadd.s32 s14, s3;
	s14 =	sadd.s32 s20, s14  }
0x16: {  	s20 =	sshrl.u32 s20, $0x3;
	p1 =	sge.u32 s11, s12;
	s14 =	sshrl.u32 s14, $0x3  }
0x17: {  	s20 =	sadd.s32 s17, s20;
	s14 =	sadd.s32 s17, s14;
	s17 =	sadd.s32 s17, s18  }
0x18: {  	v0 =	vimm.f32 $0.0e+00;
	s18 =	sadd.s32 $0x27000, s20;
	s20 =	sadd.s32 $0x3A00, s21;
	s21 =	sadd.s32 $0xD800, s21  }
.LBB2_6:
0x19: {  	[sflag:s23] =	ssyncadd.s32 $0xFFFFC000  }
.LBB2_7:
0x1a: {  	[bflag:$0x0] =	sbarrier.arrive $0xFFFF  }
0x1b: {  	[tilespmem:s22], [sflag:$0x1] =	stream.linear.gather [spmem:s5], $0x4000, $0x38;
	[tilespmem:$0x17980] =	vst v63  }
0x1c: {  	_ =	swait.ge [sflag:s23], $0x4000  }
0x1d: {  	[sflag:s23] =	ssyncset.done $0x0  }
0x1e: {  	[sflag:s23] =	ssyncadd.s32 $0xFFFFC000  }
0x1f: {  	[hbm4b:s13+s4] =	stream.linear.scatter [tilespmem:s22], [sflag:$0x1], $0x4000, $0x38;
	[tilespmem:$0x17980] =	vst v63  }
0x20: {  	_ =	swait.ge [sflag:s23], $0x4000  }
0x21: {  	[sflag:s23] =	ssyncset.done $0x0  }
0x22: {  	[sflag:s23] =	ssyncadd.s32 $0xFFFFC000  }
0x23: {  	[tilespmem:s22], [sflag:$0x1] =	stream.linear.gather [spmem:s6], $0x4000, $0x38;
	[tilespmem:$0x17980] =	vst v63  }
0x24: {  	_ =	swait.ge [sflag:s23], $0x4000  }
0x25: {  	[sflag:s23] =	ssyncset.done $0x0  }
0x26: {  	[sflag:s23] =	ssyncadd.s32 $0xFFFFC000  }
0x27: {  	[hbm4b:s14+s4] =	stream.linear.scatter [tilespmem:s22], [sflag:$0x1], $0x4000, $0x38;
	[tilespmem:$0x17980] =	vst v63  }
0x28: {  	_ =	swait.ge [sflag:s23], $0x4000  }
0x29: {  	[sflag:s23] =	ssyncset.done $0x0  }
0x2a: {  	[sflag:s23] =	ssyncadd.s32 $0xFFFFC000  }
0x2b: {  	[tilespmem:s22], [sflag:$0x1] =	stream.linear.gather [spmem:s7], $0x4000, $0x38;
	[tilespmem:$0x17980] =	vst v63  }
0x2c: {  	_ =	swait.ge [sflag:s23], $0x4000  }
0x2d: {  	[sflag:s23] =	ssyncset.done $0x0  }
0x2e: {  	[sflag:s23] =	ssyncadd.s32 $0xFFFFC000  }
0x2f: {  	[hbm4b:s15+s4] =	stream.linear.scatter [tilespmem:s22], [sflag:$0x1], $0x4000, $0x38;
	[tilespmem:$0x17980] =	vst v63  }
0x30: {  	_ =	swait.ge [sflag:s23], $0x4000  }
0x31: {  	[sflag:s23] =	ssyncset.done $0x0  }
0x32: {  	[sflag:s23] =	ssyncadd.s32 $0xFFFFC000  }
0x33: {  	[tilespmem:s22], [sflag:$0x1] =	stream.linear.gather [spmem:s8], $0x4000, $0x38;
	[tilespmem:$0x17980] =	vst v63  }
0x34: {  	_ =	swait.ge [sflag:s23], $0x4000  }
0x35: {  	[sflag:s23] =	ssyncset.done $0x0  }
0x36: {  	[sflag:s23] =	ssyncadd.s32 $0xFFFFC000  }
0x37: {  	[hbm4b:s16+s4] =	stream.linear.scatter [tilespmem:s22], [sflag:$0x1], $0x4000, $0x38;
	[tilespmem:$0x17980] =	vst v63  }
0x38: {  	_ =	swait.ge [sflag:s23], $0x4000  }
0x39: {  	[sflag:s23] =	ssyncset.done $0x0  }
0x3a: {  	[sflag:s23] =	ssyncadd.s32 $0xFFFFC000  }
0x3b: {  	[tilespmem:s22], [sflag:$0x1] =	stream.linear.gather [spmem:s9], $0x3800, $0x38;
	[tilespmem:$0x17980] =	vst v63  }
0x3c: {  	_ =	swait.ge [sflag:s23], $0x3800  }
0x3d: {  	[sflag:s23] =	ssyncset.done $0x0  }
0x3e: {  	[sflag:s23] =	ssyncadd.s32 $0xFFFFC800  }
0x3f: {  	[hbm4b:s17+s4] =	stream.linear.scatter [tilespmem:s22], [sflag:$0x1], $0x3800, $0x38;
	[tilespmem:$0x17980] =	vst v63  }
0x40: {  	_ =	swait.ge [sflag:s23], $0x3800  }
0x41: {  	[sflag:s23] =	ssyncset.done $0x0  }
0x42: {  	[sflag:s23] =	ssyncadd.s32 $0xFFFFC800  }
0x43: {  	[tilespmem:s28], [sflag:$0x1] =	stream.linear.gather @!p0 [spmem:s10], $0x800, $0x38;
	[tilespmem:$0x17980] =	vst v63  }
0x44: {  	s25 =	sadd.s32 $0x1, s25;
	_ =	swait.ge @!p0 [sflag:s26], $0x800  }
0x45: {  	p2 =	sne.s32 s25, s19;
	[sflag:s26] =	ssyncset.done @!p0 $0x0  }
.Ltmp1:
0x46: {  	s29 =	simm.s32 @!p0 $0x0;
	[sflag:s26] =	ssyncadd.s32 @!p0 $0xFFFFF800;
	(pc) =	sbr.rel @!p2 .LBB2_8-.Ltmp1, $4  }
0x47: {  	[hbm4b:s18+s29] =	stream.linear.scatter @!p0 [tilespmem:s28], [sflag:$0x1], $0x800, $0x38;
	[tilespmem:$0x17980] =	vst v63  }
0x48: {  	_ =	swait.ge @!p0 [sflag:s26], $0x800  }
0x49: {  	[sflag:s26] =	ssyncset.done @!p0 $0x0  }
0x4a: {  	[sflag:s26] =	ssyncadd.s32 @!p0 $0xFFFFF800  }
.LBB2_1:
0x4b: {  	s26 =	sand.u32 $0xFE00, s4  }
0x4c: {  	s28 =	sand.u32 $0x70, s4;
	s29 =	sshrl.u32 s26, $0x2  }
0x4d: {  	s26 =	simm.s32 $0x40;
	s29 =	sor.u32 s28, s29;
	s28 =	simm.s32 $0x0  }
.LBB2_2:
0x4e: {  	p2 =	sne.s32 s26, $0xFFC0  }
0x4f: {  	[tilespmem:s29+$0x100] =	vst v0;
	s28 =	sadd.s32 $0x10, s28;
	s29 =	smov.u32 s26;
	s26 =	sadd.s32 $0x40, s26  }
.Ltmp2:
0x50: {  	(pc) =	sbr.rel @p2 .LBB2_2-.Ltmp2, $4  }
0x51: {  	_ = 	snop  }
0x52: {  	s29 =	sand.u32 $0xFE00, s29  }
0x53: {  	s30 =	sand.u32 $0x70, s28;
	s29 =	sshrl.u32 s29, $0x2  }
0x54: {  	s29 =	sor.u32 s30, s29  }
0x55: {  	[tilespmem:s29+$0x100] =	vst v0  }
0x56: {  	[spmem:s5] =	stream.linear.scatter [tilespmem:s22], [sflag:$0x1], $0x4000, $0x38;
	[tilespmem:$0x17980] =	vst v63  }
0x57: {  	_ =	swait.ge [sflag:s23], $0x4000  }
0x58: {  	[sflag:s23] =	ssyncset.done $0x0  }
0x59: {  	[sflag:s23] =	ssyncadd.s32 $0xFFFFC000  }
0x5a: {  	[spmem:s6] =	stream.linear.scatter [tilespmem:s22], [sflag:$0x1], $0x4000, $0x38;
	[tilespmem:$0x17980] =	vst v63  }
0x5b: {  	_ =	swait.ge [sflag:s23], $0x4000  }
0x5c: {  	[sflag:s23] =	ssyncset.done $0x0  }
0x5d: {  	[sflag:s23] =	ssyncadd.s32 $0xFFFFC000  }
0x5e: {  	[spmem:s7] =	stream.linear.scatter [tilespmem:s22], [sflag:$0x1], $0x4000, $0x38;
	[tilespmem:$0x17980] =	vst v63  }
0x5f: {  	_ =	swait.ge [sflag:s23], $0x4000  }
0x60: {  	[sflag:s23] =	ssyncset.done $0x0  }
0x61: {  	[sflag:s23] =	ssyncadd.s32 $0xFFFFC000  }
0x62: {  	[spmem:s8] =	stream.linear.scatter [tilespmem:s22], [sflag:$0x1], $0x4000, $0x38;
	[tilespmem:$0x17980] =	vst v63  }
0x63: {  	_ =	swait.ge [sflag:s23], $0x4000  }
0x64: {  	[sflag:s23] =	ssyncset.done $0x0  }
0x65: {  	[sflag:s23] =	ssyncadd.s32 $0xFFFFC000  }
0x66: {  	[spmem:s9] =	stream.linear.scatter [tilespmem:s22], [sflag:$0x1], $0x3800, $0x38;
	[tilespmem:$0x17980] =	vst v63  }
0x67: {  	_ =	swait.ge [sflag:s23], $0x3800  }
0x68: {  	[sflag:s23] =	ssyncset.done $0x0  }
0x69: {  	s28 =	simm.s32 @!p0 $0x100;
	s26 =	simm.s32 @!p0 $0x1;
	[sflag:s23] =	ssyncadd.s32 $0xFFFFC800  }
0x6a: {  	[spmem:s10] =	stream.linear.scatter @!p0 [tilespmem:s28], [sflag:$0x1], $0x800, $0x38;
	[tilespmem:$0x17980] =	vst v63  }
.Ltmp3:
0x6b: {  	_ =	swait.ge @!p0 [sflag:s26], $0x800;
	(pc) =	sbr.rel @p1 .LBB2_7-.Ltmp3, $3  }
0x6c: {  	[sflag:s26] =	ssyncset.done @!p0 $0x0  }
0x6d: {  	[sflag:s26] =	ssyncadd.s32 @!p0 $0xFFFFF800  }
0x6e: {  	[bflag:$0x0] =	sbarrier.arrive $0xFFFF;
	_ =	sdelay $0x1  }
0x6f: {  	[tilespmem:s4], [sflag:$0x1] =	stream.linear.gather [hbm4b:s21+s4], $0x80, $0x38;
	[tilespmem:$0x17980] =	vst v63  }
0x70: {  	_ =	swait.ge [sflag:s23], $0x80  }
0x71: {  	[sflag:s23] =	ssyncset.done $0x0  }
0x72: {  	[sflag:s23] =	ssyncadd.s32 $0xFFFFFF80  }
0x73: {  	[tilespmem:s24], [sflag:$0x1] =	stream.linear.gather [hbm4b:s20+s4], $0x80, $0x38;
	[tilespmem:$0x17980] =	vst v63  }
0x74: {  	_ =	swait.ge [sflag:s23], $0x80  }
0x75: {  	[sflag:s23] =	ssyncset.done $0x0  }
0x76: {  	s29 =	sadd.s32 $0x1, s11;
	[sflag:s23] =	ssyncadd.s32 $0xFFFFFF80  }
0x77: {  	[tilespmem:s22], [sflag:$0x1] =	stream.indirect.gather [hbm4b:s0+s24], $0x80, s4, s24, $0xb8;
	[tilespmem:$0x17980] =	vst v63  }
0x78: {  	p2 =	slt.u32 s29, s12;
	_ =	swait.ge [sflag:s23], $0x4000  }
.Ltmp4:
0x79: {  	[sflag:s23] =	ssyncset.done $0x0;
	(pc) =	sbr.rel @!p2 .LBB2_6-.Ltmp4, $4  }
0x7a: {  	[sflag:s23] =	ssyncadd.s32 $0xFFFFC000  }
0x7b: {  	[spmem:s3] =	stream.indirect.scatter.add.f32 [tilespmem:s22], [sflag:$0x1], $0x80, s24, s24, $0xb8;
	[tilespmem:$0x17980] =	vst v63  }
0x7c: {  	_ =	swait.ge [sflag:s23], $0x4000  }
0x7d: {  	s30 =	sadd.s32 $0x10, s21;
	s31 =	smov.u32 s20;
	[sflag:s23] =	ssyncset.done $0x0  }
.LBB2_5:
0x7e: {  	s29 =	sadd.s32 $0x1, s29;
	[sflag:s23] =	ssyncadd.s32 $0xFFFFC000;
	s31 =	sadd.s32 $0x10, s31  }
0x7f: {  	[tilespmem:s4], [sflag:$0x1] =	stream.linear.gather [hbm4b:s30+s4], $0x80, $0x38;
	[tilespmem:$0x17980] =	vst v63  }
0x80: {  	p2 =	slt.u32 s29, s12;
	_ =	swait.ge [sflag:s23], $0x80  }
0x81: {  	[sflag:s23] =	ssyncset.done $0x0  }
0x82: {  	[sflag:s23] =	ssyncadd.s32 $0xFFFFFF80  }
0x83: {  	[tilespmem:s24], [sflag:$0x1] =	stream.linear.gather [hbm4b:s31+s4], $0x80, $0x38;
	[tilespmem:$0x17980] =	vst v63  }
0x84: {  	_ =	swait.ge [sflag:s23], $0x80  }
0x85: {  	[sflag:s23] =	ssyncset.done $0x0  }
0x86: {  	[sflag:s23] =	ssyncadd.s32 $0xFFFFFF80  }
0x87: {  	[tilespmem:s22], [sflag:$0x1] =	stream.indirect.gather [hbm4b:s0+s24], $0x80, s4, s24, $0xb8;
	[tilespmem:$0x17980] =	vst v63  }
0x88: {  	_ =	swait.ge [sflag:s23], $0x4000  }
.Ltmp5:
0x89: {  	[sflag:s23] =	ssyncset.done $0x0;
	(pc) =	sbr.rel @p2 .LBB2_5-.Ltmp5, $4  }
0x8a: {  	[sflag:s23] =	ssyncadd.s32 $0xFFFFC000  }
0x8b: {  	[spmem:s3] =	stream.indirect.scatter.add.f32 [tilespmem:s22], [sflag:$0x1], $0x80, s24, s24, $0xb8;
	[tilespmem:$0x17980] =	vst v63  }
0x8c: {  	_ =	swait.ge [sflag:s23], $0x4000  }
0x8d: {  	s30 =	sadd.s32 $0x10, s30;
	[sflag:s23] =	ssyncset.done $0x0  }
.Ltmp6:
0x8e: {  	_ = 	snop;
	(pc) =	sbr.rel .LBB2_6-.Ltmp6, $1  }
0x8f: {  	_ =	sdelay $0x3  }
.LBB2_8:
0x90: {  	_ =	sfence.sel $0x180000  }
0x91: {  	[bflag:$0x0] =	sbarrier.arrive $0xFFFF  }
0x92: {  	p0 =	sne.s32 s2, $0x0;
	_ =	strace $0x9000004A  }
0x93: {  	s0 =	sadd.s32 @!p0 $0x100000, s1;
	[bflag:$0x2] =	sbarrier.arrive $0xFFFF  }
0x94: {  	[sflag:s0] =	ssyncadd.tile.s32 @!p0 $0x1;
	_ =	shalt  }
.Lfunc_end2:
_tile_overlayer_lowered:
.L_overlay_start_2:
0x95: {  	(tag) =	ssettag $0x2  }
0x96: {  	s0 =	rddreg [dreg:$0x0];
	s2 =	stileid.u32  }
0x97: {  	s1 =	rddreg [dreg:$0x1];
	p0 =	sne.s32 s2, $0x0  }
0x98: {  	s3 =	rddreg [dreg:$0x2];
	[bflag:$0x3] =	sbarrier.arrive $0xFFFF;
	s2 =	simm.s32 @!p0 $0x1C01  }
0x99: {  	[timem:s3], [sflag:s2] =	dma.local @!p0 [hbm:s0], s1  }
0x9a: {  	s0 =	simm.s32 @!p0 $0x1  }
0x9b: {  	_ =	swait.ge @!p0 [sflag:s0], s1  }
0x9c: {  	s1 =	ssub.s32 @!p0 $0x0, s1;
	[sflag:s0] =	ssyncset.done @!p0 $0x0  }
0x9d: {  	[sflag:s0] =	ssyncadd.s32 @!p0 s1  }
0x9e: {  	[bflag:$0x3] =	sbarrier.arrive $0xFFFF  }
0x9f: {  	_ =	shalt  }

// kernel: kernel.14.cloned.1.call-start
scs
__scs_entry_jumppad:
0x0: {  	(pc) =	sbr.rel $0x88, $3  }
0x1: {  	(tag) =	ssettag $0x0;
	lr =	simm.s32 $0x1  }
0x2: {  	[smem:$0x3F92] =	sst lr;
	_ =	strace $0xD0000000  }
0x3: {  	_ = 	snop  }
0x4: {  	_ = 	snop  }
0x5: {  	_ = 	snop  }
0x6: {  	_ = 	snop  }
0x7: {  	_ = 	snop  }
__scs_overlays_trampoline_lowered:
0x8: {  	[smem:$0x3FA1] =	sst s0  }
0x9: {  	[smem:$0x3FA2] =	sst s1  }
0xa: {  	[smem:$0x3FA3] =	sst s2  }
0xb: {  	[smem:$0x3FA4] =	sst s3  }
0xc: {  	[smem:$0x3FA5] =	sst s4  }
0xd: {  	[smem:$0x3FA6] =	sst s5  }
0xe: {  	[smem:$0x3FA7] =	sst s6  }
0xf: {  	[smem:$0x3FA8] =	sst s7  }
0x10: {  	[smem:$0x3FA9] =	sst s8  }
0x11: {  	[smem:$0x3FAA] =	sst s9;
	s0 =	simm.s32 @!p0 $0x0  }
0x12: {  	s1 =	sld [smem:$0x3F90];
	s0 =	simm.s32 @p0 $0x1  }
0x13: {  	[smem:$0x3FAB] =	sst s0;
	s0 =	simm.s32 @!p1 $0x0  }
0x14: {  	s2 =	sld [smem:$0x3F8F];
	s0 =	simm.s32 @p1 $0x1  }
0x15: {  	[smem:$0x3FAC] =	sst s0;
	s0 =	simm.s32 @!p2 $0x0  }
0x16: {  	s3 =	sld [smem:$0x3FDB];
	s0 =	simm.s32 @p2 $0x1  }
0x17: {  	s4 =	simm.s32 $0x1BF5;
	[smem:$0x3FAE] =	sst s0  }
0x18: {  	s0 =	sld [smem:$0x3F91];
	_ =	swait.ge [sflag:s4], $0x0  }
0x19: {  	s7 =	sld [smem:$0x3F92]  }
0x1a: {  	s8 =	sadd.s32 $0xFFFFE003, lr  }
0x1b: {  	s9 =	sadd.s32 $0xFFFFFEF7, lr;
	s5 =	simm.s32 $0xFFFFFFFF;
	p2 =	slt.u32 s8, $0xFFFFF086  }
0x1c: {  	p1 =	slt.u32 s9, $0xF7A;
	s5 =	simm.s32 @!p2 $0x0  }
0x1d: {  	s5 =	simm.s32 @p1 $0x1;
	p0 =	seq.s32 s7, s2  }
0x1e: {  	s7 =	smul.u32 @!p0 $0xF7A, s2;
	p2 =	seq.s32 @!p0 s5, $0x0  }
0x1f: {  	s9 =	smul.u32 $0xF7A, s1;
	s8 =	simm.s32 @!p0 $0x1BF5;
	p2 =	por !p2, p0  }
0x20: {  	[sflag:s8] =	ssyncset.s32 @!p0 $0xFFFFF086;
	s6 =	sadd.s32 @!p0 s3, s7;
	s7 =	simm.s32 @!p0 $0x108  }
0x21: {  	s3 =	sadd.s32 s3, s9;
	s6 =	sadd.s32 @!p0 $0x88, s6;
	s7 =	simm.s32 @p2 $0x1082  }
0x22: {  	[simem:s7], [sflag:s8] =	dma.local @!p0 [hbm:s6], $0xF7A  }
0x23: {  	s9 =	sor.u32 $0xD0000000, s2;
	s6 =	simm.s32 $0x108;
	_ =	swait.ge @!p0 [sflag:s8], $0x0  }
0x24: {  	s3 =	sadd.s32 $0x88, s3;
	s6 =	simm.s32 @!p1 $0x1082;
	[sflag:s4] =	ssyncset.s32 $0xFFFFF086  }
0x25: {  	[simem:s6], [sflag:s4] =	dma.local [hbm:s3], $0xF7A  }
0x26: {  	[smem:$0x3F92] =	sst s1;
	(tag) =	ssettag s2;
	_ =	strace s9  }
0x27: {  	s1 =	sld [smem:$0x3FA2]  }
0x28: {  	s2 =	sld [smem:$0x3FA3]  }
0x29: {  	s4 =	sld [smem:$0x3FA5]  }
0x2a: {  	p0 =	seq.s32 s5, $0x0;
	s5 =	sld [smem:$0x3FA6]  }
0x2b: {  	s6 =	sld [smem:$0x3FA7]  }
0x2c: {  	s7 =	sld [smem:$0x3FA8]  }
0x2d: {  	s3 =	simm.s32 $0x108;
	s8 =	sld [smem:$0x3FA9]  }
0x2e: {  	s3 =	simm.s32 @!p0 $0x1082;
	s9 =	sld [smem:$0x3FAA]  }
0x2f: {  	lr =	sadd.s32 s0, s3;
	s0 =	sld [smem:$0x3FA1]  }
0x30: {  	s3 =	sld [smem:$0x3FA4]  }
0x31: {  	[smem:$0x3FAD] =	sst s10  }
0x32: {  	s10 =	sld [smem:$0x3FAB];
	_ =	sdelay $0x3  }
0x33: {  	p0 =	seq.s32 s10, $0x1;
	s10 =	sld [smem:$0x3FAD];
	_ =	sdelay $0x3  }
0x34: {  	[smem:$0x3FAD] =	sst s10  }
0x35: {  	s10 =	sld [smem:$0x3FAC];
	_ =	sdelay $0x3  }
0x36: {  	p1 =	seq.s32 s10, $0x1;
	s10 =	sld [smem:$0x3FAD];
	_ =	sdelay $0x3  }
0x37: {  	[smem:$0x3FAD] =	sst s10  }
0x38: {  	s10 =	sld [smem:$0x3FAE]  }
0x39: {  	_ = 	snop;
	(pc) =	sbr.ind lr, $3  }
0x3a: {  	_ = 	snop  }
0x3b: {  	_ = 	snop  }
0x3c: {  	p2 =	seq.s32 s10, $0x1;
	s10 =	sld [smem:$0x3FAD]  }
0x3d: {  	_ =	shalt  }
0x3e: {  	_ =	shalt  }
0x3f: {  	_ =	shalt  }
0x40: {  	_ =	shalt  }
0x41: {  	_ =	shalt  }
0x42: {  	_ =	shalt  }
0x43: {  	_ =	shalt  }
0x44: {  	_ =	shalt  }
0x45: {  	_ =	shalt  }
0x46: {  	_ =	shalt  }
0x47: {  	_ =	shalt  }
0x48: {  	_ =	shalt  }
0x49: {  	_ =	shalt  }
0x4a: {  	_ =	shalt  }
0x4b: {  	_ =	shalt  }
0x4c: {  	_ =	shalt  }
0x4d: {  	_ =	shalt  }
0x4e: {  	_ =	shalt  }
0x4f: {  	_ =	shalt  }
0x50: {  	_ =	shalt  }
0x51: {  	_ =	shalt  }
0x52: {  	_ =	shalt  }
0x53: {  	_ =	shalt  }
0x54: {  	_ =	shalt  }
0x55: {  	_ =	shalt  }
0x56: {  	_ =	shalt  }
0x57: {  	_ =	shalt  }
0x58: {  	_ =	shalt  }
0x59: {  	_ =	shalt  }
0x5a: {  	_ =	shalt  }
0x5b: {  	_ =	shalt  }
0x5c: {  	_ =	shalt  }
0x5d: {  	_ =	shalt  }
0x5e: {  	_ =	shalt  }
0x5f: {  	_ =	shalt  }
0x60: {  	_ =	shalt  }
0x61: {  	_ =	shalt  }
0x62: {  	_ =	shalt  }
0x63: {  	_ =	shalt  }
0x64: {  	_ =	shalt  }
0x65: {  	_ =	shalt  }
0x66: {  	_ =	shalt  }
0x67: {  	_ =	shalt  }
0x68: {  	_ =	shalt  }
0x69: {  	_ =	shalt  }
0x6a: {  	_ =	shalt  }
0x6b: {  	_ =	shalt  }
0x6c: {  	_ =	shalt  }
0x6d: {  	_ =	shalt  }
0x6e: {  	_ =	shalt  }
0x6f: {  	_ =	shalt  }
0x70: {  	_ =	shalt  }
0x71: {  	_ =	shalt  }
0x72: {  	_ =	shalt  }
0x73: {  	_ =	shalt  }
0x74: {  	_ =	shalt  }
0x75: {  	_ =	shalt  }
0x76: {  	_ =	shalt  }
0x77: {  	_ =	shalt  }
0x78: {  	_ =	shalt  }
0x79: {  	_ =	shalt  }
0x7a: {  	_ =	shalt  }
0x7b: {  	_ =	shalt  }
0x7c: {  	_ =	shalt  }
0x7d: {  	_ =	shalt  }
0x7e: {  	_ =	shalt  }
0x7f: {  	_ =	shalt  }
0x80: {  	_ =	shalt  }
0x81: {  	_ =	shalt  }
0x82: {  	_ =	shalt  }
0x83: {  	_ =	shalt  }
0x84: {  	_ =	shalt  }
0x85: {  	_ =	shalt  }
0x86: {  	_ =	shalt  }
0x87: {  	_ =	shalt  }
.Lfunc_end0:
.L_simem_size_0:
called_computation.2_lowered:
.L_overlay_start_0:
0x88: {  	s2 =	sld [smem:$0x3FD9]  }
0x89: {  	s3 =	sld [smem:$0x3FFE];
	_ =	sdelay $0x1  }
0x8a: {  	s1 =	srdreg.scid  }
0x8b: {  	s0 =	sand.u32 $0x1, s1  }
0x8c: {  	s17 =	sshll.u32 s0, $0xA;
	s2 =	sadd.s32 s3, s2  }
0x8d: {  	s2 =	sadd.s32 s2, s17  }
0x8e: {  	[smem:$0x3FB9] =	sst s2  }
0x8f: {  	_ = 	snop  }
0x90: {  	s2 =	sld [smem:$0x3FD0];
	(tm) =	ssettm $0x1  }
0x91: {  	s18 =	sld [smem:$0x3FFB];
	_ =	sdelay $0x3  }
0x92: {  	_ =	strace s18  }
0x93: {  	s3 =	sld [smem:$0x3FFC];
	_ =	sdelay $0x3  }
0x94: {  	_ =	strace s3  }
0x95: {  	s3 =	sld [smem:$0x3FFD];
	_ =	sdelay $0x3  }
0x96: {  	_ =	strace s3  }
0x97: {  	_ =	strace $0x8FFFFFFF  }
0x98: {  	s19 =	sld [smem:$0x3FDB];
	_ =	sdelay $0x1  }
0x99: {  	s4 =	simm.s32 $_scs_section_size  }
0x9a: {  	s5 =	simm.s32 $_size__tile_overlayer_lowered;
	s6 =	simm.s32 $_tile_overlayer_lowered  }
0x9b: {  	s22 =	simm.s32 $0x1BFF;
	s21 =	sshll.u32 s6, $0x1;
	s3 =	sadd.s32 s4, s19  }
0x9c: {  	s7 =	simm.s32 $0x0;
	s20 =	sshll.u32 s5, $0x1;
	s5 =	sadd.s32 s21, s3  }
0x9d: {  	[timem:s7], [sflag:s22] =	dma.local [hbm:s5], s20  }
0x9e: {  	_ =	swait.ge [sflag:s22], s20  }
0x9f: {  	s4 =	ssub.s32 $0x0, s20;
	[sflag:s22] =	ssyncset.done $0x0  }
0xa0: {  	[sflag:s22] =	ssyncadd.s32 s4;
	_ =	sdelay $0x1  }
0xa1: {  	s23 =	simm.s32 $0x1B8B  }
0xa2: {  	_ =	swait.ge [sflag:s23], $0x1  }
0xa3: {  	[sflag:s23] =	ssyncset.done $0x0  }
0xa4: {  	s25 =	simm.s32 $0x1B8E;
	s24 =	sld [smem:$0x3FFE];
	[sflag:s23] =	ssyncadd.s32 $0xFFFFFFFF  }
0xa5: {  	s26 =	simm.s32 $execute0_lowered;
	[smem:$0x3FD2] =	sst s25  }
0xa6: {  	s5 =	sshll.u32 s26, $0x1;
	_ =	strace $0x8000004C;
	[dreg:$0x1] =	wrdreg $0xFFFFFFFF  }
0xa7: {  	s28 =	simm.s32 $_size_execute0_lowered;
	s3 =	sadd.s32 s3, s5;
	[dreg:$0x0] =	wrdreg $0x0  }
0xa8: {  	s5 =	sshll.u32 s28, $0x1;
	[dreg:$0x2] =	wrdreg s3  }
0xa9: {  	[dreg:$0x3] =	wrdreg s5  }
0xaa: {  	[dreg:$0x4] =	wrdreg $0xC0  }
0xab: {  	_ =	task [dreg:s7], $0x5FFFF  }
0xac: {  	[dreg:$0x1] =	wrdreg $0xFFFFFFFF  }
0xad: {  	[dreg:$0x0] =	wrdreg $0x60  }
0xae: {  	[dreg:$0x2] =	wrdreg s2  }
0xaf: {  	[dreg:$0x3] =	wrdreg s24  }
0xb0: {  	[dreg:$0x4] =	wrdreg $0x41000  }
0xb1: {  	[dreg:$0x5] =	wrdreg $0x9  }
0xb2: {  	_ =	task.clear_ibuf [dreg:s7], $0x6FFFF;
	_ =	strace $0x9000004C  }
0xb3: {  	s29 =	simm.s32 $0x9;
	_ =	strace $0x8000004E  }
0xb4: {  	_ =	swait.ge [sflag:s29], $0x1  }
0xb5: {  	[sflag:s29] =	ssyncadd.s32 $0xFFFFFFFF  }
0xb6: {  	_ =	strace $0x9000004E  }
0xb7: {  	_ =	sfence  }
0xb8: {  	s30 =	sld [smem:$0x0];
	_ =	sdelay $0x2  }
0xb9: {  	s31 =	sshll.u32 s1, $0xD;
	s1 =	sshrl.u32 s1, $0x2  }
0xba: {  	s3 =	sand.u32 $0x4000, s31;
	s1 =	sadd.s32 s1, s30  }
0xbb: {  	s0 =	sor.u32 s3, s0;
	s1 =	sshll.u32 s1, $0x11  }
0xbc: {  	s0 =	sor.u32 s1, s0  }
0xbd: {  	s0 =	sadd.s32 $0x8F2B, s0  }
0xbe: {  	[sflag:s0] =	ssyncadd.remote.s32 $0x1  }
0xbf: {  	_ =	sfence.sel $0xFFFF  }
0xc0: {  	[dreg:$0x0] =	wrdreg $0xFFFFFFFF;
	(pc) =	sbr.abs _section_cstart, $3  }
0xc1: {  	[dreg:$0x1] =	wrdreg $0xFFFFFFFF  }
0xc2: {  	_ =	task.clear_ibuf [dreg:s7], $0x2FFFF;
	_ =	strace $0x9FFFFFFF  }
0xc3: {  	(tm) =	ssettm $0x7FFFFFFF  }
tec
execute0_lowered:
.L_overlay_start_1:
0x0: {  	(tag) =	ssettag $0x1  }
0x1: {  	s0 =	rddreg [dreg:$0x0]  }
0x2: {  	s5 =	rddreg [dreg:$0x1];
	s1 =	srdreg.scid  }
0x3: {  	s3 =	rddreg [dreg:$0x2];
	s2 =	stileid.u32;
	s4 =	simm.s32 $0x0  }
0x4: {  	s22 =	simm.s32 $0x100;
	s23 =	simm.s32 $0x1;
	s24 =	simm.s32 $0x80  }
0x5: {  	s10 =	sand.u32 $0x1, s1;
	s1 =	rddreg [dreg:$0x3];
	s7 =	smul.u32 $0x9C4, s2  }
0x6: {  	s25 =	simm.s32 $0x0;
	[smem:$0x7FF] =	sst s4;
	s8 =	smul.u32 $0x4E000, s2  }
0x7: {  	s13 =	smul.u32 $0x13800, s2;
	s17 =	sadd.s32 $0x17600, s5;
	p0 =	sne.s32 s2, $0xF  }
0x8: {  	s6 =	smul.u32 $0xFFFF9C40, s10;
	_ =	strace $0x8000004D;
	s28 =	ssub.s32 $0x2, s10  }
0x9: {  	s29 =	sshll.u32 s10, $0x4;
	s20 =	smul.u32 $0x138800, s10;
	s10 =	sadd.s32 $0x138000, s3  }
0xa: {  	s9 =	sshrl.u32 s28, $0x1;
	s30 =	sshrl.u32 s8, $0x2;
	s14 =	sadd.s32 $0x4000, s13  }
0xb: {  	s31 =	sor.u32 s2, s29;
	s15 =	sadd.s32 $0x8000, s13;
	s16 =	sadd.s32 $0xC000, s13  }
0xc: {  	s18 =	sadd.s32 $0x10000, s13;
	s6 =	sand.u32 $0xFFC0, s6;
	s19 =	ssub.s32 s28, s9  }
0xd: {  	s11 =	smul.u32 $0x9C4, s31;
	s8 =	sadd.s32 s16, s3;
	s9 =	sadd.s32 s18, s3  }
0xe: {  	s13 =	sadd.s32 s13, s20;
	s16 =	sadd.s32 s20, s16;
	s18 =	sadd.s32 s20, s18  }
0xf: {  	s6 =	sadd.s32 s7, s6;
	s7 =	sadd.s32 s15, s3;
	s15 =	sadd.s32 s20, s15  }
0x10: {  	s13 =	sshrl.u32 s13, $0x3;
	s16 =	sshrl.u32 s16, $0x3;
	s18 =	sshrl.u32 s18, $0x3  }
0x11: {  	s19 =	smax.u32 s19, $0x1;
	s6 =	sshrl.u32 s6, $0x1;
	s12 =	sadd.s32 $0x9C4, s11  }
0x12: {  	s11 =	sshrl.u32 s11, $0x5;
	s15 =	sshrl.u32 s15, $0x3;
	s13 =	sadd.s32 s17, s13  }
0x13: {  	s16 =	sadd.s32 s17, s16;
	s6 =	sand.u32 $0xFFF0, s6;
	s12 =	sshrl.u32 s12, $0x5  }
.Ltmp0:
0x14: {  	s15 =	sadd.s32 s17, s15;
	s21 =	sadd.s32 s6, s5;
	(pc) =	sbr.rel .LBB2_1-.Ltmp0, $4  }
0x15: {  	s5 =	sadd.s32 s30, s3;
	s6 =	sadd.s32 s14, s3;
	s14 =	sadd.s32 s20, s14  }
0x16: {  	s20 =	sshrl.u32 s20, $0x3;
	p1 =	sge.u32 s11, s12;
	s14 =	sshrl.u32 s14, $0x3  }
0x17: {  	s20 =	sadd.s32 s17, s20;
	s14 =	sadd.s32 s17, s14;
	s17 =	sadd.s32 s17, s18  }
0x18: {  	v0 =	vimm.f32 $0.0e+00;
	s18 =	sadd.s32 $0x27000, s20;
	s20 =	sadd.s32 $0x3A00, s21;
	s21 =	sadd.s32 $0xD800, s21  }
.LBB2_6:
0x19: {  	[sflag:s23] =	ssyncadd.s32 $0xFFFFC000  }
.LBB2_7:
0x1a: {  	[bflag:$0x0] =	sbarrier.arrive $0xFFFF  }
0x1b: {  	[tilespmem:s22], [sflag:$0x1] =	stream.linear.gather [spmem:s5], $0x4000, $0x38;
	[tilespmem:$0x17980] =	vst v63  }
0x1c: {  	_ =	swait.ge [sflag:s23], $0x4000  }
0x1d: {  	[sflag:s23] =	ssyncset.done $0x0  }
0x1e: {  	[sflag:s23] =	ssyncadd.s32 $0xFFFFC000  }
0x1f: {  	[hbm4b:s13+s4] =	stream.linear.scatter [tilespmem:s22], [sflag:$0x1], $0x4000, $0x38;
	[tilespmem:$0x17980] =	vst v63  }
0x20: {  	_ =	swait.ge [sflag:s23], $0x4000  }
0x21: {  	[sflag:s23] =	ssyncset.done $0x0  }
0x22: {  	[sflag:s23] =	ssyncadd.s32 $0xFFFFC000  }
0x23: {  	[tilespmem:s22], [sflag:$0x1] =	stream.linear.gather [spmem:s6], $0x4000, $0x38;
	[tilespmem:$0x17980] =	vst v63  }
0x24: {  	_ =	swait.ge [sflag:s23], $0x4000  }
0x25: {  	[sflag:s23] =	ssyncset.done $0x0  }
0x26: {  	[sflag:s23] =	ssyncadd.s32 $0xFFFFC000  }
0x27: {  	[hbm4b:s14+s4] =	stream.linear.scatter [tilespmem:s22], [sflag:$0x1], $0x4000, $0x38;
	[tilespmem:$0x17980] =	vst v63  }
0x28: {  	_ =	swait.ge [sflag:s23], $0x4000  }
0x29: {  	[sflag:s23] =	ssyncset.done $0x0  }
0x2a: {  	[sflag:s23] =	ssyncadd.s32 $0xFFFFC000  }
0x2b: {  	[tilespmem:s22], [sflag:$0x1] =	stream.linear.gather [spmem:s7], $0x4000, $0x38;
	[tilespmem:$0x17980] =	vst v63  }
0x2c: {  	_ =	swait.ge [sflag:s23], $0x4000  }
0x2d: {  	[sflag:s23] =	ssyncset.done $0x0  }
0x2e: {  	[sflag:s23] =	ssyncadd.s32 $0xFFFFC000  }
0x2f: {  	[hbm4b:s15+s4] =	stream.linear.scatter [tilespmem:s22], [sflag:$0x1], $0x4000, $0x38;
	[tilespmem:$0x17980] =	vst v63  }
0x30: {  	_ =	swait.ge [sflag:s23], $0x4000  }
0x31: {  	[sflag:s23] =	ssyncset.done $0x0  }
0x32: {  	[sflag:s23] =	ssyncadd.s32 $0xFFFFC000  }
0x33: {  	[tilespmem:s22], [sflag:$0x1] =	stream.linear.gather [spmem:s8], $0x4000, $0x38;
	[tilespmem:$0x17980] =	vst v63  }
0x34: {  	_ =	swait.ge [sflag:s23], $0x4000  }
0x35: {  	[sflag:s23] =	ssyncset.done $0x0  }
0x36: {  	[sflag:s23] =	ssyncadd.s32 $0xFFFFC000  }
0x37: {  	[hbm4b:s16+s4] =	stream.linear.scatter [tilespmem:s22], [sflag:$0x1], $0x4000, $0x38;
	[tilespmem:$0x17980] =	vst v63  }
0x38: {  	_ =	swait.ge [sflag:s23], $0x4000  }
0x39: {  	[sflag:s23] =	ssyncset.done $0x0  }
0x3a: {  	[sflag:s23] =	ssyncadd.s32 $0xFFFFC000  }
0x3b: {  	[tilespmem:s22], [sflag:$0x1] =	stream.linear.gather [spmem:s9], $0x3800, $0x38;
	[tilespmem:$0x17980] =	vst v63  }
0x3c: {  	_ =	swait.ge [sflag:s23], $0x3800  }
0x3d: {  	[sflag:s23] =	ssyncset.done $0x0  }
0x3e: {  	[sflag:s23] =	ssyncadd.s32 $0xFFFFC800  }
0x3f: {  	[hbm4b:s17+s4] =	stream.linear.scatter [tilespmem:s22], [sflag:$0x1], $0x3800, $0x38;
	[tilespmem:$0x17980] =	vst v63  }
0x40: {  	_ =	swait.ge [sflag:s23], $0x3800  }
0x41: {  	[sflag:s23] =	ssyncset.done $0x0  }
0x42: {  	[sflag:s23] =	ssyncadd.s32 $0xFFFFC800  }
0x43: {  	[tilespmem:s28], [sflag:$0x1] =	stream.linear.gather @!p0 [spmem:s10], $0x800, $0x38;
	[tilespmem:$0x17980] =	vst v63  }
0x44: {  	s25 =	sadd.s32 $0x1, s25;
	_ =	swait.ge @!p0 [sflag:s26], $0x800  }
0x45: {  	p2 =	sne.s32 s25, s19;
	[sflag:s26] =	ssyncset.done @!p0 $0x0  }
.Ltmp1:
0x46: {  	s29 =	simm.s32 @!p0 $0x0;
	[sflag:s26] =	ssyncadd.s32 @!p0 $0xFFFFF800;
	(pc) =	sbr.rel @!p2 .LBB2_8-.Ltmp1, $4  }
0x47: {  	[hbm4b:s18+s29] =	stream.linear.scatter @!p0 [tilespmem:s28], [sflag:$0x1], $0x800, $0x38;
	[tilespmem:$0x17980] =	vst v63  }
0x48: {  	_ =	swait.ge @!p0 [sflag:s26], $0x800  }
0x49: {  	[sflag:s26] =	ssyncset.done @!p0 $0x0  }
0x4a: {  	[sflag:s26] =	ssyncadd.s32 @!p0 $0xFFFFF800  }
.LBB2_1:
0x4b: {  	s26 =	sand.u32 $0xFE00, s4  }
0x4c: {  	s28 =	sand.u32 $0x70, s4;
	s29 =	sshrl.u32 s26, $0x2  }
0x4d: {  	s26 =	simm.s32 $0x40;
	s29 =	sor.u32 s28, s29;
	s28 =	simm.s32 $0x0  }
.LBB2_2:
0x4e: {  	p2 =	sne.s32 s26, $0xFFC0  }
0x4f: {  	[tilespmem:s29+$0x100] =	vst v0;
	s28 =	sadd.s32 $0x10, s28;
	s29 =	smov.u32 s26;
	s26 =	sadd.s32 $0x40, s26  }
.Ltmp2:
0x50: {  	(pc) =	sbr.rel @p2 .LBB2_2-.Ltmp2, $4  }
0x51: {  	_ = 	snop  }
0x52: {  	s29 =	sand.u32 $0xFE00, s29  }
0x53: {  	s30 =	sand.u32 $0x70, s28;
	s29 =	sshrl.u32 s29, $0x2  }
0x54: {  	s29 =	sor.u32 s30, s29  }
0x55: {  	[tilespmem:s29+$0x100] =	vst v0  }
0x56: {  	[spmem:s5] =	stream.linear.scatter [tilespmem:s22], [sflag:$0x1], $0x4000, $0x38;
	[tilespmem:$0x17980] =	vst v63  }
0x57: {  	_ =	swait.ge [sflag:s23], $0x4000  }
0x58: {  	[sflag:s23] =	ssyncset.done $0x0  }
0x59: {  	[sflag:s23] =	ssyncadd.s32 $0xFFFFC000  }
0x5a: {  	[spmem:s6] =	stream.linear.scatter [tilespmem:s22], [sflag:$0x1], $0x4000, $0x38;
	[tilespmem:$0x17980] =	vst v63  }
0x5b: {  	_ =	swait.ge [sflag:s23], $0x4000  }
0x5c: {  	[sflag:s23] =	ssyncset.done $0x0  }
0x5d: {  	[sflag:s23] =	ssyncadd.s32 $0xFFFFC000  }
0x5e: {  	[spmem:s7] =	stream.linear.scatter [tilespmem:s22], [sflag:$0x1], $0x4000, $0x38;
	[tilespmem:$0x17980] =	vst v63  }
0x5f: {  	_ =	swait.ge [sflag:s23], $0x4000  }
0x60: {  	[sflag:s23] =	ssyncset.done $0x0  }
0x61: {  	[sflag:s23] =	ssyncadd.s32 $0xFFFFC000  }
0x62: {  	[spmem:s8] =	stream.linear.scatter [tilespmem:s22], [sflag:$0x1], $0x4000, $0x38;
	[tilespmem:$0x17980] =	vst v63  }
0x63: {  	_ =	swait.ge [sflag:s23], $0x4000  }
0x64: {  	[sflag:s23] =	ssyncset.done $0x0  }
0x65: {  	[sflag:s23] =	ssyncadd.s32 $0xFFFFC000  }
0x66: {  	[spmem:s9] =	stream.linear.scatter [tilespmem:s22], [sflag:$0x1], $0x3800, $0x38;
	[tilespmem:$0x17980] =	vst v63  }
0x67: {  	_ =	swait.ge [sflag:s23], $0x3800  }
0x68: {  	[sflag:s23] =	ssyncset.done $0x0  }
0x69: {  	s28 =	simm.s32 @!p0 $0x100;
	s26 =	simm.s32 @!p0 $0x1;
	[sflag:s23] =	ssyncadd.s32 $0xFFFFC800  }
0x6a: {  	[spmem:s10] =	stream.linear.scatter @!p0 [tilespmem:s28], [sflag:$0x1], $0x800, $0x38;
	[tilespmem:$0x17980] =	vst v63  }
.Ltmp3:
0x6b: {  	_ =	swait.ge @!p0 [sflag:s26], $0x800;
	(pc) =	sbr.rel @p1 .LBB2_7-.Ltmp3, $3  }
0x6c: {  	[sflag:s26] =	ssyncset.done @!p0 $0x0  }
0x6d: {  	[sflag:s26] =	ssyncadd.s32 @!p0 $0xFFFFF800  }
0x6e: {  	[bflag:$0x0] =	sbarrier.arrive $0xFFFF;
	_ =	sdelay $0x1  }
0x6f: {  	[tilespmem:s4], [sflag:$0x1] =	stream.linear.gather [hbm4b:s21+s4], $0x80, $0x38;
	[tilespmem:$0x17980] =	vst v63  }
0x70: {  	_ =	swait.ge [sflag:s23], $0x80  }
0x71: {  	[sflag:s23] =	ssyncset.done $0x0  }
0x72: {  	[sflag:s23] =	ssyncadd.s32 $0xFFFFFF80  }
0x73: {  	[tilespmem:s24], [sflag:$0x1] =	stream.linear.gather [hbm4b:s20+s4], $0x80, $0x38;
	[tilespmem:$0x17980] =	vst v63  }
0x74: {  	_ =	swait.ge [sflag:s23], $0x80  }
0x75: {  	[sflag:s23] =	ssyncset.done $0x0  }
0x76: {  	s29 =	sadd.s32 $0x1, s11;
	[sflag:s23] =	ssyncadd.s32 $0xFFFFFF80  }
0x77: {  	[tilespmem:s22], [sflag:$0x1] =	stream.indirect.gather [hbm4b:s0+s24], $0x80, s4, s24, $0xb8;
	[tilespmem:$0x17980] =	vst v63  }
0x78: {  	p2 =	slt.u32 s29, s12;
	_ =	swait.ge [sflag:s23], $0x4000  }
.Ltmp4:
0x79: {  	[sflag:s23] =	ssyncset.done $0x0;
	(pc) =	sbr.rel @!p2 .LBB2_6-.Ltmp4, $4  }
0x7a: {  	[sflag:s23] =	ssyncadd.s32 $0xFFFFC000  }
0x7b: {  	[spmem:s3] =	stream.indirect.scatter.add.f32 [tilespmem:s22], [sflag:$0x1], $0x80, s24, s24, $0xb8;
	[tilespmem:$0x17980] =	vst v63  }
0x7c: {  	_ =	swait.ge [sflag:s23], $0x4000  }
0x7d: {  	s30 =	sadd.s32 $0x10, s21;
	s31 =	smov.u32 s20;
	[sflag:s23] =	ssyncset.done $0x0  }
.LBB2_5:
0x7e: {  	s29 =	sadd.s32 $0x1, s29;
	[sflag:s23] =	ssyncadd.s32 $0xFFFFC000;
	s31 =	sadd.s32 $0x10, s31  }
0x7f: {  	[tilespmem:s4], [sflag:$0x1] =	stream.linear.gather [hbm4b:s30+s4], $0x80, $0x38;
	[tilespmem:$0x17980] =	vst v63  }
0x80: {  	p2 =	slt.u32 s29, s12;
	_ =	swait.ge [sflag:s23], $0x80  }
0x81: {  	[sflag:s23] =	ssyncset.done $0x0  }
0x82: {  	[sflag:s23] =	ssyncadd.s32 $0xFFFFFF80  }
0x83: {  	[tilespmem:s24], [sflag:$0x1] =	stream.linear.gather [hbm4b:s31+s4], $0x80, $0x38;
	[tilespmem:$0x17980] =	vst v63  }
0x84: {  	_ =	swait.ge [sflag:s23], $0x80  }
0x85: {  	[sflag:s23] =	ssyncset.done $0x0  }
0x86: {  	[sflag:s23] =	ssyncadd.s32 $0xFFFFFF80  }
0x87: {  	[tilespmem:s22], [sflag:$0x1] =	stream.indirect.gather [hbm4b:s0+s24], $0x80, s4, s24, $0xb8;
	[tilespmem:$0x17980] =	vst v63  }
0x88: {  	_ =	swait.ge [sflag:s23], $0x4000  }
.Ltmp5:
0x89: {  	[sflag:s23] =	ssyncset.done $0x0;
	(pc) =	sbr.rel @p2 .LBB2_5-.Ltmp5, $4  }
0x8a: {  	[sflag:s23] =	ssyncadd.s32 $0xFFFFC000  }
0x8b: {  	[spmem:s3] =	stream.indirect.scatter.add.f32 [tilespmem:s22], [sflag:$0x1], $0x80, s24, s24, $0xb8;
	[tilespmem:$0x17980] =	vst v63  }
0x8c: {  	_ =	swait.ge [sflag:s23], $0x4000  }
0x8d: {  	s30 =	sadd.s32 $0x10, s30;
	[sflag:s23] =	ssyncset.done $0x0  }
.Ltmp6:
0x8e: {  	_ = 	snop;
	(pc) =	sbr.rel .LBB2_6-.Ltmp6, $1  }
0x8f: {  	_ =	sdelay $0x3  }
.LBB2_8:
0x90: {  	_ =	sfence.sel $0x180000  }
0x91: {  	[bflag:$0x0] =	sbarrier.arrive $0xFFFF  }
0x92: {  	p0 =	sne.s32 s2, $0x0;
	_ =	strace $0x9000004D  }
0x93: {  	s0 =	sadd.s32 @!p0 $0x100000, s1;
	[bflag:$0x2] =	sbarrier.arrive $0xFFFF  }
0x94: {  	[sflag:s0] =	ssyncadd.tile.s32 @!p0 $0x1;
	_ =	shalt  }
.Lfunc_end2:
_tile_overlayer_lowered:
.L_overlay_start_2:
0x95: {  	(tag) =	ssettag $0x2  }
0x96: {  	s0 =	rddreg [dreg:$0x0];
	s2 =	stileid.u32  }
0x97: {  	s1 =	rddreg [dreg:$0x1];
	p0 =	sne.s32 s2, $0x0  }
0x98: {  	s3 =	rddreg [dreg:$0x2];
	[bflag:$0x3] =	sbarrier.arrive $0xFFFF;
	s2 =	simm.s32 @!p0 $0x1C01  }
0x99: {  	[timem:s3], [sflag:s2] =	dma.local @!p0 [hbm:s0], s1  }
0x9a: {  	s0 =	simm.s32 @!p0 $0x1  }
0x9b: {  	_ =	swait.ge @!p0 [sflag:s0], s1  }
0x9c: {  	s1 =	ssub.s32 @!p0 $0x0, s1;
	[sflag:s0] =	ssyncset.done @!p0 $0x0  }
0x9d: {  	[sflag:s0] =	ssyncadd.s32 @!p0 s1  }
0x9e: {  	[bflag:$0x3] =	sbarrier.arrive $0xFFFF  }
0x9f: {  	_ =	shalt  }

// kernel: kernel.8.cloned.1.call-start
scs
__scs_entry_jumppad:
0x0: {  	(pc) =	sbr.rel $0x88, $3  }
0x1: {  	(tag) =	ssettag $0x0;
	lr =	simm.s32 $0x1  }
0x2: {  	[smem:$0x3F92] =	sst lr;
	_ =	strace $0xD0000000  }
0x3: {  	_ = 	snop  }
0x4: {  	_ = 	snop  }
0x5: {  	_ = 	snop  }
0x6: {  	_ = 	snop  }
0x7: {  	_ = 	snop  }
__scs_overlays_trampoline_lowered:
0x8: {  	[smem:$0x3FA1] =	sst s0  }
0x9: {  	[smem:$0x3FA2] =	sst s1  }
0xa: {  	[smem:$0x3FA3] =	sst s2  }
0xb: {  	[smem:$0x3FA4] =	sst s3  }
0xc: {  	[smem:$0x3FA5] =	sst s4  }
0xd: {  	[smem:$0x3FA6] =	sst s5  }
0xe: {  	[smem:$0x3FA7] =	sst s6  }
0xf: {  	[smem:$0x3FA8] =	sst s7  }
0x10: {  	[smem:$0x3FA9] =	sst s8  }
0x11: {  	[smem:$0x3FAA] =	sst s9;
	s0 =	simm.s32 @!p0 $0x0  }
0x12: {  	s1 =	sld [smem:$0x3F90];
	s0 =	simm.s32 @p0 $0x1  }
0x13: {  	[smem:$0x3FAB] =	sst s0;
	s0 =	simm.s32 @!p1 $0x0  }
0x14: {  	s2 =	sld [smem:$0x3F8F];
	s0 =	simm.s32 @p1 $0x1  }
0x15: {  	[smem:$0x3FAC] =	sst s0;
	s0 =	simm.s32 @!p2 $0x0  }
0x16: {  	s3 =	sld [smem:$0x3FDB];
	s0 =	simm.s32 @p2 $0x1  }
0x17: {  	s4 =	simm.s32 $0x1BF5;
	[smem:$0x3FAE] =	sst s0  }
0x18: {  	s0 =	sld [smem:$0x3F91];
	_ =	swait.ge [sflag:s4], $0x0  }
0x19: {  	s7 =	sld [smem:$0x3F92]  }
0x1a: {  	s8 =	sadd.s32 $0xFFFFE003, lr  }
0x1b: {  	s9 =	sadd.s32 $0xFFFFFEF7, lr;
	s5 =	simm.s32 $0xFFFFFFFF;
	p2 =	slt.u32 s8, $0xFFFFF086  }
0x1c: {  	p1 =	slt.u32 s9, $0xF7A;
	s5 =	simm.s32 @!p2 $0x0  }
0x1d: {  	s5 =	simm.s32 @p1 $0x1;
	p0 =	seq.s32 s7, s2  }
0x1e: {  	s7 =	smul.u32 @!p0 $0xF7A, s2;
	p2 =	seq.s32 @!p0 s5, $0x0  }
0x1f: {  	s9 =	smul.u32 $0xF7A, s1;
	s8 =	simm.s32 @!p0 $0x1BF5;
	p2 =	por !p2, p0  }
0x20: {  	[sflag:s8] =	ssyncset.s32 @!p0 $0xFFFFF086;
	s6 =	sadd.s32 @!p0 s3, s7;
	s7 =	simm.s32 @!p0 $0x108  }
0x21: {  	s3 =	sadd.s32 s3, s9;
	s6 =	sadd.s32 @!p0 $0x88, s6;
	s7 =	simm.s32 @p2 $0x1082  }
0x22: {  	[simem:s7], [sflag:s8] =	dma.local @!p0 [hbm:s6], $0xF7A  }
0x23: {  	s9 =	sor.u32 $0xD0000000, s2;
	s6 =	simm.s32 $0x108;
	_ =	swait.ge @!p0 [sflag:s8], $0x0  }
0x24: {  	s3 =	sadd.s32 $0x88, s3;
	s6 =	simm.s32 @!p1 $0x1082;
	[sflag:s4] =	ssyncset.s32 $0xFFFFF086  }
0x25: {  	[simem:s6], [sflag:s4] =	dma.local [hbm:s3], $0xF7A  }
0x26: {  	[smem:$0x3F92] =	sst s1;
	(tag) =	ssettag s2;
	_ =	strace s9  }
0x27: {  	s1 =	sld [smem:$0x3FA2]  }
0x28: {  	s2 =	sld [smem:$0x3FA3]  }
0x29: {  	s4 =	sld [smem:$0x3FA5]  }
0x2a: {  	p0 =	seq.s32 s5, $0x0;
	s5 =	sld [smem:$0x3FA6]  }
0x2b: {  	s6 =	sld [smem:$0x3FA7]  }
0x2c: {  	s7 =	sld [smem:$0x3FA8]  }
0x2d: {  	s3 =	simm.s32 $0x108;
	s8 =	sld [smem:$0x3FA9]  }
0x2e: {  	s3 =	simm.s32 @!p0 $0x1082;
	s9 =	sld [smem:$0x3FAA]  }
0x2f: {  	lr =	sadd.s32 s0, s3;
	s0 =	sld [smem:$0x3FA1]  }
0x30: {  	s3 =	sld [smem:$0x3FA4]  }
0x31: {  	[smem:$0x3FAD] =	sst s10  }
0x32: {  	s10 =	sld [smem:$0x3FAB];
	_ =	sdelay $0x3  }
0x33: {  	p0 =	seq.s32 s10, $0x1;
	s10 =	sld [smem:$0x3FAD];
	_ =	sdelay $0x3  }
0x34: {  	[smem:$0x3FAD] =	sst s10  }
0x35: {  	s10 =	sld [smem:$0x3FAC];
	_ =	sdelay $0x3  }
0x36: {  	p1 =	seq.s32 s10, $0x1;
	s10 =	sld [smem:$0x3FAD];
	_ =	sdelay $0x3  }
0x37: {  	[smem:$0x3FAD] =	sst s10  }
0x38: {  	s10 =	sld [smem:$0x3FAE]  }
0x39: {  	_ = 	snop;
	(pc) =	sbr.ind lr, $3  }
0x3a: {  	_ = 	snop  }
0x3b: {  	_ = 	snop  }
0x3c: {  	p2 =	seq.s32 s10, $0x1;
	s10 =	sld [smem:$0x3FAD]  }
0x3d: {  	_ =	shalt  }
0x3e: {  	_ =	shalt  }
0x3f: {  	_ =	shalt  }
0x40: {  	_ =	shalt  }
0x41: {  	_ =	shalt  }
0x42: {  	_ =	shalt  }
0x43: {  	_ =	shalt  }
0x44: {  	_ =	shalt  }
0x45: {  	_ =	shalt  }
0x46: {  	_ =	shalt  }
0x47: {  	_ =	shalt  }
0x48: {  	_ =	shalt  }
0x49: {  	_ =	shalt  }
0x4a: {  	_ =	shalt  }
0x4b: {  	_ =	shalt  }
0x4c: {  	_ =	shalt  }
0x4d: {  	_ =	shalt  }
0x4e: {  	_ =	shalt  }
0x4f: {  	_ =	shalt  }
0x50: {  	_ =	shalt  }
0x51: {  	_ =	shalt  }
0x52: {  	_ =	shalt  }
0x53: {  	_ =	shalt  }
0x54: {  	_ =	shalt  }
0x55: {  	_ =	shalt  }
0x56: {  	_ =	shalt  }
0x57: {  	_ =	shalt  }
0x58: {  	_ =	shalt  }
0x59: {  	_ =	shalt  }
0x5a: {  	_ =	shalt  }
0x5b: {  	_ =	shalt  }
0x5c: {  	_ =	shalt  }
0x5d: {  	_ =	shalt  }
0x5e: {  	_ =	shalt  }
0x5f: {  	_ =	shalt  }
0x60: {  	_ =	shalt  }
0x61: {  	_ =	shalt  }
0x62: {  	_ =	shalt  }
0x63: {  	_ =	shalt  }
0x64: {  	_ =	shalt  }
0x65: {  	_ =	shalt  }
0x66: {  	_ =	shalt  }
0x67: {  	_ =	shalt  }
0x68: {  	_ =	shalt  }
0x69: {  	_ =	shalt  }
0x6a: {  	_ =	shalt  }
0x6b: {  	_ =	shalt  }
0x6c: {  	_ =	shalt  }
0x6d: {  	_ =	shalt  }
0x6e: {  	_ =	shalt  }
0x6f: {  	_ =	shalt  }
0x70: {  	_ =	shalt  }
0x71: {  	_ =	shalt  }
0x72: {  	_ =	shalt  }
0x73: {  	_ =	shalt  }
0x74: {  	_ =	shalt  }
0x75: {  	_ =	shalt  }
0x76: {  	_ =	shalt  }
0x77: {  	_ =	shalt  }
0x78: {  	_ =	shalt  }
0x79: {  	_ =	shalt  }
0x7a: {  	_ =	shalt  }
0x7b: {  	_ =	shalt  }
0x7c: {  	_ =	shalt  }
0x7d: {  	_ =	shalt  }
0x7e: {  	_ =	shalt  }
0x7f: {  	_ =	shalt  }
0x80: {  	_ =	shalt  }
0x81: {  	_ =	shalt  }
0x82: {  	_ =	shalt  }
0x83: {  	_ =	shalt  }
0x84: {  	_ =	shalt  }
0x85: {  	_ =	shalt  }
0x86: {  	_ =	shalt  }
0x87: {  	_ =	shalt  }
.Lfunc_end0:
.L_simem_size_0:
called_computation_lowered:
.L_overlay_start_0:
0x88: {  	s2 =	sld [smem:$0x3FD9]  }
0x89: {  	s3 =	sld [smem:$0x3FFE];
	_ =	sdelay $0x1  }
0x8a: {  	s1 =	srdreg.scid  }
0x8b: {  	s0 =	sand.u32 $0x1, s1  }
0x8c: {  	s17 =	sshll.u32 s0, $0xA;
	s2 =	sadd.s32 s3, s2  }
0x8d: {  	s2 =	sadd.s32 s2, s17  }
0x8e: {  	[smem:$0x3FB9] =	sst s2  }
0x8f: {  	_ = 	snop  }
0x90: {  	s2 =	sld [smem:$0x3FC9]  }
0x91: {  	s18 =	sld [smem:$0x3FD0];
	(tm) =	ssettm $0x1  }
0x92: {  	s4 =	sld [smem:$0x3FFB];
	_ =	sdelay $0x3  }
0x93: {  	_ =	strace s4  }
0x94: {  	s4 =	sld [smem:$0x3FFC];
	_ =	sdelay $0x3  }
0x95: {  	_ =	strace s4  }
0x96: {  	s4 =	sld [smem:$0x3FFD];
	_ =	sdelay $0x3  }
0x97: {  	_ =	strace s4  }
0x98: {  	_ =	strace $0x8FFFFFFF  }
0x99: {  	s19 =	sld [smem:$0x3FDB];
	_ =	sdelay $0x1  }
0x9a: {  	s5 =	simm.s32 $_scs_section_size  }
0x9b: {  	s6 =	simm.s32 $_size__tile_overlayer_lowered;
	s7 =	simm.s32 $_tile_overlayer_lowered  }
0x9c: {  	s22 =	simm.s32 $0x1BFF;
	s21 =	sshll.u32 s7, $0x1;
	s4 =	sadd.s32 s5, s19  }
0x9d: {  	s8 =	simm.s32 $0x0;
	s20 =	sshll.u32 s6, $0x1;
	s6 =	sadd.s32 s21, s4  }
0x9e: {  	[timem:s8], [sflag:s22] =	dma.local [hbm:s6], s20  }
0x9f: {  	_ =	swait.ge [sflag:s22], s20  }
0xa0: {  	s5 =	ssub.s32 $0x0, s20;
	[sflag:s22] =	ssyncset.done $0x0  }
0xa1: {  	[sflag:s22] =	ssyncadd.s32 s5;
	_ =	sdelay $0x1  }
0xa2: {  	s23 =	simm.s32 $0x1B8B  }
0xa3: {  	_ =	swait.ge [sflag:s23], $0x1  }
0xa4: {  	[sflag:s23] =	ssyncset.done $0x0  }
0xa5: {  	s25 =	simm.s32 $0x1B8E;
	s24 =	sld [smem:$0x3FFE];
	[sflag:s23] =	ssyncadd.s32 $0xFFFFFFFF  }
0xa6: {  	s26 =	simm.s32 $execute0_lowered;
	[smem:$0x3FD2] =	sst s25  }
0xa7: {  	s6 =	sshll.u32 s26, $0x1;
	_ =	strace $0x80000046;
	[dreg:$0x1] =	wrdreg $0xFFFFFFFF  }
0xa8: {  	s28 =	simm.s32 $_size_execute0_lowered;
	s4 =	sadd.s32 s4, s6;
	[dreg:$0x0] =	wrdreg $0x0  }
0xa9: {  	s6 =	sshll.u32 s28, $0x1;
	[dreg:$0x2] =	wrdreg s4  }
0xaa: {  	[dreg:$0x3] =	wrdreg s6  }
0xab: {  	[dreg:$0x4] =	wrdreg $0xC0  }
0xac: {  	_ =	task [dreg:s8], $0x5FFFF  }
0xad: {  	[dreg:$0x1] =	wrdreg $0xFFFFFFFF  }
0xae: {  	[dreg:$0x0] =	wrdreg $0x60  }
0xaf: {  	[dreg:$0x2] =	wrdreg s2  }
0xb0: {  	[dreg:$0x3] =	wrdreg s24  }
0xb1: {  	[dreg:$0x4] =	wrdreg s18  }
0xb2: {  	[dreg:$0x5] =	wrdreg $0x41000  }
0xb3: {  	[dreg:$0x6] =	wrdreg $0x17C800  }
0xb4: {  	[dreg:$0x7] =	wrdreg $0x9  }
0xb5: {  	_ =	task.clear_ibuf [dreg:s8], $0x8FFFF;
	_ =	strace $0x90000046  }
0xb6: {  	s29 =	simm.s32 $0x9;
	_ =	strace $0x80000048  }
0xb7: {  	_ =	swait.ge [sflag:s29], $0x1  }
0xb8: {  	[sflag:s29] =	ssyncadd.s32 $0xFFFFFFFF  }
0xb9: {  	_ =	strace $0x90000048  }
0xba: {  	_ =	sfence  }
0xbb: {  	s30 =	sld [smem:$0x0];
	_ =	sdelay $0x2  }
0xbc: {  	s31 =	sshll.u32 s1, $0xD;
	s1 =	sshrl.u32 s1, $0x2  }
0xbd: {  	s3 =	sand.u32 $0x4000, s31;
	s1 =	sadd.s32 s1, s30  }
0xbe: {  	s0 =	sor.u32 s3, s0;
	s1 =	sshll.u32 s1, $0x11  }
0xbf: {  	s0 =	sor.u32 s1, s0  }
0xc0: {  	s0 =	sadd.s32 $0x8F2B, s0  }
0xc1: {  	[sflag:s0] =	ssyncadd.remote.s32 $0x1  }
0xc2: {  	_ =	sfence.sel $0xFFFF  }
0xc3: {  	[dreg:$0x0] =	wrdreg $0xFFFFFFFF;
	(pc) =	sbr.abs _section_cstart, $3  }
0xc4: {  	[dreg:$0x1] =	wrdreg $0xFFFFFFFF  }
0xc5: {  	_ =	task.clear_ibuf [dreg:s8], $0x2FFFF;
	_ =	strace $0x9FFFFFFF  }
0xc6: {  	(tm) =	ssettm $0x7FFFFFFF  }
0xc7: {  	_ =	shalt  }
tec
execute0_lowered:
.L_overlay_start_1:
0x0: {  	(tag) =	ssettag $0x1  }
0x1: {  	s0 =	rddreg [dreg:$0x0]  }
0x2: {  	s2 =	rddreg [dreg:$0x1]  }
0x3: {  	s1 =	rddreg [dreg:$0x2]  }
0x4: {  	s4 =	srdreg.scid;
	s3 =	rddreg [dreg:$0x3]  }
0x5: {  	s24 =	stileid.u32;
	s5 =	simm.s32 $0x0;
	s28 =	simm.s32 $0x100  }
0x6: {  	s29 =	simm.s32 $0x1;
	s30 =	simm.s32 $0x17A00;
	s7 =	smul.u32 $0x9C4, s24  }
0x7: {  	s13 =	sand.u32 $0x1, s4;
	s4 =	rddreg [dreg:$0x4];
	s14 =	smul.u32 $0x270, s24  }
0x8: {  	s31 =	simm.s32 $0x80;
	[smem:$0x7FF] =	sst s5;
	s8 =	smul.u32 $0x4E000, s24  }
0x9: {  	s11 =	smul.u32 $0x13800, s24;
	s12 =	sadd.s32 $0x138000, s3;
	p0 =	sne.s32 s24, $0xF  }
0xa: {  	s6 =	smul.u32 $0xFFFF9C40, s13;
	_ =	strace $0x80000047;
	s16 =	ssub.s32 $0x2, s13  }
0xb: {  	s18 =	sshll.u32 s13, $0x4;
	s17 =	sshrl.u32 s16, $0x1;
	s19 =	sshrl.u32 s8, $0x2  }
0xc: {  	s9 =	sshll.u32 s14, $0x7;
	s6 =	sand.u32 $0xFFC0, s6;
	s16 =	ssub.s32 s16, s17  }
0xd: {  	s17 =	sor.u32 s24, s18;
	s18 =	sadd.s32 $0x4000, s9;
	s20 =	sadd.s32 $0x8000, s9  }
0xe: {  	s21 =	sadd.s32 $0xC000, s9;
	s22 =	sadd.s32 $0x10000, s9;
	s6 =	sadd.s32 s7, s6  }
0xf: {  	s7 =	sadd.s32 s18, s3;
	s8 =	sadd.s32 s20, s3;
	s17 =	smul.u32 $0x9C4, s17  }
0x10: {  	s9 =	sadd.s32 s21, s3;
	s10 =	sadd.s32 s22, s3;
	s6 =	sshrl.u32 s6, $0x1  }
0x11: {  	s6 =	sand.u32 $0xFFF0, s6;
	s26 =	sshrl.u32 s17, $0x5;
	s17 =	sadd.s32 $0x9C4, s17  }
0x12: {  	s15 =	sadd.s32 s6, s2;
	s6 =	sadd.s32 s19, s3;
	s19 =	smul.u32 $0x138800, s13  }
0x13: {  	s2 =	sadd.s32 $0x17600, s2;
	s13 =	smul.u32 $0x2710, s13;
	[dreg:$0xb] =	wrdreg s26  }
0x14: {  	s23 =	sadd.s32 s11, s19;
	s11 =	sadd.s32 s14, s4;
	s18 =	sadd.s32 s19, s18  }
0x15: {  	s20 =	sadd.s32 s19, s20;
	s21 =	sadd.s32 s19, s21;
	s25 =	sadd.s32 s19, s22  }
0x16: {  	s19 =	sshrl.u32 s19, $0x3;
	s14 =	sadd.s32 s14, s13;
	s13 =	sshrl.u32 s13, $0x3  }
0x17: {  	s23 =	sshrl.u32 s23, $0x3;
	s18 =	sshrl.u32 s18, $0x3;
	s20 =	sshrl.u32 s20, $0x3  }
0x18: {  	s21 =	sshrl.u32 s21, $0x3;
	s14 =	sshrl.u32 s14, $0x3;
	s23 =	sadd.s32 s2, s23  }
0x19: {  	s13 =	sadd.s32 s1, s13;
	s18 =	sadd.s32 s2, s18;
	[dreg:$0x6] =	wrdreg s23  }
0x1a: {  	s22 =	sadd.s32 $0x4E0, s13;
	[dreg:$0x7] =	wrdreg s18;
	s18 =	sadd.s32 s2, s20  }
0x1b: {  	s23 =	sadd.s32 s2, s21;
	s20 =	sadd.s32 s1, s14;
	[dreg:$0x8] =	wrdreg s18  }
.Ltmp0:
0x1c: {  	s1 =	simm.s32 $0x0;
	[dreg:$0x9] =	wrdreg s23;
	(pc) =	sbr.rel .LBB2_1-.Ltmp0, $4  }
0x1d: {  	s18 =	sshrl.u32 s25, $0x3;
	s23 =	smax.u32 s16, $0x1;
	s25 =	sadd.s32 $0xD800, s15  }
0x1e: {  	s18 =	sadd.s32 s2, s18;
	s2 =	sadd.s32 s2, s19;
	s19 =	sshrl.u32 s17, $0x5  }
0x1f: {  	s17 =	sadd.s32 $0x3A00, s15;
	[dreg:$0xa] =	wrdreg s18;
	s21 =	sadd.s32 $0x27000, s2  }
0x20: {  	v0 =	vimm.f32 $0.0e+00;
	v1 =	vimm.f32 $1.000000000e+00;
	p1 =	sge.u32 s26, s19;
	s26 =	sadd.s32 $0x2700, s4;
	s2 =	simm.s32 $0x17980  }
.LBB2_6:
0x21: {  	[sflag:s29] =	ssyncadd.s32 $0xFFFFFF80  }
.LBB2_7:
0x22: {  	[bflag:$0x0] =	sbarrier.arrive $0xFFFF  }
0x23: {  	[tilespmem:s28], [sflag:$0x1] =	stream.linear.gather [spmem:s6], $0x4000, $0x38;
	[tilespmem:$0x17EF8] =	vst v63  }
0x24: {  	_ =	swait.ge [sflag:s29], $0x4000  }
0x25: {  	[sflag:s29] =	ssyncset.done $0x0  }
0x26: {  	s15 =	rddreg [dreg:$0x6];
	[sflag:s29] =	ssyncadd.s32 $0xFFFFC000  }
0x27: {  	[hbm4b:s15+s5] =	stream.linear.scatter [tilespmem:s28], [sflag:$0x1], $0x4000, $0x38;
	[tilespmem:$0x17EF8] =	vst v63  }
0x28: {  	_ =	swait.ge [sflag:s29], $0x4000  }
0x29: {  	[sflag:s29] =	ssyncset.done $0x0  }
0x2a: {  	[sflag:s29] =	ssyncadd.s32 $0xFFFFC000  }
0x2b: {  	[tilespmem:s28], [sflag:$0x1] =	stream.linear.gather [spmem:s7], $0x4000, $0x38;
	[tilespmem:$0x17EF8] =	vst v63  }
0x2c: {  	_ =	swait.ge [sflag:s29], $0x4000  }
0x2d: {  	[sflag:s29] =	ssyncset.done $0x0  }
0x2e: {  	s16 =	rddreg [dreg:$0x7];
	[sflag:s29] =	ssyncadd.s32 $0xFFFFC000  }
0x2f: {  	[hbm4b:s16+s5] =	stream.linear.scatter [tilespmem:s28], [sflag:$0x1], $0x4000, $0x38;
	[tilespmem:$0x17EF8] =	vst v63  }
0x30: {  	_ =	swait.ge [sflag:s29], $0x4000  }
0x31: {  	[sflag:s29] =	ssyncset.done $0x0  }
0x32: {  	[sflag:s29] =	ssyncadd.s32 $0xFFFFC000  }
0x33: {  	[tilespmem:s28], [sflag:$0x1] =	stream.linear.gather [spmem:s8], $0x4000, $0x38;
	[tilespmem:$0x17EF8] =	vst v63  }
0x34: {  	_ =	swait.ge [sflag:s29], $0x4000  }
0x35: {  	[sflag:s29] =	ssyncset.done $0x0  }
0x36: {  	s24 =	rddreg [dreg:$0x8];
	[sflag:s29] =	ssyncadd.s32 $0xFFFFC000  }
0x37: {  	[hbm4b:s24+s5] =	stream.linear.scatter [tilespmem:s28], [sflag:$0x1], $0x4000, $0x38;
	[tilespmem:$0x17EF8] =	vst v63  }
0x38: {  	_ =	swait.ge [sflag:s29], $0x4000  }
0x39: {  	[sflag:s29] =	ssyncset.done $0x0  }
0x3a: {  	[sflag:s29] =	ssyncadd.s32 $0xFFFFC000  }
0x3b: {  	[tilespmem:s28], [sflag:$0x1] =	stream.linear.gather [spmem:s9], $0x4000, $0x38;
	[tilespmem:$0x17EF8] =	vst v63  }
0x3c: {  	_ =	swait.ge [sflag:s29], $0x4000  }
0x3d: {  	[sflag:s29] =	ssyncset.done $0x0  }
0x3e: {  	s16 =	rddreg [dreg:$0x9];
	[sflag:s29] =	ssyncadd.s32 $0xFFFFC000  }
0x3f: {  	[hbm4b:s16+s5] =	stream.linear.scatter [tilespmem:s28], [sflag:$0x1], $0x4000, $0x38;
	[tilespmem:$0x17EF8] =	vst v63  }
0x40: {  	_ =	swait.ge [sflag:s29], $0x4000  }
0x41: {  	[sflag:s29] =	ssyncset.done $0x0  }
0x42: {  	[sflag:s29] =	ssyncadd.s32 $0xFFFFC000  }
0x43: {  	[tilespmem:s28], [sflag:$0x1] =	stream.linear.gather [spmem:s10], $0x3800, $0x38;
	[tilespmem:$0x17EF8] =	vst v63  }
0x44: {  	_ =	swait.ge [sflag:s29], $0x3800  }
0x45: {  	[sflag:s29] =	ssyncset.done $0x0  }
0x46: {  	s24 =	rddreg [dreg:$0xa];
	[sflag:s29] =	ssyncadd.s32 $0xFFFFC800  }
0x47: {  	[hbm4b:s24+s5] =	stream.linear.scatter [tilespmem:s28], [sflag:$0x1], $0x3800, $0x38;
	[tilespmem:$0x17EF8] =	vst v63  }
0x48: {  	_ =	swait.ge [sflag:s29], $0x3800  }
0x49: {  	[sflag:s29] =	ssyncset.done $0x0  }
0x4a: {  	[sflag:s29] =	ssyncadd.s32 $0xFFFFC800  }
0x4b: {  	[tilespmem:s30], [sflag:$0x1] =	stream.linear.gather [spmem:s11], $0x270, $0x38;
	[tilespmem:$0x17EF8] =	vst v63  }
0x4c: {  	_ =	swait.ge [sflag:s29], $0x270  }
0x4d: {  	[sflag:s29] =	ssyncset.done $0x0  }
0x4e: {  	[sflag:s29] =	ssyncadd.s32 $0xFFFFFD90  }
0x4f: {  	[hbm4b:s20+s5] =	stream.linear.scatter [tilespmem:s30], [sflag:$0x1], $0x270, $0x38;
	[tilespmem:$0x17EF8] =	vst v63  }
0x50: {  	_ =	swait.ge [sflag:s29], $0x270  }
0x51: {  	[sflag:s29] =	ssyncset.done $0x0  }
0x52: {  	[sflag:s29] =	ssyncadd.s32 $0xFFFFFD90  }
0x53: {  	[tilespmem:s14], [sflag:$0x1] =	stream.linear.gather @!p0 [spmem:s12], $0x800, $0x38;
	[tilespmem:$0x17EF8] =	vst v63  }
0x54: {  	_ =	swait.ge @!p0 [sflag:s18], $0x800  }
0x55: {  	[sflag:s18] =	ssyncset.done @!p0 $0x0  }
0x56: {  	s15 =	simm.s32 @!p0 $0x0;
	[sflag:s18] =	ssyncadd.s32 @!p0 $0xFFFFF800  }
0x57: {  	[hbm4b:s21+s15] =	stream.linear.scatter @!p0 [tilespmem:s14], [sflag:$0x1], $0x800, $0x38;
	[tilespmem:$0x17EF8] =	vst v63  }
0x58: {  	_ =	swait.ge @!p0 [sflag:s18], $0x800  }
0x59: {  	[sflag:s18] =	ssyncset.done @!p0 $0x0  }
0x5a: {  	[sflag:s18] =	ssyncadd.s32 @!p0 $0xFFFFF800  }
0x5b: {  	[tilespmem:s13], [sflag:$0x1] =	stream.linear.gather @!p0 [spmem:s26], $0x10, $0x38;
	[tilespmem:$0x17EF8] =	vst v63  }
0x5c: {  	s1 =	sadd.s32 $0x1, s1;
	_ =	swait.ge @!p0 [sflag:s18], $0x10  }
0x5d: {  	p2 =	sne.s32 s1, s23;
	[sflag:s18] =	ssyncset.done @!p0 $0x0  }
.Ltmp1:
0x5e: {  	[sflag:s18] =	ssyncadd.s32 @!p0 $0xFFFFFFF0;
	(pc) =	sbr.rel @!p2 .LBB2_8-.Ltmp1, $4  }
0x5f: {  	[hbm4b:s22+s15] =	stream.linear.scatter @!p0 [tilespmem:s13], [sflag:$0x1], $0x10, $0x38;
	[tilespmem:$0x17EF8] =	vst v63  }
0x60: {  	_ =	swait.ge @!p0 [sflag:s18], $0x10  }
0x61: {  	[sflag:s18] =	ssyncset.done @!p0 $0x0  }
0x62: {  	[sflag:s18] =	ssyncadd.s32 @!p0 $0xFFFFFFF0  }
.LBB2_1:
0x63: {  	s13 =	sand.u32 $0xFE00, s5  }
0x64: {  	s14 =	sand.u32 $0x70, s5;
	s15 =	sshrl.u32 s13, $0x2  }
0x65: {  	s13 =	simm.s32 $0x40;
	s15 =	sor.u32 s14, s15;
	s14 =	simm.s32 $0x0  }
.LBB2_2:
0x66: {  	p2 =	sne.s32 s13, $0xFFC0  }
0x67: {  	[tilespmem:s15+$0x100] =	vst v0;
	s14 =	sadd.s32 $0x10, s14;
	s15 =	smov.u32 s13;
	s13 =	sadd.s32 $0x40, s13  }
.Ltmp2:
0x68: {  	(pc) =	sbr.rel @p2 .LBB2_2-.Ltmp2, $4  }
0x69: {  	_ = 	snop  }
0x6a: {  	s15 =	sand.u32 $0xFE00, s15  }
0x6b: {  	s16 =	sand.u32 $0x70, s14;
	s15 =	sshrl.u32 s15, $0x2  }
0x6c: {  	s15 =	sor.u32 s16, s15  }
0x6d: {  	[tilespmem:s15+$0x100] =	vst v0  }
0x6e: {  	[spmem:s6] =	stream.linear.scatter [tilespmem:s28], [sflag:$0x1], $0x4000, $0x38;
	[tilespmem:$0x17EF8] =	vst v63  }
0x6f: {  	_ =	swait.ge [sflag:s29], $0x4000  }
0x70: {  	[sflag:s29] =	ssyncset.done $0x0  }
0x71: {  	[sflag:s29] =	ssyncadd.s32 $0xFFFFC000  }
0x72: {  	[spmem:s7] =	stream.linear.scatter [tilespmem:s28], [sflag:$0x1], $0x4000, $0x38;
	[tilespmem:$0x17EF8] =	vst v63  }
0x73: {  	_ =	swait.ge [sflag:s29], $0x4000  }
0x74: {  	[sflag:s29] =	ssyncset.done $0x0  }
0x75: {  	[sflag:s29] =	ssyncadd.s32 $0xFFFFC000  }
0x76: {  	[spmem:s8] =	stream.linear.scatter [tilespmem:s28], [sflag:$0x1], $0x4000, $0x38;
	[tilespmem:$0x17EF8] =	vst v63  }
0x77: {  	_ =	swait.ge [sflag:s29], $0x4000  }
0x78: {  	[sflag:s29] =	ssyncset.done $0x0  }
0x79: {  	[sflag:s29] =	ssyncadd.s32 $0xFFFFC000  }
0x7a: {  	[spmem:s9] =	stream.linear.scatter [tilespmem:s28], [sflag:$0x1], $0x4000, $0x38;
	[tilespmem:$0x17EF8] =	vst v63  }
0x7b: {  	_ =	swait.ge [sflag:s29], $0x4000  }
0x7c: {  	[sflag:s29] =	ssyncset.done $0x0  }
0x7d: {  	[sflag:s29] =	ssyncadd.s32 $0xFFFFC000  }
0x7e: {  	[spmem:s10] =	stream.linear.scatter [tilespmem:s28], [sflag:$0x1], $0x3800, $0x38;
	[tilespmem:$0x17EF8] =	vst v63  }
0x7f: {  	_ =	swait.ge [sflag:s29], $0x3800  }
0x80: {  	[sflag:s29] =	ssyncset.done $0x0  }
0x81: {  	[sflag:s29] =	ssyncadd.s32 $0xFFFFC800  }
0x82: {  	[tilespmem:$0x17980] =	vst v1  }
0x83: {  	[tilespmem:$0x17990] =	vst v1  }
0x84: {  	[tilespmem:$0x179A0] =	vst v1  }
0x85: {  	[tilespmem:$0x179B0] =	vst v1  }
0x86: {  	[tilespmem:$0x179C0] =	vst v1  }
0x87: {  	[tilespmem:$0x179D0] =	vst v1  }
0x88: {  	[tilespmem:$0x179E0] =	vst v1  }
0x89: {  	[tilespmem:$0x179F0] =	vst v1  }
0x8a: {  	[tilespmem:$0x17A00] =	vst v0  }
0x8b: {  	[tilespmem:$0x17A10] =	vst v0  }
0x8c: {  	[tilespmem:$0x17A20] =	vst v0  }
0x8d: {  	[tilespmem:$0x17A30] =	vst v0  }
0x8e: {  	[tilespmem:$0x17A40] =	vst v0  }
0x8f: {  	[tilespmem:$0x17A50] =	vst v0  }
0x90: {  	[tilespmem:$0x17A60] =	vst v0  }
0x91: {  	[tilespmem:$0x17A70] =	vst v0  }
0x92: {  	[tilespmem:$0x17A80] =	vst v0  }
0x93: {  	[tilespmem:$0x17A90] =	vst v0  }
0x94: {  	[tilespmem:$0x17AA0] =	vst v0  }
0x95: {  	[tilespmem:$0x17AB0] =	vst v0  }
0x96: {  	[tilespmem:$0x17AC0] =	vst v0  }
0x97: {  	[tilespmem:$0x17AD0] =	vst v0  }
0x98: {  	[tilespmem:$0x17AE0] =	vst v0  }
0x99: {  	[tilespmem:$0x17AF0] =	vst v0  }
0x9a: {  	[tilespmem:$0x17B00] =	vst v0  }
0x9b: {  	[tilespmem:$0x17B10] =	vst v0  }
0x9c: {  	[tilespmem:$0x17B20] =	vst v0  }
0x9d: {  	[tilespmem:$0x17B30] =	vst v0  }
0x9e: {  	[tilespmem:$0x17B40] =	vst v0  }
0x9f: {  	[tilespmem:$0x17B50] =	vst v0  }
0xa0: {  	[tilespmem:$0x17B60] =	vst v0  }
0xa1: {  	[tilespmem:$0x17B70] =	vst v0  }
0xa2: {  	[tilespmem:$0x17B80] =	vst v0  }
0xa3: {  	[tilespmem:$0x17B90] =	vst v0  }
0xa4: {  	[tilespmem:$0x17BA0] =	vst v0  }
0xa5: {  	[tilespmem:$0x17BB0] =	vst v0  }
0xa6: {  	[tilespmem:$0x17BC0] =	vst v0  }
0xa7: {  	[tilespmem:$0x17BD0] =	vst v0  }
0xa8: {  	[tilespmem:$0x17BE0] =	vst v0  }
0xa9: {  	[tilespmem:$0x17BF0] =	vst v0  }
0xaa: {  	[tilespmem:$0x17C00] =	vst v0  }
0xab: {  	[tilespmem:$0x17C10] =	vst v0  }
0xac: {  	[tilespmem:$0x17C20] =	vst v0  }
0xad: {  	[tilespmem:$0x17C30] =	vst v0  }
0xae: {  	[tilespmem:$0x17C40] =	vst v0  }
0xaf: {  	[tilespmem:$0x17C50] =	vst v0  }
0xb0: {  	[tilespmem:$0x17C60] =	vst v0  }
0xb1: {  	[spmem:s11] =	stream.linear.scatter [tilespmem:s30], [sflag:$0x1], $0x270, $0x38;
	[tilespmem:$0x17EF8] =	vst v63  }
0xb2: {  	_ =	swait.ge [sflag:s29], $0x270  }
0xb3: {  	[sflag:s29] =	ssyncset.done $0x0  }
0xb4: {  	s14 =	simm.s32 @!p0 $0x100;
	s18 =	simm.s32 @!p0 $0x1;
	[sflag:s29] =	ssyncadd.s32 $0xFFFFFD90  }
0xb5: {  	[spmem:s12] =	stream.linear.scatter @!p0 [tilespmem:s14], [sflag:$0x1], $0x800, $0x38;
	[tilespmem:$0x17EF8] =	vst v63  }
0xb6: {  	_ =	swait.ge @!p0 [sflag:s18], $0x800  }
0xb7: {  	[sflag:s18] =	ssyncset.done @!p0 $0x0  }
0xb8: {  	s13 =	simm.s32 @!p0 $0x17A00;
	[sflag:s18] =	ssyncadd.s32 @!p0 $0xFFFFF800  }
0xb9: {  	[spmem:s26] =	stream.linear.scatter @!p0 [tilespmem:s13], [sflag:$0x1], $0x10, $0x38;
	[tilespmem:$0x17EF8] =	vst v63  }
.Ltmp3:
0xba: {  	_ =	swait.ge @!p0 [sflag:s18], $0x10;
	(pc) =	sbr.rel @p1 .LBB2_7-.Ltmp3, $3  }
0xbb: {  	[sflag:s18] =	ssyncset.done @!p0 $0x0  }
0xbc: {  	[sflag:s18] =	ssyncadd.s32 @!p0 $0xFFFFFFF0  }
0xbd: {  	[bflag:$0x0] =	sbarrier.arrive $0xFFFF;
	_ =	sdelay $0x1  }
0xbe: {  	[tilespmem:s5], [sflag:$0x1] =	stream.linear.gather [hbm4b:s25+s5], $0x80, $0x38;
	[tilespmem:$0x17EF8] =	vst v63  }
0xbf: {  	_ =	swait.ge [sflag:s29], $0x80  }
0xc0: {  	[sflag:s29] =	ssyncset.done $0x0  }
0xc1: {  	[sflag:s29] =	ssyncadd.s32 $0xFFFFFF80  }
0xc2: {  	[tilespmem:s31], [sflag:$0x1] =	stream.linear.gather [hbm4b:s17+s5], $0x80, $0x38;
	[tilespmem:$0x17EF8] =	vst v63  }
0xc3: {  	_ =	swait.ge [sflag:s29], $0x80  }
0xc4: {  	[sflag:s29] =	ssyncset.done $0x0  }
0xc5: {  	[sflag:s29] =	ssyncadd.s32 $0xFFFFFF80  }
0xc6: {  	[tilespmem:s28], [sflag:$0x1] =	stream.indirect.gather [hbm4b:s0+s31], $0x80, s5, s31, $0xb8;
	[tilespmem:$0x17EF8] =	vst v63  }
0xc7: {  	_ =	swait.ge [sflag:s29], $0x4000  }
0xc8: {  	[sflag:s29] =	ssyncset.done $0x0  }
0xc9: {  	[sflag:s29] =	ssyncadd.s32 $0xFFFFC000  }
0xca: {  	[spmem:s3] =	stream.indirect.scatter.add.f32 [tilespmem:s28], [sflag:$0x1], $0x80, s31, s31, $0xb8;
	[tilespmem:$0x17EF8] =	vst v63  }
0xcb: {  	_ =	swait.ge [sflag:s29], $0x4000  }
0xcc: {  	s15 =	rddreg [dreg:$0xb]  }
0xcd: {  	s15 =	sadd.s32 $0x1, s15  }
0xce: {  	p2 =	slt.u32 s15, s19  }
.Ltmp4:
0xcf: {  	[sflag:s29] =	ssyncset.done $0x0;
	(pc) =	sbr.rel @!p2 .LBB2_6-.Ltmp4, $4  }
0xd0: {  	[sflag:s29] =	ssyncadd.s32 $0xFFFFC000  }
0xd1: {  	[spmem:s4] =	stream.indirect.scatter.add.f32 [tilespmem:s2], [sflag:$0x1], $0x1, s31, s31, $0xb8;
	[tilespmem:$0x17EF8] =	vst v63  }
0xd2: {  	_ =	swait.ge [sflag:s29], $0x80  }
0xd3: {  	s16 =	sadd.s32 $0x10, s25;
	s24 =	smov.u32 s17;
	[sflag:s29] =	ssyncset.done $0x0  }
.LBB2_5:
0xd4: {  	s15 =	sadd.s32 $0x1, s15;
	[sflag:s29] =	ssyncadd.s32 $0xFFFFFF80;
	s24 =	sadd.s32 $0x10, s24  }
0xd5: {  	[tilespmem:s5], [sflag:$0x1] =	stream.linear.gather [hbm4b:s16+s5], $0x80, $0x38;
	[tilespmem:$0x17EF8] =	vst v63  }
0xd6: {  	p2 =	slt.u32 s15, s19;
	_ =	swait.ge [sflag:s29], $0x80  }
0xd7: {  	[sflag:s29] =	ssyncset.done $0x0  }
0xd8: {  	[sflag:s29] =	ssyncadd.s32 $0xFFFFFF80  }
0xd9: {  	[tilespmem:s31], [sflag:$0x1] =	stream.linear.gather [hbm4b:s24+s5], $0x80, $0x38;
	[tilespmem:$0x17EF8] =	vst v63  }
0xda: {  	_ =	swait.ge [sflag:s29], $0x80  }
0xdb: {  	[sflag:s29] =	ssyncset.done $0x0  }
0xdc: {  	[sflag:s29] =	ssyncadd.s32 $0xFFFFFF80  }
0xdd: {  	[tilespmem:s28], [sflag:$0x1] =	stream.indirect.gather [hbm4b:s0+s31], $0x80, s5, s31, $0xb8;
	[tilespmem:$0x17EF8] =	vst v63  }
0xde: {  	_ =	swait.ge [sflag:s29], $0x4000  }
0xdf: {  	[sflag:s29] =	ssyncset.done $0x0  }
0xe0: {  	[sflag:s29] =	ssyncadd.s32 $0xFFFFC000  }
0xe1: {  	[spmem:s3] =	stream.indirect.scatter.add.f32 [tilespmem:s28], [sflag:$0x1], $0x80, s31, s31, $0xb8;
	[tilespmem:$0x17EF8] =	vst v63  }
0xe2: {  	_ =	swait.ge [sflag:s29], $0x4000  }
.Ltmp5:
0xe3: {  	[sflag:s29] =	ssyncset.done $0x0;
	(pc) =	sbr.rel @p2 .LBB2_5-.Ltmp5, $4  }
0xe4: {  	[sflag:s29] =	ssyncadd.s32 $0xFFFFC000  }
0xe5: {  	[spmem:s4] =	stream.indirect.scatter.add.f32 [tilespmem:s2], [sflag:$0x1], $0x1, s31, s31, $0xb8;
	[tilespmem:$0x17EF8] =	vst v63  }
0xe6: {  	_ =	swait.ge [sflag:s29], $0x80  }
0xe7: {  	s16 =	sadd.s32 $0x10, s16;
	[sflag:s29] =	ssyncset.done $0x0  }
.Ltmp6:
0xe8: {  	_ = 	snop;
	(pc) =	sbr.rel .LBB2_6-.Ltmp6, $1  }
0xe9: {  	_ =	sdelay $0x3  }
.LBB2_8:
0xea: {  	_ =	sfence.sel $0x180000  }
0xeb: {  	[bflag:$0x0] =	sbarrier.arrive $0xFFFF  }
0xec: {  	_ =	strace $0x90000047  }
0xed: {  	s0 =	stileid.u32;
	[bflag:$0x2] =	sbarrier.arrive $0xFFFF  }
0xee: {  	p0 =	sne.s32 s0, $0x0;
	s0 =	rddreg [dreg:$0x5]  }
0xef: {  	s0 =	sadd.s32 @!p0 $0x100000, s0  }
0xf0: {  	[sflag:s0] =	ssyncadd.tile.s32 @!p0 $0x1;
	_ =	shalt  }
.Lfunc_end2:
_tile_overlayer_lowered:
.L_overlay_start_2:
0xf1: {  	(tag) =	ssettag $0x2  }
0xf2: {  	s0 =	rddreg [dreg:$0x0];
	s2 =	stileid.u32  }
0xf3: {  	s1 =	rddreg [dreg:$0x1];
	p0 =	sne.s32 s2, $0x0  }
0xf4: {  	s3 =	rddreg [dreg:$0x2];
	[bflag:$0x3] =	sbarrier.arrive $0xFFFF;
	s2 =	simm.s32 @!p0 $0x1C01  }
0xf5: {  	[timem:s3], [sflag:s2] =	dma.local @!p0 [hbm:s0], s1  }
0xf6: {  	s0 =	simm.s32 @!p0 $0x1  }
0xf7: {  	_ =	swait.ge @!p0 [sflag:s0], s1  }
0xf8: {  	s1 =	ssub.s32 @!p0 $0x0, s1;
	[sflag:s0] =	ssyncset.done @!p0 $0x0  }
0xf9: {  	[sflag:s0] =	ssyncadd.s32 @!p0 s1  }
0xfa: {  	[bflag:$0x3] =	sbarrier.arrive $0xFFFF  }
0xfb: {  	_ =	shalt  }

</sc_bundles>
